<compile_context>
chip_gen: v7x
topology: tpu7x:2x2x1
jax: 0.10.2.dev20260603
libtpu: 0.0.44.dev20260713+nightly
codegen_flags: <defaults>
</compile_context>

<pallas_src>
import jax
import jax.numpy as jnp
from jax import lax
from jax.experimental import pallas as pl
from jax.experimental.pallas import tpu as pltpu
from jax.experimental.pallas import tpu_sc as plsc

N = 100000
M = 1000
D = 128
CH = 160
NC, NS = 2, 16
NW = NC * NS
FULL = N // CH
TPW = (FULL + NW - 1) // NW
NB = 3
LA = NB - 1


def _sc_body(x_hbm, vals_hbm, idx_hbm, out_hbm,
             buf0, buf1, buf2, iball, tab,
             sx0, sx1, sx2, so0, so1, so2):
    bufs = (buf0, buf1, buf2)
    sxs = (sx0, sx1, sx2)
    sos = (so0, so1, so2)
    wid = lax.axis_index("s") * NC + lax.axis_index("c")
    start = (wid * FULL) // NW
    count = ((wid + 1) * FULL) // NW - start
    pltpu.sync_copy(vals_hbm, tab)
    pltpu.sync_copy(idx_hbm.at[pl.ds(start * CH, TPW * CH)], iball)
    col128 = jnp.full((16,), D, jnp.int32)
    riota = lax.broadcasted_iota(jnp.int32, (16,), 0)

    def in_copy(t):
        s = t % NB
        return pltpu.make_async_copy(
            x_hbm.at[pl.ds((start + t) * CH, CH), :], bufs[s].at[:, 0:D], sxs[s])

    def out_copy(t):
        s = t % NB
        return pltpu.make_async_copy(
            bufs[s], out_hbm.at[pl.ds((start + t) * CH, CH), :], sos[s])

    def fill(t):
        s = t % NB
        for j in range(CH // 16):
            iv = iball[pl.ds(t * CH + j * 16, 16)]
            vals = plsc.load_gather(tab, [iv])
            plsc.store_scatter(bufs[s], [riota + j * 16, col128], vals)

    waited = set()

    def wait_out(t):
        if t < 0 or t in waited:
            return
        waited.add(t)

        @pl.when(t < count)
        def _():
            out_copy(t).wait()

    def start_in(u):
        if u >= TPW:
            return
        wait_out(u - NB)

        @pl.when(u < count)
        def _():
            in_copy(u).start()

    for t in range(LA):
        start_in(t)
    for t in range(TPW):
        start_in(t + LA)

        @pl.when(t < count)
        def _proc():
            fill(t)
            in_copy(t).wait()
            out_copy(t).start()

    for t in range(TPW):
        wait_out(t)


def kernel(per_atom_property_tensor, per_molecule_values, atomic_subsystem_indices):
    vals_p = jnp.zeros((1024,), jnp.float32).at[:M].set(per_molecule_values)
    mesh = plsc.VectorSubcoreMesh(
        core_axis_name="c", subcore_axis_name="s", num_cores=NC, num_subcores=NS)
    f = pl.kernel(
        _sc_body,
        out_type=jax.ShapeDtypeStruct((N, D + 1), jnp.float32),
        mesh=mesh,
        scratch_types=(
            [pltpu.VMEM((CH, D + 1), jnp.float32)] * NB
            + [pltpu.VMEM((TPW * CH,), jnp.int32)]
            + [pltpu.VMEM((1024,), jnp.float32)]
            + [pltpu.SemaphoreType.DMA] * (2 * NB)
        ),
        compiler_params=pltpu.CompilerParams(
            needs_layout_passes=False),
    )
    return f(per_atom_property_tensor, vals_p, atomic_subsystem_indices)

# --- scband reference (transcript-rebuilt; emitter-appended) ---
"""Pipeline reference for scband-add-per-molecule-value-1855425872327 (READ-ONLY COPY).

The authoritative reference and input builder live on the scoring server;
editing this copy changes nothing except your own understanding.
"""

import jax, jax.numpy as jnp
import numpy as np

N = 100000  # total atoms
M = 1000    # molecules
D = 128     # per-atom feature dim

def setup_inputs(seed: int = 0) -> dict:
    key = jax.random.key(seed)
    k1, k2, k3 = jax.random.split(key, 3)
    per_atom_property_tensor = jax.random.normal(k1, (N, D), dtype=jnp.float32)
    per_molecule_values = jax.random.normal(k2, (M,), dtype=jnp.float32)
    atomic_subsystem_indices = jnp.sort(jax.random.randint(k3, (N,), 0, M, dtype=jnp.int32))
    return {
        "per_atom_property_tensor": per_atom_property_tensor,
        "per_molecule_values": per_molecule_values,
        "atomic_subsystem_indices": atomic_subsystem_indices,
    }

def reference(per_atom_property_tensor, per_molecule_values, atomic_subsystem_indices):
    # torch.unique(..., return_counts=True) on sorted subsystem indices where every
    # molecule id in [0, M) is present is equivalent to bincount with length=M.
    counts = jnp.bincount(atomic_subsystem_indices, length=M)
    # torch.repeat_interleave(values, counts) -> jnp.repeat with per-element repeats
    expanded_values = jnp.repeat(
        per_molecule_values, counts,
        total_repeat_length=atomic_subsystem_indices.shape[0],
    )[:, None]
    return jnp.concatenate((per_atom_property_tensor, expanded_values), axis=1)

if __name__ == "__main__":
    import jax
    _d = setup_inputs()
    print(jax.jit(kernel)(*tuple(_d.values())))

</pallas_src>

<mosaic_0001>
#map = affine_map<(d0, d1) -> (0, 0)>
#map1 = affine_map<(d0, d1) -> (0)>
module attributes {stable_mosaic.version = 14 : i64} {
  func.func @_sc_body(%arg0: i32, %arg1: i32, %arg2: memref<100000x128xf32, #tpu.memory_space<hbm>>, %arg3: memref<1024xf32, #tpu.memory_space<hbm>>, %arg4: memref<100000xi32, #tpu.memory_space<hbm>>, %arg5: memref<100000x129xf32, #tpu.memory_space<hbm>>, %arg6: memref<160x129xf32, #tpu.memory_space<vmem>>, %arg7: memref<160x129xf32, #tpu.memory_space<vmem>>, %arg8: memref<160x129xf32, #tpu.memory_space<vmem>>, %arg9: memref<3200xi32, #tpu.memory_space<vmem>>, %arg10: memref<1024xf32, #tpu.memory_space<vmem>>, %arg11: memref<!tpu.dma_semaphore, #tpu.memory_space<semaphore_mem>>, %arg12: memref<!tpu.dma_semaphore, #tpu.memory_space<semaphore_mem>>, %arg13: memref<!tpu.dma_semaphore, #tpu.memory_space<semaphore_mem>>, %arg14: memref<!tpu.dma_semaphore, #tpu.memory_space<semaphore_mem>>, %arg15: memref<!tpu.dma_semaphore, #tpu.memory_space<semaphore_mem>>, %arg16: memref<!tpu.dma_semaphore, #tpu.memory_space<semaphore_mem>>) attributes {dimension_semantics = [#tpu.dimension_semantics<core_parallel>, #tpu.dimension_semantics<subcore_parallel>], iteration_bounds = array<i64: 2, 16>, scalar_prefetch = 0 : i64, scratch_operands = 11 : i64, tpu.core_type = #tpu.core_type<sc_vector_subcore>, window_params = [{transform_indices = #map}, {transform_indices = #map1}, {transform_indices = #map1}, {transform_indices = #map}]} {
    %mul3A = arith.constant 2 : i32
    %mul3A_0 = arith.muli %arg1, %mul3A : i32
    %add3A = arith.addi %mul3A_0, %arg0 : i32
    %mul3A_1 = arith.constant 625 : i32
    %mul3A_2 = arith.muli %add3A, %mul3A_1 : i32
    %jit3A = arith.constant 32 : i32
    %div3A = arith.divsi %mul3A_2, %jit3A : i32
    %sign3A = arith.constant 0 : i32
    %sign3A_3 = arith.cmpi sgt, %mul3A_2, %sign3A : i32
    %sign3A_4 = arith.extui %sign3A_3 : i1 to i32
    %sign3A_5 = arith.constant 0 : i32
    %sign3A_6 = arith.cmpi slt, %mul3A_2, %sign3A_5 : i32
    %sign3A_7 = arith.extui %sign3A_6 : i1 to i32
    %sign3A_8 = arith.subi %sign3A_4, %sign3A_7 : i32
    %sign3A_9 = arith.constant 0 : i32
    %sign3A_10 = arith.cmpi sgt, %jit3A, %sign3A_9 : i32
    %sign3A_11 = arith.extui %sign3A_10 : i1 to i32
    %sign3A_12 = arith.constant 0 : i32
    %sign3A_13 = arith.cmpi slt, %jit3A, %sign3A_12 : i32
    %sign3A_14 = arith.extui %sign3A_13 : i1 to i32
    %sign3A_15 = arith.subi %sign3A_11, %sign3A_14 : i32
    %ne3A = arith.cmpi ne, %sign3A_8, %sign3A_15 : i32
    %rem3A = arith.remsi %mul3A_2, %jit3A : i32
    %ne3A_16 = arith.constant 0 : i32
    %ne3A_17 = arith.cmpi ne, %rem3A, %ne3A_16 : i32
    %and3A = arith.andi %ne3A, %ne3A_17 : i1
    %sub3A = arith.constant 1 : i32
    %sub3A_18 = arith.subi %div3A, %sub3A : i32
    %select_n3A = arith.select %and3A, %sub3A_18, %div3A : i32
    %add3A_19 = arith.constant 1 : i32
    %add3A_20 = arith.addi %add3A, %add3A_19 : i32
    %mul3A_21 = arith.constant 625 : i32
    %mul3A_22 = arith.muli %add3A_20, %mul3A_21 : i32
    %jit3A_23 = arith.constant 32 : i32
    %div3A_24 = arith.divsi %mul3A_22, %jit3A_23 : i32
    %sign3A_25 = arith.constant 0 : i32
    %sign3A_26 = arith.cmpi sgt, %mul3A_22, %sign3A_25 : i32
    %sign3A_27 = arith.extui %sign3A_26 : i1 to i32
    %sign3A_28 = arith.constant 0 : i32
    %sign3A_29 = arith.cmpi slt, %mul3A_22, %sign3A_28 : i32
    %sign3A_30 = arith.extui %sign3A_29 : i1 to i32
    %sign3A_31 = arith.subi %sign3A_27, %sign3A_30 : i32
    %sign3A_32 = arith.constant 0 : i32
    %sign3A_33 = arith.cmpi sgt, %jit3A_23, %sign3A_32 : i32
    %sign3A_34 = arith.extui %sign3A_33 : i1 to i32
    %sign3A_35 = arith.constant 0 : i32
    %sign3A_36 = arith.cmpi slt, %jit3A_23, %sign3A_35 : i32
    %sign3A_37 = arith.extui %sign3A_36 : i1 to i32
    %sign3A_38 = arith.subi %sign3A_34, %sign3A_37 : i32
    %ne3A_39 = arith.cmpi ne, %sign3A_31, %sign3A_38 : i32
    %rem3A_40 = arith.remsi %mul3A_22, %jit3A_23 : i32
    %ne3A_41 = arith.constant 0 : i32
    %ne3A_42 = arith.cmpi ne, %rem3A_40, %ne3A_41 : i32
    %and3A_43 = arith.andi %ne3A_39, %ne3A_42 : i1
    %sub3A_44 = arith.constant 1 : i32
    %sub3A_45 = arith.subi %div3A_24, %sub3A_44 : i32
    %select_n3A_46 = arith.select %and3A_43, %sub3A_45, %div3A_24 : i32
    %sub3A_47 = arith.subi %select_n3A_46, %select_n3A : i32
    "tpu.region"() ({
      %run_scoped3A = tpu.sem_alloc : memref<!tpu.dma_semaphore, #tpu.memory_space<semaphore_mem>>
      tpu.enqueue_dma source(%arg3 : memref<1024xf32, #tpu.memory_space<hbm>>) target(%arg10 : memref<1024xf32, #tpu.memory_space<vmem>>) target_semaphore(%run_scoped3A : memref<!tpu.dma_semaphore, #tpu.memory_space<semaphore_mem>>)
      tpu.wait_dma2 semaphore(%run_scoped3A : memref<!tpu.dma_semaphore, #tpu.memory_space<semaphore_mem>>) src(%arg3 : memref<1024xf32, #tpu.memory_space<hbm>>) dst(%arg10 : memref<1024xf32, #tpu.memory_space<vmem>>)
      tpu.yield
    }) : () -> ()
    %mul3A_48 = arith.constant 160 : i32
    %mul3A_49 = arith.muli %select_n3A, %mul3A_48 : i32
    "tpu.region"() ({
      %run_scoped3A = tpu.sem_alloc : memref<!tpu.dma_semaphore, #tpu.memory_space<semaphore_mem>>
      %dma_start3A = tpu.memref_slice %arg4[%mul3A_49] : memref<100000xi32, #tpu.memory_space<hbm>> -> memref<3200xi32, #tpu.memory_space<hbm>>
      %dma_start3A_348 = tpu.memref_slice %arg4[%mul3A_49] : memref<100000xi32, #tpu.memory_space<hbm>> -> memref<3200xi32, #tpu.memory_space<hbm>>
      tpu.enqueue_dma source(%dma_start3A_348 : memref<3200xi32, #tpu.memory_space<hbm>>) target(%arg9 : memref<3200xi32, #tpu.memory_space<vmem>>) target_semaphore(%run_scoped3A : memref<!tpu.dma_semaphore, #tpu.memory_space<semaphore_mem>>)
      %dma_wait3A = tpu.memref_slice %arg4[%mul3A_49] : memref<100000xi32, #tpu.memory_space<hbm>> -> memref<3200xi32, #tpu.memory_space<hbm>>
      %dma_wait3A_349 = tpu.memref_slice %arg4[%mul3A_49] : memref<100000xi32, #tpu.memory_space<hbm>> -> memref<3200xi32, #tpu.memory_space<hbm>>
      tpu.wait_dma2 semaphore(%run_scoped3A : memref<!tpu.dma_semaphore, #tpu.memory_space<semaphore_mem>>) src(%dma_wait3A_349 : memref<3200xi32, #tpu.memory_space<hbm>>) dst(%arg9 : memref<3200xi32, #tpu.memory_space<vmem>>)
      tpu.yield
    }) : () -> ()
    %broadcast_in_dim3A = arith.constant 128 : i32
    %broadcast_in_dim3A_50 = vector.broadcast %broadcast_in_dim3A : i32 to vector<16xi32>
    %iota3A = tpu.iota {dimensions = array<i32: 0>} : vector<16xi32>
    %gt3A = arith.constant 0 : i32
    %gt3A_51 = arith.cmpi sgt, %sub3A_47, %gt3A : i32
    %convert_element_type3A = arith.extui %gt3A_51 : i1 to i32
    %cond3A = arith.constant 0 : i32
    %cond3A_52 = arith.cmpi ne, %convert_element_type3A, %cond3A : i32
    scf.if %cond3A_52 {
      %add3A_348 = arith.constant 0 : i32
      %add3A_349 = arith.addi %select_n3A, %add3A_348 : i32
      %mul3A_350 = arith.constant 160 : i32
      %mul3A_351 = arith.muli %add3A_349, %mul3A_350 : i32
      %dma_start3A = arith.constant 0 : i32
      %dma_start3A_352 = arith.constant 0 : i32
      %dma_start3A_353 = tpu.memref_slice %arg6[%dma_start3A, %dma_start3A_352] : memref<160x129xf32, #tpu.memory_space<vmem>> -> memref<160x128xf32, #tpu.memory_space<vmem>>
      %dma_start3A_354 = arith.constant 0 : i32
      %dma_start3A_355 = tpu.memref_slice %arg2[%mul3A_351, %dma_start3A_354] : memref<100000x128xf32, #tpu.memory_space<hbm>> -> memref<160x128xf32, #tpu.memory_space<hbm>>
      %dma_start3A_356 = arith.constant 0 : i32
      %dma_start3A_357 = arith.constant 0 : i32
      %dma_start3A_358 = tpu.memref_slice %arg6[%dma_start3A_356, %dma_start3A_357] : memref<160x129xf32, #tpu.memory_space<vmem>> -> memref<160x128xf32, #tpu.memory_space<vmem>>
      %dma_start3A_359 = arith.constant 0 : i32
      %dma_start3A_360 = tpu.memref_slice %arg2[%mul3A_351, %dma_start3A_359] : memref<100000x128xf32, #tpu.memory_space<hbm>> -> memref<160x128xf32, #tpu.memory_space<hbm>>
      tpu.enqueue_dma source(%dma_start3A_360 : memref<160x128xf32, #tpu.memory_space<hbm>>) target(%dma_start3A_358 : memref<160x128xf32, #tpu.memory_space<vmem>>) target_semaphore(%arg11 : memref<!tpu.dma_semaphore, #tpu.memory_space<semaphore_mem>>)
    } else {
    }
    %gt3A_53 = arith.constant 1 : i32
    %gt3A_54 = arith.cmpi sgt, %sub3A_47, %gt3A_53 : i32
    %convert_element_type3A_55 = arith.extui %gt3A_54 : i1 to i32
    %cond3A_56 = arith.constant 0 : i32
    %cond3A_57 = arith.cmpi ne, %convert_element_type3A_55, %cond3A_56 : i32
    scf.if %cond3A_57 {
      %add3A_348 = arith.constant 1 : i32
      %add3A_349 = arith.addi %select_n3A, %add3A_348 : i32
      %mul3A_350 = arith.constant 160 : i32
      %mul3A_351 = arith.muli %add3A_349, %mul3A_350 : i32
      %dma_start3A = arith.constant 0 : i32
      %dma_start3A_352 = arith.constant 0 : i32
      %dma_start3A_353 = tpu.memref_slice %arg7[%dma_start3A, %dma_start3A_352] : memref<160x129xf32, #tpu.memory_space<vmem>> -> memref<160x128xf32, #tpu.memory_space<vmem>>
      %dma_start3A_354 = arith.constant 0 : i32
      %dma_start3A_355 = tpu.memref_slice %arg2[%mul3A_351, %dma_start3A_354] : memref<100000x128xf32, #tpu.memory_space<hbm>> -> memref<160x128xf32, #tpu.memory_space<hbm>>
      %dma_start3A_356 = arith.constant 0 : i32
      %dma_start3A_357 = arith.constant 0 : i32
      %dma_start3A_358 = tpu.memref_slice %arg7[%dma_start3A_356, %dma_start3A_357] : memref<160x129xf32, #tpu.memory_space<vmem>> -> memref<160x128xf32, #tpu.memory_space<vmem>>
      %dma_start3A_359 = arith.constant 0 : i32
      %dma_start3A_360 = tpu.memref_slice %arg2[%mul3A_351, %dma_start3A_359] : memref<100000x128xf32, #tpu.memory_space<hbm>> -> memref<160x128xf32, #tpu.memory_space<hbm>>
      tpu.enqueue_dma source(%dma_start3A_360 : memref<160x128xf32, #tpu.memory_space<hbm>>) target(%dma_start3A_358 : memref<160x128xf32, #tpu.memory_space<vmem>>) target_semaphore(%arg12 : memref<!tpu.dma_semaphore, #tpu.memory_space<semaphore_mem>>)
    } else {
    }
    %gt3A_58 = arith.constant 2 : i32
    %gt3A_59 = arith.cmpi sgt, %sub3A_47, %gt3A_58 : i32
    %convert_element_type3A_60 = arith.extui %gt3A_59 : i1 to i32
    %cond3A_61 = arith.constant 0 : i32
    %cond3A_62 = arith.cmpi ne, %convert_element_type3A_60, %cond3A_61 : i32
    scf.if %cond3A_62 {
      %add3A_348 = arith.constant 2 : i32
      %add3A_349 = arith.addi %select_n3A, %add3A_348 : i32
      %mul3A_350 = arith.constant 160 : i32
      %mul3A_351 = arith.muli %add3A_349, %mul3A_350 : i32
      %dma_start3A = arith.constant 0 : i32
      %dma_start3A_352 = arith.constant 0 : i32
      %dma_start3A_353 = tpu.memref_slice %arg8[%dma_start3A, %dma_start3A_352] : memref<160x129xf32, #tpu.memory_space<vmem>> -> memref<160x128xf32, #tpu.memory_space<vmem>>
      %dma_start3A_354 = arith.constant 0 : i32
      %dma_start3A_355 = tpu.memref_slice %arg2[%mul3A_351, %dma_start3A_354] : memref<100000x128xf32, #tpu.memory_space<hbm>> -> memref<160x128xf32, #tpu.memory_space<hbm>>
      %dma_start3A_356 = arith.constant 0 : i32
      %dma_start3A_357 = arith.constant 0 : i32
      %dma_start3A_358 = tpu.memref_slice %arg8[%dma_start3A_356, %dma_start3A_357] : memref<160x129xf32, #tpu.memory_space<vmem>> -> memref<160x128xf32, #tpu.memory_space<vmem>>
      %dma_start3A_359 = arith.constant 0 : i32
      %dma_start3A_360 = tpu.memref_slice %arg2[%mul3A_351, %dma_start3A_359] : memref<100000x128xf32, #tpu.memory_space<hbm>> -> memref<160x128xf32, #tpu.memory_space<hbm>>
      tpu.enqueue_dma source(%dma_start3A_360 : memref<160x128xf32, #tpu.memory_space<hbm>>) target(%dma_start3A_358 : memref<160x128xf32, #tpu.memory_space<vmem>>) target_semaphore(%arg13 : memref<!tpu.dma_semaphore, #tpu.memory_space<semaphore_mem>>)
    } else {
    }
    %gt3A_63 = arith.constant 0 : i32
    %gt3A_64 = arith.cmpi sgt, %sub3A_47, %gt3A_63 : i32
    %convert_element_type3A_65 = arith.extui %gt3A_64 : i1 to i32
    %cond3A_66 = arith.constant 0 : i32
    %cond3A_67 = arith.cmpi ne, %convert_element_type3A_65, %cond3A_66 : i32
    scf.if %cond3A_67 {
      %get3A = arith.constant 0 : index
      %get3A_348 = tpu.vector_load %arg9[%get3A] {strides = array<i32>} : memref<3200xi32, #tpu.memory_space<vmem>>, vector<16xi32>,
      %gather3A = tpu.vector_load_idx %arg10[%get3A_348] : memref<1024xf32, #tpu.memory_space<vmem>>[vector<16xi32>], vector<16xf32>,
      %add3A_349 = arith.constant 0 : i32
      %add3A_350 = vector.broadcast %add3A_349 : i32 to vector<16xi32>
      %add3A_351 = arith.addi %iota3A, %add3A_350 : vector<16xi32>
      tpu.vector_store_idx %arg6[%add3A_351, %broadcast_in_dim3A_50], %gather3A : memref<160x129xf32, #tpu.memory_space<vmem>>[vector<16xi32>, vector<16xi32>], vector<16xf32>,
      %get3A_352 = arith.constant 16 : index
      %get3A_353 = tpu.vector_load %arg9[%get3A_352] {strides = array<i32>} : memref<3200xi32, #tpu.memory_space<vmem>>, vector<16xi32>,
      %gather3A_354 = tpu.vector_load_idx %arg10[%get3A_353] : memref<1024xf32, #tpu.memory_space<vmem>>[vector<16xi32>], vector<16xf32>,
      %add3A_355 = arith.constant 16 : i32
      %add3A_356 = vector.broadcast %add3A_355 : i32 to vector<16xi32>
      %add3A_357 = arith.addi %iota3A, %add3A_356 : vector<16xi32>
      tpu.vector_store_idx %arg6[%add3A_357, %broadcast_in_dim3A_50], %gather3A_354 : memref<160x129xf32, #tpu.memory_space<vmem>>[vector<16xi32>, vector<16xi32>], vector<16xf32>,
      %get3A_358 = arith.constant 32 : index
      %get3A_359 = tpu.vector_load %arg9[%get3A_358] {strides = array<i32>} : memref<3200xi32, #tpu.memory_space<vmem>>, vector<16xi32>,
      %gather3A_360 = tpu.vector_load_idx %arg10[%get3A_359] : memref<1024xf32, #tpu.memory_space<vmem>>[vector<16xi32>], vector<16xf32>,
      %add3A_361 = arith.constant 32 : i32
      %add3A_362 = vector.broadcast %add3A_361 : i32 to vector<16xi32>
      %add3A_363 = arith.addi %iota3A, %add3A_362 : vector<16xi32>
      tpu.vector_store_idx %arg6[%add3A_363, %broadcast_in_dim3A_50], %gather3A_360 : memref<160x129xf32, #tpu.memory_space<vmem>>[vector<16xi32>, vector<16xi32>], vector<16xf32>,
      %get3A_364 = arith.constant 48 : index
      %get3A_365 = tpu.vector_load %arg9[%get3A_364] {strides = array<i32>} : memref<3200xi32, #tpu.memory_space<vmem>>, vector<16xi32>,
      %gather3A_366 = tpu.vector_load_idx %arg10[%get3A_365] : memref<1024xf32, #tpu.memory_space<vmem>>[vector<16xi32>], vector<16xf32>,
      %add3A_367 = arith.constant 48 : i32
      %add3A_368 = vector.broadcast %add3A_367 : i32 to vector<16xi32>
      %add3A_369 = arith.addi %iota3A, %add3A_368 : vector<16xi32>
      tpu.vector_store_idx %arg6[%add3A_369, %broadcast_in_dim3A_50], %gather3A_366 : memref<160x129xf32, #tpu.memory_space<vmem>>[vector<16xi32>, vector<16xi32>], vector<16xf32>,
      %get3A_370 = arith.constant 64 : index
      %get3A_371 = tpu.vector_load %arg9[%get3A_370] {strides = array<i32>} : memref<3200xi32, #tpu.memory_space<vmem>>, vector<16xi32>,
      %gather3A_372 = tpu.vector_load_idx %arg10[%get3A_371] : memref<1024xf32, #tpu.memory_space<vmem>>[vector<16xi32>], vector<16xf32>,
      %add3A_373 = arith.constant 64 : i32
      %add3A_374 = vector.broadcast %add3A_373 : i32 to vector<16xi32>
      %add3A_375 = arith.addi %iota3A, %add3A_374 : vector<16xi32>
      tpu.vector_store_idx %arg6[%add3A_375, %broadcast_in_dim3A_50], %gather3A_372 : memref<160x129xf32, #tpu.memory_space<vmem>>[vector<16xi32>, vector<16xi32>], vector<16xf32>,
      %get3A_376 = arith.constant 80 : index
      %get3A_377 = tpu.vector_load %arg9[%get3A_376] {strides = array<i32>} : memref<3200xi32, #tpu.memory_space<vmem>>, vector<16xi32>,
      %gather3A_378 = tpu.vector_load_idx %arg10[%get3A_377] : memref<1024xf32, #tpu.memory_space<vmem>>[vector<16xi32>], vector<16xf32>,
      %add3A_379 = arith.constant 80 : i32
      %add3A_380 = vector.broadcast %add3A_379 : i32 to vector<16xi32>
      %add3A_381 = arith.addi %iota3A, %add3A_380 : vector<16xi32>
      tpu.vector_store_idx %arg6[%add3A_381, %broadcast_in_dim3A_50], %gather3A_378 : memref<160x129xf32, #tpu.memory_space<vmem>>[vector<16xi32>, vector<16xi32>], vector<16xf32>,
      %get3A_382 = arith.constant 96 : index
      %get3A_383 = tpu.vector_load %arg9[%get3A_382] {strides = array<i32>} : memref<3200xi32, #tpu.memory_space<vmem>>, vector<16xi32>,
      %gather3A_384 = tpu.vector_load_idx %arg10[%get3A_383] : memref<1024xf32, #tpu.memory_space<vmem>>[vector<16xi32>], vector<16xf32>,
      %add3A_385 = arith.constant 96 : i32
      %add3A_386 = vector.broadcast %add3A_385 : i32 to vector<16xi32>
      %add3A_387 = arith.addi %iota3A, %add3A_386 : vector<16xi32>
      tpu.vector_store_idx %arg6[%add3A_387, %broadcast_in_dim3A_50], %gather3A_384 : memref<160x129xf32, #tpu.memory_space<vmem>>[vector<16xi32>, vector<16xi32>], vector<16xf32>,
      %get3A_388 = arith.constant 112 : index
      %get3A_389 = tpu.vector_load %arg9[%get3A_388] {strides = array<i32>} : memref<3200xi32, #tpu.memory_space<vmem>>, vector<16xi32>,
      %gather3A_390 = tpu.vector_load_idx %arg10[%get3A_389] : memref<1024xf32, #tpu.memory_space<vmem>>[vector<16xi32>], vector<16xf32>,
      %add3A_391 = arith.constant 112 : i32
      %add3A_392 = vector.broadcast %add3A_391 : i32 to vector<16xi32>
      %add3A_393 = arith.addi %iota3A, %add3A_392 : vector<16xi32>
      tpu.vector_store_idx %arg6[%add3A_393, %broadcast_in_dim3A_50], %gather3A_390 : memref<160x129xf32, #tpu.memory_space<vmem>>[vector<16xi32>, vector<16xi32>], vector<16xf32>,
      %get3A_394 = arith.constant 128 : index
      %get3A_395 = tpu.vector_load %arg9[%get3A_394] {strides = array<i32>} : memref<3200xi32, #tpu.memory_space<vmem>>, vector<16xi32>,
      %gather3A_396 = tpu.vector_load_idx %arg10[%get3A_395] : memref<1024xf32, #tpu.memory_space<vmem>>[vector<16xi32>], vector<16xf32>,
      %add3A_397 = arith.constant 128 : i32
      %add3A_398 = vector.broadcast %add3A_397 : i32 to vector<16xi32>
      %add3A_399 = arith.addi %iota3A, %add3A_398 : vector<16xi32>
      tpu.vector_store_idx %arg6[%add3A_399, %broadcast_in_dim3A_50], %gather3A_396 : memref<160x129xf32, #tpu.memory_space<vmem>>[vector<16xi32>, vector<16xi32>], vector<16xf32>,
      %get3A_400 = arith.constant 144 : index
      %get3A_401 = tpu.vector_load %arg9[%get3A_400] {strides = array<i32>} : memref<3200xi32, #tpu.memory_space<vmem>>, vector<16xi32>,
      %gather3A_402 = tpu.vector_load_idx %arg10[%get3A_401] : memref<1024xf32, #tpu.memory_space<vmem>>[vector<16xi32>], vector<16xf32>,
      %add3A_403 = arith.constant 144 : i32
      %add3A_404 = vector.broadcast %add3A_403 : i32 to vector<16xi32>
      %add3A_405 = arith.addi %iota3A, %add3A_404 : vector<16xi32>
      tpu.vector_store_idx %arg6[%add3A_405, %broadcast_in_dim3A_50], %gather3A_402 : memref<160x129xf32, #tpu.memory_space<vmem>>[vector<16xi32>, vector<16xi32>], vector<16xf32>,
      %add3A_406 = arith.constant 0 : i32
      %add3A_407 = arith.addi %select_n3A, %add3A_406 : i32
      %mul3A_408 = arith.constant 160 : i32
      %mul3A_409 = arith.muli %add3A_407, %mul3A_408 : i32
      %dma_wait3A = arith.constant 0 : i32
      %dma_wait3A_410 = arith.constant 0 : i32
      %dma_wait3A_411 = tpu.memref_slice %arg6[%dma_wait3A, %dma_wait3A_410] : memref<160x129xf32, #tpu.memory_space<vmem>> -> memref<160x128xf32, #tpu.memory_space<vmem>>
      %dma_wait3A_412 = arith.constant 0 : i32
      %dma_wait3A_413 = tpu.memref_slice %arg2[%mul3A_409, %dma_wait3A_412] : memref<100000x128xf32, #tpu.memory_space<hbm>> -> memref<160x128xf32, #tpu.memory_space<hbm>>
      %dma_wait3A_414 = arith.constant 0 : i32
      %dma_wait3A_415 = arith.constant 0 : i32
      %dma_wait3A_416 = tpu.memref_slice %arg6[%dma_wait3A_414, %dma_wait3A_415] : memref<160x129xf32, #tpu.memory_space<vmem>> -> memref<160x128xf32, #tpu.memory_space<vmem>>
      %dma_wait3A_417 = arith.constant 0 : i32
      %dma_wait3A_418 = tpu.memref_slice %arg2[%mul3A_409, %dma_wait3A_417] : memref<100000x128xf32, #tpu.memory_space<hbm>> -> memref<160x128xf32, #tpu.memory_space<hbm>>
      tpu.wait_dma2 semaphore(%arg11 : memref<!tpu.dma_semaphore, #tpu.memory_space<semaphore_mem>>) src(%dma_wait3A_418 : memref<160x128xf32, #tpu.memory_space<hbm>>) dst(%dma_wait3A_416 : memref<160x128xf32, #tpu.memory_space<vmem>>)
      %add3A_419 = arith.constant 0 : i32
      %add3A_420 = arith.addi %select_n3A, %add3A_419 : i32
      %mul3A_421 = arith.constant 160 : i32
      %mul3A_422 = arith.muli %add3A_420, %mul3A_421 : i32
      %dma_start3A = arith.constant 0 : i32
      %dma_start3A_423 = tpu.memref_slice %arg5[%mul3A_422, %dma_start3A] : memref<100000x129xf32, #tpu.memory_space<hbm>> -> memref<160x129xf32, #tpu.memory_space<hbm>>
      %dma_start3A_424 = arith.constant 0 : i32
      %dma_start3A_425 = tpu.memref_slice %arg5[%mul3A_422, %dma_start3A_424] : memref<100000x129xf32, #tpu.memory_space<hbm>> -> memref<160x129xf32, #tpu.memory_space<hbm>>
      tpu.enqueue_dma source(%arg6 : memref<160x129xf32, #tpu.memory_space<vmem>>) target(%dma_start3A_425 : memref<160x129xf32, #tpu.memory_space<hbm>>) target_semaphore(%arg14 : memref<!tpu.dma_semaphore, #tpu.memory_space<semaphore_mem>>)
    } else {
    }
    %gt3A_68 = arith.constant 0 : i32
    %gt3A_69 = arith.cmpi sgt, %sub3A_47, %gt3A_68 : i32
    %convert_element_type3A_70 = arith.extui %gt3A_69 : i1 to i32
    %cond3A_71 = arith.constant 0 : i32
    %cond3A_72 = arith.cmpi ne, %convert_element_type3A_70, %cond3A_71 : i32
    scf.if %cond3A_72 {
      %add3A_348 = arith.constant 0 : i32
      %add3A_349 = arith.addi %select_n3A, %add3A_348 : i32
      %mul3A_350 = arith.constant 160 : i32
      %mul3A_351 = arith.muli %add3A_349, %mul3A_350 : i32
      %dma_wait3A = arith.constant 0 : i32
      %dma_wait3A_352 = tpu.memref_slice %arg5[%mul3A_351, %dma_wait3A] : memref<100000x129xf32, #tpu.memory_space<hbm>> -> memref<160x129xf32, #tpu.memory_space<hbm>>
      %dma_wait3A_353 = arith.constant 0 : i32
      %dma_wait3A_354 = tpu.memref_slice %arg5[%mul3A_351, %dma_wait3A_353] : memref<100000x129xf32, #tpu.memory_space<hbm>> -> memref<160x129xf32, #tpu.memory_space<hbm>>
      tpu.wait_dma2 semaphore(%arg14 : memref<!tpu.dma_semaphore, #tpu.memory_space<semaphore_mem>>) src(%arg6 : memref<160x129xf32, #tpu.memory_space<vmem>>) dst(%dma_wait3A_354 : memref<160x129xf32, #tpu.memory_space<hbm>>)
    } else {
    }
    %gt3A_73 = arith.constant 3 : i32
    %gt3A_74 = arith.cmpi sgt, %sub3A_47, %gt3A_73 : i32
    %convert_element_type3A_75 = arith.extui %gt3A_74 : i1 to i32
    %cond3A_76 = arith.constant 0 : i32
    %cond3A_77 = arith.cmpi ne, %convert_element_type3A_75, %cond3A_76 : i32
    scf.if %cond3A_77 {
      %add3A_348 = arith.constant 3 : i32
      %add3A_349 = arith.addi %select_n3A, %add3A_348 : i32
      %mul3A_350 = arith.constant 160 : i32
      %mul3A_351 = arith.muli %add3A_349, %mul3A_350 : i32
      %dma_start3A = arith.constant 0 : i32
      %dma_start3A_352 = arith.constant 0 : i32
      %dma_start3A_353 = tpu.memref_slice %arg6[%dma_start3A, %dma_start3A_352] : memref<160x129xf32, #tpu.memory_space<vmem>> -> memref<160x128xf32, #tpu.memory_space<vmem>>
      %dma_start3A_354 = arith.constant 0 : i32
      %dma_start3A_355 = tpu.memref_slice %arg2[%mul3A_351, %dma_start3A_354] : memref<100000x128xf32, #tpu.memory_space<hbm>> -> memref<160x128xf32, #tpu.memory_space<hbm>>
      %dma_start3A_356 = arith.constant 0 : i32
      %dma_start3A_357 = arith.constant 0 : i32
      %dma_start3A_358 = tpu.memref_slice %arg6[%dma_start3A_356, %dma_start3A_357] : memref<160x129xf32, #tpu.memory_space<vmem>> -> memref<160x128xf32, #tpu.memory_space<vmem>>
      %dma_start3A_359 = arith.constant 0 : i32
      %dma_start3A_360 = tpu.memref_slice %arg2[%mul3A_351, %dma_start3A_359] : memref<100000x128xf32, #tpu.memory_space<hbm>> -> memref<160x128xf32, #tpu.memory_space<hbm>>
      tpu.enqueue_dma source(%dma_start3A_360 : memref<160x128xf32, #tpu.memory_space<hbm>>) target(%dma_start3A_358 : memref<160x128xf32, #tpu.memory_space<vmem>>) target_semaphore(%arg11 : memref<!tpu.dma_semaphore, #tpu.memory_space<semaphore_mem>>)
    } else {
    }
    %gt3A_78 = arith.constant 1 : i32
    %gt3A_79 = arith.cmpi sgt, %sub3A_47, %gt3A_78 : i32
    %convert_element_type3A_80 = arith.extui %gt3A_79 : i1 to i32
    %cond3A_81 = arith.constant 0 : i32
    %cond3A_82 = arith.cmpi ne, %convert_element_type3A_80, %cond3A_81 : i32
    scf.if %cond3A_82 {
      %get3A = arith.constant 160 : index
      %get3A_348 = tpu.vector_load %arg9[%get3A] {strides = array<i32>} : memref<3200xi32, #tpu.memory_space<vmem>>, vector<16xi32>,
      %gather3A = tpu.vector_load_idx %arg10[%get3A_348] : memref<1024xf32, #tpu.memory_space<vmem>>[vector<16xi32>], vector<16xf32>,
      %add3A_349 = arith.constant 0 : i32
      %add3A_350 = vector.broadcast %add3A_349 : i32 to vector<16xi32>
      %add3A_351 = arith.addi %iota3A, %add3A_350 : vector<16xi32>
      tpu.vector_store_idx %arg7[%add3A_351, %broadcast_in_dim3A_50], %gather3A : memref<160x129xf32, #tpu.memory_space<vmem>>[vector<16xi32>, vector<16xi32>], vector<16xf32>,
      %get3A_352 = arith.constant 176 : index
      %get3A_353 = tpu.vector_load %arg9[%get3A_352] {strides = array<i32>} : memref<3200xi32, #tpu.memory_space<vmem>>, vector<16xi32>,
      %gather3A_354 = tpu.vector_load_idx %arg10[%get3A_353] : memref<1024xf32, #tpu.memory_space<vmem>>[vector<16xi32>], vector<16xf32>,
      %add3A_355 = arith.constant 16 : i32
      %add3A_356 = vector.broadcast %add3A_355 : i32 to vector<16xi32>
      %add3A_357 = arith.addi %iota3A, %add3A_356 : vector<16xi32>
      tpu.vector_store_idx %arg7[%add3A_357, %broadcast_in_dim3A_50], %gather3A_354 : memref<160x129xf32, #tpu.memory_space<vmem>>[vector<16xi32>, vector<16xi32>], vector<16xf32>,
      %get3A_358 = arith.constant 192 : index
      %get3A_359 = tpu.vector_load %arg9[%get3A_358] {strides = array<i32>} : memref<3200xi32, #tpu.memory_space<vmem>>, vector<16xi32>,
      %gather3A_360 = tpu.vector_load_idx %arg10[%get3A_359] : memref<1024xf32, #tpu.memory_space<vmem>>[vector<16xi32>], vector<16xf32>,
      %add3A_361 = arith.constant 32 : i32
      %add3A_362 = vector.broadcast %add3A_361 : i32 to vector<16xi32>
      %add3A_363 = arith.addi %iota3A, %add3A_362 : vector<16xi32>
      tpu.vector_store_idx %arg7[%add3A_363, %broadcast_in_dim3A_50], %gather3A_360 : memref<160x129xf32, #tpu.memory_space<vmem>>[vector<16xi32>, vector<16xi32>], vector<16xf32>,
      %get3A_364 = arith.constant 208 : index
      %get3A_365 = tpu.vector_load %arg9[%get3A_364] {strides = array<i32>} : memref<3200xi32, #tpu.memory_space<vmem>>, vector<16xi32>,
      %gather3A_366 = tpu.vector_load_idx %arg10[%get3A_365] : memref<1024xf32, #tpu.memory_space<vmem>>[vector<16xi32>], vector<16xf32>,
      %add3A_367 = arith.constant 48 : i32
      %add3A_368 = vector.broadcast %add3A_367 : i32 to vector<16xi32>
      %add3A_369 = arith.addi %iota3A, %add3A_368 : vector<16xi32>
      tpu.vector_store_idx %arg7[%add3A_369, %broadcast_in_dim3A_50], %gather3A_366 : memref<160x129xf32, #tpu.memory_space<vmem>>[vector<16xi32>, vector<16xi32>], vector<16xf32>,
      %get3A_370 = arith.constant 224 : index
      %get3A_371 = tpu.vector_load %arg9[%get3A_370] {strides = array<i32>} : memref<3200xi32, #tpu.memory_space<vmem>>, vector<16xi32>,
      %gather3A_372 = tpu.vector_load_idx %arg10[%get3A_371] : memref<1024xf32, #tpu.memory_space<vmem>>[vector<16xi32>], vector<16xf32>,
      %add3A_373 = arith.constant 64 : i32
      %add3A_374 = vector.broadcast %add3A_373 : i32 to vector<16xi32>
      %add3A_375 = arith.addi %iota3A, %add3A_374 : vector<16xi32>
      tpu.vector_store_idx %arg7[%add3A_375, %broadcast_in_dim3A_50], %gather3A_372 : memref<160x129xf32, #tpu.memory_space<vmem>>[vector<16xi32>, vector<16xi32>], vector<16xf32>,
      %get3A_376 = arith.constant 240 : index
      %get3A_377 = tpu.vector_load %arg9[%get3A_376] {strides = array<i32>} : memref<3200xi32, #tpu.memory_space<vmem>>, vector<16xi32>,
      %gather3A_378 = tpu.vector_load_idx %arg10[%get3A_377] : memref<1024xf32, #tpu.memory_space<vmem>>[vector<16xi32>], vector<16xf32>,
      %add3A_379 = arith.constant 80 : i32
      %add3A_380 = vector.broadcast %add3A_379 : i32 to vector<16xi32>
      %add3A_381 = arith.addi %iota3A, %add3A_380 : vector<16xi32>
      tpu.vector_store_idx %arg7[%add3A_381, %broadcast_in_dim3A_50], %gather3A_378 : memref<160x129xf32, #tpu.memory_space<vmem>>[vector<16xi32>, vector<16xi32>], vector<16xf32>,
      %get3A_382 = arith.constant 256 : index
      %get3A_383 = tpu.vector_load %arg9[%get3A_382] {strides = array<i32>} : memref<3200xi32, #tpu.memory_space<vmem>>, vector<16xi32>,
      %gather3A_384 = tpu.vector_load_idx %arg10[%get3A_383] : memref<1024xf32, #tpu.memory_space<vmem>>[vector<16xi32>], vector<16xf32>,
      %add3A_385 = arith.constant 96 : i32
      %add3A_386 = vector.broadcast %add3A_385 : i32 to vector<16xi32>
      %add3A_387 = arith.addi %iota3A, %add3A_386 : vector<16xi32>
      tpu.vector_store_idx %arg7[%add3A_387, %broadcast_in_dim3A_50], %gather3A_384 : memref<160x129xf32, #tpu.memory_space<vmem>>[vector<16xi32>, vector<16xi32>], vector<16xf32>,
      %get3A_388 = arith.constant 272 : index
      %get3A_389 = tpu.vector_load %arg9[%get3A_388] {strides = array<i32>} : memref<3200xi32, #tpu.memory_space<vmem>>, vector<16xi32>,
      %gather3A_390 = tpu.vector_load_idx %arg10[%get3A_389] : memref<1024xf32, #tpu.memory_space<vmem>>[vector<16xi32>], vector<16xf32>,
      %add3A_391 = arith.constant 112 : i32
      %add3A_392 = vector.broadcast %add3A_391 : i32 to vector<16xi32>
      %add3A_393 = arith.addi %iota3A, %add3A_392 : vector<16xi32>
      tpu.vector_store_idx %arg7[%add3A_393, %broadcast_in_dim3A_50], %gather3A_390 : memref<160x129xf32, #tpu.memory_space<vmem>>[vector<16xi32>, vector<16xi32>], vector<16xf32>,
      %get3A_394 = arith.constant 288 : index
      %get3A_395 = tpu.vector_load %arg9[%get3A_394] {strides = array<i32>} : memref<3200xi32, #tpu.memory_space<vmem>>, vector<16xi32>,
      %gather3A_396 = tpu.vector_load_idx %arg10[%get3A_395] : memref<1024xf32, #tpu.memory_space<vmem>>[vector<16xi32>], vector<16xf32>,
      %add3A_397 = arith.constant 128 : i32
      %add3A_398 = vector.broadcast %add3A_397 : i32 to vector<16xi32>
      %add3A_399 = arith.addi %iota3A, %add3A_398 : vector<16xi32>
      tpu.vector_store_idx %arg7[%add3A_399, %broadcast_in_dim3A_50], %gather3A_396 : memref<160x129xf32, #tpu.memory_space<vmem>>[vector<16xi32>, vector<16xi32>], vector<16xf32>,
      %get3A_400 = arith.constant 304 : index
      %get3A_401 = tpu.vector_load %arg9[%get3A_400] {strides = array<i32>} : memref<3200xi32, #tpu.memory_space<vmem>>, vector<16xi32>,
      %gather3A_402 = tpu.vector_load_idx %arg10[%get3A_401] : memref<1024xf32, #tpu.memory_space<vmem>>[vector<16xi32>], vector<16xf32>,
      %add3A_403 = arith.constant 144 : i32
      %add3A_404 = vector.broadcast %add3A_403 : i32 to vector<16xi32>
      %add3A_405 = arith.addi %iota3A, %add3A_404 : vector<16xi32>
      tpu.vector_store_idx %arg7[%add3A_405, %broadcast_in_dim3A_50], %gather3A_402 : memref<160x129xf32, #tpu.memory_space<vmem>>[vector<16xi32>, vector<16xi32>], vector<16xf32>,
      %add3A_406 = arith.constant 1 : i32
      %add3A_407 = arith.addi %select_n3A, %add3A_406 : i32
      %mul3A_408 = arith.constant 160 : i32
      %mul3A_409 = arith.muli %add3A_407, %mul3A_408 : i32
      %dma_wait3A = arith.constant 0 : i32
      %dma_wait3A_410 = arith.constant 0 : i32
      %dma_wait3A_411 = tpu.memref_slice %arg7[%dma_wait3A, %dma_wait3A_410] : memref<160x129xf32, #tpu.memory_space<vmem>> -> memref<160x128xf32, #tpu.memory_space<vmem>>
      %dma_wait3A_412 = arith.constant 0 : i32
      %dma_wait3A_413 = tpu.memref_slice %arg2[%mul3A_409, %dma_wait3A_412] : memref<100000x128xf32, #tpu.memory_space<hbm>> -> memref<160x128xf32, #tpu.memory_space<hbm>>
      %dma_wait3A_414 = arith.constant 0 : i32
      %dma_wait3A_415 = arith.constant 0 : i32
      %dma_wait3A_416 = tpu.memref_slice %arg7[%dma_wait3A_414, %dma_wait3A_415] : memref<160x129xf32, #tpu.memory_space<vmem>> -> memref<160x128xf32, #tpu.memory_space<vmem>>
      %dma_wait3A_417 = arith.constant 0 : i32
      %dma_wait3A_418 = tpu.memref_slice %arg2[%mul3A_409, %dma_wait3A_417] : memref<100000x128xf32, #tpu.memory_space<hbm>> -> memref<160x128xf32, #tpu.memory_space<hbm>>
      tpu.wait_dma2 semaphore(%arg12 : memref<!tpu.dma_semaphore, #tpu.memory_space<semaphore_mem>>) src(%dma_wait3A_418 : memref<160x128xf32, #tpu.memory_space<hbm>>) dst(%dma_wait3A_416 : memref<160x128xf32, #tpu.memory_space<vmem>>)
      %add3A_419 = arith.constant 1 : i32
      %add3A_420 = arith.addi %select_n3A, %add3A_419 : i32
      %mul3A_421 = arith.constant 160 : i32
      %mul3A_422 = arith.muli %add3A_420, %mul3A_421 : i32
      %dma_start3A = arith.constant 0 : i32
      %dma_start3A_423 = tpu.memref_slice %arg5[%mul3A_422, %dma_start3A] : memref<100000x129xf32, #tpu.memory_space<hbm>> -> memref<160x129xf32, #tpu.memory_space<hbm>>
      %dma_start3A_424 = arith.constant 0 : i32
      %dma_start3A_425 = tpu.memref_slice %arg5[%mul3A_422, %dma_start3A_424] : memref<100000x129xf32, #tpu.memory_space<hbm>> -> memref<160x129xf32, #tpu.memory_space<hbm>>
      tpu.enqueue_dma source(%arg7 : memref<160x129xf32, #tpu.memory_space<vmem>>) target(%dma_start3A_425 : memref<160x129xf32, #tpu.memory_space<hbm>>) target_semaphore(%arg15 : memref<!tpu.dma_semaphore, #tpu.memory_space<semaphore_mem>>)
    } else {
    }
    %gt3A_83 = arith.constant 1 : i32
    %gt3A_84 = arith.cmpi sgt, %sub3A_47, %gt3A_83 : i32
    %convert_element_type3A_85 = arith.extui %gt3A_84 : i1 to i32
    %cond3A_86 = arith.constant 0 : i32
    %cond3A_87 = arith.cmpi ne, %convert_element_type3A_85, %cond3A_86 : i32
    scf.if %cond3A_87 {
      %add3A_348 = arith.constant 1 : i32
      %add3A_349 = arith.addi %select_n3A, %add3A_348 : i32
      %mul3A_350 = arith.constant 160 : i32
      %mul3A_351 = arith.muli %add3A_349, %mul3A_350 : i32
      %dma_wait3A = arith.constant 0 : i32
      %dma_wait3A_352 = tpu.memref_slice %arg5[%mul3A_351, %dma_wait3A] : memref<100000x129xf32, #tpu.memory_space<hbm>> -> memref<160x129xf32, #tpu.memory_space<hbm>>
      %dma_wait3A_353 = arith.constant 0 : i32
      %dma_wait3A_354 = tpu.memref_slice %arg5[%mul3A_351, %dma_wait3A_353] : memref<100000x129xf32, #tpu.memory_space<hbm>> -> memref<160x129xf32, #tpu.memory_space<hbm>>
      tpu.wait_dma2 semaphore(%arg15 : memref<!tpu.dma_semaphore, #tpu.memory_space<semaphore_mem>>) src(%arg7 : memref<160x129xf32, #tpu.memory_space<vmem>>) dst(%dma_wait3A_354 : memref<160x129xf32, #tpu.memory_space<hbm>>)
    } else {
    }
    %gt3A_88 = arith.constant 4 : i32
    %gt3A_89 = arith.cmpi sgt, %sub3A_47, %gt3A_88 : i32
    %convert_element_type3A_90 = arith.extui %gt3A_89 : i1 to i32
    %cond3A_91 = arith.constant 0 : i32
    %cond3A_92 = arith.cmpi ne, %convert_element_type3A_90, %cond3A_91 : i32
    scf.if %cond3A_92 {
      %add3A_348 = arith.constant 4 : i32
      %add3A_349 = arith.addi %select_n3A, %add3A_348 : i32
      %mul3A_350 = arith.constant 160 : i32
      %mul3A_351 = arith.muli %add3A_349, %mul3A_350 : i32
      %dma_start3A = arith.constant 0 : i32
      %dma_start3A_352 = arith.constant 0 : i32
      %dma_start3A_353 = tpu.memref_slice %arg7[%dma_start3A, %dma_start3A_352] : memref<160x129xf32, #tpu.memory_space<vmem>> -> memref<160x128xf32, #tpu.memory_space<vmem>>
      %dma_start3A_354 = arith.constant 0 : i32
      %dma_start3A_355 = tpu.memref_slice %arg2[%mul3A_351, %dma_start3A_354] : memref<100000x128xf32, #tpu.memory_space<hbm>> -> memref<160x128xf32, #tpu.memory_space<hbm>>
      %dma_start3A_356 = arith.constant 0 : i32
      %dma_start3A_357 = arith.constant 0 : i32
      %dma_start3A_358 = tpu.memref_slice %arg7[%dma_start3A_356, %dma_start3A_357] : memref<160x129xf32, #tpu.memory_space<vmem>> -> memref<160x128xf32, #tpu.memory_space<vmem>>
      %dma_start3A_359 = arith.constant 0 : i32
      %dma_start3A_360 = tpu.memref_slice %arg2[%mul3A_351, %dma_start3A_359] : memref<100000x128xf32, #tpu.memory_space<hbm>> -> memref<160x128xf32, #tpu.memory_space<hbm>>
      tpu.enqueue_dma source(%dma_start3A_360 : memref<160x128xf32, #tpu.memory_space<hbm>>) target(%dma_start3A_358 : memref<160x128xf32, #tpu.memory_space<vmem>>) target_semaphore(%arg12 : memref<!tpu.dma_semaphore, #tpu.memory_space<semaphore_mem>>)
    } else {
    }
    %gt3A_93 = arith.constant 2 : i32
    %gt3A_94 = arith.cmpi sgt, %sub3A_47, %gt3A_93 : i32
    %convert_element_type3A_95 = arith.extui %gt3A_94 : i1 to i32
    %cond3A_96 = arith.constant 0 : i32
    %cond3A_97 = arith.cmpi ne, %convert_element_type3A_95, %cond3A_96 : i32
    scf.if %cond3A_97 {
      %get3A = arith.constant 320 : index
      %get3A_348 = tpu.vector_load %arg9[%get3A] {strides = array<i32>} : memref<3200xi32, #tpu.memory_space<vmem>>, vector<16xi32>,
      %gather3A = tpu.vector_load_idx %arg10[%get3A_348] : memref<1024xf32, #tpu.memory_space<vmem>>[vector<16xi32>], vector<16xf32>,
      %add3A_349 = arith.constant 0 : i32
      %add3A_350 = vector.broadcast %add3A_349 : i32 to vector<16xi32>
      %add3A_351 = arith.addi %iota3A, %add3A_350 : vector<16xi32>
      tpu.vector_store_idx %arg8[%add3A_351, %broadcast_in_dim3A_50], %gather3A : memref<160x129xf32, #tpu.memory_space<vmem>>[vector<16xi32>, vector<16xi32>], vector<16xf32>,
      %get3A_352 = arith.constant 336 : index
      %get3A_353 = tpu.vector_load %arg9[%get3A_352] {strides = array<i32>} : memref<3200xi32, #tpu.memory_space<vmem>>, vector<16xi32>,
      %gather3A_354 = tpu.vector_load_idx %arg10[%get3A_353] : memref<1024xf32, #tpu.memory_space<vmem>>[vector<16xi32>], vector<16xf32>,
      %add3A_355 = arith.constant 16 : i32
      %add3A_356 = vector.broadcast %add3A_355 : i32 to vector<16xi32>
      %add3A_357 = arith.addi %iota3A, %add3A_356 : vector<16xi32>
      tpu.vector_store_idx %arg8[%add3A_357, %broadcast_in_dim3A_50], %gather3A_354 : memref<160x129xf32, #tpu.memory_space<vmem>>[vector<16xi32>, vector<16xi32>], vector<16xf32>,
      %get3A_358 = arith.constant 352 : index
      %get3A_359 = tpu.vector_load %arg9[%get3A_358] {strides = array<i32>} : memref<3200xi32, #tpu.memory_space<vmem>>, vector<16xi32>,
      %gather3A_360 = tpu.vector_load_idx %arg10[%get3A_359] : memref<1024xf32, #tpu.memory_space<vmem>>[vector<16xi32>], vector<16xf32>,
      %add3A_361 = arith.constant 32 : i32
      %add3A_362 = vector.broadcast %add3A_361 : i32 to vector<16xi32>
      %add3A_363 = arith.addi %iota3A, %add3A_362 : vector<16xi32>
      tpu.vector_store_idx %arg8[%add3A_363, %broadcast_in_dim3A_50], %gather3A_360 : memref<160x129xf32, #tpu.memory_space<vmem>>[vector<16xi32>, vector<16xi32>], vector<16xf32>,
      %get3A_364 = arith.constant 368 : index
      %get3A_365 = tpu.vector_load %arg9[%get3A_364] {strides = array<i32>} : memref<3200xi32, #tpu.memory_space<vmem>>, vector<16xi32>,
      %gather3A_366 = tpu.vector_load_idx %arg10[%get3A_365] : memref<1024xf32, #tpu.memory_space<vmem>>[vector<16xi32>], vector<16xf32>,
      %add3A_367 = arith.constant 48 : i32
      %add3A_368 = vector.broadcast %add3A_367 : i32 to vector<16xi32>
      %add3A_369 = arith.addi %iota3A, %add3A_368 : vector<16xi32>
      tpu.vector_store_idx %arg8[%add3A_369, %broadcast_in_dim3A_50], %gather3A_366 : memref<160x129xf32, #tpu.memory_space<vmem>>[vector<16xi32>, vector<16xi32>], vector<16xf32>,
      %get3A_370 = arith.constant 384 : index
      %get3A_371 = tpu.vector_load %arg9[%get3A_370] {strides = array<i32>} : memref<3200xi32, #tpu.memory_space<vmem>>, vector<16xi32>,
      %gather3A_372 = tpu.vector_load_idx %arg10[%get3A_371] : memref<1024xf32, #tpu.memory_space<vmem>>[vector<16xi32>], vector<16xf32>,
      %add3A_373 = arith.constant 64 : i32
      %add3A_374 = vector.broadcast %add3A_373 : i32 to vector<16xi32>
      %add3A_375 = arith.addi %iota3A, %add3A_374 : vector<16xi32>
      tpu.vector_store_idx %arg8[%add3A_375, %broadcast_in_dim3A_50], %gather3A_372 : memref<160x129xf32, #tpu.memory_space<vmem>>[vector<16xi32>, vector<16xi32>], vector<16xf32>,
      %get3A_376 = arith.constant 400 : index
      %get3A_377 = tpu.vector_load %arg9[%get3A_376] {strides = array<i32>} : memref<3200xi32, #tpu.memory_space<vmem>>, vector<16xi32>,
      %gather3A_378 = tpu.vector_load_idx %arg10[%get3A_377] : memref<1024xf32, #tpu.memory_space<vmem>>[vector<16xi32>], vector<16xf32>,
      %add3A_379 = arith.constant 80 : i32
      %add3A_380 = vector.broadcast %add3A_379 : i32 to vector<16xi32>
      %add3A_381 = arith.addi %iota3A, %add3A_380 : vector<16xi32>
      tpu.vector_store_idx %arg8[%add3A_381, %broadcast_in_dim3A_50], %gather3A_378 : memref<160x129xf32, #tpu.memory_space<vmem>>[vector<16xi32>, vector<16xi32>], vector<16xf32>,
      %get3A_382 = arith.constant 416 : index
      %get3A_383 = tpu.vector_load %arg9[%get3A_382] {strides = array<i32>} : memref<3200xi32, #tpu.memory_space<vmem>>, vector<16xi32>,
      %gather3A_384 = tpu.vector_load_idx %arg10[%get3A_383] : memref<1024xf32, #tpu.memory_space<vmem>>[vector<16xi32>], vector<16xf32>,
      %add3A_385 = arith.constant 96 : i32
      %add3A_386 = vector.broadcast %add3A_385 : i32 to vector<16xi32>
      %add3A_387 = arith.addi %iota3A, %add3A_386 : vector<16xi32>
      tpu.vector_store_idx %arg8[%add3A_387, %broadcast_in_dim3A_50], %gather3A_384 : memref<160x129xf32, #tpu.memory_space<vmem>>[vector<16xi32>, vector<16xi32>], vector<16xf32>,
      %get3A_388 = arith.constant 432 : index
      %get3A_389 = tpu.vector_load %arg9[%get3A_388] {strides = array<i32>} : memref<3200xi32, #tpu.memory_space<vmem>>, vector<16xi32>,
      %gather3A_390 = tpu.vector_load_idx %arg10[%get3A_389] : memref<1024xf32, #tpu.memory_space<vmem>>[vector<16xi32>], vector<16xf32>,
      %add3A_391 = arith.constant 112 : i32
      %add3A_392 = vector.broadcast %add3A_391 : i32 to vector<16xi32>
      %add3A_393 = arith.addi %iota3A, %add3A_392 : vector<16xi32>
      tpu.vector_store_idx %arg8[%add3A_393, %broadcast_in_dim3A_50], %gather3A_390 : memref<160x129xf32, #tpu.memory_space<vmem>>[vector<16xi32>, vector<16xi32>], vector<16xf32>,
      %get3A_394 = arith.constant 448 : index
      %get3A_395 = tpu.vector_load %arg9[%get3A_394] {strides = array<i32>} : memref<3200xi32, #tpu.memory_space<vmem>>, vector<16xi32>,
      %gather3A_396 = tpu.vector_load_idx %arg10[%get3A_395] : memref<1024xf32, #tpu.memory_space<vmem>>[vector<16xi32>], vector<16xf32>,
      %add3A_397 = arith.constant 128 : i32
      %add3A_398 = vector.broadcast %add3A_397 : i32 to vector<16xi32>
      %add3A_399 = arith.addi %iota3A, %add3A_398 : vector<16xi32>
      tpu.vector_store_idx %arg8[%add3A_399, %broadcast_in_dim3A_50], %gather3A_396 : memref<160x129xf32, #tpu.memory_space<vmem>>[vector<16xi32>, vector<16xi32>], vector<16xf32>,
      %get3A_400 = arith.constant 464 : index
      %get3A_401 = tpu.vector_load %arg9[%get3A_400] {strides = array<i32>} : memref<3200xi32, #tpu.memory_space<vmem>>, vector<16xi32>,
      %gather3A_402 = tpu.vector_load_idx %arg10[%get3A_401] : memref<1024xf32, #tpu.memory_space<vmem>>[vector<16xi32>], vector<16xf32>,
      %add3A_403 = arith.constant 144 : i32
      %add3A_404 = vector.broadcast %add3A_403 : i32 to vector<16xi32>
      %add3A_405 = arith.addi %iota3A, %add3A_404 : vector<16xi32>
      tpu.vector_store_idx %arg8[%add3A_405, %broadcast_in_dim3A_50], %gather3A_402 : memref<160x129xf32, #tpu.memory_space<vmem>>[vector<16xi32>, vector<16xi32>], vector<16xf32>,
      %add3A_406 = arith.constant 2 : i32
      %add3A_407 = arith.addi %select_n3A, %add3A_406 : i32
      %mul3A_408 = arith.constant 160 : i32
      %mul3A_409 = arith.muli %add3A_407, %mul3A_408 : i32
      %dma_wait3A = arith.constant 0 : i32
      %dma_wait3A_410 = arith.constant 0 : i32
      %dma_wait3A_411 = tpu.memref_slice %arg8[%dma_wait3A, %dma_wait3A_410] : memref<160x129xf32, #tpu.memory_space<vmem>> -> memref<160x128xf32, #tpu.memory_space<vmem>>
      %dma_wait3A_412 = arith.constant 0 : i32
      %dma_wait3A_413 = tpu.memref_slice %arg2[%mul3A_409, %dma_wait3A_412] : memref<100000x128xf32, #tpu.memory_space<hbm>> -> memref<160x128xf32, #tpu.memory_space<hbm>>
      %dma_wait3A_414 = arith.constant 0 : i32
      %dma_wait3A_415 = arith.constant 0 : i32
      %dma_wait3A_416 = tpu.memref_slice %arg8[%dma_wait3A_414, %dma_wait3A_415] : memref<160x129xf32, #tpu.memory_space<vmem>> -> memref<160x128xf32, #tpu.memory_space<vmem>>
      %dma_wait3A_417 = arith.constant 0 : i32
      %dma_wait3A_418 = tpu.memref_slice %arg2[%mul3A_409, %dma_wait3A_417] : memref<100000x128xf32, #tpu.memory_space<hbm>> -> memref<160x128xf32, #tpu.memory_space<hbm>>
      tpu.wait_dma2 semaphore(%arg13 : memref<!tpu.dma_semaphore, #tpu.memory_space<semaphore_mem>>) src(%dma_wait3A_418 : memref<160x128xf32, #tpu.memory_space<hbm>>) dst(%dma_wait3A_416 : memref<160x128xf32, #tpu.memory_space<vmem>>)
      %add3A_419 = arith.constant 2 : i32
      %add3A_420 = arith.addi %select_n3A, %add3A_419 : i32
      %mul3A_421 = arith.constant 160 : i32
      %mul3A_422 = arith.muli %add3A_420, %mul3A_421 : i32
      %dma_start3A = arith.constant 0 : i32
      %dma_start3A_423 = tpu.memref_slice %arg5[%mul3A_422, %dma_start3A] : memref<100000x129xf32, #tpu.memory_space<hbm>> -> memref<160x129xf32, #tpu.memory_space<hbm>>
      %dma_start3A_424 = arith.constant 0 : i32
      %dma_start3A_425 = tpu.memref_slice %arg5[%mul3A_422, %dma_start3A_424] : memref<100000x129xf32, #tpu.memory_space<hbm>> -> memref<160x129xf32, #tpu.memory_space<hbm>>
      tpu.enqueue_dma source(%arg8 : memref<160x129xf32, #tpu.memory_space<vmem>>) target(%dma_start3A_425 : memref<160x129xf32, #tpu.memory_space<hbm>>) target_semaphore(%arg16 : memref<!tpu.dma_semaphore, #tpu.memory_space<semaphore_mem>>)
    } else {
    }
    %gt3A_98 = arith.constant 2 : i32
    %gt3A_99 = arith.cmpi sgt, %sub3A_47, %gt3A_98 : i32
    %convert_element_type3A_100 = arith.extui %gt3A_99 : i1 to i32
    %cond3A_101 = arith.constant 0 : i32
    %cond3A_102 = arith.cmpi ne, %convert_element_type3A_100, %cond3A_101 : i32
    scf.if %cond3A_102 {
      %add3A_348 = arith.constant 2 : i32
      %add3A_349 = arith.addi %select_n3A, %add3A_348 : i32
      %mul3A_350 = arith.constant 160 : i32
      %mul3A_351 = arith.muli %add3A_349, %mul3A_350 : i32
      %dma_wait3A = arith.constant 0 : i32
      %dma_wait3A_352 = tpu.memref_slice %arg5[%mul3A_351, %dma_wait3A] : memref<100000x129xf32, #tpu.memory_space<hbm>> -> memref<160x129xf32, #tpu.memory_space<hbm>>
      %dma_wait3A_353 = arith.constant 0 : i32
      %dma_wait3A_354 = tpu.memref_slice %arg5[%mul3A_351, %dma_wait3A_353] : memref<100000x129xf32, #tpu.memory_space<hbm>> -> memref<160x129xf32, #tpu.memory_space<hbm>>
      tpu.wait_dma2 semaphore(%arg16 : memref<!tpu.dma_semaphore, #tpu.memory_space<semaphore_mem>>) src(%arg8 : memref<160x129xf32, #tpu.memory_space<vmem>>) dst(%dma_wait3A_354 : memref<160x129xf32, #tpu.memory_space<hbm>>)
    } else {
    }
    %gt3A_103 = arith.constant 5 : i32
    %gt3A_104 = arith.cmpi sgt, %sub3A_47, %gt3A_103 : i32
    %convert_element_type3A_105 = arith.extui %gt3A_104 : i1 to i32
    %cond3A_106 = arith.constant 0 : i32
    %cond3A_107 = arith.cmpi ne, %convert_element_type3A_105, %cond3A_106 : i32
    scf.if %cond3A_107 {
      %add3A_348 = arith.constant 5 : i32
      %add3A_349 = arith.addi %select_n3A, %add3A_348 : i32
      %mul3A_350 = arith.constant 160 : i32
      %mul3A_351 = arith.muli %add3A_349, %mul3A_350 : i32
      %dma_start3A = arith.constant 0 : i32
      %dma_start3A_352 = arith.constant 0 : i32
      %dma_start3A_353 = tpu.memref_slice %arg8[%dma_start3A, %dma_start3A_352] : memref<160x129xf32, #tpu.memory_space<vmem>> -> memref<160x128xf32, #tpu.memory_space<vmem>>
      %dma_start3A_354 = arith.constant 0 : i32
      %dma_start3A_355 = tpu.memref_slice %arg2[%mul3A_351, %dma_start3A_354] : memref<100000x128xf32, #tpu.memory_space<hbm>> -> memref<160x128xf32, #tpu.memory_space<hbm>>
      %dma_start3A_356 = arith.constant 0 : i32
      %dma_start3A_357 = arith.constant 0 : i32
      %dma_start3A_358 = tpu.memref_slice %arg8[%dma_start3A_356, %dma_start3A_357] : memref<160x129xf32, #tpu.memory_space<vmem>> -> memref<160x128xf32, #tpu.memory_space<vmem>>
      %dma_start3A_359 = arith.constant 0 : i32
      %dma_start3A_360 = tpu.memref_slice %arg2[%mul3A_351, %dma_start3A_359] : memref<100000x128xf32, #tpu.memory_space<hbm>> -> memref<160x128xf32, #tpu.memory_space<hbm>>
      tpu.enqueue_dma source(%dma_start3A_360 : memref<160x128xf32, #tpu.memory_space<hbm>>) target(%dma_start3A_358 : memref<160x128xf32, #tpu.memory_space<vmem>>) target_semaphore(%arg13 : memref<!tpu.dma_semaphore, #tpu.memory_space<semaphore_mem>>)
    } else {
    }
    %gt3A_108 = arith.constant 3 : i32
    %gt3A_109 = arith.cmpi sgt, %sub3A_47, %gt3A_108 : i32
    %convert_element_type3A_110 = arith.extui %gt3A_109 : i1 to i32
    %cond3A_111 = arith.constant 0 : i32
    %cond3A_112 = arith.cmpi ne, %convert_element_type3A_110, %cond3A_111 : i32
    scf.if %cond3A_112 {
      %get3A = arith.constant 480 : index
      %get3A_348 = tpu.vector_load %arg9[%get3A] {strides = array<i32>} : memref<3200xi32, #tpu.memory_space<vmem>>, vector<16xi32>,
      %gather3A = tpu.vector_load_idx %arg10[%get3A_348] : memref<1024xf32, #tpu.memory_space<vmem>>[vector<16xi32>], vector<16xf32>,
      %add3A_349 = arith.constant 0 : i32
      %add3A_350 = vector.broadcast %add3A_349 : i32 to vector<16xi32>
      %add3A_351 = arith.addi %iota3A, %add3A_350 : vector<16xi32>
      tpu.vector_store_idx %arg6[%add3A_351, %broadcast_in_dim3A_50], %gather3A : memref<160x129xf32, #tpu.memory_space<vmem>>[vector<16xi32>, vector<16xi32>], vector<16xf32>,
      %get3A_352 = arith.constant 496 : index
      %get3A_353 = tpu.vector_load %arg9[%get3A_352] {strides = array<i32>} : memref<3200xi32, #tpu.memory_space<vmem>>, vector<16xi32>,
      %gather3A_354 = tpu.vector_load_idx %arg10[%get3A_353] : memref<1024xf32, #tpu.memory_space<vmem>>[vector<16xi32>], vector<16xf32>,
      %add3A_355 = arith.constant 16 : i32
      %add3A_356 = vector.broadcast %add3A_355 : i32 to vector<16xi32>
      %add3A_357 = arith.addi %iota3A, %add3A_356 : vector<16xi32>
      tpu.vector_store_idx %arg6[%add3A_357, %broadcast_in_dim3A_50], %gather3A_354 : memref<160x129xf32, #tpu.memory_space<vmem>>[vector<16xi32>, vector<16xi32>], vector<16xf32>,
      %get3A_358 = arith.constant 512 : index
      %get3A_359 = tpu.vector_load %arg9[%get3A_358] {strides = array<i32>} : memref<3200xi32, #tpu.memory_space<vmem>>, vector<16xi32>,
      %gather3A_360 = tpu.vector_load_idx %arg10[%get3A_359] : memref<1024xf32, #tpu.memory_space<vmem>>[vector<16xi32>], vector<16xf32>,
      %add3A_361 = arith.constant 32 : i32
      %add3A_362 = vector.broadcast %add3A_361 : i32 to vector<16xi32>
      %add3A_363 = arith.addi %iota3A, %add3A_362 : vector<16xi32>
      tpu.vector_store_idx %arg6[%add3A_363, %broadcast_in_dim3A_50], %gather3A_360 : memref<160x129xf32, #tpu.memory_space<vmem>>[vector<16xi32>, vector<16xi32>], vector<16xf32>,
      %get3A_364 = arith.constant 528 : index
      %get3A_365 = tpu.vector_load %arg9[%get3A_364] {strides = array<i32>} : memref<3200xi32, #tpu.memory_space<vmem>>, vector<16xi32>,
      %gather3A_366 = tpu.vector_load_idx %arg10[%get3A_365] : memref<1024xf32, #tpu.memory_space<vmem>>[vector<16xi32>], vector<16xf32>,
      %add3A_367 = arith.constant 48 : i32
      %add3A_368 = vector.broadcast %add3A_367 : i32 to vector<16xi32>
      %add3A_369 = arith.addi %iota3A, %add3A_368 : vector<16xi32>
      tpu.vector_store_idx %arg6[%add3A_369, %broadcast_in_dim3A_50], %gather3A_366 : memref<160x129xf32, #tpu.memory_space<vmem>>[vector<16xi32>, vector<16xi32>], vector<16xf32>,
      %get3A_370 = arith.constant 544 : index
      %get3A_371 = tpu.vector_load %arg9[%get3A_370] {strides = array<i32>} : memref<3200xi32, #tpu.memory_space<vmem>>, vector<16xi32>,
      %gather3A_372 = tpu.vector_load_idx %arg10[%get3A_371] : memref<1024xf32, #tpu.memory_space<vmem>>[vector<16xi32>], vector<16xf32>,
      %add3A_373 = arith.constant 64 : i32
      %add3A_374 = vector.broadcast %add3A_373 : i32 to vector<16xi32>
      %add3A_375 = arith.addi %iota3A, %add3A_374 : vector<16xi32>
      tpu.vector_store_idx %arg6[%add3A_375, %broadcast_in_dim3A_50], %gather3A_372 : memref<160x129xf32, #tpu.memory_space<vmem>>[vector<16xi32>, vector<16xi32>], vector<16xf32>,
      %get3A_376 = arith.constant 560 : index
      %get3A_377 = tpu.vector_load %arg9[%get3A_376] {strides = array<i32>} : memref<3200xi32, #tpu.memory_space<vmem>>, vector<16xi32>,
      %gather3A_378 = tpu.vector_load_idx %arg10[%get3A_377] : memref<1024xf32, #tpu.memory_space<vmem>>[vector<16xi32>], vector<16xf32>,
      %add3A_379 = arith.constant 80 : i32
      %add3A_380 = vector.broadcast %add3A_379 : i32 to vector<16xi32>
      %add3A_381 = arith.addi %iota3A, %add3A_380 : vector<16xi32>
      tpu.vector_store_idx %arg6[%add3A_381, %broadcast_in_dim3A_50], %gather3A_378 : memref<160x129xf32, #tpu.memory_space<vmem>>[vector<16xi32>, vector<16xi32>], vector<16xf32>,
      %get3A_382 = arith.constant 576 : index
      %get3A_383 = tpu.vector_load %arg9[%get3A_382] {strides = array<i32>} : memref<3200xi32, #tpu.memory_space<vmem>>, vector<16xi32>,
      %gather3A_384 = tpu.vector_load_idx %arg10[%get3A_383] : memref<1024xf32, #tpu.memory_space<vmem>>[vector<16xi32>], vector<16xf32>,
      %add3A_385 = arith.constant 96 : i32
      %add3A_386 = vector.broadcast %add3A_385 : i32 to vector<16xi32>
      %add3A_387 = arith.addi %iota3A, %add3A_386 : vector<16xi32>
      tpu.vector_store_idx %arg6[%add3A_387, %broadcast_in_dim3A_50], %gather3A_384 : memref<160x129xf32, #tpu.memory_space<vmem>>[vector<16xi32>, vector<16xi32>], vector<16xf32>,
      %get3A_388 = arith.constant 592 : index
      %get3A_389 = tpu.vector_load %arg9[%get3A_388] {strides = array<i32>} : memref<3200xi32, #tpu.memory_space<vmem>>, vector<16xi32>,
      %gather3A_390 = tpu.vector_load_idx %arg10[%get3A_389] : memref<1024xf32, #tpu.memory_space<vmem>>[vector<16xi32>], vector<16xf32>,
      %add3A_391 = arith.constant 112 : i32
      %add3A_392 = vector.broadcast %add3A_391 : i32 to vector<16xi32>
      %add3A_393 = arith.addi %iota3A, %add3A_392 : vector<16xi32>
      tpu.vector_store_idx %arg6[%add3A_393, %broadcast_in_dim3A_50], %gather3A_390 : memref<160x129xf32, #tpu.memory_space<vmem>>[vector<16xi32>, vector<16xi32>], vector<16xf32>,
      %get3A_394 = arith.constant 608 : index
      %get3A_395 = tpu.vector_load %arg9[%get3A_394] {strides = array<i32>} : memref<3200xi32, #tpu.memory_space<vmem>>, vector<16xi32>,
      %gather3A_396 = tpu.vector_load_idx %arg10[%get3A_395] : memref<1024xf32, #tpu.memory_space<vmem>>[vector<16xi32>], vector<16xf32>,
      %add3A_397 = arith.constant 128 : i32
      %add3A_398 = vector.broadcast %add3A_397 : i32 to vector<16xi32>
      %add3A_399 = arith.addi %iota3A, %add3A_398 : vector<16xi32>
      tpu.vector_store_idx %arg6[%add3A_399, %broadcast_in_dim3A_50], %gather3A_396 : memref<160x129xf32, #tpu.memory_space<vmem>>[vector<16xi32>, vector<16xi32>], vector<16xf32>,
      %get3A_400 = arith.constant 624 : index
      %get3A_401 = tpu.vector_load %arg9[%get3A_400] {strides = array<i32>} : memref<3200xi32, #tpu.memory_space<vmem>>, vector<16xi32>,
      %gather3A_402 = tpu.vector_load_idx %arg10[%get3A_401] : memref<1024xf32, #tpu.memory_space<vmem>>[vector<16xi32>], vector<16xf32>,
      %add3A_403 = arith.constant 144 : i32
      %add3A_404 = vector.broadcast %add3A_403 : i32 to vector<16xi32>
      %add3A_405 = arith.addi %iota3A, %add3A_404 : vector<16xi32>
      tpu.vector_store_idx %arg6[%add3A_405, %broadcast_in_dim3A_50], %gather3A_402 : memref<160x129xf32, #tpu.memory_space<vmem>>[vector<16xi32>, vector<16xi32>], vector<16xf32>,
      %add3A_406 = arith.constant 3 : i32
      %add3A_407 = arith.addi %select_n3A, %add3A_406 : i32
      %mul3A_408 = arith.constant 160 : i32
      %mul3A_409 = arith.muli %add3A_407, %mul3A_408 : i32
      %dma_wait3A = arith.constant 0 : i32
      %dma_wait3A_410 = arith.constant 0 : i32
      %dma_wait3A_411 = tpu.memref_slice %arg6[%dma_wait3A, %dma_wait3A_410] : memref<160x129xf32, #tpu.memory_space<vmem>> -> memref<160x128xf32, #tpu.memory_space<vmem>>
      %dma_wait3A_412 = arith.constant 0 : i32
      %dma_wait3A_413 = tpu.memref_slice %arg2[%mul3A_409, %dma_wait3A_412] : memref<100000x128xf32, #tpu.memory_space<hbm>> -> memref<160x128xf32, #tpu.memory_space<hbm>>
      %dma_wait3A_414 = arith.constant 0 : i32
      %dma_wait3A_415 = arith.constant 0 : i32
      %dma_wait3A_416 = tpu.memref_slice %arg6[%dma_wait3A_414, %dma_wait3A_415] : memref<160x129xf32, #tpu.memory_space<vmem>> -> memref<160x128xf32, #tpu.memory_space<vmem>>
      %dma_wait3A_417 = arith.constant 0 : i32
      %dma_wait3A_418 = tpu.memref_slice %arg2[%mul3A_409, %dma_wait3A_417] : memref<100000x128xf32, #tpu.memory_space<hbm>> -> memref<160x128xf32, #tpu.memory_space<hbm>>
      tpu.wait_dma2 semaphore(%arg11 : memref<!tpu.dma_semaphore, #tpu.memory_space<semaphore_mem>>) src(%dma_wait3A_418 : memref<160x128xf32, #tpu.memory_space<hbm>>) dst(%dma_wait3A_416 : memref<160x128xf32, #tpu.memory_space<vmem>>)
      %add3A_419 = arith.constant 3 : i32
      %add3A_420 = arith.addi %select_n3A, %add3A_419 : i32
      %mul3A_421 = arith.constant 160 : i32
      %mul3A_422 = arith.muli %add3A_420, %mul3A_421 : i32
      %dma_start3A = arith.constant 0 : i32
      %dma_start3A_423 = tpu.memref_slice %arg5[%mul3A_422, %dma_start3A] : memref<100000x129xf32, #tpu.memory_space<hbm>> -> memref<160x129xf32, #tpu.memory_space<hbm>>
      %dma_start3A_424 = arith.constant 0 : i32
      %dma_start3A_425 = tpu.memref_slice %arg5[%mul3A_422, %dma_start3A_424] : memref<100000x129xf32, #tpu.memory_space<hbm>> -> memref<160x129xf32, #tpu.memory_space<hbm>>
      tpu.enqueue_dma source(%arg6 : memref<160x129xf32, #tpu.memory_space<vmem>>) target(%dma_start3A_425 : memref<160x129xf32, #tpu.memory_space<hbm>>) target_semaphore(%arg14 : memref<!tpu.dma_semaphore, #tpu.memory_space<semaphore_mem>>)
    } else {
    }
    %gt3A_113 = arith.constant 3 : i32
    %gt3A_114 = arith.cmpi sgt, %sub3A_47, %gt3A_113 : i32
    %convert_element_type3A_115 = arith.extui %gt3A_114 : i1 to i32
    %cond3A_116 = arith.constant 0 : i32
    %cond3A_117 = arith.cmpi ne, %convert_element_type3A_115, %cond3A_116 : i32
    scf.if %cond3A_117 {
      %add3A_348 = arith.constant 3 : i32
      %add3A_349 = arith.addi %select_n3A, %add3A_348 : i32
      %mul3A_350 = arith.constant 160 : i32
      %mul3A_351 = arith.muli %add3A_349, %mul3A_350 : i32
      %dma_wait3A = arith.constant 0 : i32
      %dma_wait3A_352 = tpu.memref_slice %arg5[%mul3A_351, %dma_wait3A] : memref<100000x129xf32, #tpu.memory_space<hbm>> -> memref<160x129xf32, #tpu.memory_space<hbm>>
      %dma_wait3A_353 = arith.constant 0 : i32
      %dma_wait3A_354 = tpu.memref_slice %arg5[%mul3A_351, %dma_wait3A_353] : memref<100000x129xf32, #tpu.memory_space<hbm>> -> memref<160x129xf32, #tpu.memory_space<hbm>>
      tpu.wait_dma2 semaphore(%arg14 : memref<!tpu.dma_semaphore, #tpu.memory_space<semaphore_mem>>) src(%arg6 : memref<160x129xf32, #tpu.memory_space<vmem>>) dst(%dma_wait3A_354 : memref<160x129xf32, #tpu.memory_space<hbm>>)
    } else {
    }
    %gt3A_118 = arith.constant 6 : i32
    %gt3A_119 = arith.cmpi sgt, %sub3A_47, %gt3A_118 : i32
    %convert_element_type3A_120 = arith.extui %gt3A_119 : i1 to i32
    %cond3A_121 = arith.constant 0 : i32
    %cond3A_122 = arith.cmpi ne, %convert_element_type3A_120, %cond3A_121 : i32
    scf.if %cond3A_122 {
      %add3A_348 = arith.constant 6 : i32
      %add3A_349 = arith.addi %select_n3A, %add3A_348 : i32
      %mul3A_350 = arith.constant 160 : i32
      %mul3A_351 = arith.muli %add3A_349, %mul3A_350 : i32
      %dma_start3A = arith.constant 0 : i32
      %dma_start3A_352 = arith.constant 0 : i32
      %dma_start3A_353 = tpu.memref_slice %arg6[%dma_start3A, %dma_start3A_352] : memref<160x129xf32, #tpu.memory_space<vmem>> -> memref<160x128xf32, #tpu.memory_space<vmem>>
      %dma_start3A_354 = arith.constant 0 : i32
      %dma_start3A_355 = tpu.memref_slice %arg2[%mul3A_351, %dma_start3A_354] : memref<100000x128xf32, #tpu.memory_space<hbm>> -> memref<160x128xf32, #tpu.memory_space<hbm>>
      %dma_start3A_356 = arith.constant 0 : i32
      %dma_start3A_357 = arith.constant 0 : i32
      %dma_start3A_358 = tpu.memref_slice %arg6[%dma_start3A_356, %dma_start3A_357] : memref<160x129xf32, #tpu.memory_space<vmem>> -> memref<160x128xf32, #tpu.memory_space<vmem>>
      %dma_start3A_359 = arith.constant 0 : i32
      %dma_start3A_360 = tpu.memref_slice %arg2[%mul3A_351, %dma_start3A_359] : memref<100000x128xf32, #tpu.memory_space<hbm>> -> memref<160x128xf32, #tpu.memory_space<hbm>>
      tpu.enqueue_dma source(%dma_start3A_360 : memref<160x128xf32, #tpu.memory_space<hbm>>) target(%dma_start3A_358 : memref<160x128xf32, #tpu.memory_space<vmem>>) target_semaphore(%arg11 : memref<!tpu.dma_semaphore, #tpu.memory_space<semaphore_mem>>)
    } else {
    }
    %gt3A_123 = arith.constant 4 : i32
    %gt3A_124 = arith.cmpi sgt, %sub3A_47, %gt3A_123 : i32
    %convert_element_type3A_125 = arith.extui %gt3A_124 : i1 to i32
    %cond3A_126 = arith.constant 0 : i32
    %cond3A_127 = arith.cmpi ne, %convert_element_type3A_125, %cond3A_126 : i32
    scf.if %cond3A_127 {
      %get3A = arith.constant 640 : index
      %get3A_348 = tpu.vector_load %arg9[%get3A] {strides = array<i32>} : memref<3200xi32, #tpu.memory_space<vmem>>, vector<16xi32>,
      %gather3A = tpu.vector_load_idx %arg10[%get3A_348] : memref<1024xf32, #tpu.memory_space<vmem>>[vector<16xi32>], vector<16xf32>,
      %add3A_349 = arith.constant 0 : i32
      %add3A_350 = vector.broadcast %add3A_349 : i32 to vector<16xi32>
      %add3A_351 = arith.addi %iota3A, %add3A_350 : vector<16xi32>
      tpu.vector_store_idx %arg7[%add3A_351, %broadcast_in_dim3A_50], %gather3A : memref<160x129xf32, #tpu.memory_space<vmem>>[vector<16xi32>, vector<16xi32>], vector<16xf32>,
      %get3A_352 = arith.constant 656 : index
      %get3A_353 = tpu.vector_load %arg9[%get3A_352] {strides = array<i32>} : memref<3200xi32, #tpu.memory_space<vmem>>, vector<16xi32>,
      %gather3A_354 = tpu.vector_load_idx %arg10[%get3A_353] : memref<1024xf32, #tpu.memory_space<vmem>>[vector<16xi32>], vector<16xf32>,
      %add3A_355 = arith.constant 16 : i32
      %add3A_356 = vector.broadcast %add3A_355 : i32 to vector<16xi32>
      %add3A_357 = arith.addi %iota3A, %add3A_356 : vector<16xi32>
      tpu.vector_store_idx %arg7[%add3A_357, %broadcast_in_dim3A_50], %gather3A_354 : memref<160x129xf32, #tpu.memory_space<vmem>>[vector<16xi32>, vector<16xi32>], vector<16xf32>,
      %get3A_358 = arith.constant 672 : index
      %get3A_359 = tpu.vector_load %arg9[%get3A_358] {strides = array<i32>} : memref<3200xi32, #tpu.memory_space<vmem>>, vector<16xi32>,
      %gather3A_360 = tpu.vector_load_idx %arg10[%get3A_359] : memref<1024xf32, #tpu.memory_space<vmem>>[vector<16xi32>], vector<16xf32>,
      %add3A_361 = arith.constant 32 : i32
      %add3A_362 = vector.broadcast %add3A_361 : i32 to vector<16xi32>
      %add3A_363 = arith.addi %iota3A, %add3A_362 : vector<16xi32>
      tpu.vector_store_idx %arg7[%add3A_363, %broadcast_in_dim3A_50], %gather3A_360 : memref<160x129xf32, #tpu.memory_space<vmem>>[vector<16xi32>, vector<16xi32>], vector<16xf32>,
      %get3A_364 = arith.constant 688 : index
      %get3A_365 = tpu.vector_load %arg9[%get3A_364] {strides = array<i32>} : memref<3200xi32, #tpu.memory_space<vmem>>, vector<16xi32>,
      %gather3A_366 = tpu.vector_load_idx %arg10[%get3A_365] : memref<1024xf32, #tpu.memory_space<vmem>>[vector<16xi32>], vector<16xf32>,
      %add3A_367 = arith.constant 48 : i32
      %add3A_368 = vector.broadcast %add3A_367 : i32 to vector<16xi32>
      %add3A_369 = arith.addi %iota3A, %add3A_368 : vector<16xi32>
      tpu.vector_store_idx %arg7[%add3A_369, %broadcast_in_dim3A_50], %gather3A_366 : memref<160x129xf32, #tpu.memory_space<vmem>>[vector<16xi32>, vector<16xi32>], vector<16xf32>,
      %get3A_370 = arith.constant 704 : index
      %get3A_371 = tpu.vector_load %arg9[%get3A_370] {strides = array<i32>} : memref<3200xi32, #tpu.memory_space<vmem>>, vector<16xi32>,
      %gather3A_372 = tpu.vector_load_idx %arg10[%get3A_371] : memref<1024xf32, #tpu.memory_space<vmem>>[vector<16xi32>], vector<16xf32>,
      %add3A_373 = arith.constant 64 : i32
      %add3A_374 = vector.broadcast %add3A_373 : i32 to vector<16xi32>
      %add3A_375 = arith.addi %iota3A, %add3A_374 : vector<16xi32>
      tpu.vector_store_idx %arg7[%add3A_375, %broadcast_in_dim3A_50], %gather3A_372 : memref<160x129xf32, #tpu.memory_space<vmem>>[vector<16xi32>, vector<16xi32>], vector<16xf32>,
      %get3A_376 = arith.constant 720 : index
      %get3A_377 = tpu.vector_load %arg9[%get3A_376] {strides = array<i32>} : memref<3200xi32, #tpu.memory_space<vmem>>, vector<16xi32>,
      %gather3A_378 = tpu.vector_load_idx %arg10[%get3A_377] : memref<1024xf32, #tpu.memory_space<vmem>>[vector<16xi32>], vector<16xf32>,
      %add3A_379 = arith.constant 80 : i32
      %add3A_380 = vector.broadcast %add3A_379 : i32 to vector<16xi32>
      %add3A_381 = arith.addi %iota3A, %add3A_380 : vector<16xi32>
      tpu.vector_store_idx %arg7[%add3A_381, %broadcast_in_dim3A_50], %gather3A_378 : memref<160x129xf32, #tpu.memory_space<vmem>>[vector<16xi32>, vector<16xi32>], vector<16xf32>,
      %get3A_382 = arith.constant 736 : index
      %get3A_383 = tpu.vector_load %arg9[%get3A_382] {strides = array<i32>} : memref<3200xi32, #tpu.memory_space<vmem>>, vector<16xi32>,
      %gather3A_384 = tpu.vector_load_idx %arg10[%get3A_383] : memref<1024xf32, #tpu.memory_space<vmem>>[vector<16xi32>], vector<16xf32>,
      %add3A_385 = arith.constant 96 : i32
      %add3A_386 = vector.broadcast %add3A_385 : i32 to vector<16xi32>
      %add3A_387 = arith.addi %iota3A, %add3A_386 : vector<16xi32>
      tpu.vector_store_idx %arg7[%add3A_387, %broadcast_in_dim3A_50], %gather3A_384 : memref<160x129xf32, #tpu.memory_space<vmem>>[vector<16xi32>, vector<16xi32>], vector<16xf32>,
      %get3A_388 = arith.constant 752 : index
      %get3A_389 = tpu.vector_load %arg9[%get3A_388] {strides = array<i32>} : memref<3200xi32, #tpu.memory_space<vmem>>, vector<16xi32>,
      %gather3A_390 = tpu.vector_load_idx %arg10[%get3A_389] : memref<1024xf32, #tpu.memory_space<vmem>>[vector<16xi32>], vector<16xf32>,
      %add3A_391 = arith.constant 112 : i32
      %add3A_392 = vector.broadcast %add3A_391 : i32 to vector<16xi32>
      %add3A_393 = arith.addi %iota3A, %add3A_392 : vector<16xi32>
      tpu.vector_store_idx %arg7[%add3A_393, %broadcast_in_dim3A_50], %gather3A_390 : memref<160x129xf32, #tpu.memory_space<vmem>>[vector<16xi32>, vector<16xi32>], vector<16xf32>,
      %get3A_394 = arith.constant 768 : index
      %get3A_395 = tpu.vector_load %arg9[%get3A_394] {strides = array<i32>} : memref<3200xi32, #tpu.memory_space<vmem>>, vector<16xi32>,
      %gather3A_396 = tpu.vector_load_idx %arg10[%get3A_395] : memref<1024xf32, #tpu.memory_space<vmem>>[vector<16xi32>], vector<16xf32>,
      %add3A_397 = arith.constant 128 : i32
      %add3A_398 = vector.broadcast %add3A_397 : i32 to vector<16xi32>
      %add3A_399 = arith.addi %iota3A, %add3A_398 : vector<16xi32>
      tpu.vector_store_idx %arg7[%add3A_399, %broadcast_in_dim3A_50], %gather3A_396 : memref<160x129xf32, #tpu.memory_space<vmem>>[vector<16xi32>, vector<16xi32>], vector<16xf32>,
      %get3A_400 = arith.constant 784 : index
      %get3A_401 = tpu.vector_load %arg9[%get3A_400] {strides = array<i32>} : memref<3200xi32, #tpu.memory_space<vmem>>, vector<16xi32>,
      %gather3A_402 = tpu.vector_load_idx %arg10[%get3A_401] : memref<1024xf32, #tpu.memory_space<vmem>>[vector<16xi32>], vector<16xf32>,
      %add3A_403 = arith.constant 144 : i32
      %add3A_404 = vector.broadcast %add3A_403 : i32 to vector<16xi32>
      %add3A_405 = arith.addi %iota3A, %add3A_404 : vector<16xi32>
      tpu.vector_store_idx %arg7[%add3A_405, %broadcast_in_dim3A_50], %gather3A_402 : memref<160x129xf32, #tpu.memory_space<vmem>>[vector<16xi32>, vector<16xi32>], vector<16xf32>,
      %add3A_406 = arith.constant 4 : i32
      %add3A_407 = arith.addi %select_n3A, %add3A_406 : i32
      %mul3A_408 = arith.constant 160 : i32
      %mul3A_409 = arith.muli %add3A_407, %mul3A_408 : i32
      %dma_wait3A = arith.constant 0 : i32
      %dma_wait3A_410 = arith.constant 0 : i32
      %dma_wait3A_411 = tpu.memref_slice %arg7[%dma_wait3A, %dma_wait3A_410] : memref<160x129xf32, #tpu.memory_space<vmem>> -> memref<160x128xf32, #tpu.memory_space<vmem>>
      %dma_wait3A_412 = arith.constant 0 : i32
      %dma_wait3A_413 = tpu.memref_slice %arg2[%mul3A_409, %dma_wait3A_412] : memref<100000x128xf32, #tpu.memory_space<hbm>> -> memref<160x128xf32, #tpu.memory_space<hbm>>
      %dma_wait3A_414 = arith.constant 0 : i32
      %dma_wait3A_415 = arith.constant 0 : i32
      %dma_wait3A_416 = tpu.memref_slice %arg7[%dma_wait3A_414, %dma_wait3A_415] : memref<160x129xf32, #tpu.memory_space<vmem>> -> memref<160x128xf32, #tpu.memory_space<vmem>>
      %dma_wait3A_417 = arith.constant 0 : i32
      %dma_wait3A_418 = tpu.memref_slice %arg2[%mul3A_409, %dma_wait3A_417] : memref<100000x128xf32, #tpu.memory_space<hbm>> -> memref<160x128xf32, #tpu.memory_space<hbm>>
      tpu.wait_dma2 semaphore(%arg12 : memref<!tpu.dma_semaphore, #tpu.memory_space<semaphore_mem>>) src(%dma_wait3A_418 : memref<160x128xf32, #tpu.memory_space<hbm>>) dst(%dma_wait3A_416 : memref<160x128xf32, #tpu.memory_space<vmem>>)
      %add3A_419 = arith.constant 4 : i32
      %add3A_420 = arith.addi %select_n3A, %add3A_419 : i32
      %mul3A_421 = arith.constant 160 : i32
      %mul3A_422 = arith.muli %add3A_420, %mul3A_421 : i32
      %dma_start3A = arith.constant 0 : i32
      %dma_start3A_423 = tpu.memref_slice %arg5[%mul3A_422, %dma_start3A] : memref<100000x129xf32, #tpu.memory_space<hbm>> -> memref<160x129xf32, #tpu.memory_space<hbm>>
      %dma_start3A_424 = arith.constant 0 : i32
      %dma_start3A_425 = tpu.memref_slice %arg5[%mul3A_422, %dma_start3A_424] : memref<100000x129xf32, #tpu.memory_space<hbm>> -> memref<160x129xf32, #tpu.memory_space<hbm>>
      tpu.enqueue_dma source(%arg7 : memref<160x129xf32, #tpu.memory_space<vmem>>) target(%dma_start3A_425 : memref<160x129xf32, #tpu.memory_space<hbm>>) target_semaphore(%arg15 : memref<!tpu.dma_semaphore, #tpu.memory_space<semaphore_mem>>)
    } else {
    }
    %gt3A_128 = arith.constant 4 : i32
    %gt3A_129 = arith.cmpi sgt, %sub3A_47, %gt3A_128 : i32
    %convert_element_type3A_130 = arith.extui %gt3A_129 : i1 to i32
    %cond3A_131 = arith.constant 0 : i32
    %cond3A_132 = arith.cmpi ne, %convert_element_type3A_130, %cond3A_131 : i32
    scf.if %cond3A_132 {
      %add3A_348 = arith.constant 4 : i32
      %add3A_349 = arith.addi %select_n3A, %add3A_348 : i32
      %mul3A_350 = arith.constant 160 : i32
      %mul3A_351 = arith.muli %add3A_349, %mul3A_350 : i32
      %dma_wait3A = arith.constant 0 : i32
      %dma_wait3A_352 = tpu.memref_slice %arg5[%mul3A_351, %dma_wait3A] : memref<100000x129xf32, #tpu.memory_space<hbm>> -> memref<160x129xf32, #tpu.memory_space<hbm>>
      %dma_wait3A_353 = arith.constant 0 : i32
      %dma_wait3A_354 = tpu.memref_slice %arg5[%mul3A_351, %dma_wait3A_353] : memref<100000x129xf32, #tpu.memory_space<hbm>> -> memref<160x129xf32, #tpu.memory_space<hbm>>
      tpu.wait_dma2 semaphore(%arg15 : memref<!tpu.dma_semaphore, #tpu.memory_space<semaphore_mem>>) src(%arg7 : memref<160x129xf32, #tpu.memory_space<vmem>>) dst(%dma_wait3A_354 : memref<160x129xf32, #tpu.memory_space<hbm>>)
    } else {
    }
    %gt3A_133 = arith.constant 7 : i32
    %gt3A_134 = arith.cmpi sgt, %sub3A_47, %gt3A_133 : i32
    %convert_element_type3A_135 = arith.extui %gt3A_134 : i1 to i32
    %cond3A_136 = arith.constant 0 : i32
    %cond3A_137 = arith.cmpi ne, %convert_element_type3A_135, %cond3A_136 : i32
    scf.if %cond3A_137 {
      %add3A_348 = arith.constant 7 : i32
      %add3A_349 = arith.addi %select_n3A, %add3A_348 : i32
      %mul3A_350 = arith.constant 160 : i32
      %mul3A_351 = arith.muli %add3A_349, %mul3A_350 : i32
      %dma_start3A = arith.constant 0 : i32
      %dma_start3A_352 = arith.constant 0 : i32
      %dma_start3A_353 = tpu.memref_slice %arg7[%dma_start3A, %dma_start3A_352] : memref<160x129xf32, #tpu.memory_space<vmem>> -> memref<160x128xf32, #tpu.memory_space<vmem>>
      %dma_start3A_354 = arith.constant 0 : i32
      %dma_start3A_355 = tpu.memref_slice %arg2[%mul3A_351, %dma_start3A_354] : memref<100000x128xf32, #tpu.memory_space<hbm>> -> memref<160x128xf32, #tpu.memory_space<hbm>>
      %dma_start3A_356 = arith.constant 0 : i32
      %dma_start3A_357 = arith.constant 0 : i32
      %dma_start3A_358 = tpu.memref_slice %arg7[%dma_start3A_356, %dma_start3A_357] : memref<160x129xf32, #tpu.memory_space<vmem>> -> memref<160x128xf32, #tpu.memory_space<vmem>>
      %dma_start3A_359 = arith.constant 0 : i32
      %dma_start3A_360 = tpu.memref_slice %arg2[%mul3A_351, %dma_start3A_359] : memref<100000x128xf32, #tpu.memory_space<hbm>> -> memref<160x128xf32, #tpu.memory_space<hbm>>
      tpu.enqueue_dma source(%dma_start3A_360 : memref<160x128xf32, #tpu.memory_space<hbm>>) target(%dma_start3A_358 : memref<160x128xf32, #tpu.memory_space<vmem>>) target_semaphore(%arg12 : memref<!tpu.dma_semaphore, #tpu.memory_space<semaphore_mem>>)
    } else {
    }
    %gt3A_138 = arith.constant 5 : i32
    %gt3A_139 = arith.cmpi sgt, %sub3A_47, %gt3A_138 : i32
    %convert_element_type3A_140 = arith.extui %gt3A_139 : i1 to i32
    %cond3A_141 = arith.constant 0 : i32
    %cond3A_142 = arith.cmpi ne, %convert_element_type3A_140, %cond3A_141 : i32
    scf.if %cond3A_142 {
      %get3A = arith.constant 800 : index
      %get3A_348 = tpu.vector_load %arg9[%get3A] {strides = array<i32>} : memref<3200xi32, #tpu.memory_space<vmem>>, vector<16xi32>,
      %gather3A = tpu.vector_load_idx %arg10[%get3A_348] : memref<1024xf32, #tpu.memory_space<vmem>>[vector<16xi32>], vector<16xf32>,
      %add3A_349 = arith.constant 0 : i32
      %add3A_350 = vector.broadcast %add3A_349 : i32 to vector<16xi32>
      %add3A_351 = arith.addi %iota3A, %add3A_350 : vector<16xi32>
      tpu.vector_store_idx %arg8[%add3A_351, %broadcast_in_dim3A_50], %gather3A : memref<160x129xf32, #tpu.memory_space<vmem>>[vector<16xi32>, vector<16xi32>], vector<16xf32>,
      %get3A_352 = arith.constant 816 : index
      %get3A_353 = tpu.vector_load %arg9[%get3A_352] {strides = array<i32>} : memref<3200xi32, #tpu.memory_space<vmem>>, vector<16xi32>,
      %gather3A_354 = tpu.vector_load_idx %arg10[%get3A_353] : memref<1024xf32, #tpu.memory_space<vmem>>[vector<16xi32>], vector<16xf32>,
      %add3A_355 = arith.constant 16 : i32
      %add3A_356 = vector.broadcast %add3A_355 : i32 to vector<16xi32>
      %add3A_357 = arith.addi %iota3A, %add3A_356 : vector<16xi32>
      tpu.vector_store_idx %arg8[%add3A_357, %broadcast_in_dim3A_50], %gather3A_354 : memref<160x129xf32, #tpu.memory_space<vmem>>[vector<16xi32>, vector<16xi32>], vector<16xf32>,
      %get3A_358 = arith.constant 832 : index
      %get3A_359 = tpu.vector_load %arg9[%get3A_358] {strides = array<i32>} : memref<3200xi32, #tpu.memory_space<vmem>>, vector<16xi32>,
      %gather3A_360 = tpu.vector_load_idx %arg10[%get3A_359] : memref<1024xf32, #tpu.memory_space<vmem>>[vector<16xi32>], vector<16xf32>,
      %add3A_361 = arith.constant 32 : i32
      %add3A_362 = vector.broadcast %add3A_361 : i32 to vector<16xi32>
      %add3A_363 = arith.addi %iota3A, %add3A_362 : vector<16xi32>
      tpu.vector_store_idx %arg8[%add3A_363, %broadcast_in_dim3A_50], %gather3A_360 : memref<160x129xf32, #tpu.memory_space<vmem>>[vector<16xi32>, vector<16xi32>], vector<16xf32>,
      %get3A_364 = arith.constant 848 : index
      %get3A_365 = tpu.vector_load %arg9[%get3A_364] {strides = array<i32>} : memref<3200xi32, #tpu.memory_space<vmem>>, vector<16xi32>,
      %gather3A_366 = tpu.vector_load_idx %arg10[%get3A_365] : memref<1024xf32, #tpu.memory_space<vmem>>[vector<16xi32>], vector<16xf32>,
      %add3A_367 = arith.constant 48 : i32
      %add3A_368 = vector.broadcast %add3A_367 : i32 to vector<16xi32>
      %add3A_369 = arith.addi %iota3A, %add3A_368 : vector<16xi32>
      tpu.vector_store_idx %arg8[%add3A_369, %broadcast_in_dim3A_50], %gather3A_366 : memref<160x129xf32, #tpu.memory_space<vmem>>[vector<16xi32>, vector<16xi32>], vector<16xf32>,
      %get3A_370 = arith.constant 864 : index
      %get3A_371 = tpu.vector_load %arg9[%get3A_370] {strides = array<i32>} : memref<3200xi32, #tpu.memory_space<vmem>>, vector<16xi32>,
      %gather3A_372 = tpu.vector_load_idx %arg10[%get3A_371] : memref<1024xf32, #tpu.memory_space<vmem>>[vector<16xi32>], vector<16xf32>,
      %add3A_373 = arith.constant 64 : i32
      %add3A_374 = vector.broadcast %add3A_373 : i32 to vector<16xi32>
      %add3A_375 = arith.addi %iota3A, %add3A_374 : vector<16xi32>
      tpu.vector_store_idx %arg8[%add3A_375, %broadcast_in_dim3A_50], %gather3A_372 : memref<160x129xf32, #tpu.memory_space<vmem>>[vector<16xi32>, vector<16xi32>], vector<16xf32>,
      %get3A_376 = arith.constant 880 : index
      %get3A_377 = tpu.vector_load %arg9[%get3A_376] {strides = array<i32>} : memref<3200xi32, #tpu.memory_space<vmem>>, vector<16xi32>,
      %gather3A_378 = tpu.vector_load_idx %arg10[%get3A_377] : memref<1024xf32, #tpu.memory_space<vmem>>[vector<16xi32>], vector<16xf32>,
      %add3A_379 = arith.constant 80 : i32
      %add3A_380 = vector.broadcast %add3A_379 : i32 to vector<16xi32>
      %add3A_381 = arith.addi %iota3A, %add3A_380 : vector<16xi32>
      tpu.vector_store_idx %arg8[%add3A_381, %broadcast_in_dim3A_50], %gather3A_378 : memref<160x129xf32, #tpu.memory_space<vmem>>[vector<16xi32>, vector<16xi32>], vector<16xf32>,
      %get3A_382 = arith.constant 896 : index
      %get3A_383 = tpu.vector_load %arg9[%get3A_382] {strides = array<i32>} : memref<3200xi32, #tpu.memory_space<vmem>>, vector<16xi32>,
      %gather3A_384 = tpu.vector_load_idx %arg10[%get3A_383] : memref<1024xf32, #tpu.memory_space<vmem>>[vector<16xi32>], vector<16xf32>,
      %add3A_385 = arith.constant 96 : i32
      %add3A_386 = vector.broadcast %add3A_385 : i32 to vector<16xi32>
      %add3A_387 = arith.addi %iota3A, %add3A_386 : vector<16xi32>
      tpu.vector_store_idx %arg8[%add3A_387, %broadcast_in_dim3A_50], %gather3A_384 : memref<160x129xf32, #tpu.memory_space<vmem>>[vector<16xi32>, vector<16xi32>], vector<16xf32>,
      %get3A_388 = arith.constant 912 : index
      %get3A_389 = tpu.vector_load %arg9[%get3A_388] {strides = array<i32>} : memref<3200xi32, #tpu.memory_space<vmem>>, vector<16xi32>,
      %gather3A_390 = tpu.vector_load_idx %arg10[%get3A_389] : memref<1024xf32, #tpu.memory_space<vmem>>[vector<16xi32>], vector<16xf32>,
      %add3A_391 = arith.constant 112 : i32
      %add3A_392 = vector.broadcast %add3A_391 : i32 to vector<16xi32>
      %add3A_393 = arith.addi %iota3A, %add3A_392 : vector<16xi32>
      tpu.vector_store_idx %arg8[%add3A_393, %broadcast_in_dim3A_50], %gather3A_390 : memref<160x129xf32, #tpu.memory_space<vmem>>[vector<16xi32>, vector<16xi32>], vector<16xf32>,
      %get3A_394 = arith.constant 928 : index
      %get3A_395 = tpu.vector_load %arg9[%get3A_394] {strides = array<i32>} : memref<3200xi32, #tpu.memory_space<vmem>>, vector<16xi32>,
      %gather3A_396 = tpu.vector_load_idx %arg10[%get3A_395] : memref<1024xf32, #tpu.memory_space<vmem>>[vector<16xi32>], vector<16xf32>,
      %add3A_397 = arith.constant 128 : i32
      %add3A_398 = vector.broadcast %add3A_397 : i32 to vector<16xi32>
      %add3A_399 = arith.addi %iota3A, %add3A_398 : vector<16xi32>
      tpu.vector_store_idx %arg8[%add3A_399, %broadcast_in_dim3A_50], %gather3A_396 : memref<160x129xf32, #tpu.memory_space<vmem>>[vector<16xi32>, vector<16xi32>], vector<16xf32>,
      %get3A_400 = arith.constant 944 : index
      %get3A_401 = tpu.vector_load %arg9[%get3A_400] {strides = array<i32>} : memref<3200xi32, #tpu.memory_space<vmem>>, vector<16xi32>,
      %gather3A_402 = tpu.vector_load_idx %arg10[%get3A_401] : memref<1024xf32, #tpu.memory_space<vmem>>[vector<16xi32>], vector<16xf32>,
      %add3A_403 = arith.constant 144 : i32
      %add3A_404 = vector.broadcast %add3A_403 : i32 to vector<16xi32>
      %add3A_405 = arith.addi %iota3A, %add3A_404 : vector<16xi32>
      tpu.vector_store_idx %arg8[%add3A_405, %broadcast_in_dim3A_50], %gather3A_402 : memref<160x129xf32, #tpu.memory_space<vmem>>[vector<16xi32>, vector<16xi32>], vector<16xf32>,
      %add3A_406 = arith.constant 5 : i32
      %add3A_407 = arith.addi %select_n3A, %add3A_406 : i32
      %mul3A_408 = arith.constant 160 : i32
      %mul3A_409 = arith.muli %add3A_407, %mul3A_408 : i32
      %dma_wait3A = arith.constant 0 : i32
      %dma_wait3A_410 = arith.constant 0 : i32
      %dma_wait3A_411 = tpu.memref_slice %arg8[%dma_wait3A, %dma_wait3A_410] : memref<160x129xf32, #tpu.memory_space<vmem>> -> memref<160x128xf32, #tpu.memory_space<vmem>>
      %dma_wait3A_412 = arith.constant 0 : i32
      %dma_wait3A_413 = tpu.memref_slice %arg2[%mul3A_409, %dma_wait3A_412] : memref<100000x128xf32, #tpu.memory_space<hbm>> -> memref<160x128xf32, #tpu.memory_space<hbm>>
      %dma_wait3A_414 = arith.constant 0 : i32
      %dma_wait3A_415 = arith.constant 0 : i32
      %dma_wait3A_416 = tpu.memref_slice %arg8[%dma_wait3A_414, %dma_wait3A_415] : memref<160x129xf32, #tpu.memory_space<vmem>> -> memref<160x128xf32, #tpu.memory_space<vmem>>
      %dma_wait3A_417 = arith.constant 0 : i32
      %dma_wait3A_418 = tpu.memref_slice %arg2[%mul3A_409, %dma_wait3A_417] : memref<100000x128xf32, #tpu.memory_space<hbm>> -> memref<160x128xf32, #tpu.memory_space<hbm>>
      tpu.wait_dma2 semaphore(%arg13 : memref<!tpu.dma_semaphore, #tpu.memory_space<semaphore_mem>>) src(%dma_wait3A_418 : memref<160x128xf32, #tpu.memory_space<hbm>>) dst(%dma_wait3A_416 : memref<160x128xf32, #tpu.memory_space<vmem>>)
      %add3A_419 = arith.constant 5 : i32
      %add3A_420 = arith.addi %select_n3A, %add3A_419 : i32
      %mul3A_421 = arith.constant 160 : i32
      %mul3A_422 = arith.muli %add3A_420, %mul3A_421 : i32
      %dma_start3A = arith.constant 0 : i32
      %dma_start3A_423 = tpu.memref_slice %arg5[%mul3A_422, %dma_start3A] : memref<100000x129xf32, #tpu.memory_space<hbm>> -> memref<160x129xf32, #tpu.memory_space<hbm>>
      %dma_start3A_424 = arith.constant 0 : i32
      %dma_start3A_425 = tpu.memref_slice %arg5[%mul3A_422, %dma_start3A_424] : memref<100000x129xf32, #tpu.memory_space<hbm>> -> memref<160x129xf32, #tpu.memory_space<hbm>>
      tpu.enqueue_dma source(%arg8 : memref<160x129xf32, #tpu.memory_space<vmem>>) target(%dma_start3A_425 : memref<160x129xf32, #tpu.memory_space<hbm>>) target_semaphore(%arg16 : memref<!tpu.dma_semaphore, #tpu.memory_space<semaphore_mem>>)
    } else {
    }
    %gt3A_143 = arith.constant 5 : i32
    %gt3A_144 = arith.cmpi sgt, %sub3A_47, %gt3A_143 : i32
    %convert_element_type3A_145 = arith.extui %gt3A_144 : i1 to i32
    %cond3A_146 = arith.constant 0 : i32
    %cond3A_147 = arith.cmpi ne, %convert_element_type3A_145, %cond3A_146 : i32
    scf.if %cond3A_147 {
      %add3A_348 = arith.constant 5 : i32
      %add3A_349 = arith.addi %select_n3A, %add3A_348 : i32
      %mul3A_350 = arith.constant 160 : i32
      %mul3A_351 = arith.muli %add3A_349, %mul3A_350 : i32
      %dma_wait3A = arith.constant 0 : i32
      %dma_wait3A_352 = tpu.memref_slice %arg5[%mul3A_351, %dma_wait3A] : memref<100000x129xf32, #tpu.memory_space<hbm>> -> memref<160x129xf32, #tpu.memory_space<hbm>>
      %dma_wait3A_353 = arith.constant 0 : i32
      %dma_wait3A_354 = tpu.memref_slice %arg5[%mul3A_351, %dma_wait3A_353] : memref<100000x129xf32, #tpu.memory_space<hbm>> -> memref<160x129xf32, #tpu.memory_space<hbm>>
      tpu.wait_dma2 semaphore(%arg16 : memref<!tpu.dma_semaphore, #tpu.memory_space<semaphore_mem>>) src(%arg8 : memref<160x129xf32, #tpu.memory_space<vmem>>) dst(%dma_wait3A_354 : memref<160x129xf32, #tpu.memory_space<hbm>>)
    } else {
    }
    %gt3A_148 = arith.constant 8 : i32
    %gt3A_149 = arith.cmpi sgt, %sub3A_47, %gt3A_148 : i32
    %convert_element_type3A_150 = arith.extui %gt3A_149 : i1 to i32
    %cond3A_151 = arith.constant 0 : i32
    %cond3A_152 = arith.cmpi ne, %convert_element_type3A_150, %cond3A_151 : i32
    scf.if %cond3A_152 {
      %add3A_348 = arith.constant 8 : i32
      %add3A_349 = arith.addi %select_n3A, %add3A_348 : i32
      %mul3A_350 = arith.constant 160 : i32
      %mul3A_351 = arith.muli %add3A_349, %mul3A_350 : i32
      %dma_start3A = arith.constant 0 : i32
      %dma_start3A_352 = arith.constant 0 : i32
      %dma_start3A_353 = tpu.memref_slice %arg8[%dma_start3A, %dma_start3A_352] : memref<160x129xf32, #tpu.memory_space<vmem>> -> memref<160x128xf32, #tpu.memory_space<vmem>>
      %dma_start3A_354 = arith.constant 0 : i32
      %dma_start3A_355 = tpu.memref_slice %arg2[%mul3A_351, %dma_start3A_354] : memref<100000x128xf32, #tpu.memory_space<hbm>> -> memref<160x128xf32, #tpu.memory_space<hbm>>
      %dma_start3A_356 = arith.constant 0 : i32
      %dma_start3A_357 = arith.constant 0 : i32
      %dma_start3A_358 = tpu.memref_slice %arg8[%dma_start3A_356, %dma_start3A_357] : memref<160x129xf32, #tpu.memory_space<vmem>> -> memref<160x128xf32, #tpu.memory_space<vmem>>
      %dma_start3A_359 = arith.constant 0 : i32
      %dma_start3A_360 = tpu.memref_slice %arg2[%mul3A_351, %dma_start3A_359] : memref<100000x128xf32, #tpu.memory_space<hbm>> -> memref<160x128xf32, #tpu.memory_space<hbm>>
      tpu.enqueue_dma source(%dma_start3A_360 : memref<160x128xf32, #tpu.memory_space<hbm>>) target(%dma_start3A_358 : memref<160x128xf32, #tpu.memory_space<vmem>>) target_semaphore(%arg13 : memref<!tpu.dma_semaphore, #tpu.memory_space<semaphore_mem>>)
    } else {
    }
    %gt3A_153 = arith.constant 6 : i32
    %gt3A_154 = arith.cmpi sgt, %sub3A_47, %gt3A_153 : i32
    %convert_element_type3A_155 = arith.extui %gt3A_154 : i1 to i32
    %cond3A_156 = arith.constant 0 : i32
    %cond3A_157 = arith.cmpi ne, %convert_element_type3A_155, %cond3A_156 : i32
    scf.if %cond3A_157 {
      %get3A = arith.constant 960 : index
      %get3A_348 = tpu.vector_load %arg9[%get3A] {strides = array<i32>} : memref<3200xi32, #tpu.memory_space<vmem>>, vector<16xi32>,
      %gather3A = tpu.vector_load_idx %arg10[%get3A_348] : memref<1024xf32, #tpu.memory_space<vmem>>[vector<16xi32>], vector<16xf32>,
      %add3A_349 = arith.constant 0 : i32
      %add3A_350 = vector.broadcast %add3A_349 : i32 to vector<16xi32>
      %add3A_351 = arith.addi %iota3A, %add3A_350 : vector<16xi32>
      tpu.vector_store_idx %arg6[%add3A_351, %broadcast_in_dim3A_50], %gather3A : memref<160x129xf32, #tpu.memory_space<vmem>>[vector<16xi32>, vector<16xi32>], vector<16xf32>,
      %get3A_352 = arith.constant 976 : index
      %get3A_353 = tpu.vector_load %arg9[%get3A_352] {strides = array<i32>} : memref<3200xi32, #tpu.memory_space<vmem>>, vector<16xi32>,
      %gather3A_354 = tpu.vector_load_idx %arg10[%get3A_353] : memref<1024xf32, #tpu.memory_space<vmem>>[vector<16xi32>], vector<16xf32>,
      %add3A_355 = arith.constant 16 : i32
      %add3A_356 = vector.broadcast %add3A_355 : i32 to vector<16xi32>
      %add3A_357 = arith.addi %iota3A, %add3A_356 : vector<16xi32>
      tpu.vector_store_idx %arg6[%add3A_357, %broadcast_in_dim3A_50], %gather3A_354 : memref<160x129xf32, #tpu.memory_space<vmem>>[vector<16xi32>, vector<16xi32>], vector<16xf32>,
      %get3A_358 = arith.constant 992 : index
      %get3A_359 = tpu.vector_load %arg9[%get3A_358] {strides = array<i32>} : memref<3200xi32, #tpu.memory_space<vmem>>, vector<16xi32>,
      %gather3A_360 = tpu.vector_load_idx %arg10[%get3A_359] : memref<1024xf32, #tpu.memory_space<vmem>>[vector<16xi32>], vector<16xf32>,
      %add3A_361 = arith.constant 32 : i32
      %add3A_362 = vector.broadcast %add3A_361 : i32 to vector<16xi32>
      %add3A_363 = arith.addi %iota3A, %add3A_362 : vector<16xi32>
      tpu.vector_store_idx %arg6[%add3A_363, %broadcast_in_dim3A_50], %gather3A_360 : memref<160x129xf32, #tpu.memory_space<vmem>>[vector<16xi32>, vector<16xi32>], vector<16xf32>,
      %get3A_364 = arith.constant 1008 : index
      %get3A_365 = tpu.vector_load %arg9[%get3A_364] {strides = array<i32>} : memref<3200xi32, #tpu.memory_space<vmem>>, vector<16xi32>,
      %gather3A_366 = tpu.vector_load_idx %arg10[%get3A_365] : memref<1024xf32, #tpu.memory_space<vmem>>[vector<16xi32>], vector<16xf32>,
      %add3A_367 = arith.constant 48 : i32
      %add3A_368 = vector.broadcast %add3A_367 : i32 to vector<16xi32>
      %add3A_369 = arith.addi %iota3A, %add3A_368 : vector<16xi32>
      tpu.vector_store_idx %arg6[%add3A_369, %broadcast_in_dim3A_50], %gather3A_366 : memref<160x129xf32, #tpu.memory_space<vmem>>[vector<16xi32>, vector<16xi32>], vector<16xf32>,
      %get3A_370 = arith.constant 1024 : index
      %get3A_371 = tpu.vector_load %arg9[%get3A_370] {strides = array<i32>} : memref<3200xi32, #tpu.memory_space<vmem>>, vector<16xi32>,
      %gather3A_372 = tpu.vector_load_idx %arg10[%get3A_371] : memref<1024xf32, #tpu.memory_space<vmem>>[vector<16xi32>], vector<16xf32>,
      %add3A_373 = arith.constant 64 : i32
      %add3A_374 = vector.broadcast %add3A_373 : i32 to vector<16xi32>
      %add3A_375 = arith.addi %iota3A, %add3A_374 : vector<16xi32>
      tpu.vector_store_idx %arg6[%add3A_375, %broadcast_in_dim3A_50], %gather3A_372 : memref<160x129xf32, #tpu.memory_space<vmem>>[vector<16xi32>, vector<16xi32>], vector<16xf32>,
      %get3A_376 = arith.constant 1040 : index
      %get3A_377 = tpu.vector_load %arg9[%get3A_376] {strides = array<i32>} : memref<3200xi32, #tpu.memory_space<vmem>>, vector<16xi32>,
      %gather3A_378 = tpu.vector_load_idx %arg10[%get3A_377] : memref<1024xf32, #tpu.memory_space<vmem>>[vector<16xi32>], vector<16xf32>,
      %add3A_379 = arith.constant 80 : i32
      %add3A_380 = vector.broadcast %add3A_379 : i32 to vector<16xi32>
      %add3A_381 = arith.addi %iota3A, %add3A_380 : vector<16xi32>
      tpu.vector_store_idx %arg6[%add3A_381, %broadcast_in_dim3A_50], %gather3A_378 : memref<160x129xf32, #tpu.memory_space<vmem>>[vector<16xi32>, vector<16xi32>], vector<16xf32>,
      %get3A_382 = arith.constant 1056 : index
      %get3A_383 = tpu.vector_load %arg9[%get3A_382] {strides = array<i32>} : memref<3200xi32, #tpu.memory_space<vmem>>, vector<16xi32>,
      %gather3A_384 = tpu.vector_load_idx %arg10[%get3A_383] : memref<1024xf32, #tpu.memory_space<vmem>>[vector<16xi32>], vector<16xf32>,
      %add3A_385 = arith.constant 96 : i32
      %add3A_386 = vector.broadcast %add3A_385 : i32 to vector<16xi32>
      %add3A_387 = arith.addi %iota3A, %add3A_386 : vector<16xi32>
      tpu.vector_store_idx %arg6[%add3A_387, %broadcast_in_dim3A_50], %gather3A_384 : memref<160x129xf32, #tpu.memory_space<vmem>>[vector<16xi32>, vector<16xi32>], vector<16xf32>,
      %get3A_388 = arith.constant 1072 : index
      %get3A_389 = tpu.vector_load %arg9[%get3A_388] {strides = array<i32>} : memref<3200xi32, #tpu.memory_space<vmem>>, vector<16xi32>,
      %gather3A_390 = tpu.vector_load_idx %arg10[%get3A_389] : memref<1024xf32, #tpu.memory_space<vmem>>[vector<16xi32>], vector<16xf32>,
      %add3A_391 = arith.constant 112 : i32
      %add3A_392 = vector.broadcast %add3A_391 : i32 to vector<16xi32>
      %add3A_393 = arith.addi %iota3A, %add3A_392 : vector<16xi32>
      tpu.vector_store_idx %arg6[%add3A_393, %broadcast_in_dim3A_50], %gather3A_390 : memref<160x129xf32, #tpu.memory_space<vmem>>[vector<16xi32>, vector<16xi32>], vector<16xf32>,
      %get3A_394 = arith.constant 1088 : index
      %get3A_395 = tpu.vector_load %arg9[%get3A_394] {strides = array<i32>} : memref<3200xi32, #tpu.memory_space<vmem>>, vector<16xi32>,
      %gather3A_396 = tpu.vector_load_idx %arg10[%get3A_395] : memref<1024xf32, #tpu.memory_space<vmem>>[vector<16xi32>], vector<16xf32>,
      %add3A_397 = arith.constant 128 : i32
      %add3A_398 = vector.broadcast %add3A_397 : i32 to vector<16xi32>
      %add3A_399 = arith.addi %iota3A, %add3A_398 : vector<16xi32>
      tpu.vector_store_idx %arg6[%add3A_399, %broadcast_in_dim3A_50], %gather3A_396 : memref<160x129xf32, #tpu.memory_space<vmem>>[vector<16xi32>, vector<16xi32>], vector<16xf32>,
      %get3A_400 = arith.constant 1104 : index
      %get3A_401 = tpu.vector_load %arg9[%get3A_400] {strides = array<i32>} : memref<3200xi32, #tpu.memory_space<vmem>>, vector<16xi32>,
      %gather3A_402 = tpu.vector_load_idx %arg10[%get3A_401] : memref<1024xf32, #tpu.memory_space<vmem>>[vector<16xi32>], vector<16xf32>,
      %add3A_403 = arith.constant 144 : i32
      %add3A_404 = vector.broadcast %add3A_403 : i32 to vector<16xi32>
      %add3A_405 = arith.addi %iota3A, %add3A_404 : vector<16xi32>
      tpu.vector_store_idx %arg6[%add3A_405, %broadcast_in_dim3A_50], %gather3A_402 : memref<160x129xf32, #tpu.memory_space<vmem>>[vector<16xi32>, vector<16xi32>], vector<16xf32>,
      %add3A_406 = arith.constant 6 : i32
      %add3A_407 = arith.addi %select_n3A, %add3A_406 : i32
      %mul3A_408 = arith.constant 160 : i32
      %mul3A_409 = arith.muli %add3A_407, %mul3A_408 : i32
      %dma_wait3A = arith.constant 0 : i32
      %dma_wait3A_410 = arith.constant 0 : i32
      %dma_wait3A_411 = tpu.memref_slice %arg6[%dma_wait3A, %dma_wait3A_410] : memref<160x129xf32, #tpu.memory_space<vmem>> -> memref<160x128xf32, #tpu.memory_space<vmem>>
      %dma_wait3A_412 = arith.constant 0 : i32
      %dma_wait3A_413 = tpu.memref_slice %arg2[%mul3A_409, %dma_wait3A_412] : memref<100000x128xf32, #tpu.memory_space<hbm>> -> memref<160x128xf32, #tpu.memory_space<hbm>>
      %dma_wait3A_414 = arith.constant 0 : i32
      %dma_wait3A_415 = arith.constant 0 : i32
      %dma_wait3A_416 = tpu.memref_slice %arg6[%dma_wait3A_414, %dma_wait3A_415] : memref<160x129xf32, #tpu.memory_space<vmem>> -> memref<160x128xf32, #tpu.memory_space<vmem>>
      %dma_wait3A_417 = arith.constant 0 : i32
      %dma_wait3A_418 = tpu.memref_slice %arg2[%mul3A_409, %dma_wait3A_417] : memref<100000x128xf32, #tpu.memory_space<hbm>> -> memref<160x128xf32, #tpu.memory_space<hbm>>
      tpu.wait_dma2 semaphore(%arg11 : memref<!tpu.dma_semaphore, #tpu.memory_space<semaphore_mem>>) src(%dma_wait3A_418 : memref<160x128xf32, #tpu.memory_space<hbm>>) dst(%dma_wait3A_416 : memref<160x128xf32, #tpu.memory_space<vmem>>)
      %add3A_419 = arith.constant 6 : i32
      %add3A_420 = arith.addi %select_n3A, %add3A_419 : i32
      %mul3A_421 = arith.constant 160 : i32
      %mul3A_422 = arith.muli %add3A_420, %mul3A_421 : i32
      %dma_start3A = arith.constant 0 : i32
      %dma_start3A_423 = tpu.memref_slice %arg5[%mul3A_422, %dma_start3A] : memref<100000x129xf32, #tpu.memory_space<hbm>> -> memref<160x129xf32, #tpu.memory_space<hbm>>
      %dma_start3A_424 = arith.constant 0 : i32
      %dma_start3A_425 = tpu.memref_slice %arg5[%mul3A_422, %dma_start3A_424] : memref<100000x129xf32, #tpu.memory_space<hbm>> -> memref<160x129xf32, #tpu.memory_space<hbm>>
      tpu.enqueue_dma source(%arg6 : memref<160x129xf32, #tpu.memory_space<vmem>>) target(%dma_start3A_425 : memref<160x129xf32, #tpu.memory_space<hbm>>) target_semaphore(%arg14 : memref<!tpu.dma_semaphore, #tpu.memory_space<semaphore_mem>>)
    } else {
    }
    %gt3A_158 = arith.constant 6 : i32
    %gt3A_159 = arith.cmpi sgt, %sub3A_47, %gt3A_158 : i32
    %convert_element_type3A_160 = arith.extui %gt3A_159 : i1 to i32
    %cond3A_161 = arith.constant 0 : i32
    %cond3A_162 = arith.cmpi ne, %convert_element_type3A_160, %cond3A_161 : i32
    scf.if %cond3A_162 {
      %add3A_348 = arith.constant 6 : i32
      %add3A_349 = arith.addi %select_n3A, %add3A_348 : i32
      %mul3A_350 = arith.constant 160 : i32
      %mul3A_351 = arith.muli %add3A_349, %mul3A_350 : i32
      %dma_wait3A = arith.constant 0 : i32
      %dma_wait3A_352 = tpu.memref_slice %arg5[%mul3A_351, %dma_wait3A] : memref<100000x129xf32, #tpu.memory_space<hbm>> -> memref<160x129xf32, #tpu.memory_space<hbm>>
      %dma_wait3A_353 = arith.constant 0 : i32
      %dma_wait3A_354 = tpu.memref_slice %arg5[%mul3A_351, %dma_wait3A_353] : memref<100000x129xf32, #tpu.memory_space<hbm>> -> memref<160x129xf32, #tpu.memory_space<hbm>>
      tpu.wait_dma2 semaphore(%arg14 : memref<!tpu.dma_semaphore, #tpu.memory_space<semaphore_mem>>) src(%arg6 : memref<160x129xf32, #tpu.memory_space<vmem>>) dst(%dma_wait3A_354 : memref<160x129xf32, #tpu.memory_space<hbm>>)
    } else {
    }
    %gt3A_163 = arith.constant 9 : i32
    %gt3A_164 = arith.cmpi sgt, %sub3A_47, %gt3A_163 : i32
    %convert_element_type3A_165 = arith.extui %gt3A_164 : i1 to i32
    %cond3A_166 = arith.constant 0 : i32
    %cond3A_167 = arith.cmpi ne, %convert_element_type3A_165, %cond3A_166 : i32
    scf.if %cond3A_167 {
      %add3A_348 = arith.constant 9 : i32
      %add3A_349 = arith.addi %select_n3A, %add3A_348 : i32
      %mul3A_350 = arith.constant 160 : i32
      %mul3A_351 = arith.muli %add3A_349, %mul3A_350 : i32
      %dma_start3A = arith.constant 0 : i32
      %dma_start3A_352 = arith.constant 0 : i32
      %dma_start3A_353 = tpu.memref_slice %arg6[%dma_start3A, %dma_start3A_352] : memref<160x129xf32, #tpu.memory_space<vmem>> -> memref<160x128xf32, #tpu.memory_space<vmem>>
      %dma_start3A_354 = arith.constant 0 : i32
      %dma_start3A_355 = tpu.memref_slice %arg2[%mul3A_351, %dma_start3A_354] : memref<100000x128xf32, #tpu.memory_space<hbm>> -> memref<160x128xf32, #tpu.memory_space<hbm>>
      %dma_start3A_356 = arith.constant 0 : i32
      %dma_start3A_357 = arith.constant 0 : i32
      %dma_start3A_358 = tpu.memref_slice %arg6[%dma_start3A_356, %dma_start3A_357] : memref<160x129xf32, #tpu.memory_space<vmem>> -> memref<160x128xf32, #tpu.memory_space<vmem>>
      %dma_start3A_359 = arith.constant 0 : i32
      %dma_start3A_360 = tpu.memref_slice %arg2[%mul3A_351, %dma_start3A_359] : memref<100000x128xf32, #tpu.memory_space<hbm>> -> memref<160x128xf32, #tpu.memory_space<hbm>>
      tpu.enqueue_dma source(%dma_start3A_360 : memref<160x128xf32, #tpu.memory_space<hbm>>) target(%dma_start3A_358 : memref<160x128xf32, #tpu.memory_space<vmem>>) target_semaphore(%arg11 : memref<!tpu.dma_semaphore, #tpu.memory_space<semaphore_mem>>)
    } else {
    }
    %gt3A_168 = arith.constant 7 : i32
    %gt3A_169 = arith.cmpi sgt, %sub3A_47, %gt3A_168 : i32
    %convert_element_type3A_170 = arith.extui %gt3A_169 : i1 to i32
    %cond3A_171 = arith.constant 0 : i32
    %cond3A_172 = arith.cmpi ne, %convert_element_type3A_170, %cond3A_171 : i32
    scf.if %cond3A_172 {
      %get3A = arith.constant 1120 : index
      %get3A_348 = tpu.vector_load %arg9[%get3A] {strides = array<i32>} : memref<3200xi32, #tpu.memory_space<vmem>>, vector<16xi32>,
      %gather3A = tpu.vector_load_idx %arg10[%get3A_348] : memref<1024xf32, #tpu.memory_space<vmem>>[vector<16xi32>], vector<16xf32>,
      %add3A_349 = arith.constant 0 : i32
      %add3A_350 = vector.broadcast %add3A_349 : i32 to vector<16xi32>
      %add3A_351 = arith.addi %iota3A, %add3A_350 : vector<16xi32>
      tpu.vector_store_idx %arg7[%add3A_351, %broadcast_in_dim3A_50], %gather3A : memref<160x129xf32, #tpu.memory_space<vmem>>[vector<16xi32>, vector<16xi32>], vector<16xf32>,
      %get3A_352 = arith.constant 1136 : index
      %get3A_353 = tpu.vector_load %arg9[%get3A_352] {strides = array<i32>} : memref<3200xi32, #tpu.memory_space<vmem>>, vector<16xi32>,
      %gather3A_354 = tpu.vector_load_idx %arg10[%get3A_353] : memref<1024xf32, #tpu.memory_space<vmem>>[vector<16xi32>], vector<16xf32>,
      %add3A_355 = arith.constant 16 : i32
      %add3A_356 = vector.broadcast %add3A_355 : i32 to vector<16xi32>
      %add3A_357 = arith.addi %iota3A, %add3A_356 : vector<16xi32>
      tpu.vector_store_idx %arg7[%add3A_357, %broadcast_in_dim3A_50], %gather3A_354 : memref<160x129xf32, #tpu.memory_space<vmem>>[vector<16xi32>, vector<16xi32>], vector<16xf32>,
      %get3A_358 = arith.constant 1152 : index
      %get3A_359 = tpu.vector_load %arg9[%get3A_358] {strides = array<i32>} : memref<3200xi32, #tpu.memory_space<vmem>>, vector<16xi32>,
      %gather3A_360 = tpu.vector_load_idx %arg10[%get3A_359] : memref<1024xf32, #tpu.memory_space<vmem>>[vector<16xi32>], vector<16xf32>,
      %add3A_361 = arith.constant 32 : i32
      %add3A_362 = vector.broadcast %add3A_361 : i32 to vector<16xi32>
      %add3A_363 = arith.addi %iota3A, %add3A_362 : vector<16xi32>
      tpu.vector_store_idx %arg7[%add3A_363, %broadcast_in_dim3A_50], %gather3A_360 : memref<160x129xf32, #tpu.memory_space<vmem>>[vector<16xi32>, vector<16xi32>], vector<16xf32>,
      %get3A_364 = arith.constant 1168 : index
      %get3A_365 = tpu.vector_load %arg9[%get3A_364] {strides = array<i32>} : memref<3200xi32, #tpu.memory_space<vmem>>, vector<16xi32>,
      %gather3A_366 = tpu.vector_load_idx %arg10[%get3A_365] : memref<1024xf32, #tpu.memory_space<vmem>>[vector<16xi32>], vector<16xf32>,
      %add3A_367 = arith.constant 48 : i32
      %add3A_368 = vector.broadcast %add3A_367 : i32 to vector<16xi32>
      %add3A_369 = arith.addi %iota3A, %add3A_368 : vector<16xi32>
      tpu.vector_store_idx %arg7[%add3A_369, %broadcast_in_dim3A_50], %gather3A_366 : memref<160x129xf32, #tpu.memory_space<vmem>>[vector<16xi32>, vector<16xi32>], vector<16xf32>,
      %get3A_370 = arith.constant 1184 : index
      %get3A_371 = tpu.vector_load %arg9[%get3A_370] {strides = array<i32>} : memref<3200xi32, #tpu.memory_space<vmem>>, vector<16xi32>,
      %gather3A_372 = tpu.vector_load_idx %arg10[%get3A_371] : memref<1024xf32, #tpu.memory_space<vmem>>[vector<16xi32>], vector<16xf32>,
      %add3A_373 = arith.constant 64 : i32
      %add3A_374 = vector.broadcast %add3A_373 : i32 to vector<16xi32>
      %add3A_375 = arith.addi %iota3A, %add3A_374 : vector<16xi32>
      tpu.vector_store_idx %arg7[%add3A_375, %broadcast_in_dim3A_50], %gather3A_372 : memref<160x129xf32, #tpu.memory_space<vmem>>[vector<16xi32>, vector<16xi32>], vector<16xf32>,
      %get3A_376 = arith.constant 1200 : index
      %get3A_377 = tpu.vector_load %arg9[%get3A_376] {strides = array<i32>} : memref<3200xi32, #tpu.memory_space<vmem>>, vector<16xi32>,
      %gather3A_378 = tpu.vector_load_idx %arg10[%get3A_377] : memref<1024xf32, #tpu.memory_space<vmem>>[vector<16xi32>], vector<16xf32>,
      %add3A_379 = arith.constant 80 : i32
      %add3A_380 = vector.broadcast %add3A_379 : i32 to vector<16xi32>
      %add3A_381 = arith.addi %iota3A, %add3A_380 : vector<16xi32>
      tpu.vector_store_idx %arg7[%add3A_381, %broadcast_in_dim3A_50], %gather3A_378 : memref<160x129xf32, #tpu.memory_space<vmem>>[vector<16xi32>, vector<16xi32>], vector<16xf32>,
      %get3A_382 = arith.constant 1216 : index
      %get3A_383 = tpu.vector_load %arg9[%get3A_382] {strides = array<i32>} : memref<3200xi32, #tpu.memory_space<vmem>>, vector<16xi32>,
      %gather3A_384 = tpu.vector_load_idx %arg10[%get3A_383] : memref<1024xf32, #tpu.memory_space<vmem>>[vector<16xi32>], vector<16xf32>,
      %add3A_385 = arith.constant 96 : i32
      %add3A_386 = vector.broadcast %add3A_385 : i32 to vector<16xi32>
      %add3A_387 = arith.addi %iota3A, %add3A_386 : vector<16xi32>
      tpu.vector_store_idx %arg7[%add3A_387, %broadcast_in_dim3A_50], %gather3A_384 : memref<160x129xf32, #tpu.memory_space<vmem>>[vector<16xi32>, vector<16xi32>], vector<16xf32>,
      %get3A_388 = arith.constant 1232 : index
      %get3A_389 = tpu.vector_load %arg9[%get3A_388] {strides = array<i32>} : memref<3200xi32, #tpu.memory_space<vmem>>, vector<16xi32>,
      %gather3A_390 = tpu.vector_load_idx %arg10[%get3A_389] : memref<1024xf32, #tpu.memory_space<vmem>>[vector<16xi32>], vector<16xf32>,
      %add3A_391 = arith.constant 112 : i32
      %add3A_392 = vector.broadcast %add3A_391 : i32 to vector<16xi32>
      %add3A_393 = arith.addi %iota3A, %add3A_392 : vector<16xi32>
      tpu.vector_store_idx %arg7[%add3A_393, %broadcast_in_dim3A_50], %gather3A_390 : memref<160x129xf32, #tpu.memory_space<vmem>>[vector<16xi32>, vector<16xi32>], vector<16xf32>,
      %get3A_394 = arith.constant 1248 : index
      %get3A_395 = tpu.vector_load %arg9[%get3A_394] {strides = array<i32>} : memref<3200xi32, #tpu.memory_space<vmem>>, vector<16xi32>,
      %gather3A_396 = tpu.vector_load_idx %arg10[%get3A_395] : memref<1024xf32, #tpu.memory_space<vmem>>[vector<16xi32>], vector<16xf32>,
      %add3A_397 = arith.constant 128 : i32
      %add3A_398 = vector.broadcast %add3A_397 : i32 to vector<16xi32>
      %add3A_399 = arith.addi %iota3A, %add3A_398 : vector<16xi32>
      tpu.vector_store_idx %arg7[%add3A_399, %broadcast_in_dim3A_50], %gather3A_396 : memref<160x129xf32, #tpu.memory_space<vmem>>[vector<16xi32>, vector<16xi32>], vector<16xf32>,
      %get3A_400 = arith.constant 1264 : index
      %get3A_401 = tpu.vector_load %arg9[%get3A_400] {strides = array<i32>} : memref<3200xi32, #tpu.memory_space<vmem>>, vector<16xi32>,
      %gather3A_402 = tpu.vector_load_idx %arg10[%get3A_401] : memref<1024xf32, #tpu.memory_space<vmem>>[vector<16xi32>], vector<16xf32>,
      %add3A_403 = arith.constant 144 : i32
      %add3A_404 = vector.broadcast %add3A_403 : i32 to vector<16xi32>
      %add3A_405 = arith.addi %iota3A, %add3A_404 : vector<16xi32>
      tpu.vector_store_idx %arg7[%add3A_405, %broadcast_in_dim3A_50], %gather3A_402 : memref<160x129xf32, #tpu.memory_space<vmem>>[vector<16xi32>, vector<16xi32>], vector<16xf32>,
      %add3A_406 = arith.constant 7 : i32
      %add3A_407 = arith.addi %select_n3A, %add3A_406 : i32
      %mul3A_408 = arith.constant 160 : i32
      %mul3A_409 = arith.muli %add3A_407, %mul3A_408 : i32
      %dma_wait3A = arith.constant 0 : i32
      %dma_wait3A_410 = arith.constant 0 : i32
      %dma_wait3A_411 = tpu.memref_slice %arg7[%dma_wait3A, %dma_wait3A_410] : memref<160x129xf32, #tpu.memory_space<vmem>> -> memref<160x128xf32, #tpu.memory_space<vmem>>
      %dma_wait3A_412 = arith.constant 0 : i32
      %dma_wait3A_413 = tpu.memref_slice %arg2[%mul3A_409, %dma_wait3A_412] : memref<100000x128xf32, #tpu.memory_space<hbm>> -> memref<160x128xf32, #tpu.memory_space<hbm>>
      %dma_wait3A_414 = arith.constant 0 : i32
      %dma_wait3A_415 = arith.constant 0 : i32
      %dma_wait3A_416 = tpu.memref_slice %arg7[%dma_wait3A_414, %dma_wait3A_415] : memref<160x129xf32, #tpu.memory_space<vmem>> -> memref<160x128xf32, #tpu.memory_space<vmem>>
      %dma_wait3A_417 = arith.constant 0 : i32
      %dma_wait3A_418 = tpu.memref_slice %arg2[%mul3A_409, %dma_wait3A_417] : memref<100000x128xf32, #tpu.memory_space<hbm>> -> memref<160x128xf32, #tpu.memory_space<hbm>>
      tpu.wait_dma2 semaphore(%arg12 : memref<!tpu.dma_semaphore, #tpu.memory_space<semaphore_mem>>) src(%dma_wait3A_418 : memref<160x128xf32, #tpu.memory_space<hbm>>) dst(%dma_wait3A_416 : memref<160x128xf32, #tpu.memory_space<vmem>>)
      %add3A_419 = arith.constant 7 : i32
      %add3A_420 = arith.addi %select_n3A, %add3A_419 : i32
      %mul3A_421 = arith.constant 160 : i32
      %mul3A_422 = arith.muli %add3A_420, %mul3A_421 : i32
      %dma_start3A = arith.constant 0 : i32
      %dma_start3A_423 = tpu.memref_slice %arg5[%mul3A_422, %dma_start3A] : memref<100000x129xf32, #tpu.memory_space<hbm>> -> memref<160x129xf32, #tpu.memory_space<hbm>>
      %dma_start3A_424 = arith.constant 0 : i32
      %dma_start3A_425 = tpu.memref_slice %arg5[%mul3A_422, %dma_start3A_424] : memref<100000x129xf32, #tpu.memory_space<hbm>> -> memref<160x129xf32, #tpu.memory_space<hbm>>
      tpu.enqueue_dma source(%arg7 : memref<160x129xf32, #tpu.memory_space<vmem>>) target(%dma_start3A_425 : memref<160x129xf32, #tpu.memory_space<hbm>>) target_semaphore(%arg15 : memref<!tpu.dma_semaphore, #tpu.memory_space<semaphore_mem>>)
    } else {
    }
    %gt3A_173 = arith.constant 7 : i32
    %gt3A_174 = arith.cmpi sgt, %sub3A_47, %gt3A_173 : i32
    %convert_element_type3A_175 = arith.extui %gt3A_174 : i1 to i32
    %cond3A_176 = arith.constant 0 : i32
    %cond3A_177 = arith.cmpi ne, %convert_element_type3A_175, %cond3A_176 : i32
    scf.if %cond3A_177 {
      %add3A_348 = arith.constant 7 : i32
      %add3A_349 = arith.addi %select_n3A, %add3A_348 : i32
      %mul3A_350 = arith.constant 160 : i32
      %mul3A_351 = arith.muli %add3A_349, %mul3A_350 : i32
      %dma_wait3A = arith.constant 0 : i32
      %dma_wait3A_352 = tpu.memref_slice %arg5[%mul3A_351, %dma_wait3A] : memref<100000x129xf32, #tpu.memory_space<hbm>> -> memref<160x129xf32, #tpu.memory_space<hbm>>
      %dma_wait3A_353 = arith.constant 0 : i32
      %dma_wait3A_354 = tpu.memref_slice %arg5[%mul3A_351, %dma_wait3A_353] : memref<100000x129xf32, #tpu.memory_space<hbm>> -> memref<160x129xf32, #tpu.memory_space<hbm>>
      tpu.wait_dma2 semaphore(%arg15 : memref<!tpu.dma_semaphore, #tpu.memory_space<semaphore_mem>>) src(%arg7 : memref<160x129xf32, #tpu.memory_space<vmem>>) dst(%dma_wait3A_354 : memref<160x129xf32, #tpu.memory_space<hbm>>)
    } else {
    }
    %gt3A_178 = arith.constant 10 : i32
    %gt3A_179 = arith.cmpi sgt, %sub3A_47, %gt3A_178 : i32
    %convert_element_type3A_180 = arith.extui %gt3A_179 : i1 to i32
    %cond3A_181 = arith.constant 0 : i32
    %cond3A_182 = arith.cmpi ne, %convert_element_type3A_180, %cond3A_181 : i32
    scf.if %cond3A_182 {
      %add3A_348 = arith.constant 10 : i32
      %add3A_349 = arith.addi %select_n3A, %add3A_348 : i32
      %mul3A_350 = arith.constant 160 : i32
      %mul3A_351 = arith.muli %add3A_349, %mul3A_350 : i32
      %dma_start3A = arith.constant 0 : i32
      %dma_start3A_352 = arith.constant 0 : i32
      %dma_start3A_353 = tpu.memref_slice %arg7[%dma_start3A, %dma_start3A_352] : memref<160x129xf32, #tpu.memory_space<vmem>> -> memref<160x128xf32, #tpu.memory_space<vmem>>
      %dma_start3A_354 = arith.constant 0 : i32
      %dma_start3A_355 = tpu.memref_slice %arg2[%mul3A_351, %dma_start3A_354] : memref<100000x128xf32, #tpu.memory_space<hbm>> -> memref<160x128xf32, #tpu.memory_space<hbm>>
      %dma_start3A_356 = arith.constant 0 : i32
      %dma_start3A_357 = arith.constant 0 : i32
      %dma_start3A_358 = tpu.memref_slice %arg7[%dma_start3A_356, %dma_start3A_357] : memref<160x129xf32, #tpu.memory_space<vmem>> -> memref<160x128xf32, #tpu.memory_space<vmem>>
      %dma_start3A_359 = arith.constant 0 : i32
      %dma_start3A_360 = tpu.memref_slice %arg2[%mul3A_351, %dma_start3A_359] : memref<100000x128xf32, #tpu.memory_space<hbm>> -> memref<160x128xf32, #tpu.memory_space<hbm>>
      tpu.enqueue_dma source(%dma_start3A_360 : memref<160x128xf32, #tpu.memory_space<hbm>>) target(%dma_start3A_358 : memref<160x128xf32, #tpu.memory_space<vmem>>) target_semaphore(%arg12 : memref<!tpu.dma_semaphore, #tpu.memory_space<semaphore_mem>>)
    } else {
    }
    %gt3A_183 = arith.constant 8 : i32
    %gt3A_184 = arith.cmpi sgt, %sub3A_47, %gt3A_183 : i32
    %convert_element_type3A_185 = arith.extui %gt3A_184 : i1 to i32
    %cond3A_186 = arith.constant 0 : i32
    %cond3A_187 = arith.cmpi ne, %convert_element_type3A_185, %cond3A_186 : i32
    scf.if %cond3A_187 {
      %get3A = arith.constant 1280 : index
      %get3A_348 = tpu.vector_load %arg9[%get3A] {strides = array<i32>} : memref<3200xi32, #tpu.memory_space<vmem>>, vector<16xi32>,
      %gather3A = tpu.vector_load_idx %arg10[%get3A_348] : memref<1024xf32, #tpu.memory_space<vmem>>[vector<16xi32>], vector<16xf32>,
      %add3A_349 = arith.constant 0 : i32
      %add3A_350 = vector.broadcast %add3A_349 : i32 to vector<16xi32>
      %add3A_351 = arith.addi %iota3A, %add3A_350 : vector<16xi32>
      tpu.vector_store_idx %arg8[%add3A_351, %broadcast_in_dim3A_50], %gather3A : memref<160x129xf32, #tpu.memory_space<vmem>>[vector<16xi32>, vector<16xi32>], vector<16xf32>,
      %get3A_352 = arith.constant 1296 : index
      %get3A_353 = tpu.vector_load %arg9[%get3A_352] {strides = array<i32>} : memref<3200xi32, #tpu.memory_space<vmem>>, vector<16xi32>,
      %gather3A_354 = tpu.vector_load_idx %arg10[%get3A_353] : memref<1024xf32, #tpu.memory_space<vmem>>[vector<16xi32>], vector<16xf32>,
      %add3A_355 = arith.constant 16 : i32
      %add3A_356 = vector.broadcast %add3A_355 : i32 to vector<16xi32>
      %add3A_357 = arith.addi %iota3A, %add3A_356 : vector<16xi32>
      tpu.vector_store_idx %arg8[%add3A_357, %broadcast_in_dim3A_50], %gather3A_354 : memref<160x129xf32, #tpu.memory_space<vmem>>[vector<16xi32>, vector<16xi32>], vector<16xf32>,
      %get3A_358 = arith.constant 1312 : index
      %get3A_359 = tpu.vector_load %arg9[%get3A_358] {strides = array<i32>} : memref<3200xi32, #tpu.memory_space<vmem>>, vector<16xi32>,
      %gather3A_360 = tpu.vector_load_idx %arg10[%get3A_359] : memref<1024xf32, #tpu.memory_space<vmem>>[vector<16xi32>], vector<16xf32>,
      %add3A_361 = arith.constant 32 : i32
      %add3A_362 = vector.broadcast %add3A_361 : i32 to vector<16xi32>
      %add3A_363 = arith.addi %iota3A, %add3A_362 : vector<16xi32>
      tpu.vector_store_idx %arg8[%add3A_363, %broadcast_in_dim3A_50], %gather3A_360 : memref<160x129xf32, #tpu.memory_space<vmem>>[vector<16xi32>, vector<16xi32>], vector<16xf32>,
      %get3A_364 = arith.constant 1328 : index
      %get3A_365 = tpu.vector_load %arg9[%get3A_364] {strides = array<i32>} : memref<3200xi32, #tpu.memory_space<vmem>>, vector<16xi32>,
      %gather3A_366 = tpu.vector_load_idx %arg10[%get3A_365] : memref<1024xf32, #tpu.memory_space<vmem>>[vector<16xi32>], vector<16xf32>,
      %add3A_367 = arith.constant 48 : i32
      %add3A_368 = vector.broadcast %add3A_367 : i32 to vector<16xi32>
      %add3A_369 = arith.addi %iota3A, %add3A_368 : vector<16xi32>
      tpu.vector_store_idx %arg8[%add3A_369, %broadcast_in_dim3A_50], %gather3A_366 : memref<160x129xf32, #tpu.memory_space<vmem>>[vector<16xi32>, vector<16xi32>], vector<16xf32>,
      %get3A_370 = arith.constant 1344 : index
      %get3A_371 = tpu.vector_load %arg9[%get3A_370] {strides = array<i32>} : memref<3200xi32, #tpu.memory_space<vmem>>, vector<16xi32>,
      %gather3A_372 = tpu.vector_load_idx %arg10[%get3A_371] : memref<1024xf32, #tpu.memory_space<vmem>>[vector<16xi32>], vector<16xf32>,
      %add3A_373 = arith.constant 64 : i32
      %add3A_374 = vector.broadcast %add3A_373 : i32 to vector<16xi32>
      %add3A_375 = arith.addi %iota3A, %add3A_374 : vector<16xi32>
      tpu.vector_store_idx %arg8[%add3A_375, %broadcast_in_dim3A_50], %gather3A_372 : memref<160x129xf32, #tpu.memory_space<vmem>>[vector<16xi32>, vector<16xi32>], vector<16xf32>,
      %get3A_376 = arith.constant 1360 : index
      %get3A_377 = tpu.vector_load %arg9[%get3A_376] {strides = array<i32>} : memref<3200xi32, #tpu.memory_space<vmem>>, vector<16xi32>,
      %gather3A_378 = tpu.vector_load_idx %arg10[%get3A_377] : memref<1024xf32, #tpu.memory_space<vmem>>[vector<16xi32>], vector<16xf32>,
      %add3A_379 = arith.constant 80 : i32
      %add3A_380 = vector.broadcast %add3A_379 : i32 to vector<16xi32>
      %add3A_381 = arith.addi %iota3A, %add3A_380 : vector<16xi32>
      tpu.vector_store_idx %arg8[%add3A_381, %broadcast_in_dim3A_50], %gather3A_378 : memref<160x129xf32, #tpu.memory_space<vmem>>[vector<16xi32>, vector<16xi32>], vector<16xf32>,
      %get3A_382 = arith.constant 1376 : index
      %get3A_383 = tpu.vector_load %arg9[%get3A_382] {strides = array<i32>} : memref<3200xi32, #tpu.memory_space<vmem>>, vector<16xi32>,
      %gather3A_384 = tpu.vector_load_idx %arg10[%get3A_383] : memref<1024xf32, #tpu.memory_space<vmem>>[vector<16xi32>], vector<16xf32>,
      %add3A_385 = arith.constant 96 : i32
      %add3A_386 = vector.broadcast %add3A_385 : i32 to vector<16xi32>
      %add3A_387 = arith.addi %iota3A, %add3A_386 : vector<16xi32>
      tpu.vector_store_idx %arg8[%add3A_387, %broadcast_in_dim3A_50], %gather3A_384 : memref<160x129xf32, #tpu.memory_space<vmem>>[vector<16xi32>, vector<16xi32>], vector<16xf32>,
      %get3A_388 = arith.constant 1392 : index
      %get3A_389 = tpu.vector_load %arg9[%get3A_388] {strides = array<i32>} : memref<3200xi32, #tpu.memory_space<vmem>>, vector<16xi32>,
      %gather3A_390 = tpu.vector_load_idx %arg10[%get3A_389] : memref<1024xf32, #tpu.memory_space<vmem>>[vector<16xi32>], vector<16xf32>,
      %add3A_391 = arith.constant 112 : i32
      %add3A_392 = vector.broadcast %add3A_391 : i32 to vector<16xi32>
      %add3A_393 = arith.addi %iota3A, %add3A_392 : vector<16xi32>
      tpu.vector_store_idx %arg8[%add3A_393, %broadcast_in_dim3A_50], %gather3A_390 : memref<160x129xf32, #tpu.memory_space<vmem>>[vector<16xi32>, vector<16xi32>], vector<16xf32>,
      %get3A_394 = arith.constant 1408 : index
      %get3A_395 = tpu.vector_load %arg9[%get3A_394] {strides = array<i32>} : memref<3200xi32, #tpu.memory_space<vmem>>, vector<16xi32>,
      %gather3A_396 = tpu.vector_load_idx %arg10[%get3A_395] : memref<1024xf32, #tpu.memory_space<vmem>>[vector<16xi32>], vector<16xf32>,
      %add3A_397 = arith.constant 128 : i32
      %add3A_398 = vector.broadcast %add3A_397 : i32 to vector<16xi32>
      %add3A_399 = arith.addi %iota3A, %add3A_398 : vector<16xi32>
      tpu.vector_store_idx %arg8[%add3A_399, %broadcast_in_dim3A_50], %gather3A_396 : memref<160x129xf32, #tpu.memory_space<vmem>>[vector<16xi32>, vector<16xi32>], vector<16xf32>,
      %get3A_400 = arith.constant 1424 : index
      %get3A_401 = tpu.vector_load %arg9[%get3A_400] {strides = array<i32>} : memref<3200xi32, #tpu.memory_space<vmem>>, vector<16xi32>,
      %gather3A_402 = tpu.vector_load_idx %arg10[%get3A_401] : memref<1024xf32, #tpu.memory_space<vmem>>[vector<16xi32>], vector<16xf32>,
      %add3A_403 = arith.constant 144 : i32
      %add3A_404 = vector.broadcast %add3A_403 : i32 to vector<16xi32>
      %add3A_405 = arith.addi %iota3A, %add3A_404 : vector<16xi32>
      tpu.vector_store_idx %arg8[%add3A_405, %broadcast_in_dim3A_50], %gather3A_402 : memref<160x129xf32, #tpu.memory_space<vmem>>[vector<16xi32>, vector<16xi32>], vector<16xf32>,
      %add3A_406 = arith.constant 8 : i32
      %add3A_407 = arith.addi %select_n3A, %add3A_406 : i32
      %mul3A_408 = arith.constant 160 : i32
      %mul3A_409 = arith.muli %add3A_407, %mul3A_408 : i32
      %dma_wait3A = arith.constant 0 : i32
      %dma_wait3A_410 = arith.constant 0 : i32
      %dma_wait3A_411 = tpu.memref_slice %arg8[%dma_wait3A, %dma_wait3A_410] : memref<160x129xf32, #tpu.memory_space<vmem>> -> memref<160x128xf32, #tpu.memory_space<vmem>>
      %dma_wait3A_412 = arith.constant 0 : i32
      %dma_wait3A_413 = tpu.memref_slice %arg2[%mul3A_409, %dma_wait3A_412] : memref<100000x128xf32, #tpu.memory_space<hbm>> -> memref<160x128xf32, #tpu.memory_space<hbm>>
      %dma_wait3A_414 = arith.constant 0 : i32
      %dma_wait3A_415 = arith.constant 0 : i32
      %dma_wait3A_416 = tpu.memref_slice %arg8[%dma_wait3A_414, %dma_wait3A_415] : memref<160x129xf32, #tpu.memory_space<vmem>> -> memref<160x128xf32, #tpu.memory_space<vmem>>
      %dma_wait3A_417 = arith.constant 0 : i32
      %dma_wait3A_418 = tpu.memref_slice %arg2[%mul3A_409, %dma_wait3A_417] : memref<100000x128xf32, #tpu.memory_space<hbm>> -> memref<160x128xf32, #tpu.memory_space<hbm>>
      tpu.wait_dma2 semaphore(%arg13 : memref<!tpu.dma_semaphore, #tpu.memory_space<semaphore_mem>>) src(%dma_wait3A_418 : memref<160x128xf32, #tpu.memory_space<hbm>>) dst(%dma_wait3A_416 : memref<160x128xf32, #tpu.memory_space<vmem>>)
      %add3A_419 = arith.constant 8 : i32
      %add3A_420 = arith.addi %select_n3A, %add3A_419 : i32
      %mul3A_421 = arith.constant 160 : i32
      %mul3A_422 = arith.muli %add3A_420, %mul3A_421 : i32
      %dma_start3A = arith.constant 0 : i32
      %dma_start3A_423 = tpu.memref_slice %arg5[%mul3A_422, %dma_start3A] : memref<100000x129xf32, #tpu.memory_space<hbm>> -> memref<160x129xf32, #tpu.memory_space<hbm>>
      %dma_start3A_424 = arith.constant 0 : i32
      %dma_start3A_425 = tpu.memref_slice %arg5[%mul3A_422, %dma_start3A_424] : memref<100000x129xf32, #tpu.memory_space<hbm>> -> memref<160x129xf32, #tpu.memory_space<hbm>>
      tpu.enqueue_dma source(%arg8 : memref<160x129xf32, #tpu.memory_space<vmem>>) target(%dma_start3A_425 : memref<160x129xf32, #tpu.memory_space<hbm>>) target_semaphore(%arg16 : memref<!tpu.dma_semaphore, #tpu.memory_space<semaphore_mem>>)
    } else {
    }
    %gt3A_188 = arith.constant 8 : i32
    %gt3A_189 = arith.cmpi sgt, %sub3A_47, %gt3A_188 : i32
    %convert_element_type3A_190 = arith.extui %gt3A_189 : i1 to i32
    %cond3A_191 = arith.constant 0 : i32
    %cond3A_192 = arith.cmpi ne, %convert_element_type3A_190, %cond3A_191 : i32
    scf.if %cond3A_192 {
      %add3A_348 = arith.constant 8 : i32
      %add3A_349 = arith.addi %select_n3A, %add3A_348 : i32
      %mul3A_350 = arith.constant 160 : i32
      %mul3A_351 = arith.muli %add3A_349, %mul3A_350 : i32
      %dma_wait3A = arith.constant 0 : i32
      %dma_wait3A_352 = tpu.memref_slice %arg5[%mul3A_351, %dma_wait3A] : memref<100000x129xf32, #tpu.memory_space<hbm>> -> memref<160x129xf32, #tpu.memory_space<hbm>>
      %dma_wait3A_353 = arith.constant 0 : i32
      %dma_wait3A_354 = tpu.memref_slice %arg5[%mul3A_351, %dma_wait3A_353] : memref<100000x129xf32, #tpu.memory_space<hbm>> -> memref<160x129xf32, #tpu.memory_space<hbm>>
      tpu.wait_dma2 semaphore(%arg16 : memref<!tpu.dma_semaphore, #tpu.memory_space<semaphore_mem>>) src(%arg8 : memref<160x129xf32, #tpu.memory_space<vmem>>) dst(%dma_wait3A_354 : memref<160x129xf32, #tpu.memory_space<hbm>>)
    } else {
    }
    %gt3A_193 = arith.constant 11 : i32
    %gt3A_194 = arith.cmpi sgt, %sub3A_47, %gt3A_193 : i32
    %convert_element_type3A_195 = arith.extui %gt3A_194 : i1 to i32
    %cond3A_196 = arith.constant 0 : i32
    %cond3A_197 = arith.cmpi ne, %convert_element_type3A_195, %cond3A_196 : i32
    scf.if %cond3A_197 {
      %add3A_348 = arith.constant 11 : i32
      %add3A_349 = arith.addi %select_n3A, %add3A_348 : i32
      %mul3A_350 = arith.constant 160 : i32
      %mul3A_351 = arith.muli %add3A_349, %mul3A_350 : i32
      %dma_start3A = arith.constant 0 : i32
      %dma_start3A_352 = arith.constant 0 : i32
      %dma_start3A_353 = tpu.memref_slice %arg8[%dma_start3A, %dma_start3A_352] : memref<160x129xf32, #tpu.memory_space<vmem>> -> memref<160x128xf32, #tpu.memory_space<vmem>>
      %dma_start3A_354 = arith.constant 0 : i32
      %dma_start3A_355 = tpu.memref_slice %arg2[%mul3A_351, %dma_start3A_354] : memref<100000x128xf32, #tpu.memory_space<hbm>> -> memref<160x128xf32, #tpu.memory_space<hbm>>
      %dma_start3A_356 = arith.constant 0 : i32
      %dma_start3A_357 = arith.constant 0 : i32
      %dma_start3A_358 = tpu.memref_slice %arg8[%dma_start3A_356, %dma_start3A_357] : memref<160x129xf32, #tpu.memory_space<vmem>> -> memref<160x128xf32, #tpu.memory_space<vmem>>
      %dma_start3A_359 = arith.constant 0 : i32
      %dma_start3A_360 = tpu.memref_slice %arg2[%mul3A_351, %dma_start3A_359] : memref<100000x128xf32, #tpu.memory_space<hbm>> -> memref<160x128xf32, #tpu.memory_space<hbm>>
      tpu.enqueue_dma source(%dma_start3A_360 : memref<160x128xf32, #tpu.memory_space<hbm>>) target(%dma_start3A_358 : memref<160x128xf32, #tpu.memory_space<vmem>>) target_semaphore(%arg13 : memref<!tpu.dma_semaphore, #tpu.memory_space<semaphore_mem>>)
    } else {
    }
    %gt3A_198 = arith.constant 9 : i32
    %gt3A_199 = arith.cmpi sgt, %sub3A_47, %gt3A_198 : i32
    %convert_element_type3A_200 = arith.extui %gt3A_199 : i1 to i32
    %cond3A_201 = arith.constant 0 : i32
    %cond3A_202 = arith.cmpi ne, %convert_element_type3A_200, %cond3A_201 : i32
    scf.if %cond3A_202 {
      %get3A = arith.constant 1440 : index
      %get3A_348 = tpu.vector_load %arg9[%get3A] {strides = array<i32>} : memref<3200xi32, #tpu.memory_space<vmem>>, vector<16xi32>,
      %gather3A = tpu.vector_load_idx %arg10[%get3A_348] : memref<1024xf32, #tpu.memory_space<vmem>>[vector<16xi32>], vector<16xf32>,
      %add3A_349 = arith.constant 0 : i32
      %add3A_350 = vector.broadcast %add3A_349 : i32 to vector<16xi32>
      %add3A_351 = arith.addi %iota3A, %add3A_350 : vector<16xi32>
      tpu.vector_store_idx %arg6[%add3A_351, %broadcast_in_dim3A_50], %gather3A : memref<160x129xf32, #tpu.memory_space<vmem>>[vector<16xi32>, vector<16xi32>], vector<16xf32>,
      %get3A_352 = arith.constant 1456 : index
      %get3A_353 = tpu.vector_load %arg9[%get3A_352] {strides = array<i32>} : memref<3200xi32, #tpu.memory_space<vmem>>, vector<16xi32>,
      %gather3A_354 = tpu.vector_load_idx %arg10[%get3A_353] : memref<1024xf32, #tpu.memory_space<vmem>>[vector<16xi32>], vector<16xf32>,
      %add3A_355 = arith.constant 16 : i32
      %add3A_356 = vector.broadcast %add3A_355 : i32 to vector<16xi32>
      %add3A_357 = arith.addi %iota3A, %add3A_356 : vector<16xi32>
      tpu.vector_store_idx %arg6[%add3A_357, %broadcast_in_dim3A_50], %gather3A_354 : memref<160x129xf32, #tpu.memory_space<vmem>>[vector<16xi32>, vector<16xi32>], vector<16xf32>,
      %get3A_358 = arith.constant 1472 : index
      %get3A_359 = tpu.vector_load %arg9[%get3A_358] {strides = array<i32>} : memref<3200xi32, #tpu.memory_space<vmem>>, vector<16xi32>,
      %gather3A_360 = tpu.vector_load_idx %arg10[%get3A_359] : memref<1024xf32, #tpu.memory_space<vmem>>[vector<16xi32>], vector<16xf32>,
      %add3A_361 = arith.constant 32 : i32
      %add3A_362 = vector.broadcast %add3A_361 : i32 to vector<16xi32>
      %add3A_363 = arith.addi %iota3A, %add3A_362 : vector<16xi32>
      tpu.vector_store_idx %arg6[%add3A_363, %broadcast_in_dim3A_50], %gather3A_360 : memref<160x129xf32, #tpu.memory_space<vmem>>[vector<16xi32>, vector<16xi32>], vector<16xf32>,
      %get3A_364 = arith.constant 1488 : index
      %get3A_365 = tpu.vector_load %arg9[%get3A_364] {strides = array<i32>} : memref<3200xi32, #tpu.memory_space<vmem>>, vector<16xi32>,
      %gather3A_366 = tpu.vector_load_idx %arg10[%get3A_365] : memref<1024xf32, #tpu.memory_space<vmem>>[vector<16xi32>], vector<16xf32>,
      %add3A_367 = arith.constant 48 : i32
      %add3A_368 = vector.broadcast %add3A_367 : i32 to vector<16xi32>
      %add3A_369 = arith.addi %iota3A, %add3A_368 : vector<16xi32>
      tpu.vector_store_idx %arg6[%add3A_369, %broadcast_in_dim3A_50], %gather3A_366 : memref<160x129xf32, #tpu.memory_space<vmem>>[vector<16xi32>, vector<16xi32>], vector<16xf32>,
      %get3A_370 = arith.constant 1504 : index
      %get3A_371 = tpu.vector_load %arg9[%get3A_370] {strides = array<i32>} : memref<3200xi32, #tpu.memory_space<vmem>>, vector<16xi32>,
      %gather3A_372 = tpu.vector_load_idx %arg10[%get3A_371] : memref<1024xf32, #tpu.memory_space<vmem>>[vector<16xi32>], vector<16xf32>,
      %add3A_373 = arith.constant 64 : i32
      %add3A_374 = vector.broadcast %add3A_373 : i32 to vector<16xi32>
      %add3A_375 = arith.addi %iota3A, %add3A_374 : vector<16xi32>
      tpu.vector_store_idx %arg6[%add3A_375, %broadcast_in_dim3A_50], %gather3A_372 : memref<160x129xf32, #tpu.memory_space<vmem>>[vector<16xi32>, vector<16xi32>], vector<16xf32>,
      %get3A_376 = arith.constant 1520 : index
      %get3A_377 = tpu.vector_load %arg9[%get3A_376] {strides = array<i32>} : memref<3200xi32, #tpu.memory_space<vmem>>, vector<16xi32>,
      %gather3A_378 = tpu.vector_load_idx %arg10[%get3A_377] : memref<1024xf32, #tpu.memory_space<vmem>>[vector<16xi32>], vector<16xf32>,
      %add3A_379 = arith.constant 80 : i32
      %add3A_380 = vector.broadcast %add3A_379 : i32 to vector<16xi32>
      %add3A_381 = arith.addi %iota3A, %add3A_380 : vector<16xi32>
      tpu.vector_store_idx %arg6[%add3A_381, %broadcast_in_dim3A_50], %gather3A_378 : memref<160x129xf32, #tpu.memory_space<vmem>>[vector<16xi32>, vector<16xi32>], vector<16xf32>,
      %get3A_382 = arith.constant 1536 : index
      %get3A_383 = tpu.vector_load %arg9[%get3A_382] {strides = array<i32>} : memref<3200xi32, #tpu.memory_space<vmem>>, vector<16xi32>,
      %gather3A_384 = tpu.vector_load_idx %arg10[%get3A_383] : memref<1024xf32, #tpu.memory_space<vmem>>[vector<16xi32>], vector<16xf32>,
      %add3A_385 = arith.constant 96 : i32
      %add3A_386 = vector.broadcast %add3A_385 : i32 to vector<16xi32>
      %add3A_387 = arith.addi %iota3A, %add3A_386 : vector<16xi32>
      tpu.vector_store_idx %arg6[%add3A_387, %broadcast_in_dim3A_50], %gather3A_384 : memref<160x129xf32, #tpu.memory_space<vmem>>[vector<16xi32>, vector<16xi32>], vector<16xf32>,
      %get3A_388 = arith.constant 1552 : index
      %get3A_389 = tpu.vector_load %arg9[%get3A_388] {strides = array<i32>} : memref<3200xi32, #tpu.memory_space<vmem>>, vector<16xi32>,
      %gather3A_390 = tpu.vector_load_idx %arg10[%get3A_389] : memref<1024xf32, #tpu.memory_space<vmem>>[vector<16xi32>], vector<16xf32>,
      %add3A_391 = arith.constant 112 : i32
      %add3A_392 = vector.broadcast %add3A_391 : i32 to vector<16xi32>
      %add3A_393 = arith.addi %iota3A, %add3A_392 : vector<16xi32>
      tpu.vector_store_idx %arg6[%add3A_393, %broadcast_in_dim3A_50], %gather3A_390 : memref<160x129xf32, #tpu.memory_space<vmem>>[vector<16xi32>, vector<16xi32>], vector<16xf32>,
      %get3A_394 = arith.constant 1568 : index
      %get3A_395 = tpu.vector_load %arg9[%get3A_394] {strides = array<i32>} : memref<3200xi32, #tpu.memory_space<vmem>>, vector<16xi32>,
      %gather3A_396 = tpu.vector_load_idx %arg10[%get3A_395] : memref<1024xf32, #tpu.memory_space<vmem>>[vector<16xi32>], vector<16xf32>,
      %add3A_397 = arith.constant 128 : i32
      %add3A_398 = vector.broadcast %add3A_397 : i32 to vector<16xi32>
      %add3A_399 = arith.addi %iota3A, %add3A_398 : vector<16xi32>
      tpu.vector_store_idx %arg6[%add3A_399, %broadcast_in_dim3A_50], %gather3A_396 : memref<160x129xf32, #tpu.memory_space<vmem>>[vector<16xi32>, vector<16xi32>], vector<16xf32>,
      %get3A_400 = arith.constant 1584 : index
      %get3A_401 = tpu.vector_load %arg9[%get3A_400] {strides = array<i32>} : memref<3200xi32, #tpu.memory_space<vmem>>, vector<16xi32>,
      %gather3A_402 = tpu.vector_load_idx %arg10[%get3A_401] : memref<1024xf32, #tpu.memory_space<vmem>>[vector<16xi32>], vector<16xf32>,
      %add3A_403 = arith.constant 144 : i32
      %add3A_404 = vector.broadcast %add3A_403 : i32 to vector<16xi32>
      %add3A_405 = arith.addi %iota3A, %add3A_404 : vector<16xi32>
      tpu.vector_store_idx %arg6[%add3A_405, %broadcast_in_dim3A_50], %gather3A_402 : memref<160x129xf32, #tpu.memory_space<vmem>>[vector<16xi32>, vector<16xi32>], vector<16xf32>,
      %add3A_406 = arith.constant 9 : i32
      %add3A_407 = arith.addi %select_n3A, %add3A_406 : i32
      %mul3A_408 = arith.constant 160 : i32
      %mul3A_409 = arith.muli %add3A_407, %mul3A_408 : i32
      %dma_wait3A = arith.constant 0 : i32
      %dma_wait3A_410 = arith.constant 0 : i32
      %dma_wait3A_411 = tpu.memref_slice %arg6[%dma_wait3A, %dma_wait3A_410] : memref<160x129xf32, #tpu.memory_space<vmem>> -> memref<160x128xf32, #tpu.memory_space<vmem>>
      %dma_wait3A_412 = arith.constant 0 : i32
      %dma_wait3A_413 = tpu.memref_slice %arg2[%mul3A_409, %dma_wait3A_412] : memref<100000x128xf32, #tpu.memory_space<hbm>> -> memref<160x128xf32, #tpu.memory_space<hbm>>
      %dma_wait3A_414 = arith.constant 0 : i32
      %dma_wait3A_415 = arith.constant 0 : i32
      %dma_wait3A_416 = tpu.memref_slice %arg6[%dma_wait3A_414, %dma_wait3A_415] : memref<160x129xf32, #tpu.memory_space<vmem>> -> memref<160x128xf32, #tpu.memory_space<vmem>>
      %dma_wait3A_417 = arith.constant 0 : i32
      %dma_wait3A_418 = tpu.memref_slice %arg2[%mul3A_409, %dma_wait3A_417] : memref<100000x128xf32, #tpu.memory_space<hbm>> -> memref<160x128xf32, #tpu.memory_space<hbm>>
      tpu.wait_dma2 semaphore(%arg11 : memref<!tpu.dma_semaphore, #tpu.memory_space<semaphore_mem>>) src(%dma_wait3A_418 : memref<160x128xf32, #tpu.memory_space<hbm>>) dst(%dma_wait3A_416 : memref<160x128xf32, #tpu.memory_space<vmem>>)
      %add3A_419 = arith.constant 9 : i32
      %add3A_420 = arith.addi %select_n3A, %add3A_419 : i32
      %mul3A_421 = arith.constant 160 : i32
      %mul3A_422 = arith.muli %add3A_420, %mul3A_421 : i32
      %dma_start3A = arith.constant 0 : i32
      %dma_start3A_423 = tpu.memref_slice %arg5[%mul3A_422, %dma_start3A] : memref<100000x129xf32, #tpu.memory_space<hbm>> -> memref<160x129xf32, #tpu.memory_space<hbm>>
      %dma_start3A_424 = arith.constant 0 : i32
      %dma_start3A_425 = tpu.memref_slice %arg5[%mul3A_422, %dma_start3A_424] : memref<100000x129xf32, #tpu.memory_space<hbm>> -> memref<160x129xf32, #tpu.memory_space<hbm>>
      tpu.enqueue_dma source(%arg6 : memref<160x129xf32, #tpu.memory_space<vmem>>) target(%dma_start3A_425 : memref<160x129xf32, #tpu.memory_space<hbm>>) target_semaphore(%arg14 : memref<!tpu.dma_semaphore, #tpu.memory_space<semaphore_mem>>)
    } else {
    }
    %gt3A_203 = arith.constant 9 : i32
    %gt3A_204 = arith.cmpi sgt, %sub3A_47, %gt3A_203 : i32
    %convert_element_type3A_205 = arith.extui %gt3A_204 : i1 to i32
    %cond3A_206 = arith.constant 0 : i32
    %cond3A_207 = arith.cmpi ne, %convert_element_type3A_205, %cond3A_206 : i32
    scf.if %cond3A_207 {
      %add3A_348 = arith.constant 9 : i32
      %add3A_349 = arith.addi %select_n3A, %add3A_348 : i32
      %mul3A_350 = arith.constant 160 : i32
      %mul3A_351 = arith.muli %add3A_349, %mul3A_350 : i32
      %dma_wait3A = arith.constant 0 : i32
      %dma_wait3A_352 = tpu.memref_slice %arg5[%mul3A_351, %dma_wait3A] : memref<100000x129xf32, #tpu.memory_space<hbm>> -> memref<160x129xf32, #tpu.memory_space<hbm>>
      %dma_wait3A_353 = arith.constant 0 : i32
      %dma_wait3A_354 = tpu.memref_slice %arg5[%mul3A_351, %dma_wait3A_353] : memref<100000x129xf32, #tpu.memory_space<hbm>> -> memref<160x129xf32, #tpu.memory_space<hbm>>
      tpu.wait_dma2 semaphore(%arg14 : memref<!tpu.dma_semaphore, #tpu.memory_space<semaphore_mem>>) src(%arg6 : memref<160x129xf32, #tpu.memory_space<vmem>>) dst(%dma_wait3A_354 : memref<160x129xf32, #tpu.memory_space<hbm>>)
    } else {
    }
    %gt3A_208 = arith.constant 12 : i32
    %gt3A_209 = arith.cmpi sgt, %sub3A_47, %gt3A_208 : i32
    %convert_element_type3A_210 = arith.extui %gt3A_209 : i1 to i32
    %cond3A_211 = arith.constant 0 : i32
    %cond3A_212 = arith.cmpi ne, %convert_element_type3A_210, %cond3A_211 : i32
    scf.if %cond3A_212 {
      %add3A_348 = arith.constant 12 : i32
      %add3A_349 = arith.addi %select_n3A, %add3A_348 : i32
      %mul3A_350 = arith.constant 160 : i32
      %mul3A_351 = arith.muli %add3A_349, %mul3A_350 : i32
      %dma_start3A = arith.constant 0 : i32
      %dma_start3A_352 = arith.constant 0 : i32
      %dma_start3A_353 = tpu.memref_slice %arg6[%dma_start3A, %dma_start3A_352] : memref<160x129xf32, #tpu.memory_space<vmem>> -> memref<160x128xf32, #tpu.memory_space<vmem>>
      %dma_start3A_354 = arith.constant 0 : i32
      %dma_start3A_355 = tpu.memref_slice %arg2[%mul3A_351, %dma_start3A_354] : memref<100000x128xf32, #tpu.memory_space<hbm>> -> memref<160x128xf32, #tpu.memory_space<hbm>>
      %dma_start3A_356 = arith.constant 0 : i32
      %dma_start3A_357 = arith.constant 0 : i32
      %dma_start3A_358 = tpu.memref_slice %arg6[%dma_start3A_356, %dma_start3A_357] : memref<160x129xf32, #tpu.memory_space<vmem>> -> memref<160x128xf32, #tpu.memory_space<vmem>>
      %dma_start3A_359 = arith.constant 0 : i32
      %dma_start3A_360 = tpu.memref_slice %arg2[%mul3A_351, %dma_start3A_359] : memref<100000x128xf32, #tpu.memory_space<hbm>> -> memref<160x128xf32, #tpu.memory_space<hbm>>
      tpu.enqueue_dma source(%dma_start3A_360 : memref<160x128xf32, #tpu.memory_space<hbm>>) target(%dma_start3A_358 : memref<160x128xf32, #tpu.memory_space<vmem>>) target_semaphore(%arg11 : memref<!tpu.dma_semaphore, #tpu.memory_space<semaphore_mem>>)
    } else {
    }
    %gt3A_213 = arith.constant 10 : i32
    %gt3A_214 = arith.cmpi sgt, %sub3A_47, %gt3A_213 : i32
    %convert_element_type3A_215 = arith.extui %gt3A_214 : i1 to i32
    %cond3A_216 = arith.constant 0 : i32
    %cond3A_217 = arith.cmpi ne, %convert_element_type3A_215, %cond3A_216 : i32
    scf.if %cond3A_217 {
      %get3A = arith.constant 1600 : index
      %get3A_348 = tpu.vector_load %arg9[%get3A] {strides = array<i32>} : memref<3200xi32, #tpu.memory_space<vmem>>, vector<16xi32>,
      %gather3A = tpu.vector_load_idx %arg10[%get3A_348] : memref<1024xf32, #tpu.memory_space<vmem>>[vector<16xi32>], vector<16xf32>,
      %add3A_349 = arith.constant 0 : i32
      %add3A_350 = vector.broadcast %add3A_349 : i32 to vector<16xi32>
      %add3A_351 = arith.addi %iota3A, %add3A_350 : vector<16xi32>
      tpu.vector_store_idx %arg7[%add3A_351, %broadcast_in_dim3A_50], %gather3A : memref<160x129xf32, #tpu.memory_space<vmem>>[vector<16xi32>, vector<16xi32>], vector<16xf32>,
      %get3A_352 = arith.constant 1616 : index
      %get3A_353 = tpu.vector_load %arg9[%get3A_352] {strides = array<i32>} : memref<3200xi32, #tpu.memory_space<vmem>>, vector<16xi32>,
      %gather3A_354 = tpu.vector_load_idx %arg10[%get3A_353] : memref<1024xf32, #tpu.memory_space<vmem>>[vector<16xi32>], vector<16xf32>,
      %add3A_355 = arith.constant 16 : i32
      %add3A_356 = vector.broadcast %add3A_355 : i32 to vector<16xi32>
      %add3A_357 = arith.addi %iota3A, %add3A_356 : vector<16xi32>
      tpu.vector_store_idx %arg7[%add3A_357, %broadcast_in_dim3A_50], %gather3A_354 : memref<160x129xf32, #tpu.memory_space<vmem>>[vector<16xi32>, vector<16xi32>], vector<16xf32>,
      %get3A_358 = arith.constant 1632 : index
      %get3A_359 = tpu.vector_load %arg9[%get3A_358] {strides = array<i32>} : memref<3200xi32, #tpu.memory_space<vmem>>, vector<16xi32>,
      %gather3A_360 = tpu.vector_load_idx %arg10[%get3A_359] : memref<1024xf32, #tpu.memory_space<vmem>>[vector<16xi32>], vector<16xf32>,
      %add3A_361 = arith.constant 32 : i32
      %add3A_362 = vector.broadcast %add3A_361 : i32 to vector<16xi32>
      %add3A_363 = arith.addi %iota3A, %add3A_362 : vector<16xi32>
      tpu.vector_store_idx %arg7[%add3A_363, %broadcast_in_dim3A_50], %gather3A_360 : memref<160x129xf32, #tpu.memory_space<vmem>>[vector<16xi32>, vector<16xi32>], vector<16xf32>,
      %get3A_364 = arith.constant 1648 : index
      %get3A_365 = tpu.vector_load %arg9[%get3A_364] {strides = array<i32>} : memref<3200xi32, #tpu.memory_space<vmem>>, vector<16xi32>,
      %gather3A_366 = tpu.vector_load_idx %arg10[%get3A_365] : memref<1024xf32, #tpu.memory_space<vmem>>[vector<16xi32>], vector<16xf32>,
      %add3A_367 = arith.constant 48 : i32
      %add3A_368 = vector.broadcast %add3A_367 : i32 to vector<16xi32>
      %add3A_369 = arith.addi %iota3A, %add3A_368 : vector<16xi32>
      tpu.vector_store_idx %arg7[%add3A_369, %broadcast_in_dim3A_50], %gather3A_366 : memref<160x129xf32, #tpu.memory_space<vmem>>[vector<16xi32>, vector<16xi32>], vector<16xf32>,
      %get3A_370 = arith.constant 1664 : index
      %get3A_371 = tpu.vector_load %arg9[%get3A_370] {strides = array<i32>} : memref<3200xi32, #tpu.memory_space<vmem>>, vector<16xi32>,
      %gather3A_372 = tpu.vector_load_idx %arg10[%get3A_371] : memref<1024xf32, #tpu.memory_space<vmem>>[vector<16xi32>], vector<16xf32>,
      %add3A_373 = arith.constant 64 : i32
      %add3A_374 = vector.broadcast %add3A_373 : i32 to vector<16xi32>
      %add3A_375 = arith.addi %iota3A, %add3A_374 : vector<16xi32>
      tpu.vector_store_idx %arg7[%add3A_375, %broadcast_in_dim3A_50], %gather3A_372 : memref<160x129xf32, #tpu.memory_space<vmem>>[vector<16xi32>, vector<16xi32>], vector<16xf32>,
      %get3A_376 = arith.constant 1680 : index
      %get3A_377 = tpu.vector_load %arg9[%get3A_376] {strides = array<i32>} : memref<3200xi32, #tpu.memory_space<vmem>>, vector<16xi32>,
      %gather3A_378 = tpu.vector_load_idx %arg10[%get3A_377] : memref<1024xf32, #tpu.memory_space<vmem>>[vector<16xi32>], vector<16xf32>,
      %add3A_379 = arith.constant 80 : i32
      %add3A_380 = vector.broadcast %add3A_379 : i32 to vector<16xi32>
      %add3A_381 = arith.addi %iota3A, %add3A_380 : vector<16xi32>
      tpu.vector_store_idx %arg7[%add3A_381, %broadcast_in_dim3A_50], %gather3A_378 : memref<160x129xf32, #tpu.memory_space<vmem>>[vector<16xi32>, vector<16xi32>], vector<16xf32>,
      %get3A_382 = arith.constant 1696 : index
      %get3A_383 = tpu.vector_load %arg9[%get3A_382] {strides = array<i32>} : memref<3200xi32, #tpu.memory_space<vmem>>, vector<16xi32>,
      %gather3A_384 = tpu.vector_load_idx %arg10[%get3A_383] : memref<1024xf32, #tpu.memory_space<vmem>>[vector<16xi32>], vector<16xf32>,
      %add3A_385 = arith.constant 96 : i32
      %add3A_386 = vector.broadcast %add3A_385 : i32 to vector<16xi32>
      %add3A_387 = arith.addi %iota3A, %add3A_386 : vector<16xi32>
      tpu.vector_store_idx %arg7[%add3A_387, %broadcast_in_dim3A_50], %gather3A_384 : memref<160x129xf32, #tpu.memory_space<vmem>>[vector<16xi32>, vector<16xi32>], vector<16xf32>,
      %get3A_388 = arith.constant 1712 : index
      %get3A_389 = tpu.vector_load %arg9[%get3A_388] {strides = array<i32>} : memref<3200xi32, #tpu.memory_space<vmem>>, vector<16xi32>,
      %gather3A_390 = tpu.vector_load_idx %arg10[%get3A_389] : memref<1024xf32, #tpu.memory_space<vmem>>[vector<16xi32>], vector<16xf32>,
      %add3A_391 = arith.constant 112 : i32
      %add3A_392 = vector.broadcast %add3A_391 : i32 to vector<16xi32>
      %add3A_393 = arith.addi %iota3A, %add3A_392 : vector<16xi32>
      tpu.vector_store_idx %arg7[%add3A_393, %broadcast_in_dim3A_50], %gather3A_390 : memref<160x129xf32, #tpu.memory_space<vmem>>[vector<16xi32>, vector<16xi32>], vector<16xf32>,
      %get3A_394 = arith.constant 1728 : index
      %get3A_395 = tpu.vector_load %arg9[%get3A_394] {strides = array<i32>} : memref<3200xi32, #tpu.memory_space<vmem>>, vector<16xi32>,
      %gather3A_396 = tpu.vector_load_idx %arg10[%get3A_395] : memref<1024xf32, #tpu.memory_space<vmem>>[vector<16xi32>], vector<16xf32>,
      %add3A_397 = arith.constant 128 : i32
      %add3A_398 = vector.broadcast %add3A_397 : i32 to vector<16xi32>
      %add3A_399 = arith.addi %iota3A, %add3A_398 : vector<16xi32>
      tpu.vector_store_idx %arg7[%add3A_399, %broadcast_in_dim3A_50], %gather3A_396 : memref<160x129xf32, #tpu.memory_space<vmem>>[vector<16xi32>, vector<16xi32>], vector<16xf32>,
      %get3A_400 = arith.constant 1744 : index
      %get3A_401 = tpu.vector_load %arg9[%get3A_400] {strides = array<i32>} : memref<3200xi32, #tpu.memory_space<vmem>>, vector<16xi32>,
      %gather3A_402 = tpu.vector_load_idx %arg10[%get3A_401] : memref<1024xf32, #tpu.memory_space<vmem>>[vector<16xi32>], vector<16xf32>,
      %add3A_403 = arith.constant 144 : i32
      %add3A_404 = vector.broadcast %add3A_403 : i32 to vector<16xi32>
      %add3A_405 = arith.addi %iota3A, %add3A_404 : vector<16xi32>
      tpu.vector_store_idx %arg7[%add3A_405, %broadcast_in_dim3A_50], %gather3A_402 : memref<160x129xf32, #tpu.memory_space<vmem>>[vector<16xi32>, vector<16xi32>], vector<16xf32>,
      %add3A_406 = arith.constant 10 : i32
      %add3A_407 = arith.addi %select_n3A, %add3A_406 : i32
      %mul3A_408 = arith.constant 160 : i32
      %mul3A_409 = arith.muli %add3A_407, %mul3A_408 : i32
      %dma_wait3A = arith.constant 0 : i32
      %dma_wait3A_410 = arith.constant 0 : i32
      %dma_wait3A_411 = tpu.memref_slice %arg7[%dma_wait3A, %dma_wait3A_410] : memref<160x129xf32, #tpu.memory_space<vmem>> -> memref<160x128xf32, #tpu.memory_space<vmem>>
      %dma_wait3A_412 = arith.constant 0 : i32
      %dma_wait3A_413 = tpu.memref_slice %arg2[%mul3A_409, %dma_wait3A_412] : memref<100000x128xf32, #tpu.memory_space<hbm>> -> memref<160x128xf32, #tpu.memory_space<hbm>>
      %dma_wait3A_414 = arith.constant 0 : i32
      %dma_wait3A_415 = arith.constant 0 : i32
      %dma_wait3A_416 = tpu.memref_slice %arg7[%dma_wait3A_414, %dma_wait3A_415] : memref<160x129xf32, #tpu.memory_space<vmem>> -> memref<160x128xf32, #tpu.memory_space<vmem>>
      %dma_wait3A_417 = arith.constant 0 : i32
      %dma_wait3A_418 = tpu.memref_slice %arg2[%mul3A_409, %dma_wait3A_417] : memref<100000x128xf32, #tpu.memory_space<hbm>> -> memref<160x128xf32, #tpu.memory_space<hbm>>
      tpu.wait_dma2 semaphore(%arg12 : memref<!tpu.dma_semaphore, #tpu.memory_space<semaphore_mem>>) src(%dma_wait3A_418 : memref<160x128xf32, #tpu.memory_space<hbm>>) dst(%dma_wait3A_416 : memref<160x128xf32, #tpu.memory_space<vmem>>)
      %add3A_419 = arith.constant 10 : i32
      %add3A_420 = arith.addi %select_n3A, %add3A_419 : i32
      %mul3A_421 = arith.constant 160 : i32
      %mul3A_422 = arith.muli %add3A_420, %mul3A_421 : i32
      %dma_start3A = arith.constant 0 : i32
      %dma_start3A_423 = tpu.memref_slice %arg5[%mul3A_422, %dma_start3A] : memref<100000x129xf32, #tpu.memory_space<hbm>> -> memref<160x129xf32, #tpu.memory_space<hbm>>
      %dma_start3A_424 = arith.constant 0 : i32
      %dma_start3A_425 = tpu.memref_slice %arg5[%mul3A_422, %dma_start3A_424] : memref<100000x129xf32, #tpu.memory_space<hbm>> -> memref<160x129xf32, #tpu.memory_space<hbm>>
      tpu.enqueue_dma source(%arg7 : memref<160x129xf32, #tpu.memory_space<vmem>>) target(%dma_start3A_425 : memref<160x129xf32, #tpu.memory_space<hbm>>) target_semaphore(%arg15 : memref<!tpu.dma_semaphore, #tpu.memory_space<semaphore_mem>>)
    } else {
    }
    %gt3A_218 = arith.constant 10 : i32
    %gt3A_219 = arith.cmpi sgt, %sub3A_47, %gt3A_218 : i32
    %convert_element_type3A_220 = arith.extui %gt3A_219 : i1 to i32
    %cond3A_221 = arith.constant 0 : i32
    %cond3A_222 = arith.cmpi ne, %convert_element_type3A_220, %cond3A_221 : i32
    scf.if %cond3A_222 {
      %add3A_348 = arith.constant 10 : i32
      %add3A_349 = arith.addi %select_n3A, %add3A_348 : i32
      %mul3A_350 = arith.constant 160 : i32
      %mul3A_351 = arith.muli %add3A_349, %mul3A_350 : i32
      %dma_wait3A = arith.constant 0 : i32
      %dma_wait3A_352 = tpu.memref_slice %arg5[%mul3A_351, %dma_wait3A] : memref<100000x129xf32, #tpu.memory_space<hbm>> -> memref<160x129xf32, #tpu.memory_space<hbm>>
      %dma_wait3A_353 = arith.constant 0 : i32
      %dma_wait3A_354 = tpu.memref_slice %arg5[%mul3A_351, %dma_wait3A_353] : memref<100000x129xf32, #tpu.memory_space<hbm>> -> memref<160x129xf32, #tpu.memory_space<hbm>>
      tpu.wait_dma2 semaphore(%arg15 : memref<!tpu.dma_semaphore, #tpu.memory_space<semaphore_mem>>) src(%arg7 : memref<160x129xf32, #tpu.memory_space<vmem>>) dst(%dma_wait3A_354 : memref<160x129xf32, #tpu.memory_space<hbm>>)
    } else {
    }
    %gt3A_223 = arith.constant 13 : i32
    %gt3A_224 = arith.cmpi sgt, %sub3A_47, %gt3A_223 : i32
    %convert_element_type3A_225 = arith.extui %gt3A_224 : i1 to i32
    %cond3A_226 = arith.constant 0 : i32
    %cond3A_227 = arith.cmpi ne, %convert_element_type3A_225, %cond3A_226 : i32
    scf.if %cond3A_227 {
      %add3A_348 = arith.constant 13 : i32
      %add3A_349 = arith.addi %select_n3A, %add3A_348 : i32
      %mul3A_350 = arith.constant 160 : i32
      %mul3A_351 = arith.muli %add3A_349, %mul3A_350 : i32
      %dma_start3A = arith.constant 0 : i32
      %dma_start3A_352 = arith.constant 0 : i32
      %dma_start3A_353 = tpu.memref_slice %arg7[%dma_start3A, %dma_start3A_352] : memref<160x129xf32, #tpu.memory_space<vmem>> -> memref<160x128xf32, #tpu.memory_space<vmem>>
      %dma_start3A_354 = arith.constant 0 : i32
      %dma_start3A_355 = tpu.memref_slice %arg2[%mul3A_351, %dma_start3A_354] : memref<100000x128xf32, #tpu.memory_space<hbm>> -> memref<160x128xf32, #tpu.memory_space<hbm>>
      %dma_start3A_356 = arith.constant 0 : i32
      %dma_start3A_357 = arith.constant 0 : i32
      %dma_start3A_358 = tpu.memref_slice %arg7[%dma_start3A_356, %dma_start3A_357] : memref<160x129xf32, #tpu.memory_space<vmem>> -> memref<160x128xf32, #tpu.memory_space<vmem>>
      %dma_start3A_359 = arith.constant 0 : i32
      %dma_start3A_360 = tpu.memref_slice %arg2[%mul3A_351, %dma_start3A_359] : memref<100000x128xf32, #tpu.memory_space<hbm>> -> memref<160x128xf32, #tpu.memory_space<hbm>>
      tpu.enqueue_dma source(%dma_start3A_360 : memref<160x128xf32, #tpu.memory_space<hbm>>) target(%dma_start3A_358 : memref<160x128xf32, #tpu.memory_space<vmem>>) target_semaphore(%arg12 : memref<!tpu.dma_semaphore, #tpu.memory_space<semaphore_mem>>)
    } else {
    }
    %gt3A_228 = arith.constant 11 : i32
    %gt3A_229 = arith.cmpi sgt, %sub3A_47, %gt3A_228 : i32
    %convert_element_type3A_230 = arith.extui %gt3A_229 : i1 to i32
    %cond3A_231 = arith.constant 0 : i32
    %cond3A_232 = arith.cmpi ne, %convert_element_type3A_230, %cond3A_231 : i32
    scf.if %cond3A_232 {
      %get3A = arith.constant 1760 : index
      %get3A_348 = tpu.vector_load %arg9[%get3A] {strides = array<i32>} : memref<3200xi32, #tpu.memory_space<vmem>>, vector<16xi32>,
      %gather3A = tpu.vector_load_idx %arg10[%get3A_348] : memref<1024xf32, #tpu.memory_space<vmem>>[vector<16xi32>], vector<16xf32>,
      %add3A_349 = arith.constant 0 : i32
      %add3A_350 = vector.broadcast %add3A_349 : i32 to vector<16xi32>
      %add3A_351 = arith.addi %iota3A, %add3A_350 : vector<16xi32>
      tpu.vector_store_idx %arg8[%add3A_351, %broadcast_in_dim3A_50], %gather3A : memref<160x129xf32, #tpu.memory_space<vmem>>[vector<16xi32>, vector<16xi32>], vector<16xf32>,
      %get3A_352 = arith.constant 1776 : index
      %get3A_353 = tpu.vector_load %arg9[%get3A_352] {strides = array<i32>} : memref<3200xi32, #tpu.memory_space<vmem>>, vector<16xi32>,
      %gather3A_354 = tpu.vector_load_idx %arg10[%get3A_353] : memref<1024xf32, #tpu.memory_space<vmem>>[vector<16xi32>], vector<16xf32>,
      %add3A_355 = arith.constant 16 : i32
      %add3A_356 = vector.broadcast %add3A_355 : i32 to vector<16xi32>
      %add3A_357 = arith.addi %iota3A, %add3A_356 : vector<16xi32>
      tpu.vector_store_idx %arg8[%add3A_357, %broadcast_in_dim3A_50], %gather3A_354 : memref<160x129xf32, #tpu.memory_space<vmem>>[vector<16xi32>, vector<16xi32>], vector<16xf32>,
      %get3A_358 = arith.constant 1792 : index
      %get3A_359 = tpu.vector_load %arg9[%get3A_358] {strides = array<i32>} : memref<3200xi32, #tpu.memory_space<vmem>>, vector<16xi32>,
      %gather3A_360 = tpu.vector_load_idx %arg10[%get3A_359] : memref<1024xf32, #tpu.memory_space<vmem>>[vector<16xi32>], vector<16xf32>,
      %add3A_361 = arith.constant 32 : i32
      %add3A_362 = vector.broadcast %add3A_361 : i32 to vector<16xi32>
      %add3A_363 = arith.addi %iota3A, %add3A_362 : vector<16xi32>
      tpu.vector_store_idx %arg8[%add3A_363, %broadcast_in_dim3A_50], %gather3A_360 : memref<160x129xf32, #tpu.memory_space<vmem>>[vector<16xi32>, vector<16xi32>], vector<16xf32>,
      %get3A_364 = arith.constant 1808 : index
      %get3A_365 = tpu.vector_load %arg9[%get3A_364] {strides = array<i32>} : memref<3200xi32, #tpu.memory_space<vmem>>, vector<16xi32>,
      %gather3A_366 = tpu.vector_load_idx %arg10[%get3A_365] : memref<1024xf32, #tpu.memory_space<vmem>>[vector<16xi32>], vector<16xf32>,
      %add3A_367 = arith.constant 48 : i32
      %add3A_368 = vector.broadcast %add3A_367 : i32 to vector<16xi32>
      %add3A_369 = arith.addi %iota3A, %add3A_368 : vector<16xi32>
      tpu.vector_store_idx %arg8[%add3A_369, %broadcast_in_dim3A_50], %gather3A_366 : memref<160x129xf32, #tpu.memory_space<vmem>>[vector<16xi32>, vector<16xi32>], vector<16xf32>,
      %get3A_370 = arith.constant 1824 : index
      %get3A_371 = tpu.vector_load %arg9[%get3A_370] {strides = array<i32>} : memref<3200xi32, #tpu.memory_space<vmem>>, vector<16xi32>,
      %gather3A_372 = tpu.vector_load_idx %arg10[%get3A_371] : memref<1024xf32, #tpu.memory_space<vmem>>[vector<16xi32>], vector<16xf32>,
      %add3A_373 = arith.constant 64 : i32
      %add3A_374 = vector.broadcast %add3A_373 : i32 to vector<16xi32>
      %add3A_375 = arith.addi %iota3A, %add3A_374 : vector<16xi32>
      tpu.vector_store_idx %arg8[%add3A_375, %broadcast_in_dim3A_50], %gather3A_372 : memref<160x129xf32, #tpu.memory_space<vmem>>[vector<16xi32>, vector<16xi32>], vector<16xf32>,
      %get3A_376 = arith.constant 1840 : index
      %get3A_377 = tpu.vector_load %arg9[%get3A_376] {strides = array<i32>} : memref<3200xi32, #tpu.memory_space<vmem>>, vector<16xi32>,
      %gather3A_378 = tpu.vector_load_idx %arg10[%get3A_377] : memref<1024xf32, #tpu.memory_space<vmem>>[vector<16xi32>], vector<16xf32>,
      %add3A_379 = arith.constant 80 : i32
      %add3A_380 = vector.broadcast %add3A_379 : i32 to vector<16xi32>
      %add3A_381 = arith.addi %iota3A, %add3A_380 : vector<16xi32>
      tpu.vector_store_idx %arg8[%add3A_381, %broadcast_in_dim3A_50], %gather3A_378 : memref<160x129xf32, #tpu.memory_space<vmem>>[vector<16xi32>, vector<16xi32>], vector<16xf32>,
      %get3A_382 = arith.constant 1856 : index
      %get3A_383 = tpu.vector_load %arg9[%get3A_382] {strides = array<i32>} : memref<3200xi32, #tpu.memory_space<vmem>>, vector<16xi32>,
      %gather3A_384 = tpu.vector_load_idx %arg10[%get3A_383] : memref<1024xf32, #tpu.memory_space<vmem>>[vector<16xi32>], vector<16xf32>,
      %add3A_385 = arith.constant 96 : i32
      %add3A_386 = vector.broadcast %add3A_385 : i32 to vector<16xi32>
      %add3A_387 = arith.addi %iota3A, %add3A_386 : vector<16xi32>
      tpu.vector_store_idx %arg8[%add3A_387, %broadcast_in_dim3A_50], %gather3A_384 : memref<160x129xf32, #tpu.memory_space<vmem>>[vector<16xi32>, vector<16xi32>], vector<16xf32>,
      %get3A_388 = arith.constant 1872 : index
      %get3A_389 = tpu.vector_load %arg9[%get3A_388] {strides = array<i32>} : memref<3200xi32, #tpu.memory_space<vmem>>, vector<16xi32>,
      %gather3A_390 = tpu.vector_load_idx %arg10[%get3A_389] : memref<1024xf32, #tpu.memory_space<vmem>>[vector<16xi32>], vector<16xf32>,
      %add3A_391 = arith.constant 112 : i32
      %add3A_392 = vector.broadcast %add3A_391 : i32 to vector<16xi32>
      %add3A_393 = arith.addi %iota3A, %add3A_392 : vector<16xi32>
      tpu.vector_store_idx %arg8[%add3A_393, %broadcast_in_dim3A_50], %gather3A_390 : memref<160x129xf32, #tpu.memory_space<vmem>>[vector<16xi32>, vector<16xi32>], vector<16xf32>,
      %get3A_394 = arith.constant 1888 : index
      %get3A_395 = tpu.vector_load %arg9[%get3A_394] {strides = array<i32>} : memref<3200xi32, #tpu.memory_space<vmem>>, vector<16xi32>,
      %gather3A_396 = tpu.vector_load_idx %arg10[%get3A_395] : memref<1024xf32, #tpu.memory_space<vmem>>[vector<16xi32>], vector<16xf32>,
      %add3A_397 = arith.constant 128 : i32
      %add3A_398 = vector.broadcast %add3A_397 : i32 to vector<16xi32>
      %add3A_399 = arith.addi %iota3A, %add3A_398 : vector<16xi32>
      tpu.vector_store_idx %arg8[%add3A_399, %broadcast_in_dim3A_50], %gather3A_396 : memref<160x129xf32, #tpu.memory_space<vmem>>[vector<16xi32>, vector<16xi32>], vector<16xf32>,
      %get3A_400 = arith.constant 1904 : index
      %get3A_401 = tpu.vector_load %arg9[%get3A_400] {strides = array<i32>} : memref<3200xi32, #tpu.memory_space<vmem>>, vector<16xi32>,
      %gather3A_402 = tpu.vector_load_idx %arg10[%get3A_401] : memref<1024xf32, #tpu.memory_space<vmem>>[vector<16xi32>], vector<16xf32>,
      %add3A_403 = arith.constant 144 : i32
      %add3A_404 = vector.broadcast %add3A_403 : i32 to vector<16xi32>
      %add3A_405 = arith.addi %iota3A, %add3A_404 : vector<16xi32>
      tpu.vector_store_idx %arg8[%add3A_405, %broadcast_in_dim3A_50], %gather3A_402 : memref<160x129xf32, #tpu.memory_space<vmem>>[vector<16xi32>, vector<16xi32>], vector<16xf32>,
      %add3A_406 = arith.constant 11 : i32
      %add3A_407 = arith.addi %select_n3A, %add3A_406 : i32
      %mul3A_408 = arith.constant 160 : i32
      %mul3A_409 = arith.muli %add3A_407, %mul3A_408 : i32
      %dma_wait3A = arith.constant 0 : i32
      %dma_wait3A_410 = arith.constant 0 : i32
      %dma_wait3A_411 = tpu.memref_slice %arg8[%dma_wait3A, %dma_wait3A_410] : memref<160x129xf32, #tpu.memory_space<vmem>> -> memref<160x128xf32, #tpu.memory_space<vmem>>
      %dma_wait3A_412 = arith.constant 0 : i32
      %dma_wait3A_413 = tpu.memref_slice %arg2[%mul3A_409, %dma_wait3A_412] : memref<100000x128xf32, #tpu.memory_space<hbm>> -> memref<160x128xf32, #tpu.memory_space<hbm>>
      %dma_wait3A_414 = arith.constant 0 : i32
      %dma_wait3A_415 = arith.constant 0 : i32
      %dma_wait3A_416 = tpu.memref_slice %arg8[%dma_wait3A_414, %dma_wait3A_415] : memref<160x129xf32, #tpu.memory_space<vmem>> -> memref<160x128xf32, #tpu.memory_space<vmem>>
      %dma_wait3A_417 = arith.constant 0 : i32
      %dma_wait3A_418 = tpu.memref_slice %arg2[%mul3A_409, %dma_wait3A_417] : memref<100000x128xf32, #tpu.memory_space<hbm>> -> memref<160x128xf32, #tpu.memory_space<hbm>>
      tpu.wait_dma2 semaphore(%arg13 : memref<!tpu.dma_semaphore, #tpu.memory_space<semaphore_mem>>) src(%dma_wait3A_418 : memref<160x128xf32, #tpu.memory_space<hbm>>) dst(%dma_wait3A_416 : memref<160x128xf32, #tpu.memory_space<vmem>>)
      %add3A_419 = arith.constant 11 : i32
      %add3A_420 = arith.addi %select_n3A, %add3A_419 : i32
      %mul3A_421 = arith.constant 160 : i32
      %mul3A_422 = arith.muli %add3A_420, %mul3A_421 : i32
      %dma_start3A = arith.constant 0 : i32
      %dma_start3A_423 = tpu.memref_slice %arg5[%mul3A_422, %dma_start3A] : memref<100000x129xf32, #tpu.memory_space<hbm>> -> memref<160x129xf32, #tpu.memory_space<hbm>>
      %dma_start3A_424 = arith.constant 0 : i32
      %dma_start3A_425 = tpu.memref_slice %arg5[%mul3A_422, %dma_start3A_424] : memref<100000x129xf32, #tpu.memory_space<hbm>> -> memref<160x129xf32, #tpu.memory_space<hbm>>
      tpu.enqueue_dma source(%arg8 : memref<160x129xf32, #tpu.memory_space<vmem>>) target(%dma_start3A_425 : memref<160x129xf32, #tpu.memory_space<hbm>>) target_semaphore(%arg16 : memref<!tpu.dma_semaphore, #tpu.memory_space<semaphore_mem>>)
    } else {
    }
    %gt3A_233 = arith.constant 11 : i32
    %gt3A_234 = arith.cmpi sgt, %sub3A_47, %gt3A_233 : i32
    %convert_element_type3A_235 = arith.extui %gt3A_234 : i1 to i32
    %cond3A_236 = arith.constant 0 : i32
    %cond3A_237 = arith.cmpi ne, %convert_element_type3A_235, %cond3A_236 : i32
    scf.if %cond3A_237 {
      %add3A_348 = arith.constant 11 : i32
      %add3A_349 = arith.addi %select_n3A, %add3A_348 : i32
      %mul3A_350 = arith.constant 160 : i32
      %mul3A_351 = arith.muli %add3A_349, %mul3A_350 : i32
      %dma_wait3A = arith.constant 0 : i32
      %dma_wait3A_352 = tpu.memref_slice %arg5[%mul3A_351, %dma_wait3A] : memref<100000x129xf32, #tpu.memory_space<hbm>> -> memref<160x129xf32, #tpu.memory_space<hbm>>
      %dma_wait3A_353 = arith.constant 0 : i32
      %dma_wait3A_354 = tpu.memref_slice %arg5[%mul3A_351, %dma_wait3A_353] : memref<100000x129xf32, #tpu.memory_space<hbm>> -> memref<160x129xf32, #tpu.memory_space<hbm>>
      tpu.wait_dma2 semaphore(%arg16 : memref<!tpu.dma_semaphore, #tpu.memory_space<semaphore_mem>>) src(%arg8 : memref<160x129xf32, #tpu.memory_space<vmem>>) dst(%dma_wait3A_354 : memref<160x129xf32, #tpu.memory_space<hbm>>)
    } else {
    }
    %gt3A_238 = arith.constant 14 : i32
    %gt3A_239 = arith.cmpi sgt, %sub3A_47, %gt3A_238 : i32
    %convert_element_type3A_240 = arith.extui %gt3A_239 : i1 to i32
    %cond3A_241 = arith.constant 0 : i32
    %cond3A_242 = arith.cmpi ne, %convert_element_type3A_240, %cond3A_241 : i32
    scf.if %cond3A_242 {
      %add3A_348 = arith.constant 14 : i32
      %add3A_349 = arith.addi %select_n3A, %add3A_348 : i32
      %mul3A_350 = arith.constant 160 : i32
      %mul3A_351 = arith.muli %add3A_349, %mul3A_350 : i32
      %dma_start3A = arith.constant 0 : i32
      %dma_start3A_352 = arith.constant 0 : i32
      %dma_start3A_353 = tpu.memref_slice %arg8[%dma_start3A, %dma_start3A_352] : memref<160x129xf32, #tpu.memory_space<vmem>> -> memref<160x128xf32, #tpu.memory_space<vmem>>
      %dma_start3A_354 = arith.constant 0 : i32
      %dma_start3A_355 = tpu.memref_slice %arg2[%mul3A_351, %dma_start3A_354] : memref<100000x128xf32, #tpu.memory_space<hbm>> -> memref<160x128xf32, #tpu.memory_space<hbm>>
      %dma_start3A_356 = arith.constant 0 : i32
      %dma_start3A_357 = arith.constant 0 : i32
      %dma_start3A_358 = tpu.memref_slice %arg8[%dma_start3A_356, %dma_start3A_357] : memref<160x129xf32, #tpu.memory_space<vmem>> -> memref<160x128xf32, #tpu.memory_space<vmem>>
      %dma_start3A_359 = arith.constant 0 : i32
      %dma_start3A_360 = tpu.memref_slice %arg2[%mul3A_351, %dma_start3A_359] : memref<100000x128xf32, #tpu.memory_space<hbm>> -> memref<160x128xf32, #tpu.memory_space<hbm>>
      tpu.enqueue_dma source(%dma_start3A_360 : memref<160x128xf32, #tpu.memory_space<hbm>>) target(%dma_start3A_358 : memref<160x128xf32, #tpu.memory_space<vmem>>) target_semaphore(%arg13 : memref<!tpu.dma_semaphore, #tpu.memory_space<semaphore_mem>>)
    } else {
    }
    %gt3A_243 = arith.constant 12 : i32
    %gt3A_244 = arith.cmpi sgt, %sub3A_47, %gt3A_243 : i32
    %convert_element_type3A_245 = arith.extui %gt3A_244 : i1 to i32
    %cond3A_246 = arith.constant 0 : i32
    %cond3A_247 = arith.cmpi ne, %convert_element_type3A_245, %cond3A_246 : i32
    scf.if %cond3A_247 {
      %get3A = arith.constant 1920 : index
      %get3A_348 = tpu.vector_load %arg9[%get3A] {strides = array<i32>} : memref<3200xi32, #tpu.memory_space<vmem>>, vector<16xi32>,
      %gather3A = tpu.vector_load_idx %arg10[%get3A_348] : memref<1024xf32, #tpu.memory_space<vmem>>[vector<16xi32>], vector<16xf32>,
      %add3A_349 = arith.constant 0 : i32
      %add3A_350 = vector.broadcast %add3A_349 : i32 to vector<16xi32>
      %add3A_351 = arith.addi %iota3A, %add3A_350 : vector<16xi32>
      tpu.vector_store_idx %arg6[%add3A_351, %broadcast_in_dim3A_50], %gather3A : memref<160x129xf32, #tpu.memory_space<vmem>>[vector<16xi32>, vector<16xi32>], vector<16xf32>,
      %get3A_352 = arith.constant 1936 : index
      %get3A_353 = tpu.vector_load %arg9[%get3A_352] {strides = array<i32>} : memref<3200xi32, #tpu.memory_space<vmem>>, vector<16xi32>,
      %gather3A_354 = tpu.vector_load_idx %arg10[%get3A_353] : memref<1024xf32, #tpu.memory_space<vmem>>[vector<16xi32>], vector<16xf32>,
      %add3A_355 = arith.constant 16 : i32
      %add3A_356 = vector.broadcast %add3A_355 : i32 to vector<16xi32>
      %add3A_357 = arith.addi %iota3A, %add3A_356 : vector<16xi32>
      tpu.vector_store_idx %arg6[%add3A_357, %broadcast_in_dim3A_50], %gather3A_354 : memref<160x129xf32, #tpu.memory_space<vmem>>[vector<16xi32>, vector<16xi32>], vector<16xf32>,
      %get3A_358 = arith.constant 1952 : index
      %get3A_359 = tpu.vector_load %arg9[%get3A_358] {strides = array<i32>} : memref<3200xi32, #tpu.memory_space<vmem>>, vector<16xi32>,
      %gather3A_360 = tpu.vector_load_idx %arg10[%get3A_359] : memref<1024xf32, #tpu.memory_space<vmem>>[vector<16xi32>], vector<16xf32>,
      %add3A_361 = arith.constant 32 : i32
      %add3A_362 = vector.broadcast %add3A_361 : i32 to vector<16xi32>
      %add3A_363 = arith.addi %iota3A, %add3A_362 : vector<16xi32>
      tpu.vector_store_idx %arg6[%add3A_363, %broadcast_in_dim3A_50], %gather3A_360 : memref<160x129xf32, #tpu.memory_space<vmem>>[vector<16xi32>, vector<16xi32>], vector<16xf32>,
      %get3A_364 = arith.constant 1968 : index
      %get3A_365 = tpu.vector_load %arg9[%get3A_364] {strides = array<i32>} : memref<3200xi32, #tpu.memory_space<vmem>>, vector<16xi32>,
      %gather3A_366 = tpu.vector_load_idx %arg10[%get3A_365] : memref<1024xf32, #tpu.memory_space<vmem>>[vector<16xi32>], vector<16xf32>,
      %add3A_367 = arith.constant 48 : i32
      %add3A_368 = vector.broadcast %add3A_367 : i32 to vector<16xi32>
      %add3A_369 = arith.addi %iota3A, %add3A_368 : vector<16xi32>
      tpu.vector_store_idx %arg6[%add3A_369, %broadcast_in_dim3A_50], %gather3A_366 : memref<160x129xf32, #tpu.memory_space<vmem>>[vector<16xi32>, vector<16xi32>], vector<16xf32>,
      %get3A_370 = arith.constant 1984 : index
      %get3A_371 = tpu.vector_load %arg9[%get3A_370] {strides = array<i32>} : memref<3200xi32, #tpu.memory_space<vmem>>, vector<16xi32>,
      %gather3A_372 = tpu.vector_load_idx %arg10[%get3A_371] : memref<1024xf32, #tpu.memory_space<vmem>>[vector<16xi32>], vector<16xf32>,
      %add3A_373 = arith.constant 64 : i32
      %add3A_374 = vector.broadcast %add3A_373 : i32 to vector<16xi32>
      %add3A_375 = arith.addi %iota3A, %add3A_374 : vector<16xi32>
      tpu.vector_store_idx %arg6[%add3A_375, %broadcast_in_dim3A_50], %gather3A_372 : memref<160x129xf32, #tpu.memory_space<vmem>>[vector<16xi32>, vector<16xi32>], vector<16xf32>,
      %get3A_376 = arith.constant 2000 : index
      %get3A_377 = tpu.vector_load %arg9[%get3A_376] {strides = array<i32>} : memref<3200xi32, #tpu.memory_space<vmem>>, vector<16xi32>,
      %gather3A_378 = tpu.vector_load_idx %arg10[%get3A_377] : memref<1024xf32, #tpu.memory_space<vmem>>[vector<16xi32>], vector<16xf32>,
      %add3A_379 = arith.constant 80 : i32
      %add3A_380 = vector.broadcast %add3A_379 : i32 to vector<16xi32>
      %add3A_381 = arith.addi %iota3A, %add3A_380 : vector<16xi32>
      tpu.vector_store_idx %arg6[%add3A_381, %broadcast_in_dim3A_50], %gather3A_378 : memref<160x129xf32, #tpu.memory_space<vmem>>[vector<16xi32>, vector<16xi32>], vector<16xf32>,
      %get3A_382 = arith.constant 2016 : index
      %get3A_383 = tpu.vector_load %arg9[%get3A_382] {strides = array<i32>} : memref<3200xi32, #tpu.memory_space<vmem>>, vector<16xi32>,
      %gather3A_384 = tpu.vector_load_idx %arg10[%get3A_383] : memref<1024xf32, #tpu.memory_space<vmem>>[vector<16xi32>], vector<16xf32>,
      %add3A_385 = arith.constant 96 : i32
      %add3A_386 = vector.broadcast %add3A_385 : i32 to vector<16xi32>
      %add3A_387 = arith.addi %iota3A, %add3A_386 : vector<16xi32>
      tpu.vector_store_idx %arg6[%add3A_387, %broadcast_in_dim3A_50], %gather3A_384 : memref<160x129xf32, #tpu.memory_space<vmem>>[vector<16xi32>, vector<16xi32>], vector<16xf32>,
      %get3A_388 = arith.constant 2032 : index
      %get3A_389 = tpu.vector_load %arg9[%get3A_388] {strides = array<i32>} : memref<3200xi32, #tpu.memory_space<vmem>>, vector<16xi32>,
      %gather3A_390 = tpu.vector_load_idx %arg10[%get3A_389] : memref<1024xf32, #tpu.memory_space<vmem>>[vector<16xi32>], vector<16xf32>,
      %add3A_391 = arith.constant 112 : i32
      %add3A_392 = vector.broadcast %add3A_391 : i32 to vector<16xi32>
      %add3A_393 = arith.addi %iota3A, %add3A_392 : vector<16xi32>
      tpu.vector_store_idx %arg6[%add3A_393, %broadcast_in_dim3A_50], %gather3A_390 : memref<160x129xf32, #tpu.memory_space<vmem>>[vector<16xi32>, vector<16xi32>], vector<16xf32>,
      %get3A_394 = arith.constant 2048 : index
      %get3A_395 = tpu.vector_load %arg9[%get3A_394] {strides = array<i32>} : memref<3200xi32, #tpu.memory_space<vmem>>, vector<16xi32>,
      %gather3A_396 = tpu.vector_load_idx %arg10[%get3A_395] : memref<1024xf32, #tpu.memory_space<vmem>>[vector<16xi32>], vector<16xf32>,
      %add3A_397 = arith.constant 128 : i32
      %add3A_398 = vector.broadcast %add3A_397 : i32 to vector<16xi32>
      %add3A_399 = arith.addi %iota3A, %add3A_398 : vector<16xi32>
      tpu.vector_store_idx %arg6[%add3A_399, %broadcast_in_dim3A_50], %gather3A_396 : memref<160x129xf32, #tpu.memory_space<vmem>>[vector<16xi32>, vector<16xi32>], vector<16xf32>,
      %get3A_400 = arith.constant 2064 : index
      %get3A_401 = tpu.vector_load %arg9[%get3A_400] {strides = array<i32>} : memref<3200xi32, #tpu.memory_space<vmem>>, vector<16xi32>,
      %gather3A_402 = tpu.vector_load_idx %arg10[%get3A_401] : memref<1024xf32, #tpu.memory_space<vmem>>[vector<16xi32>], vector<16xf32>,
      %add3A_403 = arith.constant 144 : i32
      %add3A_404 = vector.broadcast %add3A_403 : i32 to vector<16xi32>
      %add3A_405 = arith.addi %iota3A, %add3A_404 : vector<16xi32>
      tpu.vector_store_idx %arg6[%add3A_405, %broadcast_in_dim3A_50], %gather3A_402 : memref<160x129xf32, #tpu.memory_space<vmem>>[vector<16xi32>, vector<16xi32>], vector<16xf32>,
      %add3A_406 = arith.constant 12 : i32
      %add3A_407 = arith.addi %select_n3A, %add3A_406 : i32
      %mul3A_408 = arith.constant 160 : i32
      %mul3A_409 = arith.muli %add3A_407, %mul3A_408 : i32
      %dma_wait3A = arith.constant 0 : i32
      %dma_wait3A_410 = arith.constant 0 : i32
      %dma_wait3A_411 = tpu.memref_slice %arg6[%dma_wait3A, %dma_wait3A_410] : memref<160x129xf32, #tpu.memory_space<vmem>> -> memref<160x128xf32, #tpu.memory_space<vmem>>
      %dma_wait3A_412 = arith.constant 0 : i32
      %dma_wait3A_413 = tpu.memref_slice %arg2[%mul3A_409, %dma_wait3A_412] : memref<100000x128xf32, #tpu.memory_space<hbm>> -> memref<160x128xf32, #tpu.memory_space<hbm>>
      %dma_wait3A_414 = arith.constant 0 : i32
      %dma_wait3A_415 = arith.constant 0 : i32
      %dma_wait3A_416 = tpu.memref_slice %arg6[%dma_wait3A_414, %dma_wait3A_415] : memref<160x129xf32, #tpu.memory_space<vmem>> -> memref<160x128xf32, #tpu.memory_space<vmem>>
      %dma_wait3A_417 = arith.constant 0 : i32
      %dma_wait3A_418 = tpu.memref_slice %arg2[%mul3A_409, %dma_wait3A_417] : memref<100000x128xf32, #tpu.memory_space<hbm>> -> memref<160x128xf32, #tpu.memory_space<hbm>>
      tpu.wait_dma2 semaphore(%arg11 : memref<!tpu.dma_semaphore, #tpu.memory_space<semaphore_mem>>) src(%dma_wait3A_418 : memref<160x128xf32, #tpu.memory_space<hbm>>) dst(%dma_wait3A_416 : memref<160x128xf32, #tpu.memory_space<vmem>>)
      %add3A_419 = arith.constant 12 : i32
      %add3A_420 = arith.addi %select_n3A, %add3A_419 : i32
      %mul3A_421 = arith.constant 160 : i32
      %mul3A_422 = arith.muli %add3A_420, %mul3A_421 : i32
      %dma_start3A = arith.constant 0 : i32
      %dma_start3A_423 = tpu.memref_slice %arg5[%mul3A_422, %dma_start3A] : memref<100000x129xf32, #tpu.memory_space<hbm>> -> memref<160x129xf32, #tpu.memory_space<hbm>>
      %dma_start3A_424 = arith.constant 0 : i32
      %dma_start3A_425 = tpu.memref_slice %arg5[%mul3A_422, %dma_start3A_424] : memref<100000x129xf32, #tpu.memory_space<hbm>> -> memref<160x129xf32, #tpu.memory_space<hbm>>
      tpu.enqueue_dma source(%arg6 : memref<160x129xf32, #tpu.memory_space<vmem>>) target(%dma_start3A_425 : memref<160x129xf32, #tpu.memory_space<hbm>>) target_semaphore(%arg14 : memref<!tpu.dma_semaphore, #tpu.memory_space<semaphore_mem>>)
    } else {
    }
    %gt3A_248 = arith.constant 12 : i32
    %gt3A_249 = arith.cmpi sgt, %sub3A_47, %gt3A_248 : i32
    %convert_element_type3A_250 = arith.extui %gt3A_249 : i1 to i32
    %cond3A_251 = arith.constant 0 : i32
    %cond3A_252 = arith.cmpi ne, %convert_element_type3A_250, %cond3A_251 : i32
    scf.if %cond3A_252 {
      %add3A_348 = arith.constant 12 : i32
      %add3A_349 = arith.addi %select_n3A, %add3A_348 : i32
      %mul3A_350 = arith.constant 160 : i32
      %mul3A_351 = arith.muli %add3A_349, %mul3A_350 : i32
      %dma_wait3A = arith.constant 0 : i32
      %dma_wait3A_352 = tpu.memref_slice %arg5[%mul3A_351, %dma_wait3A] : memref<100000x129xf32, #tpu.memory_space<hbm>> -> memref<160x129xf32, #tpu.memory_space<hbm>>
      %dma_wait3A_353 = arith.constant 0 : i32
      %dma_wait3A_354 = tpu.memref_slice %arg5[%mul3A_351, %dma_wait3A_353] : memref<100000x129xf32, #tpu.memory_space<hbm>> -> memref<160x129xf32, #tpu.memory_space<hbm>>
      tpu.wait_dma2 semaphore(%arg14 : memref<!tpu.dma_semaphore, #tpu.memory_space<semaphore_mem>>) src(%arg6 : memref<160x129xf32, #tpu.memory_space<vmem>>) dst(%dma_wait3A_354 : memref<160x129xf32, #tpu.memory_space<hbm>>)
    } else {
    }
    %gt3A_253 = arith.constant 15 : i32
    %gt3A_254 = arith.cmpi sgt, %sub3A_47, %gt3A_253 : i32
    %convert_element_type3A_255 = arith.extui %gt3A_254 : i1 to i32
    %cond3A_256 = arith.constant 0 : i32
    %cond3A_257 = arith.cmpi ne, %convert_element_type3A_255, %cond3A_256 : i32
    scf.if %cond3A_257 {
      %add3A_348 = arith.constant 15 : i32
      %add3A_349 = arith.addi %select_n3A, %add3A_348 : i32
      %mul3A_350 = arith.constant 160 : i32
      %mul3A_351 = arith.muli %add3A_349, %mul3A_350 : i32
      %dma_start3A = arith.constant 0 : i32
      %dma_start3A_352 = arith.constant 0 : i32
      %dma_start3A_353 = tpu.memref_slice %arg6[%dma_start3A, %dma_start3A_352] : memref<160x129xf32, #tpu.memory_space<vmem>> -> memref<160x128xf32, #tpu.memory_space<vmem>>
      %dma_start3A_354 = arith.constant 0 : i32
      %dma_start3A_355 = tpu.memref_slice %arg2[%mul3A_351, %dma_start3A_354] : memref<100000x128xf32, #tpu.memory_space<hbm>> -> memref<160x128xf32, #tpu.memory_space<hbm>>
      %dma_start3A_356 = arith.constant 0 : i32
      %dma_start3A_357 = arith.constant 0 : i32
      %dma_start3A_358 = tpu.memref_slice %arg6[%dma_start3A_356, %dma_start3A_357] : memref<160x129xf32, #tpu.memory_space<vmem>> -> memref<160x128xf32, #tpu.memory_space<vmem>>
      %dma_start3A_359 = arith.constant 0 : i32
      %dma_start3A_360 = tpu.memref_slice %arg2[%mul3A_351, %dma_start3A_359] : memref<100000x128xf32, #tpu.memory_space<hbm>> -> memref<160x128xf32, #tpu.memory_space<hbm>>
      tpu.enqueue_dma source(%dma_start3A_360 : memref<160x128xf32, #tpu.memory_space<hbm>>) target(%dma_start3A_358 : memref<160x128xf32, #tpu.memory_space<vmem>>) target_semaphore(%arg11 : memref<!tpu.dma_semaphore, #tpu.memory_space<semaphore_mem>>)
    } else {
    }
    %gt3A_258 = arith.constant 13 : i32
    %gt3A_259 = arith.cmpi sgt, %sub3A_47, %gt3A_258 : i32
    %convert_element_type3A_260 = arith.extui %gt3A_259 : i1 to i32
    %cond3A_261 = arith.constant 0 : i32
    %cond3A_262 = arith.cmpi ne, %convert_element_type3A_260, %cond3A_261 : i32
    scf.if %cond3A_262 {
      %get3A = arith.constant 2080 : index
      %get3A_348 = tpu.vector_load %arg9[%get3A] {strides = array<i32>} : memref<3200xi32, #tpu.memory_space<vmem>>, vector<16xi32>,
      %gather3A = tpu.vector_load_idx %arg10[%get3A_348] : memref<1024xf32, #tpu.memory_space<vmem>>[vector<16xi32>], vector<16xf32>,
      %add3A_349 = arith.constant 0 : i32
      %add3A_350 = vector.broadcast %add3A_349 : i32 to vector<16xi32>
      %add3A_351 = arith.addi %iota3A, %add3A_350 : vector<16xi32>
      tpu.vector_store_idx %arg7[%add3A_351, %broadcast_in_dim3A_50], %gather3A : memref<160x129xf32, #tpu.memory_space<vmem>>[vector<16xi32>, vector<16xi32>], vector<16xf32>,
      %get3A_352 = arith.constant 2096 : index
      %get3A_353 = tpu.vector_load %arg9[%get3A_352] {strides = array<i32>} : memref<3200xi32, #tpu.memory_space<vmem>>, vector<16xi32>,
      %gather3A_354 = tpu.vector_load_idx %arg10[%get3A_353] : memref<1024xf32, #tpu.memory_space<vmem>>[vector<16xi32>], vector<16xf32>,
      %add3A_355 = arith.constant 16 : i32
      %add3A_356 = vector.broadcast %add3A_355 : i32 to vector<16xi32>
      %add3A_357 = arith.addi %iota3A, %add3A_356 : vector<16xi32>
      tpu.vector_store_idx %arg7[%add3A_357, %broadcast_in_dim3A_50], %gather3A_354 : memref<160x129xf32, #tpu.memory_space<vmem>>[vector<16xi32>, vector<16xi32>], vector<16xf32>,
      %get3A_358 = arith.constant 2112 : index
      %get3A_359 = tpu.vector_load %arg9[%get3A_358] {strides = array<i32>} : memref<3200xi32, #tpu.memory_space<vmem>>, vector<16xi32>,
      %gather3A_360 = tpu.vector_load_idx %arg10[%get3A_359] : memref<1024xf32, #tpu.memory_space<vmem>>[vector<16xi32>], vector<16xf32>,
      %add3A_361 = arith.constant 32 : i32
      %add3A_362 = vector.broadcast %add3A_361 : i32 to vector<16xi32>
      %add3A_363 = arith.addi %iota3A, %add3A_362 : vector<16xi32>
      tpu.vector_store_idx %arg7[%add3A_363, %broadcast_in_dim3A_50], %gather3A_360 : memref<160x129xf32, #tpu.memory_space<vmem>>[vector<16xi32>, vector<16xi32>], vector<16xf32>,
      %get3A_364 = arith.constant 2128 : index
      %get3A_365 = tpu.vector_load %arg9[%get3A_364] {strides = array<i32>} : memref<3200xi32, #tpu.memory_space<vmem>>, vector<16xi32>,
      %gather3A_366 = tpu.vector_load_idx %arg10[%get3A_365] : memref<1024xf32, #tpu.memory_space<vmem>>[vector<16xi32>], vector<16xf32>,
      %add3A_367 = arith.constant 48 : i32
      %add3A_368 = vector.broadcast %add3A_367 : i32 to vector<16xi32>
      %add3A_369 = arith.addi %iota3A, %add3A_368 : vector<16xi32>
      tpu.vector_store_idx %arg7[%add3A_369, %broadcast_in_dim3A_50], %gather3A_366 : memref<160x129xf32, #tpu.memory_space<vmem>>[vector<16xi32>, vector<16xi32>], vector<16xf32>,
      %get3A_370 = arith.constant 2144 : index
      %get3A_371 = tpu.vector_load %arg9[%get3A_370] {strides = array<i32>} : memref<3200xi32, #tpu.memory_space<vmem>>, vector<16xi32>,
      %gather3A_372 = tpu.vector_load_idx %arg10[%get3A_371] : memref<1024xf32, #tpu.memory_space<vmem>>[vector<16xi32>], vector<16xf32>,
      %add3A_373 = arith.constant 64 : i32
      %add3A_374 = vector.broadcast %add3A_373 : i32 to vector<16xi32>
      %add3A_375 = arith.addi %iota3A, %add3A_374 : vector<16xi32>
      tpu.vector_store_idx %arg7[%add3A_375, %broadcast_in_dim3A_50], %gather3A_372 : memref<160x129xf32, #tpu.memory_space<vmem>>[vector<16xi32>, vector<16xi32>], vector<16xf32>,
      %get3A_376 = arith.constant 2160 : index
      %get3A_377 = tpu.vector_load %arg9[%get3A_376] {strides = array<i32>} : memref<3200xi32, #tpu.memory_space<vmem>>, vector<16xi32>,
      %gather3A_378 = tpu.vector_load_idx %arg10[%get3A_377] : memref<1024xf32, #tpu.memory_space<vmem>>[vector<16xi32>], vector<16xf32>,
      %add3A_379 = arith.constant 80 : i32
      %add3A_380 = vector.broadcast %add3A_379 : i32 to vector<16xi32>
      %add3A_381 = arith.addi %iota3A, %add3A_380 : vector<16xi32>
      tpu.vector_store_idx %arg7[%add3A_381, %broadcast_in_dim3A_50], %gather3A_378 : memref<160x129xf32, #tpu.memory_space<vmem>>[vector<16xi32>, vector<16xi32>], vector<16xf32>,
      %get3A_382 = arith.constant 2176 : index
      %get3A_383 = tpu.vector_load %arg9[%get3A_382] {strides = array<i32>} : memref<3200xi32, #tpu.memory_space<vmem>>, vector<16xi32>,
      %gather3A_384 = tpu.vector_load_idx %arg10[%get3A_383] : memref<1024xf32, #tpu.memory_space<vmem>>[vector<16xi32>], vector<16xf32>,
      %add3A_385 = arith.constant 96 : i32
      %add3A_386 = vector.broadcast %add3A_385 : i32 to vector<16xi32>
      %add3A_387 = arith.addi %iota3A, %add3A_386 : vector<16xi32>
      tpu.vector_store_idx %arg7[%add3A_387, %broadcast_in_dim3A_50], %gather3A_384 : memref<160x129xf32, #tpu.memory_space<vmem>>[vector<16xi32>, vector<16xi32>], vector<16xf32>,
      %get3A_388 = arith.constant 2192 : index
      %get3A_389 = tpu.vector_load %arg9[%get3A_388] {strides = array<i32>} : memref<3200xi32, #tpu.memory_space<vmem>>, vector<16xi32>,
      %gather3A_390 = tpu.vector_load_idx %arg10[%get3A_389] : memref<1024xf32, #tpu.memory_space<vmem>>[vector<16xi32>], vector<16xf32>,
      %add3A_391 = arith.constant 112 : i32
      %add3A_392 = vector.broadcast %add3A_391 : i32 to vector<16xi32>
      %add3A_393 = arith.addi %iota3A, %add3A_392 : vector<16xi32>
      tpu.vector_store_idx %arg7[%add3A_393, %broadcast_in_dim3A_50], %gather3A_390 : memref<160x129xf32, #tpu.memory_space<vmem>>[vector<16xi32>, vector<16xi32>], vector<16xf32>,
      %get3A_394 = arith.constant 2208 : index
      %get3A_395 = tpu.vector_load %arg9[%get3A_394] {strides = array<i32>} : memref<3200xi32, #tpu.memory_space<vmem>>, vector<16xi32>,
      %gather3A_396 = tpu.vector_load_idx %arg10[%get3A_395] : memref<1024xf32, #tpu.memory_space<vmem>>[vector<16xi32>], vector<16xf32>,
      %add3A_397 = arith.constant 128 : i32
      %add3A_398 = vector.broadcast %add3A_397 : i32 to vector<16xi32>
      %add3A_399 = arith.addi %iota3A, %add3A_398 : vector<16xi32>
      tpu.vector_store_idx %arg7[%add3A_399, %broadcast_in_dim3A_50], %gather3A_396 : memref<160x129xf32, #tpu.memory_space<vmem>>[vector<16xi32>, vector<16xi32>], vector<16xf32>,
      %get3A_400 = arith.constant 2224 : index
      %get3A_401 = tpu.vector_load %arg9[%get3A_400] {strides = array<i32>} : memref<3200xi32, #tpu.memory_space<vmem>>, vector<16xi32>,
      %gather3A_402 = tpu.vector_load_idx %arg10[%get3A_401] : memref<1024xf32, #tpu.memory_space<vmem>>[vector<16xi32>], vector<16xf32>,
      %add3A_403 = arith.constant 144 : i32
      %add3A_404 = vector.broadcast %add3A_403 : i32 to vector<16xi32>
      %add3A_405 = arith.addi %iota3A, %add3A_404 : vector<16xi32>
      tpu.vector_store_idx %arg7[%add3A_405, %broadcast_in_dim3A_50], %gather3A_402 : memref<160x129xf32, #tpu.memory_space<vmem>>[vector<16xi32>, vector<16xi32>], vector<16xf32>,
      %add3A_406 = arith.constant 13 : i32
      %add3A_407 = arith.addi %select_n3A, %add3A_406 : i32
      %mul3A_408 = arith.constant 160 : i32
      %mul3A_409 = arith.muli %add3A_407, %mul3A_408 : i32
      %dma_wait3A = arith.constant 0 : i32
      %dma_wait3A_410 = arith.constant 0 : i32
      %dma_wait3A_411 = tpu.memref_slice %arg7[%dma_wait3A, %dma_wait3A_410] : memref<160x129xf32, #tpu.memory_space<vmem>> -> memref<160x128xf32, #tpu.memory_space<vmem>>
      %dma_wait3A_412 = arith.constant 0 : i32
      %dma_wait3A_413 = tpu.memref_slice %arg2[%mul3A_409, %dma_wait3A_412] : memref<100000x128xf32, #tpu.memory_space<hbm>> -> memref<160x128xf32, #tpu.memory_space<hbm>>
      %dma_wait3A_414 = arith.constant 0 : i32
      %dma_wait3A_415 = arith.constant 0 : i32
      %dma_wait3A_416 = tpu.memref_slice %arg7[%dma_wait3A_414, %dma_wait3A_415] : memref<160x129xf32, #tpu.memory_space<vmem>> -> memref<160x128xf32, #tpu.memory_space<vmem>>
      %dma_wait3A_417 = arith.constant 0 : i32
      %dma_wait3A_418 = tpu.memref_slice %arg2[%mul3A_409, %dma_wait3A_417] : memref<100000x128xf32, #tpu.memory_space<hbm>> -> memref<160x128xf32, #tpu.memory_space<hbm>>
      tpu.wait_dma2 semaphore(%arg12 : memref<!tpu.dma_semaphore, #tpu.memory_space<semaphore_mem>>) src(%dma_wait3A_418 : memref<160x128xf32, #tpu.memory_space<hbm>>) dst(%dma_wait3A_416 : memref<160x128xf32, #tpu.memory_space<vmem>>)
      %add3A_419 = arith.constant 13 : i32
      %add3A_420 = arith.addi %select_n3A, %add3A_419 : i32
      %mul3A_421 = arith.constant 160 : i32
      %mul3A_422 = arith.muli %add3A_420, %mul3A_421 : i32
      %dma_start3A = arith.constant 0 : i32
      %dma_start3A_423 = tpu.memref_slice %arg5[%mul3A_422, %dma_start3A] : memref<100000x129xf32, #tpu.memory_space<hbm>> -> memref<160x129xf32, #tpu.memory_space<hbm>>
      %dma_start3A_424 = arith.constant 0 : i32
      %dma_start3A_425 = tpu.memref_slice %arg5[%mul3A_422, %dma_start3A_424] : memref<100000x129xf32, #tpu.memory_space<hbm>> -> memref<160x129xf32, #tpu.memory_space<hbm>>
      tpu.enqueue_dma source(%arg7 : memref<160x129xf32, #tpu.memory_space<vmem>>) target(%dma_start3A_425 : memref<160x129xf32, #tpu.memory_space<hbm>>) target_semaphore(%arg15 : memref<!tpu.dma_semaphore, #tpu.memory_space<semaphore_mem>>)
    } else {
    }
    %gt3A_263 = arith.constant 13 : i32
    %gt3A_264 = arith.cmpi sgt, %sub3A_47, %gt3A_263 : i32
    %convert_element_type3A_265 = arith.extui %gt3A_264 : i1 to i32
    %cond3A_266 = arith.constant 0 : i32
    %cond3A_267 = arith.cmpi ne, %convert_element_type3A_265, %cond3A_266 : i32
    scf.if %cond3A_267 {
      %add3A_348 = arith.constant 13 : i32
      %add3A_349 = arith.addi %select_n3A, %add3A_348 : i32
      %mul3A_350 = arith.constant 160 : i32
      %mul3A_351 = arith.muli %add3A_349, %mul3A_350 : i32
      %dma_wait3A = arith.constant 0 : i32
      %dma_wait3A_352 = tpu.memref_slice %arg5[%mul3A_351, %dma_wait3A] : memref<100000x129xf32, #tpu.memory_space<hbm>> -> memref<160x129xf32, #tpu.memory_space<hbm>>
      %dma_wait3A_353 = arith.constant 0 : i32
      %dma_wait3A_354 = tpu.memref_slice %arg5[%mul3A_351, %dma_wait3A_353] : memref<100000x129xf32, #tpu.memory_space<hbm>> -> memref<160x129xf32, #tpu.memory_space<hbm>>
      tpu.wait_dma2 semaphore(%arg15 : memref<!tpu.dma_semaphore, #tpu.memory_space<semaphore_mem>>) src(%arg7 : memref<160x129xf32, #tpu.memory_space<vmem>>) dst(%dma_wait3A_354 : memref<160x129xf32, #tpu.memory_space<hbm>>)
    } else {
    }
    %gt3A_268 = arith.constant 16 : i32
    %gt3A_269 = arith.cmpi sgt, %sub3A_47, %gt3A_268 : i32
    %convert_element_type3A_270 = arith.extui %gt3A_269 : i1 to i32
    %cond3A_271 = arith.constant 0 : i32
    %cond3A_272 = arith.cmpi ne, %convert_element_type3A_270, %cond3A_271 : i32
    scf.if %cond3A_272 {
      %add3A_348 = arith.constant 16 : i32
      %add3A_349 = arith.addi %select_n3A, %add3A_348 : i32
      %mul3A_350 = arith.constant 160 : i32
      %mul3A_351 = arith.muli %add3A_349, %mul3A_350 : i32
      %dma_start3A = arith.constant 0 : i32
      %dma_start3A_352 = arith.constant 0 : i32
      %dma_start3A_353 = tpu.memref_slice %arg7[%dma_start3A, %dma_start3A_352] : memref<160x129xf32, #tpu.memory_space<vmem>> -> memref<160x128xf32, #tpu.memory_space<vmem>>
      %dma_start3A_354 = arith.constant 0 : i32
      %dma_start3A_355 = tpu.memref_slice %arg2[%mul3A_351, %dma_start3A_354] : memref<100000x128xf32, #tpu.memory_space<hbm>> -> memref<160x128xf32, #tpu.memory_space<hbm>>
      %dma_start3A_356 = arith.constant 0 : i32
      %dma_start3A_357 = arith.constant 0 : i32
      %dma_start3A_358 = tpu.memref_slice %arg7[%dma_start3A_356, %dma_start3A_357] : memref<160x129xf32, #tpu.memory_space<vmem>> -> memref<160x128xf32, #tpu.memory_space<vmem>>
      %dma_start3A_359 = arith.constant 0 : i32
      %dma_start3A_360 = tpu.memref_slice %arg2[%mul3A_351, %dma_start3A_359] : memref<100000x128xf32, #tpu.memory_space<hbm>> -> memref<160x128xf32, #tpu.memory_space<hbm>>
      tpu.enqueue_dma source(%dma_start3A_360 : memref<160x128xf32, #tpu.memory_space<hbm>>) target(%dma_start3A_358 : memref<160x128xf32, #tpu.memory_space<vmem>>) target_semaphore(%arg12 : memref<!tpu.dma_semaphore, #tpu.memory_space<semaphore_mem>>)
    } else {
    }
    %gt3A_273 = arith.constant 14 : i32
    %gt3A_274 = arith.cmpi sgt, %sub3A_47, %gt3A_273 : i32
    %convert_element_type3A_275 = arith.extui %gt3A_274 : i1 to i32
    %cond3A_276 = arith.constant 0 : i32
    %cond3A_277 = arith.cmpi ne, %convert_element_type3A_275, %cond3A_276 : i32
    scf.if %cond3A_277 {
      %get3A = arith.constant 2240 : index
      %get3A_348 = tpu.vector_load %arg9[%get3A] {strides = array<i32>} : memref<3200xi32, #tpu.memory_space<vmem>>, vector<16xi32>,
      %gather3A = tpu.vector_load_idx %arg10[%get3A_348] : memref<1024xf32, #tpu.memory_space<vmem>>[vector<16xi32>], vector<16xf32>,
      %add3A_349 = arith.constant 0 : i32
      %add3A_350 = vector.broadcast %add3A_349 : i32 to vector<16xi32>
      %add3A_351 = arith.addi %iota3A, %add3A_350 : vector<16xi32>
      tpu.vector_store_idx %arg8[%add3A_351, %broadcast_in_dim3A_50], %gather3A : memref<160x129xf32, #tpu.memory_space<vmem>>[vector<16xi32>, vector<16xi32>], vector<16xf32>,
      %get3A_352 = arith.constant 2256 : index
      %get3A_353 = tpu.vector_load %arg9[%get3A_352] {strides = array<i32>} : memref<3200xi32, #tpu.memory_space<vmem>>, vector<16xi32>,
      %gather3A_354 = tpu.vector_load_idx %arg10[%get3A_353] : memref<1024xf32, #tpu.memory_space<vmem>>[vector<16xi32>], vector<16xf32>,
      %add3A_355 = arith.constant 16 : i32
      %add3A_356 = vector.broadcast %add3A_355 : i32 to vector<16xi32>
      %add3A_357 = arith.addi %iota3A, %add3A_356 : vector<16xi32>
      tpu.vector_store_idx %arg8[%add3A_357, %broadcast_in_dim3A_50], %gather3A_354 : memref<160x129xf32, #tpu.memory_space<vmem>>[vector<16xi32>, vector<16xi32>], vector<16xf32>,
      %get3A_358 = arith.constant 2272 : index
      %get3A_359 = tpu.vector_load %arg9[%get3A_358] {strides = array<i32>} : memref<3200xi32, #tpu.memory_space<vmem>>, vector<16xi32>,
      %gather3A_360 = tpu.vector_load_idx %arg10[%get3A_359] : memref<1024xf32, #tpu.memory_space<vmem>>[vector<16xi32>], vector<16xf32>,
      %add3A_361 = arith.constant 32 : i32
      %add3A_362 = vector.broadcast %add3A_361 : i32 to vector<16xi32>
      %add3A_363 = arith.addi %iota3A, %add3A_362 : vector<16xi32>
      tpu.vector_store_idx %arg8[%add3A_363, %broadcast_in_dim3A_50], %gather3A_360 : memref<160x129xf32, #tpu.memory_space<vmem>>[vector<16xi32>, vector<16xi32>], vector<16xf32>,
      %get3A_364 = arith.constant 2288 : index
      %get3A_365 = tpu.vector_load %arg9[%get3A_364] {strides = array<i32>} : memref<3200xi32, #tpu.memory_space<vmem>>, vector<16xi32>,
      %gather3A_366 = tpu.vector_load_idx %arg10[%get3A_365] : memref<1024xf32, #tpu.memory_space<vmem>>[vector<16xi32>], vector<16xf32>,
      %add3A_367 = arith.constant 48 : i32
      %add3A_368 = vector.broadcast %add3A_367 : i32 to vector<16xi32>
      %add3A_369 = arith.addi %iota3A, %add3A_368 : vector<16xi32>
      tpu.vector_store_idx %arg8[%add3A_369, %broadcast_in_dim3A_50], %gather3A_366 : memref<160x129xf32, #tpu.memory_space<vmem>>[vector<16xi32>, vector<16xi32>], vector<16xf32>,
      %get3A_370 = arith.constant 2304 : index
      %get3A_371 = tpu.vector_load %arg9[%get3A_370] {strides = array<i32>} : memref<3200xi32, #tpu.memory_space<vmem>>, vector<16xi32>,
      %gather3A_372 = tpu.vector_load_idx %arg10[%get3A_371] : memref<1024xf32, #tpu.memory_space<vmem>>[vector<16xi32>], vector<16xf32>,
      %add3A_373 = arith.constant 64 : i32
      %add3A_374 = vector.broadcast %add3A_373 : i32 to vector<16xi32>
      %add3A_375 = arith.addi %iota3A, %add3A_374 : vector<16xi32>
      tpu.vector_store_idx %arg8[%add3A_375, %broadcast_in_dim3A_50], %gather3A_372 : memref<160x129xf32, #tpu.memory_space<vmem>>[vector<16xi32>, vector<16xi32>], vector<16xf32>,
      %get3A_376 = arith.constant 2320 : index
      %get3A_377 = tpu.vector_load %arg9[%get3A_376] {strides = array<i32>} : memref<3200xi32, #tpu.memory_space<vmem>>, vector<16xi32>,
      %gather3A_378 = tpu.vector_load_idx %arg10[%get3A_377] : memref<1024xf32, #tpu.memory_space<vmem>>[vector<16xi32>], vector<16xf32>,
      %add3A_379 = arith.constant 80 : i32
      %add3A_380 = vector.broadcast %add3A_379 : i32 to vector<16xi32>
      %add3A_381 = arith.addi %iota3A, %add3A_380 : vector<16xi32>
      tpu.vector_store_idx %arg8[%add3A_381, %broadcast_in_dim3A_50], %gather3A_378 : memref<160x129xf32, #tpu.memory_space<vmem>>[vector<16xi32>, vector<16xi32>], vector<16xf32>,
      %get3A_382 = arith.constant 2336 : index
      %get3A_383 = tpu.vector_load %arg9[%get3A_382] {strides = array<i32>} : memref<3200xi32, #tpu.memory_space<vmem>>, vector<16xi32>,
      %gather3A_384 = tpu.vector_load_idx %arg10[%get3A_383] : memref<1024xf32, #tpu.memory_space<vmem>>[vector<16xi32>], vector<16xf32>,
      %add3A_385 = arith.constant 96 : i32
      %add3A_386 = vector.broadcast %add3A_385 : i32 to vector<16xi32>
      %add3A_387 = arith.addi %iota3A, %add3A_386 : vector<16xi32>
      tpu.vector_store_idx %arg8[%add3A_387, %broadcast_in_dim3A_50], %gather3A_384 : memref<160x129xf32, #tpu.memory_space<vmem>>[vector<16xi32>, vector<16xi32>], vector<16xf32>,
      %get3A_388 = arith.constant 2352 : index
      %get3A_389 = tpu.vector_load %arg9[%get3A_388] {strides = array<i32>} : memref<3200xi32, #tpu.memory_space<vmem>>, vector<16xi32>,
      %gather3A_390 = tpu.vector_load_idx %arg10[%get3A_389] : memref<1024xf32, #tpu.memory_space<vmem>>[vector<16xi32>], vector<16xf32>,
      %add3A_391 = arith.constant 112 : i32
      %add3A_392 = vector.broadcast %add3A_391 : i32 to vector<16xi32>
      %add3A_393 = arith.addi %iota3A, %add3A_392 : vector<16xi32>
      tpu.vector_store_idx %arg8[%add3A_393, %broadcast_in_dim3A_50], %gather3A_390 : memref<160x129xf32, #tpu.memory_space<vmem>>[vector<16xi32>, vector<16xi32>], vector<16xf32>,
      %get3A_394 = arith.constant 2368 : index
      %get3A_395 = tpu.vector_load %arg9[%get3A_394] {strides = array<i32>} : memref<3200xi32, #tpu.memory_space<vmem>>, vector<16xi32>,
      %gather3A_396 = tpu.vector_load_idx %arg10[%get3A_395] : memref<1024xf32, #tpu.memory_space<vmem>>[vector<16xi32>], vector<16xf32>,
      %add3A_397 = arith.constant 128 : i32
      %add3A_398 = vector.broadcast %add3A_397 : i32 to vector<16xi32>
      %add3A_399 = arith.addi %iota3A, %add3A_398 : vector<16xi32>
      tpu.vector_store_idx %arg8[%add3A_399, %broadcast_in_dim3A_50], %gather3A_396 : memref<160x129xf32, #tpu.memory_space<vmem>>[vector<16xi32>, vector<16xi32>], vector<16xf32>,
      %get3A_400 = arith.constant 2384 : index
      %get3A_401 = tpu.vector_load %arg9[%get3A_400] {strides = array<i32>} : memref<3200xi32, #tpu.memory_space<vmem>>, vector<16xi32>,
      %gather3A_402 = tpu.vector_load_idx %arg10[%get3A_401] : memref<1024xf32, #tpu.memory_space<vmem>>[vector<16xi32>], vector<16xf32>,
      %add3A_403 = arith.constant 144 : i32
      %add3A_404 = vector.broadcast %add3A_403 : i32 to vector<16xi32>
      %add3A_405 = arith.addi %iota3A, %add3A_404 : vector<16xi32>
      tpu.vector_store_idx %arg8[%add3A_405, %broadcast_in_dim3A_50], %gather3A_402 : memref<160x129xf32, #tpu.memory_space<vmem>>[vector<16xi32>, vector<16xi32>], vector<16xf32>,
      %add3A_406 = arith.constant 14 : i32
      %add3A_407 = arith.addi %select_n3A, %add3A_406 : i32
      %mul3A_408 = arith.constant 160 : i32
      %mul3A_409 = arith.muli %add3A_407, %mul3A_408 : i32
      %dma_wait3A = arith.constant 0 : i32
      %dma_wait3A_410 = arith.constant 0 : i32
      %dma_wait3A_411 = tpu.memref_slice %arg8[%dma_wait3A, %dma_wait3A_410] : memref<160x129xf32, #tpu.memory_space<vmem>> -> memref<160x128xf32, #tpu.memory_space<vmem>>
      %dma_wait3A_412 = arith.constant 0 : i32
      %dma_wait3A_413 = tpu.memref_slice %arg2[%mul3A_409, %dma_wait3A_412] : memref<100000x128xf32, #tpu.memory_space<hbm>> -> memref<160x128xf32, #tpu.memory_space<hbm>>
      %dma_wait3A_414 = arith.constant 0 : i32
      %dma_wait3A_415 = arith.constant 0 : i32
      %dma_wait3A_416 = tpu.memref_slice %arg8[%dma_wait3A_414, %dma_wait3A_415] : memref<160x129xf32, #tpu.memory_space<vmem>> -> memref<160x128xf32, #tpu.memory_space<vmem>>
      %dma_wait3A_417 = arith.constant 0 : i32
      %dma_wait3A_418 = tpu.memref_slice %arg2[%mul3A_409, %dma_wait3A_417] : memref<100000x128xf32, #tpu.memory_space<hbm>> -> memref<160x128xf32, #tpu.memory_space<hbm>>
      tpu.wait_dma2 semaphore(%arg13 : memref<!tpu.dma_semaphore, #tpu.memory_space<semaphore_mem>>) src(%dma_wait3A_418 : memref<160x128xf32, #tpu.memory_space<hbm>>) dst(%dma_wait3A_416 : memref<160x128xf32, #tpu.memory_space<vmem>>)
      %add3A_419 = arith.constant 14 : i32
      %add3A_420 = arith.addi %select_n3A, %add3A_419 : i32
      %mul3A_421 = arith.constant 160 : i32
      %mul3A_422 = arith.muli %add3A_420, %mul3A_421 : i32
      %dma_start3A = arith.constant 0 : i32
      %dma_start3A_423 = tpu.memref_slice %arg5[%mul3A_422, %dma_start3A] : memref<100000x129xf32, #tpu.memory_space<hbm>> -> memref<160x129xf32, #tpu.memory_space<hbm>>
      %dma_start3A_424 = arith.constant 0 : i32
      %dma_start3A_425 = tpu.memref_slice %arg5[%mul3A_422, %dma_start3A_424] : memref<100000x129xf32, #tpu.memory_space<hbm>> -> memref<160x129xf32, #tpu.memory_space<hbm>>
      tpu.enqueue_dma source(%arg8 : memref<160x129xf32, #tpu.memory_space<vmem>>) target(%dma_start3A_425 : memref<160x129xf32, #tpu.memory_space<hbm>>) target_semaphore(%arg16 : memref<!tpu.dma_semaphore, #tpu.memory_space<semaphore_mem>>)
    } else {
    }
    %gt3A_278 = arith.constant 14 : i32
    %gt3A_279 = arith.cmpi sgt, %sub3A_47, %gt3A_278 : i32
    %convert_element_type3A_280 = arith.extui %gt3A_279 : i1 to i32
    %cond3A_281 = arith.constant 0 : i32
    %cond3A_282 = arith.cmpi ne, %convert_element_type3A_280, %cond3A_281 : i32
    scf.if %cond3A_282 {
      %add3A_348 = arith.constant 14 : i32
      %add3A_349 = arith.addi %select_n3A, %add3A_348 : i32
      %mul3A_350 = arith.constant 160 : i32
      %mul3A_351 = arith.muli %add3A_349, %mul3A_350 : i32
      %dma_wait3A = arith.constant 0 : i32
      %dma_wait3A_352 = tpu.memref_slice %arg5[%mul3A_351, %dma_wait3A] : memref<100000x129xf32, #tpu.memory_space<hbm>> -> memref<160x129xf32, #tpu.memory_space<hbm>>
      %dma_wait3A_353 = arith.constant 0 : i32
      %dma_wait3A_354 = tpu.memref_slice %arg5[%mul3A_351, %dma_wait3A_353] : memref<100000x129xf32, #tpu.memory_space<hbm>> -> memref<160x129xf32, #tpu.memory_space<hbm>>
      tpu.wait_dma2 semaphore(%arg16 : memref<!tpu.dma_semaphore, #tpu.memory_space<semaphore_mem>>) src(%arg8 : memref<160x129xf32, #tpu.memory_space<vmem>>) dst(%dma_wait3A_354 : memref<160x129xf32, #tpu.memory_space<hbm>>)
    } else {
    }
    %gt3A_283 = arith.constant 17 : i32
    %gt3A_284 = arith.cmpi sgt, %sub3A_47, %gt3A_283 : i32
    %convert_element_type3A_285 = arith.extui %gt3A_284 : i1 to i32
    %cond3A_286 = arith.constant 0 : i32
    %cond3A_287 = arith.cmpi ne, %convert_element_type3A_285, %cond3A_286 : i32
    scf.if %cond3A_287 {
      %add3A_348 = arith.constant 17 : i32
      %add3A_349 = arith.addi %select_n3A, %add3A_348 : i32
      %mul3A_350 = arith.constant 160 : i32
      %mul3A_351 = arith.muli %add3A_349, %mul3A_350 : i32
      %dma_start3A = arith.constant 0 : i32
      %dma_start3A_352 = arith.constant 0 : i32
      %dma_start3A_353 = tpu.memref_slice %arg8[%dma_start3A, %dma_start3A_352] : memref<160x129xf32, #tpu.memory_space<vmem>> -> memref<160x128xf32, #tpu.memory_space<vmem>>
      %dma_start3A_354 = arith.constant 0 : i32
      %dma_start3A_355 = tpu.memref_slice %arg2[%mul3A_351, %dma_start3A_354] : memref<100000x128xf32, #tpu.memory_space<hbm>> -> memref<160x128xf32, #tpu.memory_space<hbm>>
      %dma_start3A_356 = arith.constant 0 : i32
      %dma_start3A_357 = arith.constant 0 : i32
      %dma_start3A_358 = tpu.memref_slice %arg8[%dma_start3A_356, %dma_start3A_357] : memref<160x129xf32, #tpu.memory_space<vmem>> -> memref<160x128xf32, #tpu.memory_space<vmem>>
      %dma_start3A_359 = arith.constant 0 : i32
      %dma_start3A_360 = tpu.memref_slice %arg2[%mul3A_351, %dma_start3A_359] : memref<100000x128xf32, #tpu.memory_space<hbm>> -> memref<160x128xf32, #tpu.memory_space<hbm>>
      tpu.enqueue_dma source(%dma_start3A_360 : memref<160x128xf32, #tpu.memory_space<hbm>>) target(%dma_start3A_358 : memref<160x128xf32, #tpu.memory_space<vmem>>) target_semaphore(%arg13 : memref<!tpu.dma_semaphore, #tpu.memory_space<semaphore_mem>>)
    } else {
    }
    %gt3A_288 = arith.constant 15 : i32
    %gt3A_289 = arith.cmpi sgt, %sub3A_47, %gt3A_288 : i32
    %convert_element_type3A_290 = arith.extui %gt3A_289 : i1 to i32
    %cond3A_291 = arith.constant 0 : i32
    %cond3A_292 = arith.cmpi ne, %convert_element_type3A_290, %cond3A_291 : i32
    scf.if %cond3A_292 {
      %get3A = arith.constant 2400 : index
      %get3A_348 = tpu.vector_load %arg9[%get3A] {strides = array<i32>} : memref<3200xi32, #tpu.memory_space<vmem>>, vector<16xi32>,
      %gather3A = tpu.vector_load_idx %arg10[%get3A_348] : memref<1024xf32, #tpu.memory_space<vmem>>[vector<16xi32>], vector<16xf32>,
      %add3A_349 = arith.constant 0 : i32
      %add3A_350 = vector.broadcast %add3A_349 : i32 to vector<16xi32>
      %add3A_351 = arith.addi %iota3A, %add3A_350 : vector<16xi32>
      tpu.vector_store_idx %arg6[%add3A_351, %broadcast_in_dim3A_50], %gather3A : memref<160x129xf32, #tpu.memory_space<vmem>>[vector<16xi32>, vector<16xi32>], vector<16xf32>,
      %get3A_352 = arith.constant 2416 : index
      %get3A_353 = tpu.vector_load %arg9[%get3A_352] {strides = array<i32>} : memref<3200xi32, #tpu.memory_space<vmem>>, vector<16xi32>,
      %gather3A_354 = tpu.vector_load_idx %arg10[%get3A_353] : memref<1024xf32, #tpu.memory_space<vmem>>[vector<16xi32>], vector<16xf32>,
      %add3A_355 = arith.constant 16 : i32
      %add3A_356 = vector.broadcast %add3A_355 : i32 to vector<16xi32>
      %add3A_357 = arith.addi %iota3A, %add3A_356 : vector<16xi32>
      tpu.vector_store_idx %arg6[%add3A_357, %broadcast_in_dim3A_50], %gather3A_354 : memref<160x129xf32, #tpu.memory_space<vmem>>[vector<16xi32>, vector<16xi32>], vector<16xf32>,
      %get3A_358 = arith.constant 2432 : index
      %get3A_359 = tpu.vector_load %arg9[%get3A_358] {strides = array<i32>} : memref<3200xi32, #tpu.memory_space<vmem>>, vector<16xi32>,
      %gather3A_360 = tpu.vector_load_idx %arg10[%get3A_359] : memref<1024xf32, #tpu.memory_space<vmem>>[vector<16xi32>], vector<16xf32>,
      %add3A_361 = arith.constant 32 : i32
      %add3A_362 = vector.broadcast %add3A_361 : i32 to vector<16xi32>
      %add3A_363 = arith.addi %iota3A, %add3A_362 : vector<16xi32>
      tpu.vector_store_idx %arg6[%add3A_363, %broadcast_in_dim3A_50], %gather3A_360 : memref<160x129xf32, #tpu.memory_space<vmem>>[vector<16xi32>, vector<16xi32>], vector<16xf32>,
      %get3A_364 = arith.constant 2448 : index
      %get3A_365 = tpu.vector_load %arg9[%get3A_364] {strides = array<i32>} : memref<3200xi32, #tpu.memory_space<vmem>>, vector<16xi32>,
      %gather3A_366 = tpu.vector_load_idx %arg10[%get3A_365] : memref<1024xf32, #tpu.memory_space<vmem>>[vector<16xi32>], vector<16xf32>,
      %add3A_367 = arith.constant 48 : i32
      %add3A_368 = vector.broadcast %add3A_367 : i32 to vector<16xi32>
      %add3A_369 = arith.addi %iota3A, %add3A_368 : vector<16xi32>
      tpu.vector_store_idx %arg6[%add3A_369, %broadcast_in_dim3A_50], %gather3A_366 : memref<160x129xf32, #tpu.memory_space<vmem>>[vector<16xi32>, vector<16xi32>], vector<16xf32>,
      %get3A_370 = arith.constant 2464 : index
      %get3A_371 = tpu.vector_load %arg9[%get3A_370] {strides = array<i32>} : memref<3200xi32, #tpu.memory_space<vmem>>, vector<16xi32>,
      %gather3A_372 = tpu.vector_load_idx %arg10[%get3A_371] : memref<1024xf32, #tpu.memory_space<vmem>>[vector<16xi32>], vector<16xf32>,
      %add3A_373 = arith.constant 64 : i32
      %add3A_374 = vector.broadcast %add3A_373 : i32 to vector<16xi32>
      %add3A_375 = arith.addi %iota3A, %add3A_374 : vector<16xi32>
      tpu.vector_store_idx %arg6[%add3A_375, %broadcast_in_dim3A_50], %gather3A_372 : memref<160x129xf32, #tpu.memory_space<vmem>>[vector<16xi32>, vector<16xi32>], vector<16xf32>,
      %get3A_376 = arith.constant 2480 : index
      %get3A_377 = tpu.vector_load %arg9[%get3A_376] {strides = array<i32>} : memref<3200xi32, #tpu.memory_space<vmem>>, vector<16xi32>,
      %gather3A_378 = tpu.vector_load_idx %arg10[%get3A_377] : memref<1024xf32, #tpu.memory_space<vmem>>[vector<16xi32>], vector<16xf32>,
      %add3A_379 = arith.constant 80 : i32
      %add3A_380 = vector.broadcast %add3A_379 : i32 to vector<16xi32>
      %add3A_381 = arith.addi %iota3A, %add3A_380 : vector<16xi32>
      tpu.vector_store_idx %arg6[%add3A_381, %broadcast_in_dim3A_50], %gather3A_378 : memref<160x129xf32, #tpu.memory_space<vmem>>[vector<16xi32>, vector<16xi32>], vector<16xf32>,
      %get3A_382 = arith.constant 2496 : index
      %get3A_383 = tpu.vector_load %arg9[%get3A_382] {strides = array<i32>} : memref<3200xi32, #tpu.memory_space<vmem>>, vector<16xi32>,
      %gather3A_384 = tpu.vector_load_idx %arg10[%get3A_383] : memref<1024xf32, #tpu.memory_space<vmem>>[vector<16xi32>], vector<16xf32>,
      %add3A_385 = arith.constant 96 : i32
      %add3A_386 = vector.broadcast %add3A_385 : i32 to vector<16xi32>
      %add3A_387 = arith.addi %iota3A, %add3A_386 : vector<16xi32>
      tpu.vector_store_idx %arg6[%add3A_387, %broadcast_in_dim3A_50], %gather3A_384 : memref<160x129xf32, #tpu.memory_space<vmem>>[vector<16xi32>, vector<16xi32>], vector<16xf32>,
      %get3A_388 = arith.constant 2512 : index
      %get3A_389 = tpu.vector_load %arg9[%get3A_388] {strides = array<i32>} : memref<3200xi32, #tpu.memory_space<vmem>>, vector<16xi32>,
      %gather3A_390 = tpu.vector_load_idx %arg10[%get3A_389] : memref<1024xf32, #tpu.memory_space<vmem>>[vector<16xi32>], vector<16xf32>,
      %add3A_391 = arith.constant 112 : i32
      %add3A_392 = vector.broadcast %add3A_391 : i32 to vector<16xi32>
      %add3A_393 = arith.addi %iota3A, %add3A_392 : vector<16xi32>
      tpu.vector_store_idx %arg6[%add3A_393, %broadcast_in_dim3A_50], %gather3A_390 : memref<160x129xf32, #tpu.memory_space<vmem>>[vector<16xi32>, vector<16xi32>], vector<16xf32>,
      %get3A_394 = arith.constant 2528 : index
      %get3A_395 = tpu.vector_load %arg9[%get3A_394] {strides = array<i32>} : memref<3200xi32, #tpu.memory_space<vmem>>, vector<16xi32>,
      %gather3A_396 = tpu.vector_load_idx %arg10[%get3A_395] : memref<1024xf32, #tpu.memory_space<vmem>>[vector<16xi32>], vector<16xf32>,
      %add3A_397 = arith.constant 128 : i32
      %add3A_398 = vector.broadcast %add3A_397 : i32 to vector<16xi32>
      %add3A_399 = arith.addi %iota3A, %add3A_398 : vector<16xi32>
      tpu.vector_store_idx %arg6[%add3A_399, %broadcast_in_dim3A_50], %gather3A_396 : memref<160x129xf32, #tpu.memory_space<vmem>>[vector<16xi32>, vector<16xi32>], vector<16xf32>,
      %get3A_400 = arith.constant 2544 : index
      %get3A_401 = tpu.vector_load %arg9[%get3A_400] {strides = array<i32>} : memref<3200xi32, #tpu.memory_space<vmem>>, vector<16xi32>,
      %gather3A_402 = tpu.vector_load_idx %arg10[%get3A_401] : memref<1024xf32, #tpu.memory_space<vmem>>[vector<16xi32>], vector<16xf32>,
      %add3A_403 = arith.constant 144 : i32
      %add3A_404 = vector.broadcast %add3A_403 : i32 to vector<16xi32>
      %add3A_405 = arith.addi %iota3A, %add3A_404 : vector<16xi32>
      tpu.vector_store_idx %arg6[%add3A_405, %broadcast_in_dim3A_50], %gather3A_402 : memref<160x129xf32, #tpu.memory_space<vmem>>[vector<16xi32>, vector<16xi32>], vector<16xf32>,
      %add3A_406 = arith.constant 15 : i32
      %add3A_407 = arith.addi %select_n3A, %add3A_406 : i32
      %mul3A_408 = arith.constant 160 : i32
      %mul3A_409 = arith.muli %add3A_407, %mul3A_408 : i32
      %dma_wait3A = arith.constant 0 : i32
      %dma_wait3A_410 = arith.constant 0 : i32
      %dma_wait3A_411 = tpu.memref_slice %arg6[%dma_wait3A, %dma_wait3A_410] : memref<160x129xf32, #tpu.memory_space<vmem>> -> memref<160x128xf32, #tpu.memory_space<vmem>>
      %dma_wait3A_412 = arith.constant 0 : i32
      %dma_wait3A_413 = tpu.memref_slice %arg2[%mul3A_409, %dma_wait3A_412] : memref<100000x128xf32, #tpu.memory_space<hbm>> -> memref<160x128xf32, #tpu.memory_space<hbm>>
      %dma_wait3A_414 = arith.constant 0 : i32
      %dma_wait3A_415 = arith.constant 0 : i32
      %dma_wait3A_416 = tpu.memref_slice %arg6[%dma_wait3A_414, %dma_wait3A_415] : memref<160x129xf32, #tpu.memory_space<vmem>> -> memref<160x128xf32, #tpu.memory_space<vmem>>
      %dma_wait3A_417 = arith.constant 0 : i32
      %dma_wait3A_418 = tpu.memref_slice %arg2[%mul3A_409, %dma_wait3A_417] : memref<100000x128xf32, #tpu.memory_space<hbm>> -> memref<160x128xf32, #tpu.memory_space<hbm>>
      tpu.wait_dma2 semaphore(%arg11 : memref<!tpu.dma_semaphore, #tpu.memory_space<semaphore_mem>>) src(%dma_wait3A_418 : memref<160x128xf32, #tpu.memory_space<hbm>>) dst(%dma_wait3A_416 : memref<160x128xf32, #tpu.memory_space<vmem>>)
      %add3A_419 = arith.constant 15 : i32
      %add3A_420 = arith.addi %select_n3A, %add3A_419 : i32
      %mul3A_421 = arith.constant 160 : i32
      %mul3A_422 = arith.muli %add3A_420, %mul3A_421 : i32
      %dma_start3A = arith.constant 0 : i32
      %dma_start3A_423 = tpu.memref_slice %arg5[%mul3A_422, %dma_start3A] : memref<100000x129xf32, #tpu.memory_space<hbm>> -> memref<160x129xf32, #tpu.memory_space<hbm>>
      %dma_start3A_424 = arith.constant 0 : i32
      %dma_start3A_425 = tpu.memref_slice %arg5[%mul3A_422, %dma_start3A_424] : memref<100000x129xf32, #tpu.memory_space<hbm>> -> memref<160x129xf32, #tpu.memory_space<hbm>>
      tpu.enqueue_dma source(%arg6 : memref<160x129xf32, #tpu.memory_space<vmem>>) target(%dma_start3A_425 : memref<160x129xf32, #tpu.memory_space<hbm>>) target_semaphore(%arg14 : memref<!tpu.dma_semaphore, #tpu.memory_space<semaphore_mem>>)
    } else {
    }
    %gt3A_293 = arith.constant 15 : i32
    %gt3A_294 = arith.cmpi sgt, %sub3A_47, %gt3A_293 : i32
    %convert_element_type3A_295 = arith.extui %gt3A_294 : i1 to i32
    %cond3A_296 = arith.constant 0 : i32
    %cond3A_297 = arith.cmpi ne, %convert_element_type3A_295, %cond3A_296 : i32
    scf.if %cond3A_297 {
      %add3A_348 = arith.constant 15 : i32
      %add3A_349 = arith.addi %select_n3A, %add3A_348 : i32
      %mul3A_350 = arith.constant 160 : i32
      %mul3A_351 = arith.muli %add3A_349, %mul3A_350 : i32
      %dma_wait3A = arith.constant 0 : i32
      %dma_wait3A_352 = tpu.memref_slice %arg5[%mul3A_351, %dma_wait3A] : memref<100000x129xf32, #tpu.memory_space<hbm>> -> memref<160x129xf32, #tpu.memory_space<hbm>>
      %dma_wait3A_353 = arith.constant 0 : i32
      %dma_wait3A_354 = tpu.memref_slice %arg5[%mul3A_351, %dma_wait3A_353] : memref<100000x129xf32, #tpu.memory_space<hbm>> -> memref<160x129xf32, #tpu.memory_space<hbm>>
      tpu.wait_dma2 semaphore(%arg14 : memref<!tpu.dma_semaphore, #tpu.memory_space<semaphore_mem>>) src(%arg6 : memref<160x129xf32, #tpu.memory_space<vmem>>) dst(%dma_wait3A_354 : memref<160x129xf32, #tpu.memory_space<hbm>>)
    } else {
    }
    %gt3A_298 = arith.constant 18 : i32
    %gt3A_299 = arith.cmpi sgt, %sub3A_47, %gt3A_298 : i32
    %convert_element_type3A_300 = arith.extui %gt3A_299 : i1 to i32
    %cond3A_301 = arith.constant 0 : i32
    %cond3A_302 = arith.cmpi ne, %convert_element_type3A_300, %cond3A_301 : i32
    scf.if %cond3A_302 {
      %add3A_348 = arith.constant 18 : i32
      %add3A_349 = arith.addi %select_n3A, %add3A_348 : i32
      %mul3A_350 = arith.constant 160 : i32
      %mul3A_351 = arith.muli %add3A_349, %mul3A_350 : i32
      %dma_start3A = arith.constant 0 : i32
      %dma_start3A_352 = arith.constant 0 : i32
      %dma_start3A_353 = tpu.memref_slice %arg6[%dma_start3A, %dma_start3A_352] : memref<160x129xf32, #tpu.memory_space<vmem>> -> memref<160x128xf32, #tpu.memory_space<vmem>>
      %dma_start3A_354 = arith.constant 0 : i32
      %dma_start3A_355 = tpu.memref_slice %arg2[%mul3A_351, %dma_start3A_354] : memref<100000x128xf32, #tpu.memory_space<hbm>> -> memref<160x128xf32, #tpu.memory_space<hbm>>
      %dma_start3A_356 = arith.constant 0 : i32
      %dma_start3A_357 = arith.constant 0 : i32
      %dma_start3A_358 = tpu.memref_slice %arg6[%dma_start3A_356, %dma_start3A_357] : memref<160x129xf32, #tpu.memory_space<vmem>> -> memref<160x128xf32, #tpu.memory_space<vmem>>
      %dma_start3A_359 = arith.constant 0 : i32
      %dma_start3A_360 = tpu.memref_slice %arg2[%mul3A_351, %dma_start3A_359] : memref<100000x128xf32, #tpu.memory_space<hbm>> -> memref<160x128xf32, #tpu.memory_space<hbm>>
      tpu.enqueue_dma source(%dma_start3A_360 : memref<160x128xf32, #tpu.memory_space<hbm>>) target(%dma_start3A_358 : memref<160x128xf32, #tpu.memory_space<vmem>>) target_semaphore(%arg11 : memref<!tpu.dma_semaphore, #tpu.memory_space<semaphore_mem>>)
    } else {
    }
    %gt3A_303 = arith.constant 16 : i32
    %gt3A_304 = arith.cmpi sgt, %sub3A_47, %gt3A_303 : i32
    %convert_element_type3A_305 = arith.extui %gt3A_304 : i1 to i32
    %cond3A_306 = arith.constant 0 : i32
    %cond3A_307 = arith.cmpi ne, %convert_element_type3A_305, %cond3A_306 : i32
    scf.if %cond3A_307 {
      %get3A = arith.constant 2560 : index
      %get3A_348 = tpu.vector_load %arg9[%get3A] {strides = array<i32>} : memref<3200xi32, #tpu.memory_space<vmem>>, vector<16xi32>,
      %gather3A = tpu.vector_load_idx %arg10[%get3A_348] : memref<1024xf32, #tpu.memory_space<vmem>>[vector<16xi32>], vector<16xf32>,
      %add3A_349 = arith.constant 0 : i32
      %add3A_350 = vector.broadcast %add3A_349 : i32 to vector<16xi32>
      %add3A_351 = arith.addi %iota3A, %add3A_350 : vector<16xi32>
      tpu.vector_store_idx %arg7[%add3A_351, %broadcast_in_dim3A_50], %gather3A : memref<160x129xf32, #tpu.memory_space<vmem>>[vector<16xi32>, vector<16xi32>], vector<16xf32>,
      %get3A_352 = arith.constant 2576 : index
      %get3A_353 = tpu.vector_load %arg9[%get3A_352] {strides = array<i32>} : memref<3200xi32, #tpu.memory_space<vmem>>, vector<16xi32>,
      %gather3A_354 = tpu.vector_load_idx %arg10[%get3A_353] : memref<1024xf32, #tpu.memory_space<vmem>>[vector<16xi32>], vector<16xf32>,
      %add3A_355 = arith.constant 16 : i32
      %add3A_356 = vector.broadcast %add3A_355 : i32 to vector<16xi32>
      %add3A_357 = arith.addi %iota3A, %add3A_356 : vector<16xi32>
      tpu.vector_store_idx %arg7[%add3A_357, %broadcast_in_dim3A_50], %gather3A_354 : memref<160x129xf32, #tpu.memory_space<vmem>>[vector<16xi32>, vector<16xi32>], vector<16xf32>,
      %get3A_358 = arith.constant 2592 : index
      %get3A_359 = tpu.vector_load %arg9[%get3A_358] {strides = array<i32>} : memref<3200xi32, #tpu.memory_space<vmem>>, vector<16xi32>,
      %gather3A_360 = tpu.vector_load_idx %arg10[%get3A_359] : memref<1024xf32, #tpu.memory_space<vmem>>[vector<16xi32>], vector<16xf32>,
      %add3A_361 = arith.constant 32 : i32
      %add3A_362 = vector.broadcast %add3A_361 : i32 to vector<16xi32>
      %add3A_363 = arith.addi %iota3A, %add3A_362 : vector<16xi32>
      tpu.vector_store_idx %arg7[%add3A_363, %broadcast_in_dim3A_50], %gather3A_360 : memref<160x129xf32, #tpu.memory_space<vmem>>[vector<16xi32>, vector<16xi32>], vector<16xf32>,
      %get3A_364 = arith.constant 2608 : index
      %get3A_365 = tpu.vector_load %arg9[%get3A_364] {strides = array<i32>} : memref<3200xi32, #tpu.memory_space<vmem>>, vector<16xi32>,
      %gather3A_366 = tpu.vector_load_idx %arg10[%get3A_365] : memref<1024xf32, #tpu.memory_space<vmem>>[vector<16xi32>], vector<16xf32>,
      %add3A_367 = arith.constant 48 : i32
      %add3A_368 = vector.broadcast %add3A_367 : i32 to vector<16xi32>
      %add3A_369 = arith.addi %iota3A, %add3A_368 : vector<16xi32>
      tpu.vector_store_idx %arg7[%add3A_369, %broadcast_in_dim3A_50], %gather3A_366 : memref<160x129xf32, #tpu.memory_space<vmem>>[vector<16xi32>, vector<16xi32>], vector<16xf32>,
      %get3A_370 = arith.constant 2624 : index
      %get3A_371 = tpu.vector_load %arg9[%get3A_370] {strides = array<i32>} : memref<3200xi32, #tpu.memory_space<vmem>>, vector<16xi32>,
      %gather3A_372 = tpu.vector_load_idx %arg10[%get3A_371] : memref<1024xf32, #tpu.memory_space<vmem>>[vector<16xi32>], vector<16xf32>,
      %add3A_373 = arith.constant 64 : i32
      %add3A_374 = vector.broadcast %add3A_373 : i32 to vector<16xi32>
      %add3A_375 = arith.addi %iota3A, %add3A_374 : vector<16xi32>
      tpu.vector_store_idx %arg7[%add3A_375, %broadcast_in_dim3A_50], %gather3A_372 : memref<160x129xf32, #tpu.memory_space<vmem>>[vector<16xi32>, vector<16xi32>], vector<16xf32>,
      %get3A_376 = arith.constant 2640 : index
      %get3A_377 = tpu.vector_load %arg9[%get3A_376] {strides = array<i32>} : memref<3200xi32, #tpu.memory_space<vmem>>, vector<16xi32>,
      %gather3A_378 = tpu.vector_load_idx %arg10[%get3A_377] : memref<1024xf32, #tpu.memory_space<vmem>>[vector<16xi32>], vector<16xf32>,
      %add3A_379 = arith.constant 80 : i32
      %add3A_380 = vector.broadcast %add3A_379 : i32 to vector<16xi32>
      %add3A_381 = arith.addi %iota3A, %add3A_380 : vector<16xi32>
      tpu.vector_store_idx %arg7[%add3A_381, %broadcast_in_dim3A_50], %gather3A_378 : memref<160x129xf32, #tpu.memory_space<vmem>>[vector<16xi32>, vector<16xi32>], vector<16xf32>,
      %get3A_382 = arith.constant 2656 : index
      %get3A_383 = tpu.vector_load %arg9[%get3A_382] {strides = array<i32>} : memref<3200xi32, #tpu.memory_space<vmem>>, vector<16xi32>,
      %gather3A_384 = tpu.vector_load_idx %arg10[%get3A_383] : memref<1024xf32, #tpu.memory_space<vmem>>[vector<16xi32>], vector<16xf32>,
      %add3A_385 = arith.constant 96 : i32
      %add3A_386 = vector.broadcast %add3A_385 : i32 to vector<16xi32>
      %add3A_387 = arith.addi %iota3A, %add3A_386 : vector<16xi32>
      tpu.vector_store_idx %arg7[%add3A_387, %broadcast_in_dim3A_50], %gather3A_384 : memref<160x129xf32, #tpu.memory_space<vmem>>[vector<16xi32>, vector<16xi32>], vector<16xf32>,
      %get3A_388 = arith.constant 2672 : index
      %get3A_389 = tpu.vector_load %arg9[%get3A_388] {strides = array<i32>} : memref<3200xi32, #tpu.memory_space<vmem>>, vector<16xi32>,
      %gather3A_390 = tpu.vector_load_idx %arg10[%get3A_389] : memref<1024xf32, #tpu.memory_space<vmem>>[vector<16xi32>], vector<16xf32>,
      %add3A_391 = arith.constant 112 : i32
      %add3A_392 = vector.broadcast %add3A_391 : i32 to vector<16xi32>
      %add3A_393 = arith.addi %iota3A, %add3A_392 : vector<16xi32>
      tpu.vector_store_idx %arg7[%add3A_393, %broadcast_in_dim3A_50], %gather3A_390 : memref<160x129xf32, #tpu.memory_space<vmem>>[vector<16xi32>, vector<16xi32>], vector<16xf32>,
      %get3A_394 = arith.constant 2688 : index
      %get3A_395 = tpu.vector_load %arg9[%get3A_394] {strides = array<i32>} : memref<3200xi32, #tpu.memory_space<vmem>>, vector<16xi32>,
      %gather3A_396 = tpu.vector_load_idx %arg10[%get3A_395] : memref<1024xf32, #tpu.memory_space<vmem>>[vector<16xi32>], vector<16xf32>,
      %add3A_397 = arith.constant 128 : i32
      %add3A_398 = vector.broadcast %add3A_397 : i32 to vector<16xi32>
      %add3A_399 = arith.addi %iota3A, %add3A_398 : vector<16xi32>
      tpu.vector_store_idx %arg7[%add3A_399, %broadcast_in_dim3A_50], %gather3A_396 : memref<160x129xf32, #tpu.memory_space<vmem>>[vector<16xi32>, vector<16xi32>], vector<16xf32>,
      %get3A_400 = arith.constant 2704 : index
      %get3A_401 = tpu.vector_load %arg9[%get3A_400] {strides = array<i32>} : memref<3200xi32, #tpu.memory_space<vmem>>, vector<16xi32>,
      %gather3A_402 = tpu.vector_load_idx %arg10[%get3A_401] : memref<1024xf32, #tpu.memory_space<vmem>>[vector<16xi32>], vector<16xf32>,
      %add3A_403 = arith.constant 144 : i32
      %add3A_404 = vector.broadcast %add3A_403 : i32 to vector<16xi32>
      %add3A_405 = arith.addi %iota3A, %add3A_404 : vector<16xi32>
      tpu.vector_store_idx %arg7[%add3A_405, %broadcast_in_dim3A_50], %gather3A_402 : memref<160x129xf32, #tpu.memory_space<vmem>>[vector<16xi32>, vector<16xi32>], vector<16xf32>,
      %add3A_406 = arith.constant 16 : i32
      %add3A_407 = arith.addi %select_n3A, %add3A_406 : i32
      %mul3A_408 = arith.constant 160 : i32
      %mul3A_409 = arith.muli %add3A_407, %mul3A_408 : i32
      %dma_wait3A = arith.constant 0 : i32
      %dma_wait3A_410 = arith.constant 0 : i32
      %dma_wait3A_411 = tpu.memref_slice %arg7[%dma_wait3A, %dma_wait3A_410] : memref<160x129xf32, #tpu.memory_space<vmem>> -> memref<160x128xf32, #tpu.memory_space<vmem>>
      %dma_wait3A_412 = arith.constant 0 : i32
      %dma_wait3A_413 = tpu.memref_slice %arg2[%mul3A_409, %dma_wait3A_412] : memref<100000x128xf32, #tpu.memory_space<hbm>> -> memref<160x128xf32, #tpu.memory_space<hbm>>
      %dma_wait3A_414 = arith.constant 0 : i32
      %dma_wait3A_415 = arith.constant 0 : i32
      %dma_wait3A_416 = tpu.memref_slice %arg7[%dma_wait3A_414, %dma_wait3A_415] : memref<160x129xf32, #tpu.memory_space<vmem>> -> memref<160x128xf32, #tpu.memory_space<vmem>>
      %dma_wait3A_417 = arith.constant 0 : i32
      %dma_wait3A_418 = tpu.memref_slice %arg2[%mul3A_409, %dma_wait3A_417] : memref<100000x128xf32, #tpu.memory_space<hbm>> -> memref<160x128xf32, #tpu.memory_space<hbm>>
      tpu.wait_dma2 semaphore(%arg12 : memref<!tpu.dma_semaphore, #tpu.memory_space<semaphore_mem>>) src(%dma_wait3A_418 : memref<160x128xf32, #tpu.memory_space<hbm>>) dst(%dma_wait3A_416 : memref<160x128xf32, #tpu.memory_space<vmem>>)
      %add3A_419 = arith.constant 16 : i32
      %add3A_420 = arith.addi %select_n3A, %add3A_419 : i32
      %mul3A_421 = arith.constant 160 : i32
      %mul3A_422 = arith.muli %add3A_420, %mul3A_421 : i32
      %dma_start3A = arith.constant 0 : i32
      %dma_start3A_423 = tpu.memref_slice %arg5[%mul3A_422, %dma_start3A] : memref<100000x129xf32, #tpu.memory_space<hbm>> -> memref<160x129xf32, #tpu.memory_space<hbm>>
      %dma_start3A_424 = arith.constant 0 : i32
      %dma_start3A_425 = tpu.memref_slice %arg5[%mul3A_422, %dma_start3A_424] : memref<100000x129xf32, #tpu.memory_space<hbm>> -> memref<160x129xf32, #tpu.memory_space<hbm>>
      tpu.enqueue_dma source(%arg7 : memref<160x129xf32, #tpu.memory_space<vmem>>) target(%dma_start3A_425 : memref<160x129xf32, #tpu.memory_space<hbm>>) target_semaphore(%arg15 : memref<!tpu.dma_semaphore, #tpu.memory_space<semaphore_mem>>)
    } else {
    }
    %gt3A_308 = arith.constant 16 : i32
    %gt3A_309 = arith.cmpi sgt, %sub3A_47, %gt3A_308 : i32
    %convert_element_type3A_310 = arith.extui %gt3A_309 : i1 to i32
    %cond3A_311 = arith.constant 0 : i32
    %cond3A_312 = arith.cmpi ne, %convert_element_type3A_310, %cond3A_311 : i32
    scf.if %cond3A_312 {
      %add3A_348 = arith.constant 16 : i32
      %add3A_349 = arith.addi %select_n3A, %add3A_348 : i32
      %mul3A_350 = arith.constant 160 : i32
      %mul3A_351 = arith.muli %add3A_349, %mul3A_350 : i32
      %dma_wait3A = arith.constant 0 : i32
      %dma_wait3A_352 = tpu.memref_slice %arg5[%mul3A_351, %dma_wait3A] : memref<100000x129xf32, #tpu.memory_space<hbm>> -> memref<160x129xf32, #tpu.memory_space<hbm>>
      %dma_wait3A_353 = arith.constant 0 : i32
      %dma_wait3A_354 = tpu.memref_slice %arg5[%mul3A_351, %dma_wait3A_353] : memref<100000x129xf32, #tpu.memory_space<hbm>> -> memref<160x129xf32, #tpu.memory_space<hbm>>
      tpu.wait_dma2 semaphore(%arg15 : memref<!tpu.dma_semaphore, #tpu.memory_space<semaphore_mem>>) src(%arg7 : memref<160x129xf32, #tpu.memory_space<vmem>>) dst(%dma_wait3A_354 : memref<160x129xf32, #tpu.memory_space<hbm>>)
    } else {
    }
    %gt3A_313 = arith.constant 19 : i32
    %gt3A_314 = arith.cmpi sgt, %sub3A_47, %gt3A_313 : i32
    %convert_element_type3A_315 = arith.extui %gt3A_314 : i1 to i32
    %cond3A_316 = arith.constant 0 : i32
    %cond3A_317 = arith.cmpi ne, %convert_element_type3A_315, %cond3A_316 : i32
    scf.if %cond3A_317 {
      %add3A_348 = arith.constant 19 : i32
      %add3A_349 = arith.addi %select_n3A, %add3A_348 : i32
      %mul3A_350 = arith.constant 160 : i32
      %mul3A_351 = arith.muli %add3A_349, %mul3A_350 : i32
      %dma_start3A = arith.constant 0 : i32
      %dma_start3A_352 = arith.constant 0 : i32
      %dma_start3A_353 = tpu.memref_slice %arg7[%dma_start3A, %dma_start3A_352] : memref<160x129xf32, #tpu.memory_space<vmem>> -> memref<160x128xf32, #tpu.memory_space<vmem>>
      %dma_start3A_354 = arith.constant 0 : i32
      %dma_start3A_355 = tpu.memref_slice %arg2[%mul3A_351, %dma_start3A_354] : memref<100000x128xf32, #tpu.memory_space<hbm>> -> memref<160x128xf32, #tpu.memory_space<hbm>>
      %dma_start3A_356 = arith.constant 0 : i32
      %dma_start3A_357 = arith.constant 0 : i32
      %dma_start3A_358 = tpu.memref_slice %arg7[%dma_start3A_356, %dma_start3A_357] : memref<160x129xf32, #tpu.memory_space<vmem>> -> memref<160x128xf32, #tpu.memory_space<vmem>>
      %dma_start3A_359 = arith.constant 0 : i32
      %dma_start3A_360 = tpu.memref_slice %arg2[%mul3A_351, %dma_start3A_359] : memref<100000x128xf32, #tpu.memory_space<hbm>> -> memref<160x128xf32, #tpu.memory_space<hbm>>
      tpu.enqueue_dma source(%dma_start3A_360 : memref<160x128xf32, #tpu.memory_space<hbm>>) target(%dma_start3A_358 : memref<160x128xf32, #tpu.memory_space<vmem>>) target_semaphore(%arg12 : memref<!tpu.dma_semaphore, #tpu.memory_space<semaphore_mem>>)
    } else {
    }
    %gt3A_318 = arith.constant 17 : i32
    %gt3A_319 = arith.cmpi sgt, %sub3A_47, %gt3A_318 : i32
    %convert_element_type3A_320 = arith.extui %gt3A_319 : i1 to i32
    %cond3A_321 = arith.constant 0 : i32
    %cond3A_322 = arith.cmpi ne, %convert_element_type3A_320, %cond3A_321 : i32
    scf.if %cond3A_322 {
      %get3A = arith.constant 2720 : index
      %get3A_348 = tpu.vector_load %arg9[%get3A] {strides = array<i32>} : memref<3200xi32, #tpu.memory_space<vmem>>, vector<16xi32>,
      %gather3A = tpu.vector_load_idx %arg10[%get3A_348] : memref<1024xf32, #tpu.memory_space<vmem>>[vector<16xi32>], vector<16xf32>,
      %add3A_349 = arith.constant 0 : i32
      %add3A_350 = vector.broadcast %add3A_349 : i32 to vector<16xi32>
      %add3A_351 = arith.addi %iota3A, %add3A_350 : vector<16xi32>
      tpu.vector_store_idx %arg8[%add3A_351, %broadcast_in_dim3A_50], %gather3A : memref<160x129xf32, #tpu.memory_space<vmem>>[vector<16xi32>, vector<16xi32>], vector<16xf32>,
      %get3A_352 = arith.constant 2736 : index
      %get3A_353 = tpu.vector_load %arg9[%get3A_352] {strides = array<i32>} : memref<3200xi32, #tpu.memory_space<vmem>>, vector<16xi32>,
      %gather3A_354 = tpu.vector_load_idx %arg10[%get3A_353] : memref<1024xf32, #tpu.memory_space<vmem>>[vector<16xi32>], vector<16xf32>,
      %add3A_355 = arith.constant 16 : i32
      %add3A_356 = vector.broadcast %add3A_355 : i32 to vector<16xi32>
      %add3A_357 = arith.addi %iota3A, %add3A_356 : vector<16xi32>
      tpu.vector_store_idx %arg8[%add3A_357, %broadcast_in_dim3A_50], %gather3A_354 : memref<160x129xf32, #tpu.memory_space<vmem>>[vector<16xi32>, vector<16xi32>], vector<16xf32>,
      %get3A_358 = arith.constant 2752 : index
      %get3A_359 = tpu.vector_load %arg9[%get3A_358] {strides = array<i32>} : memref<3200xi32, #tpu.memory_space<vmem>>, vector<16xi32>,
      %gather3A_360 = tpu.vector_load_idx %arg10[%get3A_359] : memref<1024xf32, #tpu.memory_space<vmem>>[vector<16xi32>], vector<16xf32>,
      %add3A_361 = arith.constant 32 : i32
      %add3A_362 = vector.broadcast %add3A_361 : i32 to vector<16xi32>
      %add3A_363 = arith.addi %iota3A, %add3A_362 : vector<16xi32>
      tpu.vector_store_idx %arg8[%add3A_363, %broadcast_in_dim3A_50], %gather3A_360 : memref<160x129xf32, #tpu.memory_space<vmem>>[vector<16xi32>, vector<16xi32>], vector<16xf32>,
      %get3A_364 = arith.constant 2768 : index
      %get3A_365 = tpu.vector_load %arg9[%get3A_364] {strides = array<i32>} : memref<3200xi32, #tpu.memory_space<vmem>>, vector<16xi32>,
      %gather3A_366 = tpu.vector_load_idx %arg10[%get3A_365] : memref<1024xf32, #tpu.memory_space<vmem>>[vector<16xi32>], vector<16xf32>,
      %add3A_367 = arith.constant 48 : i32
      %add3A_368 = vector.broadcast %add3A_367 : i32 to vector<16xi32>
      %add3A_369 = arith.addi %iota3A, %add3A_368 : vector<16xi32>
      tpu.vector_store_idx %arg8[%add3A_369, %broadcast_in_dim3A_50], %gather3A_366 : memref<160x129xf32, #tpu.memory_space<vmem>>[vector<16xi32>, vector<16xi32>], vector<16xf32>,
      %get3A_370 = arith.constant 2784 : index
      %get3A_371 = tpu.vector_load %arg9[%get3A_370] {strides = array<i32>} : memref<3200xi32, #tpu.memory_space<vmem>>, vector<16xi32>,
      %gather3A_372 = tpu.vector_load_idx %arg10[%get3A_371] : memref<1024xf32, #tpu.memory_space<vmem>>[vector<16xi32>], vector<16xf32>,
      %add3A_373 = arith.constant 64 : i32
      %add3A_374 = vector.broadcast %add3A_373 : i32 to vector<16xi32>
      %add3A_375 = arith.addi %iota3A, %add3A_374 : vector<16xi32>
      tpu.vector_store_idx %arg8[%add3A_375, %broadcast_in_dim3A_50], %gather3A_372 : memref<160x129xf32, #tpu.memory_space<vmem>>[vector<16xi32>, vector<16xi32>], vector<16xf32>,
      %get3A_376 = arith.constant 2800 : index
      %get3A_377 = tpu.vector_load %arg9[%get3A_376] {strides = array<i32>} : memref<3200xi32, #tpu.memory_space<vmem>>, vector<16xi32>,
      %gather3A_378 = tpu.vector_load_idx %arg10[%get3A_377] : memref<1024xf32, #tpu.memory_space<vmem>>[vector<16xi32>], vector<16xf32>,
      %add3A_379 = arith.constant 80 : i32
      %add3A_380 = vector.broadcast %add3A_379 : i32 to vector<16xi32>
      %add3A_381 = arith.addi %iota3A, %add3A_380 : vector<16xi32>
      tpu.vector_store_idx %arg8[%add3A_381, %broadcast_in_dim3A_50], %gather3A_378 : memref<160x129xf32, #tpu.memory_space<vmem>>[vector<16xi32>, vector<16xi32>], vector<16xf32>,
      %get3A_382 = arith.constant 2816 : index
      %get3A_383 = tpu.vector_load %arg9[%get3A_382] {strides = array<i32>} : memref<3200xi32, #tpu.memory_space<vmem>>, vector<16xi32>,
      %gather3A_384 = tpu.vector_load_idx %arg10[%get3A_383] : memref<1024xf32, #tpu.memory_space<vmem>>[vector<16xi32>], vector<16xf32>,
      %add3A_385 = arith.constant 96 : i32
      %add3A_386 = vector.broadcast %add3A_385 : i32 to vector<16xi32>
      %add3A_387 = arith.addi %iota3A, %add3A_386 : vector<16xi32>
      tpu.vector_store_idx %arg8[%add3A_387, %broadcast_in_dim3A_50], %gather3A_384 : memref<160x129xf32, #tpu.memory_space<vmem>>[vector<16xi32>, vector<16xi32>], vector<16xf32>,
      %get3A_388 = arith.constant 2832 : index
      %get3A_389 = tpu.vector_load %arg9[%get3A_388] {strides = array<i32>} : memref<3200xi32, #tpu.memory_space<vmem>>, vector<16xi32>,
      %gather3A_390 = tpu.vector_load_idx %arg10[%get3A_389] : memref<1024xf32, #tpu.memory_space<vmem>>[vector<16xi32>], vector<16xf32>,
      %add3A_391 = arith.constant 112 : i32
      %add3A_392 = vector.broadcast %add3A_391 : i32 to vector<16xi32>
      %add3A_393 = arith.addi %iota3A, %add3A_392 : vector<16xi32>
      tpu.vector_store_idx %arg8[%add3A_393, %broadcast_in_dim3A_50], %gather3A_390 : memref<160x129xf32, #tpu.memory_space<vmem>>[vector<16xi32>, vector<16xi32>], vector<16xf32>,
      %get3A_394 = arith.constant 2848 : index
      %get3A_395 = tpu.vector_load %arg9[%get3A_394] {strides = array<i32>} : memref<3200xi32, #tpu.memory_space<vmem>>, vector<16xi32>,
      %gather3A_396 = tpu.vector_load_idx %arg10[%get3A_395] : memref<1024xf32, #tpu.memory_space<vmem>>[vector<16xi32>], vector<16xf32>,
      %add3A_397 = arith.constant 128 : i32
      %add3A_398 = vector.broadcast %add3A_397 : i32 to vector<16xi32>
      %add3A_399 = arith.addi %iota3A, %add3A_398 : vector<16xi32>
      tpu.vector_store_idx %arg8[%add3A_399, %broadcast_in_dim3A_50], %gather3A_396 : memref<160x129xf32, #tpu.memory_space<vmem>>[vector<16xi32>, vector<16xi32>], vector<16xf32>,
      %get3A_400 = arith.constant 2864 : index
      %get3A_401 = tpu.vector_load %arg9[%get3A_400] {strides = array<i32>} : memref<3200xi32, #tpu.memory_space<vmem>>, vector<16xi32>,
      %gather3A_402 = tpu.vector_load_idx %arg10[%get3A_401] : memref<1024xf32, #tpu.memory_space<vmem>>[vector<16xi32>], vector<16xf32>,
      %add3A_403 = arith.constant 144 : i32
      %add3A_404 = vector.broadcast %add3A_403 : i32 to vector<16xi32>
      %add3A_405 = arith.addi %iota3A, %add3A_404 : vector<16xi32>
      tpu.vector_store_idx %arg8[%add3A_405, %broadcast_in_dim3A_50], %gather3A_402 : memref<160x129xf32, #tpu.memory_space<vmem>>[vector<16xi32>, vector<16xi32>], vector<16xf32>,
      %add3A_406 = arith.constant 17 : i32
      %add3A_407 = arith.addi %select_n3A, %add3A_406 : i32
      %mul3A_408 = arith.constant 160 : i32
      %mul3A_409 = arith.muli %add3A_407, %mul3A_408 : i32
      %dma_wait3A = arith.constant 0 : i32
      %dma_wait3A_410 = arith.constant 0 : i32
      %dma_wait3A_411 = tpu.memref_slice %arg8[%dma_wait3A, %dma_wait3A_410] : memref<160x129xf32, #tpu.memory_space<vmem>> -> memref<160x128xf32, #tpu.memory_space<vmem>>
      %dma_wait3A_412 = arith.constant 0 : i32
      %dma_wait3A_413 = tpu.memref_slice %arg2[%mul3A_409, %dma_wait3A_412] : memref<100000x128xf32, #tpu.memory_space<hbm>> -> memref<160x128xf32, #tpu.memory_space<hbm>>
      %dma_wait3A_414 = arith.constant 0 : i32
      %dma_wait3A_415 = arith.constant 0 : i32
      %dma_wait3A_416 = tpu.memref_slice %arg8[%dma_wait3A_414, %dma_wait3A_415] : memref<160x129xf32, #tpu.memory_space<vmem>> -> memref<160x128xf32, #tpu.memory_space<vmem>>
      %dma_wait3A_417 = arith.constant 0 : i32
      %dma_wait3A_418 = tpu.memref_slice %arg2[%mul3A_409, %dma_wait3A_417] : memref<100000x128xf32, #tpu.memory_space<hbm>> -> memref<160x128xf32, #tpu.memory_space<hbm>>
      tpu.wait_dma2 semaphore(%arg13 : memref<!tpu.dma_semaphore, #tpu.memory_space<semaphore_mem>>) src(%dma_wait3A_418 : memref<160x128xf32, #tpu.memory_space<hbm>>) dst(%dma_wait3A_416 : memref<160x128xf32, #tpu.memory_space<vmem>>)
      %add3A_419 = arith.constant 17 : i32
      %add3A_420 = arith.addi %select_n3A, %add3A_419 : i32
      %mul3A_421 = arith.constant 160 : i32
      %mul3A_422 = arith.muli %add3A_420, %mul3A_421 : i32
      %dma_start3A = arith.constant 0 : i32
      %dma_start3A_423 = tpu.memref_slice %arg5[%mul3A_422, %dma_start3A] : memref<100000x129xf32, #tpu.memory_space<hbm>> -> memref<160x129xf32, #tpu.memory_space<hbm>>
      %dma_start3A_424 = arith.constant 0 : i32
      %dma_start3A_425 = tpu.memref_slice %arg5[%mul3A_422, %dma_start3A_424] : memref<100000x129xf32, #tpu.memory_space<hbm>> -> memref<160x129xf32, #tpu.memory_space<hbm>>
      tpu.enqueue_dma source(%arg8 : memref<160x129xf32, #tpu.memory_space<vmem>>) target(%dma_start3A_425 : memref<160x129xf32, #tpu.memory_space<hbm>>) target_semaphore(%arg16 : memref<!tpu.dma_semaphore, #tpu.memory_space<semaphore_mem>>)
    } else {
    }
    %gt3A_323 = arith.constant 18 : i32
    %gt3A_324 = arith.cmpi sgt, %sub3A_47, %gt3A_323 : i32
    %convert_element_type3A_325 = arith.extui %gt3A_324 : i1 to i32
    %cond3A_326 = arith.constant 0 : i32
    %cond3A_327 = arith.cmpi ne, %convert_element_type3A_325, %cond3A_326 : i32
    scf.if %cond3A_327 {
      %get3A = arith.constant 2880 : index
      %get3A_348 = tpu.vector_load %arg9[%get3A] {strides = array<i32>} : memref<3200xi32, #tpu.memory_space<vmem>>, vector<16xi32>,
      %gather3A = tpu.vector_load_idx %arg10[%get3A_348] : memref<1024xf32, #tpu.memory_space<vmem>>[vector<16xi32>], vector<16xf32>,
      %add3A_349 = arith.constant 0 : i32
      %add3A_350 = vector.broadcast %add3A_349 : i32 to vector<16xi32>
      %add3A_351 = arith.addi %iota3A, %add3A_350 : vector<16xi32>
      tpu.vector_store_idx %arg6[%add3A_351, %broadcast_in_dim3A_50], %gather3A : memref<160x129xf32, #tpu.memory_space<vmem>>[vector<16xi32>, vector<16xi32>], vector<16xf32>,
      %get3A_352 = arith.constant 2896 : index
      %get3A_353 = tpu.vector_load %arg9[%get3A_352] {strides = array<i32>} : memref<3200xi32, #tpu.memory_space<vmem>>, vector<16xi32>,
      %gather3A_354 = tpu.vector_load_idx %arg10[%get3A_353] : memref<1024xf32, #tpu.memory_space<vmem>>[vector<16xi32>], vector<16xf32>,
      %add3A_355 = arith.constant 16 : i32
      %add3A_356 = vector.broadcast %add3A_355 : i32 to vector<16xi32>
      %add3A_357 = arith.addi %iota3A, %add3A_356 : vector<16xi32>
      tpu.vector_store_idx %arg6[%add3A_357, %broadcast_in_dim3A_50], %gather3A_354 : memref<160x129xf32, #tpu.memory_space<vmem>>[vector<16xi32>, vector<16xi32>], vector<16xf32>,
      %get3A_358 = arith.constant 2912 : index
      %get3A_359 = tpu.vector_load %arg9[%get3A_358] {strides = array<i32>} : memref<3200xi32, #tpu.memory_space<vmem>>, vector<16xi32>,
      %gather3A_360 = tpu.vector_load_idx %arg10[%get3A_359] : memref<1024xf32, #tpu.memory_space<vmem>>[vector<16xi32>], vector<16xf32>,
      %add3A_361 = arith.constant 32 : i32
      %add3A_362 = vector.broadcast %add3A_361 : i32 to vector<16xi32>
      %add3A_363 = arith.addi %iota3A, %add3A_362 : vector<16xi32>
      tpu.vector_store_idx %arg6[%add3A_363, %broadcast_in_dim3A_50], %gather3A_360 : memref<160x129xf32, #tpu.memory_space<vmem>>[vector<16xi32>, vector<16xi32>], vector<16xf32>,
      %get3A_364 = arith.constant 2928 : index
      %get3A_365 = tpu.vector_load %arg9[%get3A_364] {strides = array<i32>} : memref<3200xi32, #tpu.memory_space<vmem>>, vector<16xi32>,
      %gather3A_366 = tpu.vector_load_idx %arg10[%get3A_365] : memref<1024xf32, #tpu.memory_space<vmem>>[vector<16xi32>], vector<16xf32>,
      %add3A_367 = arith.constant 48 : i32
      %add3A_368 = vector.broadcast %add3A_367 : i32 to vector<16xi32>
      %add3A_369 = arith.addi %iota3A, %add3A_368 : vector<16xi32>
      tpu.vector_store_idx %arg6[%add3A_369, %broadcast_in_dim3A_50], %gather3A_366 : memref<160x129xf32, #tpu.memory_space<vmem>>[vector<16xi32>, vector<16xi32>], vector<16xf32>,
      %get3A_370 = arith.constant 2944 : index
      %get3A_371 = tpu.vector_load %arg9[%get3A_370] {strides = array<i32>} : memref<3200xi32, #tpu.memory_space<vmem>>, vector<16xi32>,
      %gather3A_372 = tpu.vector_load_idx %arg10[%get3A_371] : memref<1024xf32, #tpu.memory_space<vmem>>[vector<16xi32>], vector<16xf32>,
      %add3A_373 = arith.constant 64 : i32
      %add3A_374 = vector.broadcast %add3A_373 : i32 to vector<16xi32>
      %add3A_375 = arith.addi %iota3A, %add3A_374 : vector<16xi32>
      tpu.vector_store_idx %arg6[%add3A_375, %broadcast_in_dim3A_50], %gather3A_372 : memref<160x129xf32, #tpu.memory_space<vmem>>[vector<16xi32>, vector<16xi32>], vector<16xf32>,
      %get3A_376 = arith.constant 2960 : index
      %get3A_377 = tpu.vector_load %arg9[%get3A_376] {strides = array<i32>} : memref<3200xi32, #tpu.memory_space<vmem>>, vector<16xi32>,
      %gather3A_378 = tpu.vector_load_idx %arg10[%get3A_377] : memref<1024xf32, #tpu.memory_space<vmem>>[vector<16xi32>], vector<16xf32>,
      %add3A_379 = arith.constant 80 : i32
      %add3A_380 = vector.broadcast %add3A_379 : i32 to vector<16xi32>
      %add3A_381 = arith.addi %iota3A, %add3A_380 : vector<16xi32>
      tpu.vector_store_idx %arg6[%add3A_381, %broadcast_in_dim3A_50], %gather3A_378 : memref<160x129xf32, #tpu.memory_space<vmem>>[vector<16xi32>, vector<16xi32>], vector<16xf32>,
      %get3A_382 = arith.constant 2976 : index
      %get3A_383 = tpu.vector_load %arg9[%get3A_382] {strides = array<i32>} : memref<3200xi32, #tpu.memory_space<vmem>>, vector<16xi32>,
      %gather3A_384 = tpu.vector_load_idx %arg10[%get3A_383] : memref<1024xf32, #tpu.memory_space<vmem>>[vector<16xi32>], vector<16xf32>,
      %add3A_385 = arith.constant 96 : i32
      %add3A_386 = vector.broadcast %add3A_385 : i32 to vector<16xi32>
      %add3A_387 = arith.addi %iota3A, %add3A_386 : vector<16xi32>
      tpu.vector_store_idx %arg6[%add3A_387, %broadcast_in_dim3A_50], %gather3A_384 : memref<160x129xf32, #tpu.memory_space<vmem>>[vector<16xi32>, vector<16xi32>], vector<16xf32>,
      %get3A_388 = arith.constant 2992 : index
      %get3A_389 = tpu.vector_load %arg9[%get3A_388] {strides = array<i32>} : memref<3200xi32, #tpu.memory_space<vmem>>, vector<16xi32>,
      %gather3A_390 = tpu.vector_load_idx %arg10[%get3A_389] : memref<1024xf32, #tpu.memory_space<vmem>>[vector<16xi32>], vector<16xf32>,
      %add3A_391 = arith.constant 112 : i32
      %add3A_392 = vector.broadcast %add3A_391 : i32 to vector<16xi32>
      %add3A_393 = arith.addi %iota3A, %add3A_392 : vector<16xi32>
      tpu.vector_store_idx %arg6[%add3A_393, %broadcast_in_dim3A_50], %gather3A_390 : memref<160x129xf32, #tpu.memory_space<vmem>>[vector<16xi32>, vector<16xi32>], vector<16xf32>,
      %get3A_394 = arith.constant 3008 : index
      %get3A_395 = tpu.vector_load %arg9[%get3A_394] {strides = array<i32>} : memref<3200xi32, #tpu.memory_space<vmem>>, vector<16xi32>,
      %gather3A_396 = tpu.vector_load_idx %arg10[%get3A_395] : memref<1024xf32, #tpu.memory_space<vmem>>[vector<16xi32>], vector<16xf32>,
      %add3A_397 = arith.constant 128 : i32
      %add3A_398 = vector.broadcast %add3A_397 : i32 to vector<16xi32>
      %add3A_399 = arith.addi %iota3A, %add3A_398 : vector<16xi32>
      tpu.vector_store_idx %arg6[%add3A_399, %broadcast_in_dim3A_50], %gather3A_396 : memref<160x129xf32, #tpu.memory_space<vmem>>[vector<16xi32>, vector<16xi32>], vector<16xf32>,
      %get3A_400 = arith.constant 3024 : index
      %get3A_401 = tpu.vector_load %arg9[%get3A_400] {strides = array<i32>} : memref<3200xi32, #tpu.memory_space<vmem>>, vector<16xi32>,
      %gather3A_402 = tpu.vector_load_idx %arg10[%get3A_401] : memref<1024xf32, #tpu.memory_space<vmem>>[vector<16xi32>], vector<16xf32>,
      %add3A_403 = arith.constant 144 : i32
      %add3A_404 = vector.broadcast %add3A_403 : i32 to vector<16xi32>
      %add3A_405 = arith.addi %iota3A, %add3A_404 : vector<16xi32>
      tpu.vector_store_idx %arg6[%add3A_405, %broadcast_in_dim3A_50], %gather3A_402 : memref<160x129xf32, #tpu.memory_space<vmem>>[vector<16xi32>, vector<16xi32>], vector<16xf32>,
      %add3A_406 = arith.constant 18 : i32
      %add3A_407 = arith.addi %select_n3A, %add3A_406 : i32
      %mul3A_408 = arith.constant 160 : i32
      %mul3A_409 = arith.muli %add3A_407, %mul3A_408 : i32
      %dma_wait3A = arith.constant 0 : i32
      %dma_wait3A_410 = arith.constant 0 : i32
      %dma_wait3A_411 = tpu.memref_slice %arg6[%dma_wait3A, %dma_wait3A_410] : memref<160x129xf32, #tpu.memory_space<vmem>> -> memref<160x128xf32, #tpu.memory_space<vmem>>
      %dma_wait3A_412 = arith.constant 0 : i32
      %dma_wait3A_413 = tpu.memref_slice %arg2[%mul3A_409, %dma_wait3A_412] : memref<100000x128xf32, #tpu.memory_space<hbm>> -> memref<160x128xf32, #tpu.memory_space<hbm>>
      %dma_wait3A_414 = arith.constant 0 : i32
      %dma_wait3A_415 = arith.constant 0 : i32
      %dma_wait3A_416 = tpu.memref_slice %arg6[%dma_wait3A_414, %dma_wait3A_415] : memref<160x129xf32, #tpu.memory_space<vmem>> -> memref<160x128xf32, #tpu.memory_space<vmem>>
      %dma_wait3A_417 = arith.constant 0 : i32
      %dma_wait3A_418 = tpu.memref_slice %arg2[%mul3A_409, %dma_wait3A_417] : memref<100000x128xf32, #tpu.memory_space<hbm>> -> memref<160x128xf32, #tpu.memory_space<hbm>>
      tpu.wait_dma2 semaphore(%arg11 : memref<!tpu.dma_semaphore, #tpu.memory_space<semaphore_mem>>) src(%dma_wait3A_418 : memref<160x128xf32, #tpu.memory_space<hbm>>) dst(%dma_wait3A_416 : memref<160x128xf32, #tpu.memory_space<vmem>>)
      %add3A_419 = arith.constant 18 : i32
      %add3A_420 = arith.addi %select_n3A, %add3A_419 : i32
      %mul3A_421 = arith.constant 160 : i32
      %mul3A_422 = arith.muli %add3A_420, %mul3A_421 : i32
      %dma_start3A = arith.constant 0 : i32
      %dma_start3A_423 = tpu.memref_slice %arg5[%mul3A_422, %dma_start3A] : memref<100000x129xf32, #tpu.memory_space<hbm>> -> memref<160x129xf32, #tpu.memory_space<hbm>>
      %dma_start3A_424 = arith.constant 0 : i32
      %dma_start3A_425 = tpu.memref_slice %arg5[%mul3A_422, %dma_start3A_424] : memref<100000x129xf32, #tpu.memory_space<hbm>> -> memref<160x129xf32, #tpu.memory_space<hbm>>
      tpu.enqueue_dma source(%arg6 : memref<160x129xf32, #tpu.memory_space<vmem>>) target(%dma_start3A_425 : memref<160x129xf32, #tpu.memory_space<hbm>>) target_semaphore(%arg14 : memref<!tpu.dma_semaphore, #tpu.memory_space<semaphore_mem>>)
    } else {
    }
    %gt3A_328 = arith.constant 19 : i32
    %gt3A_329 = arith.cmpi sgt, %sub3A_47, %gt3A_328 : i32
    %convert_element_type3A_330 = arith.extui %gt3A_329 : i1 to i32
    %cond3A_331 = arith.constant 0 : i32
    %cond3A_332 = arith.cmpi ne, %convert_element_type3A_330, %cond3A_331 : i32
    scf.if %cond3A_332 {
      %get3A = arith.constant 3040 : index
      %get3A_348 = tpu.vector_load %arg9[%get3A] {strides = array<i32>} : memref<3200xi32, #tpu.memory_space<vmem>>, vector<16xi32>,
      %gather3A = tpu.vector_load_idx %arg10[%get3A_348] : memref<1024xf32, #tpu.memory_space<vmem>>[vector<16xi32>], vector<16xf32>,
      %add3A_349 = arith.constant 0 : i32
      %add3A_350 = vector.broadcast %add3A_349 : i32 to vector<16xi32>
      %add3A_351 = arith.addi %iota3A, %add3A_350 : vector<16xi32>
      tpu.vector_store_idx %arg7[%add3A_351, %broadcast_in_dim3A_50], %gather3A : memref<160x129xf32, #tpu.memory_space<vmem>>[vector<16xi32>, vector<16xi32>], vector<16xf32>,
      %get3A_352 = arith.constant 3056 : index
      %get3A_353 = tpu.vector_load %arg9[%get3A_352] {strides = array<i32>} : memref<3200xi32, #tpu.memory_space<vmem>>, vector<16xi32>,
      %gather3A_354 = tpu.vector_load_idx %arg10[%get3A_353] : memref<1024xf32, #tpu.memory_space<vmem>>[vector<16xi32>], vector<16xf32>,
      %add3A_355 = arith.constant 16 : i32
      %add3A_356 = vector.broadcast %add3A_355 : i32 to vector<16xi32>
      %add3A_357 = arith.addi %iota3A, %add3A_356 : vector<16xi32>
      tpu.vector_store_idx %arg7[%add3A_357, %broadcast_in_dim3A_50], %gather3A_354 : memref<160x129xf32, #tpu.memory_space<vmem>>[vector<16xi32>, vector<16xi32>], vector<16xf32>,
      %get3A_358 = arith.constant 3072 : index
      %get3A_359 = tpu.vector_load %arg9[%get3A_358] {strides = array<i32>} : memref<3200xi32, #tpu.memory_space<vmem>>, vector<16xi32>,
      %gather3A_360 = tpu.vector_load_idx %arg10[%get3A_359] : memref<1024xf32, #tpu.memory_space<vmem>>[vector<16xi32>], vector<16xf32>,
      %add3A_361 = arith.constant 32 : i32
      %add3A_362 = vector.broadcast %add3A_361 : i32 to vector<16xi32>
      %add3A_363 = arith.addi %iota3A, %add3A_362 : vector<16xi32>
      tpu.vector_store_idx %arg7[%add3A_363, %broadcast_in_dim3A_50], %gather3A_360 : memref<160x129xf32, #tpu.memory_space<vmem>>[vector<16xi32>, vector<16xi32>], vector<16xf32>,
      %get3A_364 = arith.constant 3088 : index
      %get3A_365 = tpu.vector_load %arg9[%get3A_364] {strides = array<i32>} : memref<3200xi32, #tpu.memory_space<vmem>>, vector<16xi32>,
      %gather3A_366 = tpu.vector_load_idx %arg10[%get3A_365] : memref<1024xf32, #tpu.memory_space<vmem>>[vector<16xi32>], vector<16xf32>,
      %add3A_367 = arith.constant 48 : i32
      %add3A_368 = vector.broadcast %add3A_367 : i32 to vector<16xi32>
      %add3A_369 = arith.addi %iota3A, %add3A_368 : vector<16xi32>
      tpu.vector_store_idx %arg7[%add3A_369, %broadcast_in_dim3A_50], %gather3A_366 : memref<160x129xf32, #tpu.memory_space<vmem>>[vector<16xi32>, vector<16xi32>], vector<16xf32>,
      %get3A_370 = arith.constant 3104 : index
      %get3A_371 = tpu.vector_load %arg9[%get3A_370] {strides = array<i32>} : memref<3200xi32, #tpu.memory_space<vmem>>, vector<16xi32>,
      %gather3A_372 = tpu.vector_load_idx %arg10[%get3A_371] : memref<1024xf32, #tpu.memory_space<vmem>>[vector<16xi32>], vector<16xf32>,
      %add3A_373 = arith.constant 64 : i32
      %add3A_374 = vector.broadcast %add3A_373 : i32 to vector<16xi32>
      %add3A_375 = arith.addi %iota3A, %add3A_374 : vector<16xi32>
      tpu.vector_store_idx %arg7[%add3A_375, %broadcast_in_dim3A_50], %gather3A_372 : memref<160x129xf32, #tpu.memory_space<vmem>>[vector<16xi32>, vector<16xi32>], vector<16xf32>,
      %get3A_376 = arith.constant 3120 : index
      %get3A_377 = tpu.vector_load %arg9[%get3A_376] {strides = array<i32>} : memref<3200xi32, #tpu.memory_space<vmem>>, vector<16xi32>,
      %gather3A_378 = tpu.vector_load_idx %arg10[%get3A_377] : memref<1024xf32, #tpu.memory_space<vmem>>[vector<16xi32>], vector<16xf32>,
      %add3A_379 = arith.constant 80 : i32
      %add3A_380 = vector.broadcast %add3A_379 : i32 to vector<16xi32>
      %add3A_381 = arith.addi %iota3A, %add3A_380 : vector<16xi32>
      tpu.vector_store_idx %arg7[%add3A_381, %broadcast_in_dim3A_50], %gather3A_378 : memref<160x129xf32, #tpu.memory_space<vmem>>[vector<16xi32>, vector<16xi32>], vector<16xf32>,
      %get3A_382 = arith.constant 3136 : index
      %get3A_383 = tpu.vector_load %arg9[%get3A_382] {strides = array<i32>} : memref<3200xi32, #tpu.memory_space<vmem>>, vector<16xi32>,
      %gather3A_384 = tpu.vector_load_idx %arg10[%get3A_383] : memref<1024xf32, #tpu.memory_space<vmem>>[vector<16xi32>], vector<16xf32>,
      %add3A_385 = arith.constant 96 : i32
      %add3A_386 = vector.broadcast %add3A_385 : i32 to vector<16xi32>
      %add3A_387 = arith.addi %iota3A, %add3A_386 : vector<16xi32>
      tpu.vector_store_idx %arg7[%add3A_387, %broadcast_in_dim3A_50], %gather3A_384 : memref<160x129xf32, #tpu.memory_space<vmem>>[vector<16xi32>, vector<16xi32>], vector<16xf32>,
      %get3A_388 = arith.constant 3152 : index
      %get3A_389 = tpu.vector_load %arg9[%get3A_388] {strides = array<i32>} : memref<3200xi32, #tpu.memory_space<vmem>>, vector<16xi32>,
      %gather3A_390 = tpu.vector_load_idx %arg10[%get3A_389] : memref<1024xf32, #tpu.memory_space<vmem>>[vector<16xi32>], vector<16xf32>,
      %add3A_391 = arith.constant 112 : i32
      %add3A_392 = vector.broadcast %add3A_391 : i32 to vector<16xi32>
      %add3A_393 = arith.addi %iota3A, %add3A_392 : vector<16xi32>
      tpu.vector_store_idx %arg7[%add3A_393, %broadcast_in_dim3A_50], %gather3A_390 : memref<160x129xf32, #tpu.memory_space<vmem>>[vector<16xi32>, vector<16xi32>], vector<16xf32>,
      %get3A_394 = arith.constant 3168 : index
      %get3A_395 = tpu.vector_load %arg9[%get3A_394] {strides = array<i32>} : memref<3200xi32, #tpu.memory_space<vmem>>, vector<16xi32>,
      %gather3A_396 = tpu.vector_load_idx %arg10[%get3A_395] : memref<1024xf32, #tpu.memory_space<vmem>>[vector<16xi32>], vector<16xf32>,
      %add3A_397 = arith.constant 128 : i32
      %add3A_398 = vector.broadcast %add3A_397 : i32 to vector<16xi32>
      %add3A_399 = arith.addi %iota3A, %add3A_398 : vector<16xi32>
      tpu.vector_store_idx %arg7[%add3A_399, %broadcast_in_dim3A_50], %gather3A_396 : memref<160x129xf32, #tpu.memory_space<vmem>>[vector<16xi32>, vector<16xi32>], vector<16xf32>,
      %get3A_400 = arith.constant 3184 : index
      %get3A_401 = tpu.vector_load %arg9[%get3A_400] {strides = array<i32>} : memref<3200xi32, #tpu.memory_space<vmem>>, vector<16xi32>,
      %gather3A_402 = tpu.vector_load_idx %arg10[%get3A_401] : memref<1024xf32, #tpu.memory_space<vmem>>[vector<16xi32>], vector<16xf32>,
      %add3A_403 = arith.constant 144 : i32
      %add3A_404 = vector.broadcast %add3A_403 : i32 to vector<16xi32>
      %add3A_405 = arith.addi %iota3A, %add3A_404 : vector<16xi32>
      tpu.vector_store_idx %arg7[%add3A_405, %broadcast_in_dim3A_50], %gather3A_402 : memref<160x129xf32, #tpu.memory_space<vmem>>[vector<16xi32>, vector<16xi32>], vector<16xf32>,
      %add3A_406 = arith.constant 19 : i32
      %add3A_407 = arith.addi %select_n3A, %add3A_406 : i32
      %mul3A_408 = arith.constant 160 : i32
      %mul3A_409 = arith.muli %add3A_407, %mul3A_408 : i32
      %dma_wait3A = arith.constant 0 : i32
      %dma_wait3A_410 = arith.constant 0 : i32
      %dma_wait3A_411 = tpu.memref_slice %arg7[%dma_wait3A, %dma_wait3A_410] : memref<160x129xf32, #tpu.memory_space<vmem>> -> memref<160x128xf32, #tpu.memory_space<vmem>>
      %dma_wait3A_412 = arith.constant 0 : i32
      %dma_wait3A_413 = tpu.memref_slice %arg2[%mul3A_409, %dma_wait3A_412] : memref<100000x128xf32, #tpu.memory_space<hbm>> -> memref<160x128xf32, #tpu.memory_space<hbm>>
      %dma_wait3A_414 = arith.constant 0 : i32
      %dma_wait3A_415 = arith.constant 0 : i32
      %dma_wait3A_416 = tpu.memref_slice %arg7[%dma_wait3A_414, %dma_wait3A_415] : memref<160x129xf32, #tpu.memory_space<vmem>> -> memref<160x128xf32, #tpu.memory_space<vmem>>
      %dma_wait3A_417 = arith.constant 0 : i32
      %dma_wait3A_418 = tpu.memref_slice %arg2[%mul3A_409, %dma_wait3A_417] : memref<100000x128xf32, #tpu.memory_space<hbm>> -> memref<160x128xf32, #tpu.memory_space<hbm>>
      tpu.wait_dma2 semaphore(%arg12 : memref<!tpu.dma_semaphore, #tpu.memory_space<semaphore_mem>>) src(%dma_wait3A_418 : memref<160x128xf32, #tpu.memory_space<hbm>>) dst(%dma_wait3A_416 : memref<160x128xf32, #tpu.memory_space<vmem>>)
      %add3A_419 = arith.constant 19 : i32
      %add3A_420 = arith.addi %select_n3A, %add3A_419 : i32
      %mul3A_421 = arith.constant 160 : i32
      %mul3A_422 = arith.muli %add3A_420, %mul3A_421 : i32
      %dma_start3A = arith.constant 0 : i32
      %dma_start3A_423 = tpu.memref_slice %arg5[%mul3A_422, %dma_start3A] : memref<100000x129xf32, #tpu.memory_space<hbm>> -> memref<160x129xf32, #tpu.memory_space<hbm>>
      %dma_start3A_424 = arith.constant 0 : i32
      %dma_start3A_425 = tpu.memref_slice %arg5[%mul3A_422, %dma_start3A_424] : memref<100000x129xf32, #tpu.memory_space<hbm>> -> memref<160x129xf32, #tpu.memory_space<hbm>>
      tpu.enqueue_dma source(%arg7 : memref<160x129xf32, #tpu.memory_space<vmem>>) target(%dma_start3A_425 : memref<160x129xf32, #tpu.memory_space<hbm>>) target_semaphore(%arg15 : memref<!tpu.dma_semaphore, #tpu.memory_space<semaphore_mem>>)
    } else {
    }
    %gt3A_333 = arith.constant 17 : i32
    %gt3A_334 = arith.cmpi sgt, %sub3A_47, %gt3A_333 : i32
    %convert_element_type3A_335 = arith.extui %gt3A_334 : i1 to i32
    %cond3A_336 = arith.constant 0 : i32
    %cond3A_337 = arith.cmpi ne, %convert_element_type3A_335, %cond3A_336 : i32
    scf.if %cond3A_337 {
      %add3A_348 = arith.constant 17 : i32
      %add3A_349 = arith.addi %select_n3A, %add3A_348 : i32
      %mul3A_350 = arith.constant 160 : i32
      %mul3A_351 = arith.muli %add3A_349, %mul3A_350 : i32
      %dma_wait3A = arith.constant 0 : i32
      %dma_wait3A_352 = tpu.memref_slice %arg5[%mul3A_351, %dma_wait3A] : memref<100000x129xf32, #tpu.memory_space<hbm>> -> memref<160x129xf32, #tpu.memory_space<hbm>>
      %dma_wait3A_353 = arith.constant 0 : i32
      %dma_wait3A_354 = tpu.memref_slice %arg5[%mul3A_351, %dma_wait3A_353] : memref<100000x129xf32, #tpu.memory_space<hbm>> -> memref<160x129xf32, #tpu.memory_space<hbm>>
      tpu.wait_dma2 semaphore(%arg16 : memref<!tpu.dma_semaphore, #tpu.memory_space<semaphore_mem>>) src(%arg8 : memref<160x129xf32, #tpu.memory_space<vmem>>) dst(%dma_wait3A_354 : memref<160x129xf32, #tpu.memory_space<hbm>>)
    } else {
    }
    %gt3A_338 = arith.constant 18 : i32
    %gt3A_339 = arith.cmpi sgt, %sub3A_47, %gt3A_338 : i32
    %convert_element_type3A_340 = arith.extui %gt3A_339 : i1 to i32
    %cond3A_341 = arith.constant 0 : i32
    %cond3A_342 = arith.cmpi ne, %convert_element_type3A_340, %cond3A_341 : i32
    scf.if %cond3A_342 {
      %add3A_348 = arith.constant 18 : i32
      %add3A_349 = arith.addi %select_n3A, %add3A_348 : i32
      %mul3A_350 = arith.constant 160 : i32
      %mul3A_351 = arith.muli %add3A_349, %mul3A_350 : i32
      %dma_wait3A = arith.constant 0 : i32
      %dma_wait3A_352 = tpu.memref_slice %arg5[%mul3A_351, %dma_wait3A] : memref<100000x129xf32, #tpu.memory_space<hbm>> -> memref<160x129xf32, #tpu.memory_space<hbm>>
      %dma_wait3A_353 = arith.constant 0 : i32
      %dma_wait3A_354 = tpu.memref_slice %arg5[%mul3A_351, %dma_wait3A_353] : memref<100000x129xf32, #tpu.memory_space<hbm>> -> memref<160x129xf32, #tpu.memory_space<hbm>>
      tpu.wait_dma2 semaphore(%arg14 : memref<!tpu.dma_semaphore, #tpu.memory_space<semaphore_mem>>) src(%arg6 : memref<160x129xf32, #tpu.memory_space<vmem>>) dst(%dma_wait3A_354 : memref<160x129xf32, #tpu.memory_space<hbm>>)
    } else {
    }
    %gt3A_343 = arith.constant 19 : i32
    %gt3A_344 = arith.cmpi sgt, %sub3A_47, %gt3A_343 : i32
    %convert_element_type3A_345 = arith.extui %gt3A_344 : i1 to i32
    %cond3A_346 = arith.constant 0 : i32
    %cond3A_347 = arith.cmpi ne, %convert_element_type3A_345, %cond3A_346 : i32
    scf.if %cond3A_347 {
      %add3A_348 = arith.constant 19 : i32
      %add3A_349 = arith.addi %select_n3A, %add3A_348 : i32
      %mul3A_350 = arith.constant 160 : i32
      %mul3A_351 = arith.muli %add3A_349, %mul3A_350 : i32
      %dma_wait3A = arith.constant 0 : i32
      %dma_wait3A_352 = tpu.memref_slice %arg5[%mul3A_351, %dma_wait3A] : memref<100000x129xf32, #tpu.memory_space<hbm>> -> memref<160x129xf32, #tpu.memory_space<hbm>>
      %dma_wait3A_353 = arith.constant 0 : i32
      %dma_wait3A_354 = tpu.memref_slice %arg5[%mul3A_351, %dma_wait3A_353] : memref<100000x129xf32, #tpu.memory_space<hbm>> -> memref<160x129xf32, #tpu.memory_space<hbm>>
      tpu.wait_dma2 semaphore(%arg15 : memref<!tpu.dma_semaphore, #tpu.memory_space<semaphore_mem>>) src(%arg7 : memref<160x129xf32, #tpu.memory_space<vmem>>) dst(%dma_wait3A_354 : memref<160x129xf32, #tpu.memory_space<hbm>>)
    } else {
    }
    return
  }
}

</mosaic_0001>

<sc_bundles>
// kernel: kernel.3.cloned.1.call-start
scs
__scs_entry_jumppad:
0x0: {  	(pc) =	sbr.rel $0x88, $3  }
0x1: {  	(tag) =	ssettag $0x0;
	lr =	simm.s32 $0x1  }
0x2: {  	[smem:$0x3F9E] =	sst lr;
	_ =	strace $0xD0000000  }
0x3: {  	_ = 	snop  }
0x4: {  	_ = 	snop  }
0x5: {  	_ = 	snop  }
0x6: {  	_ = 	snop  }
0x7: {  	_ = 	snop  }
__scs_overlays_trampoline_lowered:
0x8: {  	[smem:$0x3FAD] =	sst s0  }
0x9: {  	[smem:$0x3FAE] =	sst s1  }
0xa: {  	[smem:$0x3FAF] =	sst s2  }
0xb: {  	[smem:$0x3FB0] =	sst s3  }
0xc: {  	[smem:$0x3FB1] =	sst s4  }
0xd: {  	[smem:$0x3FB2] =	sst s5  }
0xe: {  	[smem:$0x3FB3] =	sst s6  }
0xf: {  	[smem:$0x3FB4] =	sst s7  }
0x10: {  	[smem:$0x3FB5] =	sst s8  }
0x11: {  	[smem:$0x3FB6] =	sst s9;
	s0 =	simm.s32 @!p0 $0x0  }
0x12: {  	s1 =	sld [smem:$0x3F9C];
	s0 =	simm.s32 @p0 $0x1  }
0x13: {  	[smem:$0x3FB7] =	sst s0;
	s0 =	simm.s32 @!p1 $0x0  }
0x14: {  	s2 =	sld [smem:$0x3F9B];
	s0 =	simm.s32 @p1 $0x1  }
0x15: {  	[smem:$0x3FB8] =	sst s0;
	s0 =	simm.s32 @!p2 $0x0  }
0x16: {  	s3 =	sld [smem:$0x3FDB];
	s0 =	simm.s32 @p2 $0x1  }
0x17: {  	s4 =	simm.s32 $0x1BF5;
	[smem:$0x3FBA] =	sst s0  }
0x18: {  	s0 =	sld [smem:$0x3F9D];
	_ =	swait.ge [sflag:s4], $0x0  }
0x19: {  	s7 =	sld [smem:$0x3F9E]  }
0x1a: {  	s8 =	sadd.s32 $0xFFFFE003, lr  }
0x1b: {  	s9 =	sadd.s32 $0xFFFFFEF7, lr;
	s5 =	simm.s32 $0xFFFFFFFF;
	p2 =	slt.u32 s8, $0xFFFFF086  }
0x1c: {  	p1 =	slt.u32 s9, $0xF7A;
	s5 =	simm.s32 @!p2 $0x0  }
0x1d: {  	s5 =	simm.s32 @p1 $0x1;
	p0 =	seq.s32 s7, s2  }
0x1e: {  	s7 =	smul.u32 @!p0 $0xF7A, s2;
	p2 =	seq.s32 @!p0 s5, $0x0  }
0x1f: {  	s9 =	smul.u32 $0xF7A, s1;
	s8 =	simm.s32 @!p0 $0x1BF5;
	p2 =	por !p2, p0  }
0x20: {  	[sflag:s8] =	ssyncset.s32 @!p0 $0xFFFFF086;
	s6 =	sadd.s32 @!p0 s3, s7;
	s7 =	simm.s32 @!p0 $0x108  }
0x21: {  	s3 =	sadd.s32 s3, s9;
	s6 =	sadd.s32 @!p0 $0x88, s6;
	s7 =	simm.s32 @p2 $0x1082  }
0x22: {  	[simem:s7], [sflag:s8] =	dma.local @!p0 [hbm:s6], $0xF7A  }
0x23: {  	s9 =	sor.u32 $0xD0000000, s2;
	s6 =	simm.s32 $0x108;
	_ =	swait.ge @!p0 [sflag:s8], $0x0  }
0x24: {  	s3 =	sadd.s32 $0x88, s3;
	s6 =	simm.s32 @!p1 $0x1082;
	[sflag:s4] =	ssyncset.s32 $0xFFFFF086  }
0x25: {  	[simem:s6], [sflag:s4] =	dma.local [hbm:s3], $0xF7A  }
0x26: {  	[smem:$0x3F9E] =	sst s1;
	(tag) =	ssettag s2;
	_ =	strace s9  }
0x27: {  	s1 =	sld [smem:$0x3FAE]  }
0x28: {  	s2 =	sld [smem:$0x3FAF]  }
0x29: {  	s4 =	sld [smem:$0x3FB1]  }
0x2a: {  	p0 =	seq.s32 s5, $0x0;
	s5 =	sld [smem:$0x3FB2]  }
0x2b: {  	s6 =	sld [smem:$0x3FB3]  }
0x2c: {  	s7 =	sld [smem:$0x3FB4]  }
0x2d: {  	s3 =	simm.s32 $0x108;
	s8 =	sld [smem:$0x3FB5]  }
0x2e: {  	s3 =	simm.s32 @!p0 $0x1082;
	s9 =	sld [smem:$0x3FB6]  }
0x2f: {  	lr =	sadd.s32 s0, s3;
	s0 =	sld [smem:$0x3FAD]  }
0x30: {  	s3 =	sld [smem:$0x3FB0]  }
0x31: {  	[smem:$0x3FB9] =	sst s10  }
0x32: {  	s10 =	sld [smem:$0x3FB7];
	_ =	sdelay $0x3  }
0x33: {  	p0 =	seq.s32 s10, $0x1;
	s10 =	sld [smem:$0x3FB9];
	_ =	sdelay $0x3  }
0x34: {  	[smem:$0x3FB9] =	sst s10  }
0x35: {  	s10 =	sld [smem:$0x3FB8];
	_ =	sdelay $0x3  }
0x36: {  	p1 =	seq.s32 s10, $0x1;
	s10 =	sld [smem:$0x3FB9];
	_ =	sdelay $0x3  }
0x37: {  	[smem:$0x3FB9] =	sst s10  }
0x38: {  	s10 =	sld [smem:$0x3FBA]  }
0x39: {  	_ = 	snop;
	(pc) =	sbr.ind lr, $3  }
0x3a: {  	_ = 	snop  }
0x3b: {  	_ = 	snop  }
0x3c: {  	p2 =	seq.s32 s10, $0x1;
	s10 =	sld [smem:$0x3FB9]  }
0x3d: {  	_ =	shalt  }
0x3e: {  	_ =	shalt  }
0x3f: {  	_ =	shalt  }
0x40: {  	_ =	shalt  }
0x41: {  	_ =	shalt  }
0x42: {  	_ =	shalt  }
0x43: {  	_ =	shalt  }
0x44: {  	_ =	shalt  }
0x45: {  	_ =	shalt  }
0x46: {  	_ =	shalt  }
0x47: {  	_ =	shalt  }
0x48: {  	_ =	shalt  }
0x49: {  	_ =	shalt  }
0x4a: {  	_ =	shalt  }
0x4b: {  	_ =	shalt  }
0x4c: {  	_ =	shalt  }
0x4d: {  	_ =	shalt  }
0x4e: {  	_ =	shalt  }
0x4f: {  	_ =	shalt  }
0x50: {  	_ =	shalt  }
0x51: {  	_ =	shalt  }
0x52: {  	_ =	shalt  }
0x53: {  	_ =	shalt  }
0x54: {  	_ =	shalt  }
0x55: {  	_ =	shalt  }
0x56: {  	_ =	shalt  }
0x57: {  	_ =	shalt  }
0x58: {  	_ =	shalt  }
0x59: {  	_ =	shalt  }
0x5a: {  	_ =	shalt  }
0x5b: {  	_ =	shalt  }
0x5c: {  	_ =	shalt  }
0x5d: {  	_ =	shalt  }
0x5e: {  	_ =	shalt  }
0x5f: {  	_ =	shalt  }
0x60: {  	_ =	shalt  }
0x61: {  	_ =	shalt  }
0x62: {  	_ =	shalt  }
0x63: {  	_ =	shalt  }
0x64: {  	_ =	shalt  }
0x65: {  	_ =	shalt  }
0x66: {  	_ =	shalt  }
0x67: {  	_ =	shalt  }
0x68: {  	_ =	shalt  }
0x69: {  	_ =	shalt  }
0x6a: {  	_ =	shalt  }
0x6b: {  	_ =	shalt  }
0x6c: {  	_ =	shalt  }
0x6d: {  	_ =	shalt  }
0x6e: {  	_ =	shalt  }
0x6f: {  	_ =	shalt  }
0x70: {  	_ =	shalt  }
0x71: {  	_ =	shalt  }
0x72: {  	_ =	shalt  }
0x73: {  	_ =	shalt  }
0x74: {  	_ =	shalt  }
0x75: {  	_ =	shalt  }
0x76: {  	_ =	shalt  }
0x77: {  	_ =	shalt  }
0x78: {  	_ =	shalt  }
0x79: {  	_ =	shalt  }
0x7a: {  	_ =	shalt  }
0x7b: {  	_ =	shalt  }
0x7c: {  	_ =	shalt  }
0x7d: {  	_ =	shalt  }
0x7e: {  	_ =	shalt  }
0x7f: {  	_ =	shalt  }
0x80: {  	_ =	shalt  }
0x81: {  	_ =	shalt  }
0x82: {  	_ =	shalt  }
0x83: {  	_ =	shalt  }
0x84: {  	_ =	shalt  }
0x85: {  	_ =	shalt  }
0x86: {  	_ =	shalt  }
0x87: {  	_ =	shalt  }
.Lfunc_end0:
.L_simem_size_0:
called_computation_lowered:
.L_overlay_start_0:
0x88: {  	s2 =	sld [smem:$0x3FD9]  }
0x89: {  	s3 =	sld [smem:$0x3FFE];
	_ =	sdelay $0x1  }
0x8a: {  	s1 =	srdreg.scid  }
0x8b: {  	s0 =	sand.u32 $0x1, s1  }
0x8c: {  	s17 =	sshll.u32 s0, $0xA;
	s2 =	sadd.s32 s3, s2  }
0x8d: {  	s2 =	sadd.s32 s2, s17  }
0x8e: {  	[smem:$0x3FC5] =	sst s2  }
0x8f: {  	_ = 	snop  }
0x90: {  	s2 =	sld [smem:$0x3FC9]  }
0x91: {  	s18 =	sld [smem:$0x3FC7]  }
0x92: {  	s4 =	sld [smem:$0x3FD0];
	(tm) =	ssettm $0x1  }
0x93: {  	s5 =	sld [smem:$0x3FFB];
	_ =	sdelay $0x3  }
0x94: {  	_ =	strace s5  }
0x95: {  	s5 =	sld [smem:$0x3FFC];
	_ =	sdelay $0x3  }
0x96: {  	_ =	strace s5  }
0x97: {  	s5 =	sld [smem:$0x3FFD];
	_ =	sdelay $0x3  }
0x98: {  	_ =	strace s5  }
0x99: {  	_ =	strace $0x8FFFFFFF  }
0x9a: {  	s19 =	sld [smem:$0x3FDB];
	_ =	sdelay $0x1  }
0x9b: {  	s6 =	simm.s32 $_scs_section_size  }
0x9c: {  	s7 =	simm.s32 $_size__tile_overlayer_lowered;
	s8 =	simm.s32 $_tile_overlayer_lowered  }
0x9d: {  	s22 =	simm.s32 $0x1BFF;
	s21 =	sshll.u32 s8, $0x1;
	s5 =	sadd.s32 s6, s19  }
0x9e: {  	s9 =	simm.s32 $0x0;
	s20 =	sshll.u32 s7, $0x1;
	s7 =	sadd.s32 s21, s5  }
0x9f: {  	[timem:s9], [sflag:s22] =	dma.local [hbm:s7], s20  }
0xa0: {  	_ =	swait.ge [sflag:s22], s20  }
0xa1: {  	s6 =	ssub.s32 $0x0, s20;
	[sflag:s22] =	ssyncset.done $0x0  }
0xa2: {  	[sflag:s22] =	ssyncadd.s32 s6;
	_ =	sdelay $0x1  }
0xa3: {  	s23 =	simm.s32 $0x1B8B  }
0xa4: {  	_ =	swait.ge [sflag:s23], $0x1  }
0xa5: {  	[sflag:s23] =	ssyncset.done $0x0  }
0xa6: {  	s25 =	simm.s32 $0x1B8E;
	s24 =	sld [smem:$0x3FFE];
	[sflag:s23] =	ssyncadd.s32 $0xFFFFFFFF  }
0xa7: {  	s26 =	simm.s32 $execute0_lowered;
	[smem:$0x3FD2] =	sst s25  }
0xa8: {  	s7 =	sshll.u32 s26, $0x1;
	_ =	strace $0x80000046;
	[dreg:$0x1] =	wrdreg $0xFFFFFFFF  }
0xa9: {  	s28 =	simm.s32 $_size_execute0_lowered;
	s5 =	sadd.s32 s5, s7;
	[dreg:$0x0] =	wrdreg $0x0  }
0xaa: {  	s7 =	sshll.u32 s28, $0x1;
	[dreg:$0x2] =	wrdreg s5  }
0xab: {  	[dreg:$0x3] =	wrdreg s7  }
0xac: {  	[dreg:$0x4] =	wrdreg $0xC0  }
0xad: {  	_ =	task [dreg:s9], $0x5FFFF  }
0xae: {  	[dreg:$0x1] =	wrdreg $0xFFFFFFFF  }
0xaf: {  	[dreg:$0x0] =	wrdreg $0x60  }
0xb0: {  	[dreg:$0x2] =	wrdreg s2  }
0xb1: {  	[dreg:$0x3] =	wrdreg s4  }
0xb2: {  	[dreg:$0x4] =	wrdreg s18  }
0xb3: {  	[dreg:$0x5] =	wrdreg s24  }
0xb4: {  	[dreg:$0x6] =	wrdreg $0x9  }
0xb5: {  	_ =	task.clear_ibuf [dreg:s9], $0x7FFFF;
	_ =	strace $0x90000046  }
0xb6: {  	s29 =	simm.s32 $0x9;
	_ =	strace $0x80000048  }
0xb7: {  	_ =	swait.ge [sflag:s29], $0x1  }
0xb8: {  	[sflag:s29] =	ssyncadd.s32 $0xFFFFFFFF  }
0xb9: {  	_ =	strace $0x90000048  }
0xba: {  	_ =	sfence  }
0xbb: {  	s30 =	sld [smem:$0x0];
	_ =	sdelay $0x2  }
0xbc: {  	s31 =	sshll.u32 s1, $0xD;
	s1 =	sshrl.u32 s1, $0x2  }
0xbd: {  	s3 =	sand.u32 $0x4000, s31;
	s1 =	sadd.s32 s1, s30  }
0xbe: {  	s0 =	sor.u32 s3, s0;
	s1 =	sshll.u32 s1, $0x11  }
0xbf: {  	s0 =	sor.u32 s1, s0  }
0xc0: {  	s0 =	sadd.s32 $0x8F2B, s0  }
0xc1: {  	[sflag:s0] =	ssyncadd.remote.s32 $0x1  }
0xc2: {  	_ =	sfence.sel $0xFFFF  }
0xc3: {  	[dreg:$0x0] =	wrdreg $0xFFFFFFFF;
	(pc) =	sbr.abs _section_cstart, $3  }
0xc4: {  	[dreg:$0x1] =	wrdreg $0xFFFFFFFF  }
0xc5: {  	_ =	task.clear_ibuf [dreg:s9], $0x2FFFF;
	_ =	strace $0x9FFFFFFF  }
0xc6: {  	(tm) =	ssettm $0x7FFFFFFF  }
0xc7: {  	_ =	shalt  }
tec
execute0_lowered:
.L_overlay_start_1:
0x0: {  	(tag) =	ssettag $0x1  }
0x1: {  	v0 =	vimm.s32 $0xF80  }
0x2: {  	vm14 =	vcmask $0x300;
	vm13 =	vcmask $0x704;
	vm12 =	vcmask $0xB08  }
0x3: {  	vm11 =	vcmask $0xF0C;
	vm10 =	vcmask $0x1310;
	vm9 =	vcmask $0x1714;
	s0 =	srdreg.scid;
	s2 =	stileid.u32  }
0x4: {  	vm8 =	vcmask $0x1B18;
	vm7 =	vcmask $0x1F1C;
	vm6 =	vcmask $0x2320;
	s0 =	sand.u32 $0x1, s0;
	s2 =	sshll.u32 s2, $0x1  }
0x5: {  	vm5 =	vcmask $0x2724;
	vm4 =	vcmask $0x2B28;
	vm3 =	vcmask $0x2F2C;
	s1 =	rddreg [dreg:$0x0];
	s2 =	sor.u32 s0, s2  }
0x6: {  	vm2 =	vcmask $0x3330;
	vm1 =	vcmask $0x3734;
	vm0 =	vcmask $0x3B38;
	s4 =	rddreg [dreg:$0x2];
	s2 =	smul.u32 $0x271, s2  }
0x7: {  	v1 =	vimm.s32 $0x1F80;
	v2 =	vimm.s32 $0x2F80;
	v3 =	vimm.s32 $0x3F80;
	s5 =	rddreg [dreg:$0x3]  }
0x8: {  	s3 =	simm.s32 $0x0;
	v4 =	vimm.s32 $0x4F80;
	v5 =	vimm.s32 $0x5F80;
	v6 =	vimm.s32 $0x6F80;
	s29 =	simm.s32 $0x1;
	s6 =	sshrl.u32 s2, $0x5  }
0x9: {  	v7 =	vimm.s32 $0x7F80;
	v8 =	vimm.s32 $0x8F80;
	v9 =	vimm.s32 $0x9F80;
	[smem:$0x7FF] =	sst s3;
	s0 =	ssub.s32 $0x2, s0;
	s26 =	smul.u32 $0x14, s6  }
0xa: {  	v0 =	vsel vm14, $0x400, v0;
	v1 =	vsel vm14, $0x1400, v1;
	v2 =	vsel vm14, $0x2400, v2;
	s8 =	sadd.s32 $0x400, s5;
	s7 =	sshrl.u32 s0, $0x1;
	s9 =	smul.u32 $0x5000, s6  }
0xb: {  	v3 =	vsel vm14, $0x3400, v3;
	v4 =	vsel vm14, $0x4400, v4;
	v5 =	vsel vm14, $0x5400, v5;
	_ =	strace $0x80000047;
	s0 =	ssub.s32 s0, s7;
	s30 =	smul.u32 $0xA00, s6  }
0xc: {  	v6 =	vsel vm14, $0x6400, v6;
	v7 =	vsel vm14, $0x7400, v7;
	v8 =	vsel vm14, $0x8400, v8;
	s2 =	sadd.s32 $0x271, s2;
	s0 =	smax.u32 s0, $0x1;
	s10 =	smul.u32 $0x1400, s6  }
0xd: {  	v9 =	vsel vm14, $0x9400, v9;
	v0 =	vsel vm13, $0x480, v0;
	v1 =	vsel vm13, $0x1480, v1;
	s2 =	sshrl.u32 s2, $0x5;
	s11 =	smul.u32 $0xA000, s6;
	[dreg:$0x1a] =	wrdreg s0  }
0xe: {  	v2 =	vsel vm13, $0x2480, v2;
	v3 =	vsel vm13, $0x3480, v3;
	v4 =	vsel vm13, $0x4480, v4;
	s2 =	ssub.s32 s2, s6;
	s9 =	sshrl.u32 s9, $0x3;
	s4 =	sadd.s32 s4, s26  }
0xf: {  	v5 =	vsel vm13, $0x5480, v5;
	v6 =	vsel vm13, $0x6480, v6;
	v7 =	vsel vm13, $0x7480, v7;
	s5 =	sadd.s32 s1, s30;
	s24 =	sadd.s32 s8, s10;
	s25 =	sshrl.u32 s11, $0x3  }
0x10: {  	v8 =	vsel vm13, $0x8480, v8;
	v9 =	vsel vm13, $0x9480, v9;
	v0 =	vsel vm12, $0x500, v0;
	p0 =	slt.s32 s2, $0x1;
	p1 =	seq.s32 s2, $0x1;
	p2 =	slt.u32 s2, $0x4  }
0x11: {  	v1 =	vsel vm12, $0x1500, v1;
	v2 =	vsel vm12, $0x2500, v2;
	v3 =	vsel vm12, $0x3500, v3;
	p3 =	slt.s32 s2, $0x5;
	p4 =	slt.s32 s2, $0x6;
	[dreg:$0x5] =	wrdreg s4  }
0x12: {  	v4 =	vsel vm12, $0x4500, v4;
	v5 =	vsel vm12, $0x5500, v5;
	v6 =	vsel vm12, $0x6500, v6;
	p5 =	slt.s32 s2, $0x7;
	s31 =	sadd.s32 s1, s9;
	[dreg:$0x6] =	wrdreg s24  }
0x13: {  	v7 =	vsel vm12, $0x7500, v7;
	v8 =	vsel vm12, $0x8500, v8;
	v9 =	vsel vm12, $0x9500, v9;
	s1 =	sadd.s32 s8, s25;
	s8 =	simm.s32 @!p5 $0x0;
	s6 =	sadd.s32 $0xA00, s31  }
0x14: {  	v0 =	vsel vm11, $0x580, v0;
	v1 =	vsel vm11, $0x1580, v1;
	v2 =	vsel vm11, $0x2580, v2;
	s7 =	sadd.s32 $0x1400, s31;
	s9 =	sadd.s32 $0x1E00, s31;
	s10 =	sadd.s32 $0x2800, s31  }
0x15: {  	v3 =	vsel vm11, $0x3580, v3;
	v4 =	vsel vm11, $0x4580, v4;
	v5 =	vsel vm11, $0x5580, v5;
	s11 =	sadd.s32 $0x3200, s31;
	s12 =	sadd.s32 $0x3C00, s31;
	s13 =	sadd.s32 $0x4600, s31  }
0x16: {  	v6 =	vsel vm11, $0x6580, v6;
	v7 =	vsel vm11, $0x7580, v7;
	v8 =	vsel vm11, $0x8580, v8;
	s14 =	sadd.s32 $0x5000, s31;
	s15 =	sadd.s32 $0x5A00, s31;
	s16 =	sadd.s32 $0x6400, s31  }
0x17: {  	v9 =	vsel vm11, $0x9580, v9;
	v0 =	vsel vm10, $0x600, v0;
	v1 =	vsel vm10, $0x1600, v1;
	s17 =	sadd.s32 $0x6E00, s31;
	s18 =	sadd.s32 $0x7800, s31;
	s19 =	sadd.s32 $0x8200, s31  }
0x18: {  	v2 =	vsel vm10, $0x2600, v2;
	v3 =	vsel vm10, $0x3600, v3;
	v4 =	vsel vm10, $0x4600, v4;
	s20 =	sadd.s32 $0x8C00, s31;
	s21 =	sadd.s32 $0x9600, s31;
	s8 =	simm.s32 @p5 $0x1  }
0x19: {  	v5 =	vsel vm10, $0x5600, v5;
	v6 =	vsel vm10, $0x6600, v6;
	v7 =	vsel vm10, $0x7600, v7;
	p5 =	slt.u32 s2, $0x8;
	s22 =	sadd.s32 $0xA000, s31;
	s23 =	sadd.s32 $0xAA00, s31  }
0x1a: {  	v8 =	vsel vm10, $0x8600, v8;
	v9 =	vsel vm10, $0x9600, v9;
	v0 =	vsel vm9, $0x680, v0;
	s24 =	sadd.s32 $0xB400, s31;
	s26 =	sadd.s32 $0x1400, s1;
	[smem:$0x7EF] =	sst s8  }
0x1b: {  	v1 =	vsel vm9, $0x1680, v1;
	v2 =	vsel vm9, $0x2680, v2;
	v3 =	vsel vm9, $0x3680, v3;
	s25 =	sadd.s32 $0xBE00, s31;
	s30 =	sadd.s32 $0x2800, s1;
	[dreg:$0x7] =	wrdreg s26  }
0x1c: {  	v4 =	vsel vm9, $0x4680, v4;
	v5 =	vsel vm9, $0x5680, v5;
	v6 =	vsel vm9, $0x6680, v6;
	s31 =	sadd.s32 $0x3C00, s1;
	s8 =	simm.s32 @!p5 $0x0;
	[dreg:$0x8] =	wrdreg s30  }
0x1d: {  	v7 =	vsel vm9, $0x7680, v7;
	v8 =	vsel vm9, $0x8680, v8;
	v9 =	vsel vm9, $0x9680, v9;
	[dreg:$0x9] =	wrdreg s31;
	s8 =	simm.s32 @p5 $0x1;
	p5 =	slt.u32 s2, $0x9  }
0x1e: {  	v0 =	vsel vm8, $0x700, v0;
	v1 =	vsel vm8, $0x1700, v1;
	v2 =	vsel vm8, $0x2700, v2;
	s4 =	sadd.s32 $0x5000, s1;
	[smem:$0x7F0] =	sst s8;
	s8 =	simm.s32 @!p5 $0x0  }
0x1f: {  	v3 =	vsel vm8, $0x3700, v3;
	v4 =	vsel vm8, $0x4700, v4;
	v5 =	vsel vm8, $0x5700, v5;
	[dreg:$0xa] =	wrdreg s4;
	s8 =	simm.s32 @p5 $0x1;
	p5 =	slt.u32 s2, $0xA  }
0x20: {  	v6 =	vsel vm8, $0x6700, v6;
	v7 =	vsel vm8, $0x7700, v7;
	v8 =	vsel vm8, $0x8700, v8;
	s26 =	sadd.s32 $0x7800, s1;
	[smem:$0x7F1] =	sst s8;
	s8 =	simm.s32 @!p5 $0x0  }
0x21: {  	v9 =	vsel vm8, $0x9700, v9;
	v0 =	vsel vm7, $0x780, v0;
	v1 =	vsel vm7, $0x1780, v1;
	[dreg:$0xc] =	wrdreg s26;
	s8 =	simm.s32 @p5 $0x1;
	p5 =	slt.s32 s2, $0xB  }
0x22: {  	v2 =	vsel vm7, $0x2780, v2;
	v3 =	vsel vm7, $0x3780, v3;
	v4 =	vsel vm7, $0x4780, v4;
	s30 =	sadd.s32 $0x8C00, s1;
	[smem:$0x7F2] =	sst s8;
	s8 =	simm.s32 @!p5 $0x0  }
0x23: {  	v5 =	vsel vm7, $0x5780, v5;
	v6 =	vsel vm7, $0x6780, v6;
	v7 =	vsel vm7, $0x7780, v7;
	[dreg:$0xd] =	wrdreg s30;
	s8 =	simm.s32 @p5 $0x1;
	p5 =	slt.s32 s2, $0xC  }
0x24: {  	v8 =	vsel vm7, $0x8780, v8;
	v9 =	vsel vm7, $0x9780, v9;
	v0 =	vsel vm6, $0xC00, v0;
	s31 =	sadd.s32 $0xA000, s1;
	[smem:$0x7F3] =	sst s8;
	s8 =	simm.s32 @!p5 $0x0  }
0x25: {  	v1 =	vsel vm6, $0x1C00, v1;
	v2 =	vsel vm6, $0x2C00, v2;
	v3 =	vsel vm6, $0x3C00, v3;
	[dreg:$0xe] =	wrdreg s31;
	s8 =	simm.s32 @p5 $0x1;
	p5 =	slt.s32 s2, $0xD  }
0x26: {  	v4 =	vsel vm6, $0x4C00, v4;
	v5 =	vsel vm6, $0x5C00, v5;
	v6 =	vsel vm6, $0x6C00, v6;
	s4 =	sadd.s32 $0xB400, s1;
	[smem:$0x7F4] =	sst s8;
	s8 =	simm.s32 @!p5 $0x0  }
0x27: {  	v7 =	vsel vm6, $0x7C00, v7;
	v8 =	vsel vm6, $0x8C00, v8;
	v9 =	vsel vm6, $0x9C00, v9;
	[dreg:$0xf] =	wrdreg s4;
	s8 =	simm.s32 @p5 $0x1;
	p5 =	slt.s32 s2, $0xE  }
0x28: {  	v0 =	vsel vm5, $0xC80, v0;
	v1 =	vsel vm5, $0x1C80, v1;
	v2 =	vsel vm5, $0x2C80, v2;
	s26 =	sadd.s32 $0xDC00, s1;
	[smem:$0x7F5] =	sst s8;
	s8 =	simm.s32 @!p5 $0x0  }
0x29: {  	v3 =	vsel vm5, $0x3C80, v3;
	v4 =	vsel vm5, $0x4C80, v4;
	v5 =	vsel vm5, $0x5C80, v5;
	[dreg:$0x11] =	wrdreg s26;
	s8 =	simm.s32 @p5 $0x1;
	p5 =	slt.s32 s2, $0xF  }
0x2a: {  	v6 =	vsel vm5, $0x6C80, v6;
	v7 =	vsel vm5, $0x7C80, v7;
	v8 =	vsel vm5, $0x8C80, v8;
	s30 =	sadd.s32 $0xF000, s1;
	[smem:$0x7F6] =	sst s8;
	s8 =	simm.s32 @!p5 $0x0  }
0x2b: {  	v9 =	vsel vm5, $0x9C80, v9;
	v0 =	vsel vm4, $0xD00, v0;
	v1 =	vsel vm4, $0x1D00, v1;
	[dreg:$0x12] =	wrdreg s30;
	s8 =	simm.s32 @p5 $0x1;
	p5 =	slt.s32 s2, $0x10  }
0x2c: {  	v2 =	vsel vm4, $0x2D00, v2;
	v3 =	vsel vm4, $0x3D00, v3;
	v4 =	vsel vm4, $0x4D00, v4;
	s31 =	sadd.s32 $0x10400, s1;
	[smem:$0x7F7] =	sst s8;
	s8 =	simm.s32 @!p5 $0x0  }
0x2d: {  	v5 =	vsel vm4, $0x5D00, v5;
	v6 =	vsel vm4, $0x6D00, v6;
	v7 =	vsel vm4, $0x7D00, v7;
	[dreg:$0x13] =	wrdreg s31;
	s8 =	simm.s32 @p5 $0x1;
	p5 =	slt.s32 s2, $0x11  }
0x2e: {  	v8 =	vsel vm4, $0x8D00, v8;
	v9 =	vsel vm4, $0x9D00, v9;
	v0 =	vsel vm3, $0xD80, v0;
	s4 =	sadd.s32 $0x11800, s1;
	[smem:$0x7F8] =	sst s8;
	s8 =	simm.s32 @!p5 $0x0  }
0x2f: {  	v1 =	vsel vm3, $0x1D80, v1;
	v2 =	vsel vm3, $0x2D80, v2;
	v3 =	vsel vm3, $0x3D80, v3;
	[dreg:$0x14] =	wrdreg s4;
	s8 =	simm.s32 @p5 $0x1;
	p5 =	slt.s32 s2, $0x12  }
0x30: {  	v4 =	vsel vm3, $0x4D80, v4;
	v5 =	vsel vm3, $0x5D80, v5;
	v6 =	vsel vm3, $0x6D80, v6;
	s26 =	sadd.s32 $0x14000, s1;
	[smem:$0x7F9] =	sst s8;
	s8 =	simm.s32 @!p5 $0x0  }
0x31: {  	v7 =	vsel vm3, $0x7D80, v7;
	v8 =	vsel vm3, $0x8D80, v8;
	v9 =	vsel vm3, $0x9D80, v9;
	[dreg:$0x16] =	wrdreg s26;
	s8 =	simm.s32 @p5 $0x1;
	p5 =	slt.s32 s2, $0x13  }
0x32: {  	v0 =	vsel vm2, $0xE00, v0;
	v1 =	vsel vm2, $0x1E00, v1;
	v2 =	vsel vm2, $0x2E00, v2;
	s30 =	sadd.s32 $0x15400, s1;
	[smem:$0x7FA] =	sst s8;
	s8 =	simm.s32 @!p5 $0x0  }
0x33: {  	v3 =	vsel vm2, $0x3E00, v3;
	v4 =	vsel vm2, $0x4E00, v4;
	v5 =	vsel vm2, $0x5E00, v5;
	[dreg:$0x17] =	wrdreg s30;
	s8 =	simm.s32 @p5 $0x1;
	p5 =	slt.s32 s2, $0x14  }
0x34: {  	v6 =	vsel vm2, $0x6E00, v6;
	s31 =	sadd.s32 $0x16800, s1;
	v7 =	vsel vm2, $0x7E00, v7;
	v8 =	vsel vm2, $0x8E00, v8;
	[smem:$0x7FB] =	sst s8;
	s8 =	simm.s32 @!p5 $0x0  }
0x35: {  	v9 =	vsel vm2, $0x9E00, v9;
	v0 =	vsel vm1, $0xE80, v0;
	v1 =	vsel vm1, $0x1E80, v1;
	[dreg:$0x18] =	wrdreg s31;
	s8 =	simm.s32 @p5 $0x1;
	p5 =	slt.s32 s2, $0x3  }
0x36: {  	v2 =	vsel vm1, $0x2E80, v2;
	v3 =	vsel vm1, $0x3E80, v3;
	v4 =	vsel vm1, $0x4E80, v4;
	[smem:$0x7FC] =	sst s8;
	s2 =	simm.s32 @!p5 $0x0;
	s8 =	sadd.s32 $0x6400, s1  }
.Ltmp0:
0x37: {  	v5 =	vsel vm1, $0x5E80, v5;
	v6 =	vsel vm1, $0x6E80, v6;
	v7 =	vsel vm1, $0x7E80, v7;
	s2 =	simm.s32 @p5 $0x1;
	[dreg:$0xb] =	wrdreg s8;
	(pc) =	sbr.rel .LBB2_1-.Ltmp0, $4  }
0x38: {  	s28 =	simm.s32 $0x0;
	v8 =	vsel vm1, $0x8E80, v8;
	v9 =	vsel vm1, $0x9E80, v9;
	v0 =	vsel vm0, $0xF00, v0;
	s8 =	sadd.s32 $0xC800, s1;
	[smem:$0x7FD] =	sst s2  }
0x39: {  	s0 =	simm.s32 $0x14000;
	v1 =	vsel vm0, $0x1F00, v1;
	v2 =	vsel vm0, $0x2F00, v2;
	v3 =	vsel vm0, $0x3F00, v3;
	[dreg:$0x10] =	wrdreg s8;
	s8 =	sadd.s32 $0x12C00, s1  }
0x3a: {  	s26 =	simm.s32 $0x7;
	v4 =	vsel vm0, $0x4F00, v4;
	v5 =	vsel vm0, $0x5F00, v5;
	v6 =	vsel vm0, $0x6F00, v6;
	s1 =	sadd.s32 $0x17C00, s1;
	[dreg:$0x15] =	wrdreg s8  }
0x3b: {  	v7 =	vsel vm0, $0x7F00, v7;
	v8 =	vsel vm0, $0x8F00, v8;
	v9 =	vsel vm0, $0x9F00, v9;
	s2 =	simm.s32 $0x1EC80;
	[dreg:$0x19] =	wrdreg s1;
	s8 =	simm.s32 $0xA000  }
.LBB2_95:
0x3c: {  	_ =	swait.ge [sflag:s1], $0xA000  }
0x3d: {  	[sflag:s1] =	ssyncset.done $0x0  }
0x3e: {  	[sflag:s1] =	ssyncadd.s32 $0xFFFF6000  }
.LBB2_96:
0x3f: {  	s28 =	sadd.s32 $0x1, s28;
	s1 =	rddreg [dreg:$0x1a]  }
0x40: {  	p5 =	sne.s32 s28, s1  }
.Ltmp1:
0x41: {  	_ = 	snop;
	(pc) =	sbr.rel @!p5 .LBB2_97-.Ltmp1, $1  }
0x42: {  	_ =	sdelay $0x3  }
.LBB2_1:
0x43: {  	s1 =	rddreg [dreg:$0x1]  }
0x44: {  	[tilespmem:s2], [sflag:$0x7] =	stream.linear.gather [hbm4b:s1+s3], $0x400, $0x38;
	[tilespmem:$0x1F080] =	vst v63  }
0x45: {  	_ =	swait.ge [sflag:s26], $0x400  }
0x46: {  	s4 =	simm.s32 $0x1E000;
	[sflag:s26] =	ssyncset.done $0x0  }
.Ltmp2:
0x47: {  	s31 =	rddreg [dreg:$0x5];
	[sflag:s26] =	ssyncadd.s32 $0xFFFFFC00;
	(pc) =	sbr.rel @p0 .LBB2_96-.Ltmp2, $4  }
0x48: {  	[tilespmem:s4], [sflag:$0x7] =	stream.linear.gather [hbm4b:s31+s3], $0xC80, $0x38;
	[tilespmem:$0x1F080] =	vst v63  }
0x49: {  	_ =	swait.ge [sflag:s26], $0xC80  }
0x4a: {  	[sflag:s26] =	ssyncset.done $0x0  }
0x4b: {  	[sflag:s26] =	ssyncadd.s32 $0xFFFFF380  }
0x4c: {  	s30 =	simm.s32 $0x0  }
0x4d: {  	s1 =	simm.s32 $0x80;
	s31 =	sadd.s32 $0x0, s5;
	s4 =	simm.s32 $0x800  }
.LBB2_3:
0x4e: {  	[tilespmem:s30], [sflag:$0x1] =	stream.linear.gather [hbm4b:s31+s3], $0x400, $0x38;
	[tilespmem:$0x1F080] =	vst v63  }
0x4f: {  	s31 =	smov.u32 s1;
	s30 =	smov.u32 s4;
	p6 =	sne.s32 s1, $0x980  }
.Ltmp3:
0x50: {  	s1 =	sadd.s32 $0x80, s1;
	(pc) =	sbr.rel @p6 .LBB2_3-.Ltmp3, $2  }
0x51: {  	_ =	sdelay $0x2  }
0x52: {  	s4 =	sadd.s32 $0x800, s4;
	s31 =	sadd.s32 s31, s5  }
.Ltmp4:
0x53: {  	(pc) =	sbr.rel @p1 .LBB2_11-.Ltmp4, $3  }
0x54: {  	_ =	sdelay $0x1  }
0x55: {  	[tilespmem:s30], [sflag:$0x1] =	stream.linear.gather [hbm4b:s31+s3], $0x400, $0x38;
	[tilespmem:$0x1F080] =	vst v63  }
0x56: {  	p6 =	por $0x0, $0x0  }
0x57: {  	s30 =	simm.s32 $0xA000  }
0x58: {  	s1 =	simm.s32 $0x80;
	s31 =	sadd.s32 $0x0, s6;
	s4 =	simm.s32 $0xA800  }
.LBB2_6:
0x59: {  	[tilespmem:s30], [sflag:$0x2] =	stream.linear.gather [hbm4b:s31+s3], $0x400, $0x38;
	[tilespmem:$0x1F080] =	vst v63  }
0x5a: {  	s31 =	smov.u32 s1;
	s30 =	smov.u32 s4;
	p5 =	sne.s32 s1, $0x980  }
.Ltmp5:
0x5b: {  	s1 =	sadd.s32 $0x80, s1;
	(pc) =	sbr.rel @p5 .LBB2_6-.Ltmp5, $2  }
0x5c: {  	_ =	sdelay $0x2  }
0x5d: {  	s4 =	sadd.s32 $0x800, s4;
	s31 =	sadd.s32 s31, s6  }
0x5e: {  	s1 =	sld [smem:$0x7FD];
	_ =	sdelay $0x2  }
0x5f: {  	p5 =	seq.s32 s1, $0x1  }
.Ltmp6:
0x60: {  	_ = 	snop;
	(pc) =	sbr.rel @p5 .LBB2_11-.Ltmp6, $2  }
0x61: {  	_ =	sdelay $0x2  }
0x62: {  	[tilespmem:s30], [sflag:$0x2] =	stream.linear.gather [hbm4b:s31+s3], $0x400, $0x38;
	[tilespmem:$0x1F080] =	vst v63  }
0x63: {  	s1 =	simm.s32 $0x0;
	s4 =	simm.s32 $0x14000  }
.LBB2_9:
0x64: {  	p5 =	sne.s32 s1, $0x980  }
.Ltmp7:
0x65: {  	_ = 	snop;
	(pc) =	sbr.rel @p5 .LBB2_9-.Ltmp7, $4  }
0x66: {  	_ = 	snop  }
0x67: {  	s30 =	sadd.s32 s1, s7  }
0x68: {  	[tilespmem:s4], [sflag:$0x3] =	stream.linear.gather [hbm4b:s30+s3], $0x400, $0x38;
	[tilespmem:$0x1F080] =	vst v63  }
0x69: {  	s1 =	sadd.s32 $0x80, s1;
	s4 =	sadd.s32 $0x800, s4  }
0x6a: {  	p6 =	por $0x1, $0x1  }
.LBB2_11:
0x6b: {  	v10 =	vld [tilespmem:$0x1E000];
	_ =	sdelay $0x7  }
0x6c: {  	v10 =	vld.idx.msk [tilespmem:v10+s2+$0x0], $0xffff;
	_ =	sdelay $0x4  }
0x6d: {  	[tilespmem:v0+s3+$0x0] =	vst.idx.msk $0xffff, v10  }
0x6e: {  	v10 =	vld [tilespmem:$0x1E010];
	_ =	sdelay $0x7  }
0x6f: {  	v10 =	vld.idx.msk [tilespmem:v10+s2+$0x0], $0xffff;
	_ =	sdelay $0x4  }
0x70: {  	[tilespmem:v1+s3+$0x0] =	vst.idx.msk $0xffff, v10  }
0x71: {  	v10 =	vld [tilespmem:$0x1E020];
	_ =	sdelay $0x7  }
0x72: {  	v10 =	vld.idx.msk [tilespmem:v10+s2+$0x0], $0xffff;
	_ =	sdelay $0x4  }
0x73: {  	[tilespmem:v2+s3+$0x0] =	vst.idx.msk $0xffff, v10  }
0x74: {  	v10 =	vld [tilespmem:$0x1E030];
	_ =	sdelay $0x7  }
0x75: {  	v10 =	vld.idx.msk [tilespmem:v10+s2+$0x0], $0xffff;
	_ =	sdelay $0x4  }
0x76: {  	[tilespmem:v3+s3+$0x0] =	vst.idx.msk $0xffff, v10  }
0x77: {  	v10 =	vld [tilespmem:$0x1E040];
	_ =	sdelay $0x7  }
0x78: {  	v10 =	vld.idx.msk [tilespmem:v10+s2+$0x0], $0xffff;
	_ =	sdelay $0x4  }
0x79: {  	[tilespmem:v4+s3+$0x0] =	vst.idx.msk $0xffff, v10  }
0x7a: {  	v10 =	vld [tilespmem:$0x1E050];
	_ =	sdelay $0x7  }
0x7b: {  	v10 =	vld.idx.msk [tilespmem:v10+s2+$0x0], $0xffff;
	_ =	sdelay $0x4  }
0x7c: {  	[tilespmem:v5+s3+$0x0] =	vst.idx.msk $0xffff, v10  }
0x7d: {  	v10 =	vld [tilespmem:$0x1E060];
	_ =	sdelay $0x7  }
0x7e: {  	v10 =	vld.idx.msk [tilespmem:v10+s2+$0x0], $0xffff;
	_ =	sdelay $0x4  }
0x7f: {  	[tilespmem:v6+s3+$0x0] =	vst.idx.msk $0xffff, v10  }
0x80: {  	v10 =	vld [tilespmem:$0x1E070];
	_ =	sdelay $0x7  }
0x81: {  	v10 =	vld.idx.msk [tilespmem:v10+s2+$0x0], $0xffff;
	_ =	sdelay $0x4  }
0x82: {  	[tilespmem:v7+s3+$0x0] =	vst.idx.msk $0xffff, v10  }
0x83: {  	v10 =	vld [tilespmem:$0x1E080];
	_ =	sdelay $0x7  }
0x84: {  	v10 =	vld.idx.msk [tilespmem:v10+s2+$0x0], $0xffff;
	_ =	sdelay $0x4  }
0x85: {  	[tilespmem:v8+s3+$0x0] =	vst.idx.msk $0xffff, v10  }
0x86: {  	v10 =	vld [tilespmem:$0x1E090];
	_ =	sdelay $0x7  }
0x87: {  	v10 =	vld.idx.msk [tilespmem:v10+s2+$0x0], $0xffff;
	_ =	sdelay $0x4  }
0x88: {  	[tilespmem:v9+s3+$0x0] =	vst.idx.msk $0xffff, v10  }
0x89: {  	_ =	swait.ge [sflag:s29], $0x5000  }
0x8a: {  	s31 =	simm.s32 $0x4;
	[sflag:s29] =	ssyncset.done $0x0  }
.Ltmp8:
0x8b: {  	s1 =	rddreg [dreg:$0x6];
	[sflag:s29] =	ssyncadd.s32 $0xFFFFB000;
	(pc) =	sbr.rel @p2 .LBB2_15-.Ltmp8, $4  }
0x8c: {  	[hbm4b:s1+s3] =	stream.linear.scatter [tilespmem:s3], [sflag:$0x4], $0xA000, $0x38;
	[tilespmem:$0x1F080] =	vst v63  }
0x8d: {  	_ =	swait.ge [sflag:s31], $0xA000  }
0x8e: {  	[sflag:s31] =	ssyncset.done $0x0  }
0x8f: {  	[sflag:s31] =	ssyncadd.s32 $0xFFFF6000  }
0x90: {  	s30 =	simm.s32 $0x0  }
0x91: {  	s1 =	simm.s32 $0x80;
	s31 =	sadd.s32 $0x0, s9;
	s4 =	simm.s32 $0x800  }
.LBB2_13:
0x92: {  	[tilespmem:s30], [sflag:$0x1] =	stream.linear.gather [hbm4b:s31+s3], $0x400, $0x38;
	[tilespmem:$0x1F080] =	vst v63  }
0x93: {  	s31 =	smov.u32 s1;
	s30 =	smov.u32 s4;
	p5 =	sne.s32 s1, $0x980  }
.Ltmp9:
0x94: {  	s1 =	sadd.s32 $0x80, s1;
	(pc) =	sbr.rel @p5 .LBB2_13-.Ltmp9, $2  }
0x95: {  	_ =	sdelay $0x2  }
0x96: {  	s4 =	sadd.s32 $0x800, s4;
	s31 =	sadd.s32 s31, s9  }
0x97: {  	[tilespmem:s30], [sflag:$0x1] =	stream.linear.gather [hbm4b:s31+s3], $0x400, $0x38;
	[tilespmem:$0x1F080] =	vst v63  }
.LBB2_15:
0x98: {  	v10 =	vld @!p1 [tilespmem:$0x1E0A0];
	_ =	sdelay $0x7  }
0x99: {  	v10 =	vld.idx.msk @!p1 [tilespmem:v10+s2+$0x0], $0xffff;
	_ =	sdelay $0x4  }
0x9a: {  	[tilespmem:v0+s8+$0x0] =	vst.idx.msk @!p1 $0xffff, v10  }
0x9b: {  	v10 =	vld @!p1 [tilespmem:$0x1E0B0];
	_ =	sdelay $0x7  }
0x9c: {  	v10 =	vld.idx.msk @!p1 [tilespmem:v10+s2+$0x0], $0xffff;
	_ =	sdelay $0x4  }
0x9d: {  	[tilespmem:v1+s8+$0x0] =	vst.idx.msk @!p1 $0xffff, v10  }
0x9e: {  	v10 =	vld @!p1 [tilespmem:$0x1E0C0];
	_ =	sdelay $0x7  }
0x9f: {  	v10 =	vld.idx.msk @!p1 [tilespmem:v10+s2+$0x0], $0xffff;
	_ =	sdelay $0x4  }
0xa0: {  	[tilespmem:v2+s8+$0x0] =	vst.idx.msk @!p1 $0xffff, v10  }
0xa1: {  	v10 =	vld @!p1 [tilespmem:$0x1E0D0];
	_ =	sdelay $0x7  }
0xa2: {  	v10 =	vld.idx.msk @!p1 [tilespmem:v10+s2+$0x0], $0xffff;
	_ =	sdelay $0x4  }
0xa3: {  	[tilespmem:v3+s8+$0x0] =	vst.idx.msk @!p1 $0xffff, v10  }
0xa4: {  	v10 =	vld @!p1 [tilespmem:$0x1E0E0];
	_ =	sdelay $0x7  }
0xa5: {  	v10 =	vld.idx.msk @!p1 [tilespmem:v10+s2+$0x0], $0xffff;
	_ =	sdelay $0x4  }
0xa6: {  	[tilespmem:v4+s8+$0x0] =	vst.idx.msk @!p1 $0xffff, v10  }
0xa7: {  	v10 =	vld @!p1 [tilespmem:$0x1E0F0];
	_ =	sdelay $0x7  }
0xa8: {  	v10 =	vld.idx.msk @!p1 [tilespmem:v10+s2+$0x0], $0xffff;
	_ =	sdelay $0x4  }
0xa9: {  	[tilespmem:v5+s8+$0x0] =	vst.idx.msk @!p1 $0xffff, v10  }
0xaa: {  	v10 =	vld @!p1 [tilespmem:$0x1E100];
	_ =	sdelay $0x7  }
0xab: {  	v10 =	vld.idx.msk @!p1 [tilespmem:v10+s2+$0x0], $0xffff;
	_ =	sdelay $0x4  }
0xac: {  	[tilespmem:v6+s8+$0x0] =	vst.idx.msk @!p1 $0xffff, v10  }
0xad: {  	v10 =	vld @!p1 [tilespmem:$0x1E110];
	_ =	sdelay $0x7  }
0xae: {  	v10 =	vld.idx.msk @!p1 [tilespmem:v10+s2+$0x0], $0xffff;
	_ =	sdelay $0x4  }
0xaf: {  	[tilespmem:v7+s8+$0x0] =	vst.idx.msk @!p1 $0xffff, v10  }
0xb0: {  	v10 =	vld @!p1 [tilespmem:$0x1E120];
	_ =	sdelay $0x7  }
0xb1: {  	v10 =	vld.idx.msk @!p1 [tilespmem:v10+s2+$0x0], $0xffff;
	_ =	sdelay $0x4  }
0xb2: {  	[tilespmem:v8+s8+$0x0] =	vst.idx.msk @!p1 $0xffff, v10  }
0xb3: {  	v10 =	vld @!p1 [tilespmem:$0x1E130];
	_ =	sdelay $0x7  }
0xb4: {  	v10 =	vld.idx.msk @!p1 [tilespmem:v10+s2+$0x0], $0xffff;
	_ =	sdelay $0x4  }
0xb5: {  	s1 =	simm.s32 @!p1 $0x2;
	[tilespmem:v9+s8+$0x0] =	vst.idx.msk @!p1 $0xffff, v10  }
0xb6: {  	_ =	swait.ge @!p1 [sflag:s1], $0x5000  }
0xb7: {  	[sflag:s1] =	ssyncset.done @!p1 $0x0  }
0xb8: {  	[sflag:s1] =	ssyncadd.s32 @!p1 $0xFFFFB000;
	s1 =	rddreg @!p1 [dreg:$0x7]  }
0xb9: {  	[hbm4b:s1+s3] =	stream.linear.scatter @!p1 [tilespmem:s8], [sflag:$0x5], $0xA000, $0x38;
	[tilespmem:$0x1F080] =	vst v63  }
.Ltmp10:
0xba: {  	_ = 	snop;
	(pc) =	sbr.rel @p3 .LBB2_19-.Ltmp10, $4  }
0xbb: {  	s1 =	simm.s32 @!p1 $0x5  }
0xbc: {  	_ =	swait.ge @!p1 [sflag:s1], $0xA000  }
0xbd: {  	[sflag:s1] =	ssyncset.done @!p1 $0x0  }
0xbe: {  	[sflag:s1] =	ssyncadd.s32 @!p1 $0xFFFF6000  }
0xbf: {  	s30 =	simm.s32 $0xA000  }
0xc0: {  	s1 =	simm.s32 $0x80;
	s31 =	sadd.s32 $0x0, s10;
	s4 =	simm.s32 $0xA800  }
.LBB2_17:
0xc1: {  	[tilespmem:s30], [sflag:$0x2] =	stream.linear.gather [hbm4b:s31+s3], $0x400, $0x38;
	[tilespmem:$0x1F080] =	vst v63  }
0xc2: {  	s31 =	smov.u32 s1;
	s30 =	smov.u32 s4;
	p5 =	sne.s32 s1, $0x980  }
.Ltmp11:
0xc3: {  	s1 =	sadd.s32 $0x80, s1;
	(pc) =	sbr.rel @p5 .LBB2_17-.Ltmp11, $2  }
0xc4: {  	_ =	sdelay $0x2  }
0xc5: {  	s4 =	sadd.s32 $0x800, s4;
	s31 =	sadd.s32 s31, s10  }
0xc6: {  	[tilespmem:s30], [sflag:$0x2] =	stream.linear.gather [hbm4b:s31+s3], $0x400, $0x38;
	[tilespmem:$0x1F080] =	vst v63  }
.LBB2_19:
0xc7: {  	v10 =	vld @p6 [tilespmem:$0x1E140];
	_ =	sdelay $0x7  }
0xc8: {  	v10 =	vld.idx.msk @p6 [tilespmem:v10+s2+$0x0], $0xffff;
	_ =	sdelay $0x4  }
0xc9: {  	[tilespmem:v0+s0+$0x0] =	vst.idx.msk @p6 $0xffff, v10  }
0xca: {  	v10 =	vld @p6 [tilespmem:$0x1E150];
	_ =	sdelay $0x7  }
0xcb: {  	v10 =	vld.idx.msk @p6 [tilespmem:v10+s2+$0x0], $0xffff;
	_ =	sdelay $0x4  }
0xcc: {  	[tilespmem:v1+s0+$0x0] =	vst.idx.msk @p6 $0xffff, v10  }
0xcd: {  	v10 =	vld @p6 [tilespmem:$0x1E160];
	_ =	sdelay $0x7  }
0xce: {  	v10 =	vld.idx.msk @p6 [tilespmem:v10+s2+$0x0], $0xffff;
	_ =	sdelay $0x4  }
0xcf: {  	[tilespmem:v2+s0+$0x0] =	vst.idx.msk @p6 $0xffff, v10  }
0xd0: {  	v10 =	vld @p6 [tilespmem:$0x1E170];
	_ =	sdelay $0x7  }
0xd1: {  	v10 =	vld.idx.msk @p6 [tilespmem:v10+s2+$0x0], $0xffff;
	_ =	sdelay $0x4  }
0xd2: {  	[tilespmem:v3+s0+$0x0] =	vst.idx.msk @p6 $0xffff, v10  }
0xd3: {  	v10 =	vld @p6 [tilespmem:$0x1E180];
	_ =	sdelay $0x7  }
0xd4: {  	v10 =	vld.idx.msk @p6 [tilespmem:v10+s2+$0x0], $0xffff;
	_ =	sdelay $0x4  }
0xd5: {  	[tilespmem:v4+s0+$0x0] =	vst.idx.msk @p6 $0xffff, v10  }
0xd6: {  	v10 =	vld @p6 [tilespmem:$0x1E190];
	_ =	sdelay $0x7  }
0xd7: {  	v10 =	vld.idx.msk @p6 [tilespmem:v10+s2+$0x0], $0xffff;
	_ =	sdelay $0x4  }
0xd8: {  	[tilespmem:v5+s0+$0x0] =	vst.idx.msk @p6 $0xffff, v10  }
0xd9: {  	v10 =	vld @p6 [tilespmem:$0x1E1A0];
	_ =	sdelay $0x7  }
0xda: {  	v10 =	vld.idx.msk @p6 [tilespmem:v10+s2+$0x0], $0xffff;
	_ =	sdelay $0x4  }
0xdb: {  	[tilespmem:v6+s0+$0x0] =	vst.idx.msk @p6 $0xffff, v10  }
0xdc: {  	v10 =	vld @p6 [tilespmem:$0x1E1B0];
	_ =	sdelay $0x7  }
0xdd: {  	v10 =	vld.idx.msk @p6 [tilespmem:v10+s2+$0x0], $0xffff;
	_ =	sdelay $0x4  }
0xde: {  	[tilespmem:v7+s0+$0x0] =	vst.idx.msk @p6 $0xffff, v10  }
0xdf: {  	v10 =	vld @p6 [tilespmem:$0x1E1C0];
	_ =	sdelay $0x7  }
0xe0: {  	v10 =	vld.idx.msk @p6 [tilespmem:v10+s2+$0x0], $0xffff;
	_ =	sdelay $0x4  }
0xe1: {  	[tilespmem:v8+s0+$0x0] =	vst.idx.msk @p6 $0xffff, v10  }
0xe2: {  	v10 =	vld @p6 [tilespmem:$0x1E1D0];
	_ =	sdelay $0x7  }
0xe3: {  	v10 =	vld.idx.msk @p6 [tilespmem:v10+s2+$0x0], $0xffff;
	_ =	sdelay $0x4  }
0xe4: {  	s1 =	simm.s32 @p6 $0x3;
	[tilespmem:v9+s0+$0x0] =	vst.idx.msk @p6 $0xffff, v10  }
0xe5: {  	_ =	swait.ge @p6 [sflag:s1], $0x5000  }
0xe6: {  	[sflag:s1] =	ssyncset.done @p6 $0x0  }
0xe7: {  	[sflag:s1] =	ssyncadd.s32 @p6 $0xFFFFB000;
	s1 =	rddreg @p6 [dreg:$0x8]  }
0xe8: {  	[hbm4b:s1+s3] =	stream.linear.scatter @p6 [tilespmem:s0], [sflag:$0x6], $0xA000, $0x38;
	[tilespmem:$0x1F080] =	vst v63  }
.Ltmp12:
0xe9: {  	_ = 	snop;
	(pc) =	sbr.rel @p4 .LBB2_23-.Ltmp12, $4  }
0xea: {  	s1 =	simm.s32 @p6 $0x6  }
0xeb: {  	_ =	swait.ge @p6 [sflag:s1], $0xA000  }
0xec: {  	[sflag:s1] =	ssyncset.done @p6 $0x0  }
0xed: {  	[sflag:s1] =	ssyncadd.s32 @p6 $0xFFFF6000  }
0xee: {  	s30 =	simm.s32 $0x14000  }
0xef: {  	s1 =	simm.s32 $0x80;
	s31 =	sadd.s32 $0x0, s11;
	s4 =	simm.s32 $0x14800  }
.LBB2_21:
0xf0: {  	[tilespmem:s30], [sflag:$0x3] =	stream.linear.gather [hbm4b:s31+s3], $0x400, $0x38;
	[tilespmem:$0x1F080] =	vst v63  }
0xf1: {  	s31 =	smov.u32 s1;
	s30 =	smov.u32 s4;
	p5 =	sne.s32 s1, $0x980  }
.Ltmp13:
0xf2: {  	s1 =	sadd.s32 $0x80, s1;
	(pc) =	sbr.rel @p5 .LBB2_21-.Ltmp13, $2  }
0xf3: {  	_ =	sdelay $0x2  }
0xf4: {  	s4 =	sadd.s32 $0x800, s4;
	s31 =	sadd.s32 s31, s11  }
0xf5: {  	[tilespmem:s30], [sflag:$0x3] =	stream.linear.gather [hbm4b:s31+s3], $0x400, $0x38;
	[tilespmem:$0x1F080] =	vst v63  }
.LBB2_23:
0xf6: {  	v10 =	vld @!p2 [tilespmem:$0x1E1E0];
	_ =	sdelay $0x7  }
0xf7: {  	v10 =	vld.idx.msk @!p2 [tilespmem:v10+s2+$0x0], $0xffff;
	_ =	sdelay $0x4  }
0xf8: {  	[tilespmem:v0+s3+$0x0] =	vst.idx.msk @!p2 $0xffff, v10  }
0xf9: {  	v10 =	vld @!p2 [tilespmem:$0x1E1F0];
	_ =	sdelay $0x7  }
0xfa: {  	v10 =	vld.idx.msk @!p2 [tilespmem:v10+s2+$0x0], $0xffff;
	_ =	sdelay $0x4  }
0xfb: {  	[tilespmem:v1+s3+$0x0] =	vst.idx.msk @!p2 $0xffff, v10  }
0xfc: {  	v10 =	vld @!p2 [tilespmem:$0x1E200];
	_ =	sdelay $0x7  }
0xfd: {  	v10 =	vld.idx.msk @!p2 [tilespmem:v10+s2+$0x0], $0xffff;
	_ =	sdelay $0x4  }
0xfe: {  	[tilespmem:v2+s3+$0x0] =	vst.idx.msk @!p2 $0xffff, v10  }
0xff: {  	v10 =	vld @!p2 [tilespmem:$0x1E210];
	_ =	sdelay $0x7  }
0x100: {  	v10 =	vld.idx.msk @!p2 [tilespmem:v10+s2+$0x0], $0xffff;
	_ =	sdelay $0x4  }
0x101: {  	[tilespmem:v3+s3+$0x0] =	vst.idx.msk @!p2 $0xffff, v10  }
0x102: {  	v10 =	vld @!p2 [tilespmem:$0x1E220];
	_ =	sdelay $0x7  }
0x103: {  	v10 =	vld.idx.msk @!p2 [tilespmem:v10+s2+$0x0], $0xffff;
	_ =	sdelay $0x4  }
0x104: {  	[tilespmem:v4+s3+$0x0] =	vst.idx.msk @!p2 $0xffff, v10  }
0x105: {  	v10 =	vld @!p2 [tilespmem:$0x1E230];
	_ =	sdelay $0x7  }
0x106: {  	v10 =	vld.idx.msk @!p2 [tilespmem:v10+s2+$0x0], $0xffff;
	_ =	sdelay $0x4  }
0x107: {  	[tilespmem:v5+s3+$0x0] =	vst.idx.msk @!p2 $0xffff, v10  }
0x108: {  	v10 =	vld @!p2 [tilespmem:$0x1E240];
	_ =	sdelay $0x7  }
0x109: {  	v10 =	vld.idx.msk @!p2 [tilespmem:v10+s2+$0x0], $0xffff;
	_ =	sdelay $0x4  }
0x10a: {  	[tilespmem:v6+s3+$0x0] =	vst.idx.msk @!p2 $0xffff, v10  }
0x10b: {  	v10 =	vld @!p2 [tilespmem:$0x1E250];
	_ =	sdelay $0x7  }
0x10c: {  	v10 =	vld.idx.msk @!p2 [tilespmem:v10+s2+$0x0], $0xffff;
	_ =	sdelay $0x4  }
0x10d: {  	[tilespmem:v7+s3+$0x0] =	vst.idx.msk @!p2 $0xffff, v10  }
0x10e: {  	v10 =	vld @!p2 [tilespmem:$0x1E260];
	_ =	sdelay $0x7  }
0x10f: {  	v10 =	vld.idx.msk @!p2 [tilespmem:v10+s2+$0x0], $0xffff;
	_ =	sdelay $0x4  }
0x110: {  	[tilespmem:v8+s3+$0x0] =	vst.idx.msk @!p2 $0xffff, v10  }
0x111: {  	v10 =	vld @!p2 [tilespmem:$0x1E270];
	_ =	sdelay $0x7  }
0x112: {  	v10 =	vld.idx.msk @!p2 [tilespmem:v10+s2+$0x0], $0xffff;
	_ =	sdelay $0x4  }
0x113: {  	[tilespmem:v9+s3+$0x0] =	vst.idx.msk @!p2 $0xffff, v10  }
0x114: {  	_ =	swait.ge @!p2 [sflag:s29], $0x5000  }
0x115: {  	[sflag:s29] =	ssyncset.done @!p2 $0x0  }
0x116: {  	s1 =	rddreg @!p2 [dreg:$0x9];
	[sflag:s29] =	ssyncadd.s32 @!p2 $0xFFFFB000  }
0x117: {  	[hbm4b:s1+s3] =	stream.linear.scatter @!p2 [tilespmem:s3], [sflag:$0x4], $0xA000, $0x38;
	[tilespmem:$0x1F080] =	vst v63  }
0x118: {  	s1 =	simm.s32 @!p2 $0x4  }
0x119: {  	_ =	swait.ge @!p2 [sflag:s1], $0xA000  }
0x11a: {  	s31 =	sld [smem:$0x7EF];
	_ =	sdelay $0x2  }
0x11b: {  	p5 =	seq.s32 s31, $0x1  }
.Ltmp14:
0x11c: {  	_ = 	snop;
	(pc) =	sbr.rel @p5 .LBB2_27-.Ltmp14, $3  }
0x11d: {  	_ =	sdelay $0x1  }
0x11e: {  	[sflag:s1] =	ssyncset.done @!p2 $0x0  }
0x11f: {  	[sflag:s1] =	ssyncadd.s32 @!p2 $0xFFFF6000  }
0x120: {  	s30 =	simm.s32 $0x0  }
0x121: {  	s1 =	simm.s32 $0x80;
	s31 =	sadd.s32 $0x0, s12;
	s4 =	simm.s32 $0x800  }
.LBB2_25:
0x122: {  	[tilespmem:s30], [sflag:$0x1] =	stream.linear.gather [hbm4b:s31+s3], $0x400, $0x38;
	[tilespmem:$0x1F080] =	vst v63  }
0x123: {  	s31 =	smov.u32 s1;
	s30 =	smov.u32 s4;
	p5 =	seq.s32 s1, $0x980  }
.Ltmp15:
0x124: {  	s1 =	sadd.s32 $0x80, s1;
	(pc) =	sbr.rel @!p5 .LBB2_25-.Ltmp15, $2  }
0x125: {  	_ =	sdelay $0x2  }
0x126: {  	s4 =	sadd.s32 $0x800, s4;
	s31 =	sadd.s32 s31, s12  }
.Ltmp16:
0x127: {  	(pc) =	sbr.rel .LBB2_28-.Ltmp16, $2  }
0x128: {  	_ =	sdelay $0x2  }
0x129: {  	[tilespmem:s30], [sflag:$0x1] =	stream.linear.gather [hbm4b:s31+s3], $0x400, $0x38;
	[tilespmem:$0x1F080] =	vst v63  }
.LBB2_27:
.Ltmp17:
0x12a: {  	(pc) =	sbr.rel @p3 .LBB2_96-.Ltmp17, $1  }
0x12b: {  	_ =	sdelay $0x3  }
.LBB2_28:
0x12c: {  	v10 =	vld [tilespmem:$0x1E280];
	_ =	sdelay $0x7  }
0x12d: {  	v10 =	vld.idx.msk [tilespmem:v10+s2+$0x0], $0xffff;
	_ =	sdelay $0x4  }
0x12e: {  	[tilespmem:v0+s8+$0x0] =	vst.idx.msk $0xffff, v10  }
0x12f: {  	v10 =	vld [tilespmem:$0x1E290];
	_ =	sdelay $0x7  }
0x130: {  	v10 =	vld.idx.msk [tilespmem:v10+s2+$0x0], $0xffff;
	_ =	sdelay $0x4  }
0x131: {  	[tilespmem:v1+s8+$0x0] =	vst.idx.msk $0xffff, v10  }
0x132: {  	v10 =	vld [tilespmem:$0x1E2A0];
	_ =	sdelay $0x7  }
0x133: {  	v10 =	vld.idx.msk [tilespmem:v10+s2+$0x0], $0xffff;
	_ =	sdelay $0x4  }
0x134: {  	[tilespmem:v2+s8+$0x0] =	vst.idx.msk $0xffff, v10  }
0x135: {  	v10 =	vld [tilespmem:$0x1E2B0];
	_ =	sdelay $0x7  }
0x136: {  	v10 =	vld.idx.msk [tilespmem:v10+s2+$0x0], $0xffff;
	_ =	sdelay $0x4  }
0x137: {  	[tilespmem:v3+s8+$0x0] =	vst.idx.msk $0xffff, v10  }
0x138: {  	v10 =	vld [tilespmem:$0x1E2C0];
	_ =	sdelay $0x7  }
0x139: {  	v10 =	vld.idx.msk [tilespmem:v10+s2+$0x0], $0xffff;
	_ =	sdelay $0x4  }
0x13a: {  	[tilespmem:v4+s8+$0x0] =	vst.idx.msk $0xffff, v10  }
0x13b: {  	v10 =	vld [tilespmem:$0x1E2D0];
	_ =	sdelay $0x7  }
0x13c: {  	v10 =	vld.idx.msk [tilespmem:v10+s2+$0x0], $0xffff;
	_ =	sdelay $0x4  }
0x13d: {  	[tilespmem:v5+s8+$0x0] =	vst.idx.msk $0xffff, v10  }
0x13e: {  	v10 =	vld [tilespmem:$0x1E2E0];
	_ =	sdelay $0x7  }
0x13f: {  	v10 =	vld.idx.msk [tilespmem:v10+s2+$0x0], $0xffff;
	_ =	sdelay $0x4  }
0x140: {  	[tilespmem:v6+s8+$0x0] =	vst.idx.msk $0xffff, v10  }
0x141: {  	v10 =	vld [tilespmem:$0x1E2F0];
	_ =	sdelay $0x7  }
0x142: {  	v10 =	vld.idx.msk [tilespmem:v10+s2+$0x0], $0xffff;
	_ =	sdelay $0x4  }
0x143: {  	[tilespmem:v7+s8+$0x0] =	vst.idx.msk $0xffff, v10  }
0x144: {  	v10 =	vld [tilespmem:$0x1E300];
	_ =	sdelay $0x7  }
0x145: {  	v10 =	vld.idx.msk [tilespmem:v10+s2+$0x0], $0xffff;
	_ =	sdelay $0x4  }
0x146: {  	[tilespmem:v8+s8+$0x0] =	vst.idx.msk $0xffff, v10  }
0x147: {  	v10 =	vld [tilespmem:$0x1E310];
	_ =	sdelay $0x7  }
0x148: {  	v10 =	vld.idx.msk [tilespmem:v10+s2+$0x0], $0xffff;
	_ =	sdelay $0x4  }
0x149: {  	s1 =	simm.s32 $0x2;
	[tilespmem:v9+s8+$0x0] =	vst.idx.msk $0xffff, v10  }
0x14a: {  	_ =	swait.ge [sflag:s1], $0x5000  }
0x14b: {  	[sflag:s1] =	ssyncset.done $0x0  }
0x14c: {  	s30 =	simm.s32 $0x5;
	s4 =	rddreg [dreg:$0xa];
	[sflag:s1] =	ssyncadd.s32 $0xFFFFB000  }
0x14d: {  	[hbm4b:s4+s3] =	stream.linear.scatter [tilespmem:s8], [sflag:$0x5], $0xA000, $0x38;
	[tilespmem:$0x1F080] =	vst v63  }
0x14e: {  	_ =	swait.ge [sflag:s30], $0xA000  }
0x14f: {  	s31 =	sld [smem:$0x7F0];
	_ =	sdelay $0x2  }
0x150: {  	p5 =	seq.s32 s31, $0x1  }
.Ltmp18:
0x151: {  	_ = 	snop;
	(pc) =	sbr.rel @p5 .LBB2_32-.Ltmp18, $3  }
0x152: {  	_ =	sdelay $0x1  }
0x153: {  	[sflag:s30] =	ssyncset.done $0x0  }
0x154: {  	[sflag:s30] =	ssyncadd.s32 $0xFFFF6000  }
0x155: {  	s30 =	simm.s32 $0xA000  }
0x156: {  	s1 =	simm.s32 $0x80;
	s31 =	sadd.s32 $0x0, s13;
	s4 =	simm.s32 $0xA800  }
.LBB2_30:
0x157: {  	[tilespmem:s30], [sflag:$0x2] =	stream.linear.gather [hbm4b:s31+s3], $0x400, $0x38;
	[tilespmem:$0x1F080] =	vst v63  }
0x158: {  	s31 =	smov.u32 s1;
	s30 =	smov.u32 s4;
	p5 =	seq.s32 s1, $0x980  }
.Ltmp19:
0x159: {  	s1 =	sadd.s32 $0x80, s1;
	(pc) =	sbr.rel @!p5 .LBB2_30-.Ltmp19, $2  }
0x15a: {  	_ =	sdelay $0x2  }
0x15b: {  	s4 =	sadd.s32 $0x800, s4;
	s31 =	sadd.s32 s31, s13  }
.Ltmp20:
0x15c: {  	(pc) =	sbr.rel .LBB2_33-.Ltmp20, $2  }
0x15d: {  	_ =	sdelay $0x2  }
0x15e: {  	[tilespmem:s30], [sflag:$0x2] =	stream.linear.gather [hbm4b:s31+s3], $0x400, $0x38;
	[tilespmem:$0x1F080] =	vst v63  }
.LBB2_32:
.Ltmp21:
0x15f: {  	(pc) =	sbr.rel @p4 .LBB2_96-.Ltmp21, $1  }
0x160: {  	_ =	sdelay $0x3  }
.LBB2_33:
0x161: {  	v10 =	vld [tilespmem:$0x1E320];
	_ =	sdelay $0x7  }
0x162: {  	v10 =	vld.idx.msk [tilespmem:v10+s2+$0x0], $0xffff;
	_ =	sdelay $0x4  }
0x163: {  	[tilespmem:v0+s0+$0x0] =	vst.idx.msk $0xffff, v10  }
0x164: {  	v10 =	vld [tilespmem:$0x1E330];
	_ =	sdelay $0x7  }
0x165: {  	v10 =	vld.idx.msk [tilespmem:v10+s2+$0x0], $0xffff;
	_ =	sdelay $0x4  }
0x166: {  	[tilespmem:v1+s0+$0x0] =	vst.idx.msk $0xffff, v10  }
0x167: {  	v10 =	vld [tilespmem:$0x1E340];
	_ =	sdelay $0x7  }
0x168: {  	v10 =	vld.idx.msk [tilespmem:v10+s2+$0x0], $0xffff;
	_ =	sdelay $0x4  }
0x169: {  	[tilespmem:v2+s0+$0x0] =	vst.idx.msk $0xffff, v10  }
0x16a: {  	v10 =	vld [tilespmem:$0x1E350];
	_ =	sdelay $0x7  }
0x16b: {  	v10 =	vld.idx.msk [tilespmem:v10+s2+$0x0], $0xffff;
	_ =	sdelay $0x4  }
0x16c: {  	[tilespmem:v3+s0+$0x0] =	vst.idx.msk $0xffff, v10  }
0x16d: {  	v10 =	vld [tilespmem:$0x1E360];
	_ =	sdelay $0x7  }
0x16e: {  	v10 =	vld.idx.msk [tilespmem:v10+s2+$0x0], $0xffff;
	_ =	sdelay $0x4  }
0x16f: {  	[tilespmem:v4+s0+$0x0] =	vst.idx.msk $0xffff, v10  }
0x170: {  	v10 =	vld [tilespmem:$0x1E370];
	_ =	sdelay $0x7  }
0x171: {  	v10 =	vld.idx.msk [tilespmem:v10+s2+$0x0], $0xffff;
	_ =	sdelay $0x4  }
0x172: {  	[tilespmem:v5+s0+$0x0] =	vst.idx.msk $0xffff, v10  }
0x173: {  	v10 =	vld [tilespmem:$0x1E380];
	_ =	sdelay $0x7  }
0x174: {  	v10 =	vld.idx.msk [tilespmem:v10+s2+$0x0], $0xffff;
	_ =	sdelay $0x4  }
0x175: {  	[tilespmem:v6+s0+$0x0] =	vst.idx.msk $0xffff, v10  }
0x176: {  	v10 =	vld [tilespmem:$0x1E390];
	_ =	sdelay $0x7  }
0x177: {  	v10 =	vld.idx.msk [tilespmem:v10+s2+$0x0], $0xffff;
	_ =	sdelay $0x4  }
0x178: {  	[tilespmem:v7+s0+$0x0] =	vst.idx.msk $0xffff, v10  }
0x179: {  	v10 =	vld [tilespmem:$0x1E3A0];
	_ =	sdelay $0x7  }
0x17a: {  	v10 =	vld.idx.msk [tilespmem:v10+s2+$0x0], $0xffff;
	_ =	sdelay $0x4  }
0x17b: {  	[tilespmem:v8+s0+$0x0] =	vst.idx.msk $0xffff, v10  }
0x17c: {  	v10 =	vld [tilespmem:$0x1E3B0];
	_ =	sdelay $0x7  }
0x17d: {  	v10 =	vld.idx.msk [tilespmem:v10+s2+$0x0], $0xffff;
	_ =	sdelay $0x4  }
0x17e: {  	s1 =	simm.s32 $0x3;
	[tilespmem:v9+s0+$0x0] =	vst.idx.msk $0xffff, v10  }
0x17f: {  	_ =	swait.ge [sflag:s1], $0x5000  }
0x180: {  	[sflag:s1] =	ssyncset.done $0x0  }
0x181: {  	s30 =	simm.s32 $0x6;
	s4 =	rddreg [dreg:$0xb];
	[sflag:s1] =	ssyncadd.s32 $0xFFFFB000  }
0x182: {  	[hbm4b:s4+s3] =	stream.linear.scatter [tilespmem:s0], [sflag:$0x6], $0xA000, $0x38;
	[tilespmem:$0x1F080] =	vst v63  }
0x183: {  	_ =	swait.ge [sflag:s30], $0xA000  }
0x184: {  	s31 =	sld [smem:$0x7F1];
	_ =	sdelay $0x2  }
0x185: {  	p5 =	seq.s32 s31, $0x1  }
.Ltmp22:
0x186: {  	_ = 	snop;
	(pc) =	sbr.rel @p5 .LBB2_37-.Ltmp22, $3  }
0x187: {  	_ =	sdelay $0x1  }
0x188: {  	[sflag:s30] =	ssyncset.done $0x0  }
0x189: {  	[sflag:s30] =	ssyncadd.s32 $0xFFFF6000  }
0x18a: {  	s30 =	simm.s32 $0x14000  }
0x18b: {  	s1 =	simm.s32 $0x80;
	s31 =	sadd.s32 $0x0, s14;
	s4 =	simm.s32 $0x14800  }
.LBB2_35:
0x18c: {  	[tilespmem:s30], [sflag:$0x3] =	stream.linear.gather [hbm4b:s31+s3], $0x400, $0x38;
	[tilespmem:$0x1F080] =	vst v63  }
0x18d: {  	s31 =	smov.u32 s1;
	s30 =	smov.u32 s4;
	p5 =	seq.s32 s1, $0x980  }
.Ltmp23:
0x18e: {  	s1 =	sadd.s32 $0x80, s1;
	(pc) =	sbr.rel @!p5 .LBB2_35-.Ltmp23, $2  }
0x18f: {  	_ =	sdelay $0x2  }
0x190: {  	s4 =	sadd.s32 $0x800, s4;
	s31 =	sadd.s32 s31, s14  }
.Ltmp24:
0x191: {  	(pc) =	sbr.rel .LBB2_38-.Ltmp24, $2  }
0x192: {  	_ =	sdelay $0x2  }
0x193: {  	[tilespmem:s30], [sflag:$0x3] =	stream.linear.gather [hbm4b:s31+s3], $0x400, $0x38;
	[tilespmem:$0x1F080] =	vst v63  }
.LBB2_37:
0x194: {  	s1 =	sld [smem:$0x7EF];
	_ =	sdelay $0x2  }
0x195: {  	p5 =	seq.s32 s1, $0x1  }
.Ltmp25:
0x196: {  	_ = 	snop;
	(pc) =	sbr.rel @p5 .LBB2_96-.Ltmp25, $1  }
0x197: {  	_ =	sdelay $0x3  }
.LBB2_38:
0x198: {  	v10 =	vld [tilespmem:$0x1E3C0];
	_ =	sdelay $0x7  }
0x199: {  	v10 =	vld.idx.msk [tilespmem:v10+s2+$0x0], $0xffff;
	_ =	sdelay $0x4  }
0x19a: {  	[tilespmem:v0+s3+$0x0] =	vst.idx.msk $0xffff, v10  }
0x19b: {  	v10 =	vld [tilespmem:$0x1E3D0];
	_ =	sdelay $0x7  }
0x19c: {  	v10 =	vld.idx.msk [tilespmem:v10+s2+$0x0], $0xffff;
	_ =	sdelay $0x4  }
0x19d: {  	[tilespmem:v1+s3+$0x0] =	vst.idx.msk $0xffff, v10  }
0x19e: {  	v10 =	vld [tilespmem:$0x1E3E0];
	_ =	sdelay $0x7  }
0x19f: {  	v10 =	vld.idx.msk [tilespmem:v10+s2+$0x0], $0xffff;
	_ =	sdelay $0x4  }
0x1a0: {  	[tilespmem:v2+s3+$0x0] =	vst.idx.msk $0xffff, v10  }
0x1a1: {  	v10 =	vld [tilespmem:$0x1E3F0];
	_ =	sdelay $0x7  }
0x1a2: {  	v10 =	vld.idx.msk [tilespmem:v10+s2+$0x0], $0xffff;
	_ =	sdelay $0x4  }
0x1a3: {  	[tilespmem:v3+s3+$0x0] =	vst.idx.msk $0xffff, v10  }
0x1a4: {  	v10 =	vld [tilespmem:$0x1E400];
	_ =	sdelay $0x7  }
0x1a5: {  	v10 =	vld.idx.msk [tilespmem:v10+s2+$0x0], $0xffff;
	_ =	sdelay $0x4  }
0x1a6: {  	[tilespmem:v4+s3+$0x0] =	vst.idx.msk $0xffff, v10  }
0x1a7: {  	v10 =	vld [tilespmem:$0x1E410];
	_ =	sdelay $0x7  }
0x1a8: {  	v10 =	vld.idx.msk [tilespmem:v10+s2+$0x0], $0xffff;
	_ =	sdelay $0x4  }
0x1a9: {  	[tilespmem:v5+s3+$0x0] =	vst.idx.msk $0xffff, v10  }
0x1aa: {  	v10 =	vld [tilespmem:$0x1E420];
	_ =	sdelay $0x7  }
0x1ab: {  	v10 =	vld.idx.msk [tilespmem:v10+s2+$0x0], $0xffff;
	_ =	sdelay $0x4  }
0x1ac: {  	[tilespmem:v6+s3+$0x0] =	vst.idx.msk $0xffff, v10  }
0x1ad: {  	v10 =	vld [tilespmem:$0x1E430];
	_ =	sdelay $0x7  }
0x1ae: {  	v10 =	vld.idx.msk [tilespmem:v10+s2+$0x0], $0xffff;
	_ =	sdelay $0x4  }
0x1af: {  	[tilespmem:v7+s3+$0x0] =	vst.idx.msk $0xffff, v10  }
0x1b0: {  	v10 =	vld [tilespmem:$0x1E440];
	_ =	sdelay $0x7  }
0x1b1: {  	v10 =	vld.idx.msk [tilespmem:v10+s2+$0x0], $0xffff;
	_ =	sdelay $0x4  }
0x1b2: {  	[tilespmem:v8+s3+$0x0] =	vst.idx.msk $0xffff, v10  }
0x1b3: {  	v10 =	vld [tilespmem:$0x1E450];
	_ =	sdelay $0x7  }
0x1b4: {  	v10 =	vld.idx.msk [tilespmem:v10+s2+$0x0], $0xffff;
	_ =	sdelay $0x4  }
0x1b5: {  	[tilespmem:v9+s3+$0x0] =	vst.idx.msk $0xffff, v10  }
0x1b6: {  	_ =	swait.ge [sflag:s29], $0x5000  }
0x1b7: {  	[sflag:s29] =	ssyncset.done $0x0  }
0x1b8: {  	s30 =	simm.s32 $0x4;
	s1 =	rddreg [dreg:$0xc];
	[sflag:s29] =	ssyncadd.s32 $0xFFFFB000  }
0x1b9: {  	[hbm4b:s1+s3] =	stream.linear.scatter [tilespmem:s3], [sflag:$0x4], $0xA000, $0x38;
	[tilespmem:$0x1F080] =	vst v63  }
0x1ba: {  	_ =	swait.ge [sflag:s30], $0xA000  }
0x1bb: {  	s31 =	sld [smem:$0x7F2];
	_ =	sdelay $0x2  }
0x1bc: {  	p5 =	seq.s32 s31, $0x1  }
.Ltmp26:
0x1bd: {  	_ = 	snop;
	(pc) =	sbr.rel @p5 .LBB2_42-.Ltmp26, $3  }
0x1be: {  	_ =	sdelay $0x1  }
0x1bf: {  	[sflag:s30] =	ssyncset.done $0x0  }
0x1c0: {  	[sflag:s30] =	ssyncadd.s32 $0xFFFF6000  }
0x1c1: {  	s30 =	simm.s32 $0x0  }
0x1c2: {  	s1 =	simm.s32 $0x80;
	s31 =	sadd.s32 $0x0, s15;
	s4 =	simm.s32 $0x800  }
.LBB2_40:
0x1c3: {  	[tilespmem:s30], [sflag:$0x1] =	stream.linear.gather [hbm4b:s31+s3], $0x400, $0x38;
	[tilespmem:$0x1F080] =	vst v63  }
0x1c4: {  	s31 =	smov.u32 s1;
	s30 =	smov.u32 s4;
	p5 =	seq.s32 s1, $0x980  }
.Ltmp27:
0x1c5: {  	s1 =	sadd.s32 $0x80, s1;
	(pc) =	sbr.rel @!p5 .LBB2_40-.Ltmp27, $2  }
0x1c6: {  	_ =	sdelay $0x2  }
0x1c7: {  	s4 =	sadd.s32 $0x800, s4;
	s31 =	sadd.s32 s31, s15  }
.Ltmp28:
0x1c8: {  	(pc) =	sbr.rel .LBB2_43-.Ltmp28, $2  }
0x1c9: {  	_ =	sdelay $0x2  }
0x1ca: {  	[tilespmem:s30], [sflag:$0x1] =	stream.linear.gather [hbm4b:s31+s3], $0x400, $0x38;
	[tilespmem:$0x1F080] =	vst v63  }
.LBB2_42:
0x1cb: {  	s1 =	sld [smem:$0x7F0];
	_ =	sdelay $0x2  }
0x1cc: {  	p5 =	seq.s32 s1, $0x1  }
.Ltmp29:
0x1cd: {  	_ = 	snop;
	(pc) =	sbr.rel @p5 .LBB2_96-.Ltmp29, $1  }
0x1ce: {  	_ =	sdelay $0x3  }
.LBB2_43:
0x1cf: {  	v10 =	vld [tilespmem:$0x1E460];
	_ =	sdelay $0x7  }
0x1d0: {  	v10 =	vld.idx.msk [tilespmem:v10+s2+$0x0], $0xffff;
	_ =	sdelay $0x4  }
0x1d1: {  	[tilespmem:v0+s8+$0x0] =	vst.idx.msk $0xffff, v10  }
0x1d2: {  	v10 =	vld [tilespmem:$0x1E470];
	_ =	sdelay $0x7  }
0x1d3: {  	v10 =	vld.idx.msk [tilespmem:v10+s2+$0x0], $0xffff;
	_ =	sdelay $0x4  }
0x1d4: {  	[tilespmem:v1+s8+$0x0] =	vst.idx.msk $0xffff, v10  }
0x1d5: {  	v10 =	vld [tilespmem:$0x1E480];
	_ =	sdelay $0x7  }
0x1d6: {  	v10 =	vld.idx.msk [tilespmem:v10+s2+$0x0], $0xffff;
	_ =	sdelay $0x4  }
0x1d7: {  	[tilespmem:v2+s8+$0x0] =	vst.idx.msk $0xffff, v10  }
0x1d8: {  	v10 =	vld [tilespmem:$0x1E490];
	_ =	sdelay $0x7  }
0x1d9: {  	v10 =	vld.idx.msk [tilespmem:v10+s2+$0x0], $0xffff;
	_ =	sdelay $0x4  }
0x1da: {  	[tilespmem:v3+s8+$0x0] =	vst.idx.msk $0xffff, v10  }
0x1db: {  	v10 =	vld [tilespmem:$0x1E4A0];
	_ =	sdelay $0x7  }
0x1dc: {  	v10 =	vld.idx.msk [tilespmem:v10+s2+$0x0], $0xffff;
	_ =	sdelay $0x4  }
0x1dd: {  	[tilespmem:v4+s8+$0x0] =	vst.idx.msk $0xffff, v10  }
0x1de: {  	v10 =	vld [tilespmem:$0x1E4B0];
	_ =	sdelay $0x7  }
0x1df: {  	v10 =	vld.idx.msk [tilespmem:v10+s2+$0x0], $0xffff;
	_ =	sdelay $0x4  }
0x1e0: {  	[tilespmem:v5+s8+$0x0] =	vst.idx.msk $0xffff, v10  }
0x1e1: {  	v10 =	vld [tilespmem:$0x1E4C0];
	_ =	sdelay $0x7  }
0x1e2: {  	v10 =	vld.idx.msk [tilespmem:v10+s2+$0x0], $0xffff;
	_ =	sdelay $0x4  }
0x1e3: {  	[tilespmem:v6+s8+$0x0] =	vst.idx.msk $0xffff, v10  }
0x1e4: {  	v10 =	vld [tilespmem:$0x1E4D0];
	_ =	sdelay $0x7  }
0x1e5: {  	v10 =	vld.idx.msk [tilespmem:v10+s2+$0x0], $0xffff;
	_ =	sdelay $0x4  }
0x1e6: {  	[tilespmem:v7+s8+$0x0] =	vst.idx.msk $0xffff, v10  }
0x1e7: {  	v10 =	vld [tilespmem:$0x1E4E0];
	_ =	sdelay $0x7  }
0x1e8: {  	v10 =	vld.idx.msk [tilespmem:v10+s2+$0x0], $0xffff;
	_ =	sdelay $0x4  }
0x1e9: {  	[tilespmem:v8+s8+$0x0] =	vst.idx.msk $0xffff, v10  }
0x1ea: {  	v10 =	vld [tilespmem:$0x1E4F0];
	_ =	sdelay $0x7  }
0x1eb: {  	v10 =	vld.idx.msk [tilespmem:v10+s2+$0x0], $0xffff;
	_ =	sdelay $0x4  }
0x1ec: {  	s1 =	simm.s32 $0x2;
	[tilespmem:v9+s8+$0x0] =	vst.idx.msk $0xffff, v10  }
0x1ed: {  	_ =	swait.ge [sflag:s1], $0x5000  }
0x1ee: {  	[sflag:s1] =	ssyncset.done $0x0  }
0x1ef: {  	s30 =	simm.s32 $0x5;
	s4 =	rddreg [dreg:$0xd];
	[sflag:s1] =	ssyncadd.s32 $0xFFFFB000  }
0x1f0: {  	[hbm4b:s4+s3] =	stream.linear.scatter [tilespmem:s8], [sflag:$0x5], $0xA000, $0x38;
	[tilespmem:$0x1F080] =	vst v63  }
0x1f1: {  	_ =	swait.ge [sflag:s30], $0xA000  }
0x1f2: {  	s31 =	sld [smem:$0x7F3];
	_ =	sdelay $0x2  }
0x1f3: {  	p5 =	seq.s32 s31, $0x1  }
.Ltmp30:
0x1f4: {  	_ = 	snop;
	(pc) =	sbr.rel @p5 .LBB2_47-.Ltmp30, $3  }
0x1f5: {  	_ =	sdelay $0x1  }
0x1f6: {  	[sflag:s30] =	ssyncset.done $0x0  }
0x1f7: {  	[sflag:s30] =	ssyncadd.s32 $0xFFFF6000  }
0x1f8: {  	s30 =	simm.s32 $0xA000  }
0x1f9: {  	s1 =	simm.s32 $0x80;
	s31 =	sadd.s32 $0x0, s16;
	s4 =	simm.s32 $0xA800  }
.LBB2_45:
0x1fa: {  	[tilespmem:s30], [sflag:$0x2] =	stream.linear.gather [hbm4b:s31+s3], $0x400, $0x38;
	[tilespmem:$0x1F080] =	vst v63  }
0x1fb: {  	s31 =	smov.u32 s1;
	s30 =	smov.u32 s4;
	p5 =	seq.s32 s1, $0x980  }
.Ltmp31:
0x1fc: {  	s1 =	sadd.s32 $0x80, s1;
	(pc) =	sbr.rel @!p5 .LBB2_45-.Ltmp31, $2  }
0x1fd: {  	_ =	sdelay $0x2  }
0x1fe: {  	s4 =	sadd.s32 $0x800, s4;
	s31 =	sadd.s32 s31, s16  }
.Ltmp32:
0x1ff: {  	(pc) =	sbr.rel .LBB2_48-.Ltmp32, $2  }
0x200: {  	_ =	sdelay $0x2  }
0x201: {  	[tilespmem:s30], [sflag:$0x2] =	stream.linear.gather [hbm4b:s31+s3], $0x400, $0x38;
	[tilespmem:$0x1F080] =	vst v63  }
.LBB2_47:
0x202: {  	s1 =	sld [smem:$0x7F1];
	_ =	sdelay $0x2  }
0x203: {  	p5 =	seq.s32 s1, $0x1  }
.Ltmp33:
0x204: {  	_ = 	snop;
	(pc) =	sbr.rel @p5 .LBB2_96-.Ltmp33, $1  }
0x205: {  	_ =	sdelay $0x3  }
.LBB2_48:
0x206: {  	v10 =	vld [tilespmem:$0x1E500];
	_ =	sdelay $0x7  }
0x207: {  	v10 =	vld.idx.msk [tilespmem:v10+s2+$0x0], $0xffff;
	_ =	sdelay $0x4  }
0x208: {  	[tilespmem:v0+s0+$0x0] =	vst.idx.msk $0xffff, v10  }
0x209: {  	v10 =	vld [tilespmem:$0x1E510];
	_ =	sdelay $0x7  }
0x20a: {  	v10 =	vld.idx.msk [tilespmem:v10+s2+$0x0], $0xffff;
	_ =	sdelay $0x4  }
0x20b: {  	[tilespmem:v1+s0+$0x0] =	vst.idx.msk $0xffff, v10  }
0x20c: {  	v10 =	vld [tilespmem:$0x1E520];
	_ =	sdelay $0x7  }
0x20d: {  	v10 =	vld.idx.msk [tilespmem:v10+s2+$0x0], $0xffff;
	_ =	sdelay $0x4  }
0x20e: {  	[tilespmem:v2+s0+$0x0] =	vst.idx.msk $0xffff, v10  }
0x20f: {  	v10 =	vld [tilespmem:$0x1E530];
	_ =	sdelay $0x7  }
0x210: {  	v10 =	vld.idx.msk [tilespmem:v10+s2+$0x0], $0xffff;
	_ =	sdelay $0x4  }
0x211: {  	[tilespmem:v3+s0+$0x0] =	vst.idx.msk $0xffff, v10  }
0x212: {  	v10 =	vld [tilespmem:$0x1E540];
	_ =	sdelay $0x7  }
0x213: {  	v10 =	vld.idx.msk [tilespmem:v10+s2+$0x0], $0xffff;
	_ =	sdelay $0x4  }
0x214: {  	[tilespmem:v4+s0+$0x0] =	vst.idx.msk $0xffff, v10  }
0x215: {  	v10 =	vld [tilespmem:$0x1E550];
	_ =	sdelay $0x7  }
0x216: {  	v10 =	vld.idx.msk [tilespmem:v10+s2+$0x0], $0xffff;
	_ =	sdelay $0x4  }
0x217: {  	[tilespmem:v5+s0+$0x0] =	vst.idx.msk $0xffff, v10  }
0x218: {  	v10 =	vld [tilespmem:$0x1E560];
	_ =	sdelay $0x7  }
0x219: {  	v10 =	vld.idx.msk [tilespmem:v10+s2+$0x0], $0xffff;
	_ =	sdelay $0x4  }
0x21a: {  	[tilespmem:v6+s0+$0x0] =	vst.idx.msk $0xffff, v10  }
0x21b: {  	v10 =	vld [tilespmem:$0x1E570];
	_ =	sdelay $0x7  }
0x21c: {  	v10 =	vld.idx.msk [tilespmem:v10+s2+$0x0], $0xffff;
	_ =	sdelay $0x4  }
0x21d: {  	[tilespmem:v7+s0+$0x0] =	vst.idx.msk $0xffff, v10  }
0x21e: {  	v10 =	vld [tilespmem:$0x1E580];
	_ =	sdelay $0x7  }
0x21f: {  	v10 =	vld.idx.msk [tilespmem:v10+s2+$0x0], $0xffff;
	_ =	sdelay $0x4  }
0x220: {  	[tilespmem:v8+s0+$0x0] =	vst.idx.msk $0xffff, v10  }
0x221: {  	v10 =	vld [tilespmem:$0x1E590];
	_ =	sdelay $0x7  }
0x222: {  	v10 =	vld.idx.msk [tilespmem:v10+s2+$0x0], $0xffff;
	_ =	sdelay $0x4  }
0x223: {  	s1 =	simm.s32 $0x3;
	[tilespmem:v9+s0+$0x0] =	vst.idx.msk $0xffff, v10  }
0x224: {  	_ =	swait.ge [sflag:s1], $0x5000  }
0x225: {  	[sflag:s1] =	ssyncset.done $0x0  }
0x226: {  	s30 =	simm.s32 $0x6;
	s4 =	rddreg [dreg:$0xe];
	[sflag:s1] =	ssyncadd.s32 $0xFFFFB000  }
0x227: {  	[hbm4b:s4+s3] =	stream.linear.scatter [tilespmem:s0], [sflag:$0x6], $0xA000, $0x38;
	[tilespmem:$0x1F080] =	vst v63  }
0x228: {  	_ =	swait.ge [sflag:s30], $0xA000  }
0x229: {  	s31 =	sld [smem:$0x7F4];
	_ =	sdelay $0x2  }
0x22a: {  	p5 =	seq.s32 s31, $0x1  }
.Ltmp34:
0x22b: {  	_ = 	snop;
	(pc) =	sbr.rel @p5 .LBB2_52-.Ltmp34, $3  }
0x22c: {  	_ =	sdelay $0x1  }
0x22d: {  	[sflag:s30] =	ssyncset.done $0x0  }
0x22e: {  	[sflag:s30] =	ssyncadd.s32 $0xFFFF6000  }
0x22f: {  	s30 =	simm.s32 $0x14000  }
0x230: {  	s1 =	simm.s32 $0x80;
	s31 =	sadd.s32 $0x0, s17;
	s4 =	simm.s32 $0x14800  }
.LBB2_50:
0x231: {  	[tilespmem:s30], [sflag:$0x3] =	stream.linear.gather [hbm4b:s31+s3], $0x400, $0x38;
	[tilespmem:$0x1F080] =	vst v63  }
0x232: {  	s31 =	smov.u32 s1;
	s30 =	smov.u32 s4;
	p5 =	seq.s32 s1, $0x980  }
.Ltmp35:
0x233: {  	s1 =	sadd.s32 $0x80, s1;
	(pc) =	sbr.rel @!p5 .LBB2_50-.Ltmp35, $2  }
0x234: {  	_ =	sdelay $0x2  }
0x235: {  	s4 =	sadd.s32 $0x800, s4;
	s31 =	sadd.s32 s31, s17  }
.Ltmp36:
0x236: {  	(pc) =	sbr.rel .LBB2_53-.Ltmp36, $2  }
0x237: {  	_ =	sdelay $0x2  }
0x238: {  	[tilespmem:s30], [sflag:$0x3] =	stream.linear.gather [hbm4b:s31+s3], $0x400, $0x38;
	[tilespmem:$0x1F080] =	vst v63  }
.LBB2_52:
0x239: {  	s1 =	sld [smem:$0x7F2];
	_ =	sdelay $0x2  }
0x23a: {  	p5 =	seq.s32 s1, $0x1  }
.Ltmp37:
0x23b: {  	_ = 	snop;
	(pc) =	sbr.rel @p5 .LBB2_96-.Ltmp37, $1  }
0x23c: {  	_ =	sdelay $0x3  }
.LBB2_53:
0x23d: {  	v10 =	vld [tilespmem:$0x1E5A0];
	_ =	sdelay $0x7  }
0x23e: {  	v10 =	vld.idx.msk [tilespmem:v10+s2+$0x0], $0xffff;
	_ =	sdelay $0x4  }
0x23f: {  	[tilespmem:v0+s3+$0x0] =	vst.idx.msk $0xffff, v10  }
0x240: {  	v10 =	vld [tilespmem:$0x1E5B0];
	_ =	sdelay $0x7  }
0x241: {  	v10 =	vld.idx.msk [tilespmem:v10+s2+$0x0], $0xffff;
	_ =	sdelay $0x4  }
0x242: {  	[tilespmem:v1+s3+$0x0] =	vst.idx.msk $0xffff, v10  }
0x243: {  	v10 =	vld [tilespmem:$0x1E5C0];
	_ =	sdelay $0x7  }
0x244: {  	v10 =	vld.idx.msk [tilespmem:v10+s2+$0x0], $0xffff;
	_ =	sdelay $0x4  }
0x245: {  	[tilespmem:v2+s3+$0x0] =	vst.idx.msk $0xffff, v10  }
0x246: {  	v10 =	vld [tilespmem:$0x1E5D0];
	_ =	sdelay $0x7  }
0x247: {  	v10 =	vld.idx.msk [tilespmem:v10+s2+$0x0], $0xffff;
	_ =	sdelay $0x4  }
0x248: {  	[tilespmem:v3+s3+$0x0] =	vst.idx.msk $0xffff, v10  }
0x249: {  	v10 =	vld [tilespmem:$0x1E5E0];
	_ =	sdelay $0x7  }
0x24a: {  	v10 =	vld.idx.msk [tilespmem:v10+s2+$0x0], $0xffff;
	_ =	sdelay $0x4  }
0x24b: {  	[tilespmem:v4+s3+$0x0] =	vst.idx.msk $0xffff, v10  }
0x24c: {  	v10 =	vld [tilespmem:$0x1E5F0];
	_ =	sdelay $0x7  }
0x24d: {  	v10 =	vld.idx.msk [tilespmem:v10+s2+$0x0], $0xffff;
	_ =	sdelay $0x4  }
0x24e: {  	[tilespmem:v5+s3+$0x0] =	vst.idx.msk $0xffff, v10  }
0x24f: {  	v10 =	vld [tilespmem:$0x1E600];
	_ =	sdelay $0x7  }
0x250: {  	v10 =	vld.idx.msk [tilespmem:v10+s2+$0x0], $0xffff;
	_ =	sdelay $0x4  }
0x251: {  	[tilespmem:v6+s3+$0x0] =	vst.idx.msk $0xffff, v10  }
0x252: {  	v10 =	vld [tilespmem:$0x1E610];
	_ =	sdelay $0x7  }
0x253: {  	v10 =	vld.idx.msk [tilespmem:v10+s2+$0x0], $0xffff;
	_ =	sdelay $0x4  }
0x254: {  	[tilespmem:v7+s3+$0x0] =	vst.idx.msk $0xffff, v10  }
0x255: {  	v10 =	vld [tilespmem:$0x1E620];
	_ =	sdelay $0x7  }
0x256: {  	v10 =	vld.idx.msk [tilespmem:v10+s2+$0x0], $0xffff;
	_ =	sdelay $0x4  }
0x257: {  	[tilespmem:v8+s3+$0x0] =	vst.idx.msk $0xffff, v10  }
0x258: {  	v10 =	vld [tilespmem:$0x1E630];
	_ =	sdelay $0x7  }
0x259: {  	v10 =	vld.idx.msk [tilespmem:v10+s2+$0x0], $0xffff;
	_ =	sdelay $0x4  }
0x25a: {  	[tilespmem:v9+s3+$0x0] =	vst.idx.msk $0xffff, v10  }
0x25b: {  	_ =	swait.ge [sflag:s29], $0x5000  }
0x25c: {  	[sflag:s29] =	ssyncset.done $0x0  }
0x25d: {  	s30 =	simm.s32 $0x4;
	s1 =	rddreg [dreg:$0xf];
	[sflag:s29] =	ssyncadd.s32 $0xFFFFB000  }
0x25e: {  	[hbm4b:s1+s3] =	stream.linear.scatter [tilespmem:s3], [sflag:$0x4], $0xA000, $0x38;
	[tilespmem:$0x1F080] =	vst v63  }
0x25f: {  	_ =	swait.ge [sflag:s30], $0xA000  }
0x260: {  	s31 =	sld [smem:$0x7F5];
	_ =	sdelay $0x2  }
0x261: {  	p5 =	seq.s32 s31, $0x1  }
.Ltmp38:
0x262: {  	_ = 	snop;
	(pc) =	sbr.rel @p5 .LBB2_57-.Ltmp38, $3  }
0x263: {  	_ =	sdelay $0x1  }
0x264: {  	[sflag:s30] =	ssyncset.done $0x0  }
0x265: {  	[sflag:s30] =	ssyncadd.s32 $0xFFFF6000  }
0x266: {  	s30 =	simm.s32 $0x0  }
0x267: {  	s1 =	simm.s32 $0x80;
	s31 =	sadd.s32 $0x0, s18;
	s4 =	simm.s32 $0x800  }
.LBB2_55:
0x268: {  	[tilespmem:s30], [sflag:$0x1] =	stream.linear.gather [hbm4b:s31+s3], $0x400, $0x38;
	[tilespmem:$0x1F080] =	vst v63  }
0x269: {  	s31 =	smov.u32 s1;
	s30 =	smov.u32 s4;
	p5 =	seq.s32 s1, $0x980  }
.Ltmp39:
0x26a: {  	s1 =	sadd.s32 $0x80, s1;
	(pc) =	sbr.rel @!p5 .LBB2_55-.Ltmp39, $2  }
0x26b: {  	_ =	sdelay $0x2  }
0x26c: {  	s4 =	sadd.s32 $0x800, s4;
	s31 =	sadd.s32 s31, s18  }
.Ltmp40:
0x26d: {  	(pc) =	sbr.rel .LBB2_58-.Ltmp40, $2  }
0x26e: {  	_ =	sdelay $0x2  }
0x26f: {  	[tilespmem:s30], [sflag:$0x1] =	stream.linear.gather [hbm4b:s31+s3], $0x400, $0x38;
	[tilespmem:$0x1F080] =	vst v63  }
.LBB2_57:
0x270: {  	s1 =	sld [smem:$0x7F3];
	_ =	sdelay $0x2  }
0x271: {  	p5 =	seq.s32 s1, $0x1  }
.Ltmp41:
0x272: {  	_ = 	snop;
	(pc) =	sbr.rel @p5 .LBB2_96-.Ltmp41, $1  }
0x273: {  	_ =	sdelay $0x3  }
.LBB2_58:
0x274: {  	v10 =	vld [tilespmem:$0x1E640];
	_ =	sdelay $0x7  }
0x275: {  	v10 =	vld.idx.msk [tilespmem:v10+s2+$0x0], $0xffff;
	_ =	sdelay $0x4  }
0x276: {  	[tilespmem:v0+s8+$0x0] =	vst.idx.msk $0xffff, v10  }
0x277: {  	v10 =	vld [tilespmem:$0x1E650];
	_ =	sdelay $0x7  }
0x278: {  	v10 =	vld.idx.msk [tilespmem:v10+s2+$0x0], $0xffff;
	_ =	sdelay $0x4  }
0x279: {  	[tilespmem:v1+s8+$0x0] =	vst.idx.msk $0xffff, v10  }
0x27a: {  	v10 =	vld [tilespmem:$0x1E660];
	_ =	sdelay $0x7  }
0x27b: {  	v10 =	vld.idx.msk [tilespmem:v10+s2+$0x0], $0xffff;
	_ =	sdelay $0x4  }
0x27c: {  	[tilespmem:v2+s8+$0x0] =	vst.idx.msk $0xffff, v10  }
0x27d: {  	v10 =	vld [tilespmem:$0x1E670];
	_ =	sdelay $0x7  }
0x27e: {  	v10 =	vld.idx.msk [tilespmem:v10+s2+$0x0], $0xffff;
	_ =	sdelay $0x4  }
0x27f: {  	[tilespmem:v3+s8+$0x0] =	vst.idx.msk $0xffff, v10  }
0x280: {  	v10 =	vld [tilespmem:$0x1E680];
	_ =	sdelay $0x7  }
0x281: {  	v10 =	vld.idx.msk [tilespmem:v10+s2+$0x0], $0xffff;
	_ =	sdelay $0x4  }
0x282: {  	[tilespmem:v4+s8+$0x0] =	vst.idx.msk $0xffff, v10  }
0x283: {  	v10 =	vld [tilespmem:$0x1E690];
	_ =	sdelay $0x7  }
0x284: {  	v10 =	vld.idx.msk [tilespmem:v10+s2+$0x0], $0xffff;
	_ =	sdelay $0x4  }
0x285: {  	[tilespmem:v5+s8+$0x0] =	vst.idx.msk $0xffff, v10  }
0x286: {  	v10 =	vld [tilespmem:$0x1E6A0];
	_ =	sdelay $0x7  }
0x287: {  	v10 =	vld.idx.msk [tilespmem:v10+s2+$0x0], $0xffff;
	_ =	sdelay $0x4  }
0x288: {  	[tilespmem:v6+s8+$0x0] =	vst.idx.msk $0xffff, v10  }
0x289: {  	v10 =	vld [tilespmem:$0x1E6B0];
	_ =	sdelay $0x7  }
0x28a: {  	v10 =	vld.idx.msk [tilespmem:v10+s2+$0x0], $0xffff;
	_ =	sdelay $0x4  }
0x28b: {  	[tilespmem:v7+s8+$0x0] =	vst.idx.msk $0xffff, v10  }
0x28c: {  	v10 =	vld [tilespmem:$0x1E6C0];
	_ =	sdelay $0x7  }
0x28d: {  	v10 =	vld.idx.msk [tilespmem:v10+s2+$0x0], $0xffff;
	_ =	sdelay $0x4  }
0x28e: {  	[tilespmem:v8+s8+$0x0] =	vst.idx.msk $0xffff, v10  }
0x28f: {  	v10 =	vld [tilespmem:$0x1E6D0];
	_ =	sdelay $0x7  }
0x290: {  	v10 =	vld.idx.msk [tilespmem:v10+s2+$0x0], $0xffff;
	_ =	sdelay $0x4  }
0x291: {  	s1 =	simm.s32 $0x2;
	[tilespmem:v9+s8+$0x0] =	vst.idx.msk $0xffff, v10  }
0x292: {  	_ =	swait.ge [sflag:s1], $0x5000  }
0x293: {  	[sflag:s1] =	ssyncset.done $0x0  }
0x294: {  	s30 =	simm.s32 $0x5;
	s4 =	rddreg [dreg:$0x10];
	[sflag:s1] =	ssyncadd.s32 $0xFFFFB000  }
0x295: {  	[hbm4b:s4+s3] =	stream.linear.scatter [tilespmem:s8], [sflag:$0x5], $0xA000, $0x38;
	[tilespmem:$0x1F080] =	vst v63  }
0x296: {  	_ =	swait.ge [sflag:s30], $0xA000  }
0x297: {  	s31 =	sld [smem:$0x7F6];
	_ =	sdelay $0x2  }
0x298: {  	p5 =	seq.s32 s31, $0x1  }
.Ltmp42:
0x299: {  	_ = 	snop;
	(pc) =	sbr.rel @p5 .LBB2_62-.Ltmp42, $3  }
0x29a: {  	_ =	sdelay $0x1  }
0x29b: {  	[sflag:s30] =	ssyncset.done $0x0  }
0x29c: {  	[sflag:s30] =	ssyncadd.s32 $0xFFFF6000  }
0x29d: {  	s30 =	simm.s32 $0xA000  }
0x29e: {  	s1 =	simm.s32 $0x80;
	s31 =	sadd.s32 $0x0, s19;
	s4 =	simm.s32 $0xA800  }
.LBB2_60:
0x29f: {  	[tilespmem:s30], [sflag:$0x2] =	stream.linear.gather [hbm4b:s31+s3], $0x400, $0x38;
	[tilespmem:$0x1F080] =	vst v63  }
0x2a0: {  	s31 =	smov.u32 s1;
	s30 =	smov.u32 s4;
	p5 =	seq.s32 s1, $0x980  }
.Ltmp43:
0x2a1: {  	s1 =	sadd.s32 $0x80, s1;
	(pc) =	sbr.rel @!p5 .LBB2_60-.Ltmp43, $2  }
0x2a2: {  	_ =	sdelay $0x2  }
0x2a3: {  	s4 =	sadd.s32 $0x800, s4;
	s31 =	sadd.s32 s31, s19  }
.Ltmp44:
0x2a4: {  	(pc) =	sbr.rel .LBB2_63-.Ltmp44, $2  }
0x2a5: {  	_ =	sdelay $0x2  }
0x2a6: {  	[tilespmem:s30], [sflag:$0x2] =	stream.linear.gather [hbm4b:s31+s3], $0x400, $0x38;
	[tilespmem:$0x1F080] =	vst v63  }
.LBB2_62:
0x2a7: {  	s1 =	sld [smem:$0x7F4];
	_ =	sdelay $0x2  }
0x2a8: {  	p5 =	seq.s32 s1, $0x1  }
.Ltmp45:
0x2a9: {  	_ = 	snop;
	(pc) =	sbr.rel @p5 .LBB2_96-.Ltmp45, $1  }
0x2aa: {  	_ =	sdelay $0x3  }
.LBB2_63:
0x2ab: {  	v10 =	vld [tilespmem:$0x1E6E0];
	_ =	sdelay $0x7  }
0x2ac: {  	v10 =	vld.idx.msk [tilespmem:v10+s2+$0x0], $0xffff;
	_ =	sdelay $0x4  }
0x2ad: {  	[tilespmem:v0+s0+$0x0] =	vst.idx.msk $0xffff, v10  }
0x2ae: {  	v10 =	vld [tilespmem:$0x1E6F0];
	_ =	sdelay $0x7  }
0x2af: {  	v10 =	vld.idx.msk [tilespmem:v10+s2+$0x0], $0xffff;
	_ =	sdelay $0x4  }
0x2b0: {  	[tilespmem:v1+s0+$0x0] =	vst.idx.msk $0xffff, v10  }
0x2b1: {  	v10 =	vld [tilespmem:$0x1E700];
	_ =	sdelay $0x7  }
0x2b2: {  	v10 =	vld.idx.msk [tilespmem:v10+s2+$0x0], $0xffff;
	_ =	sdelay $0x4  }
0x2b3: {  	[tilespmem:v2+s0+$0x0] =	vst.idx.msk $0xffff, v10  }
0x2b4: {  	v10 =	vld [tilespmem:$0x1E710];
	_ =	sdelay $0x7  }
0x2b5: {  	v10 =	vld.idx.msk [tilespmem:v10+s2+$0x0], $0xffff;
	_ =	sdelay $0x4  }
0x2b6: {  	[tilespmem:v3+s0+$0x0] =	vst.idx.msk $0xffff, v10  }
0x2b7: {  	v10 =	vld [tilespmem:$0x1E720];
	_ =	sdelay $0x7  }
0x2b8: {  	v10 =	vld.idx.msk [tilespmem:v10+s2+$0x0], $0xffff;
	_ =	sdelay $0x4  }
0x2b9: {  	[tilespmem:v4+s0+$0x0] =	vst.idx.msk $0xffff, v10  }
0x2ba: {  	v10 =	vld [tilespmem:$0x1E730];
	_ =	sdelay $0x7  }
0x2bb: {  	v10 =	vld.idx.msk [tilespmem:v10+s2+$0x0], $0xffff;
	_ =	sdelay $0x4  }
0x2bc: {  	[tilespmem:v5+s0+$0x0] =	vst.idx.msk $0xffff, v10  }
0x2bd: {  	v10 =	vld [tilespmem:$0x1E740];
	_ =	sdelay $0x7  }
0x2be: {  	v10 =	vld.idx.msk [tilespmem:v10+s2+$0x0], $0xffff;
	_ =	sdelay $0x4  }
0x2bf: {  	[tilespmem:v6+s0+$0x0] =	vst.idx.msk $0xffff, v10  }
0x2c0: {  	v10 =	vld [tilespmem:$0x1E750];
	_ =	sdelay $0x7  }
0x2c1: {  	v10 =	vld.idx.msk [tilespmem:v10+s2+$0x0], $0xffff;
	_ =	sdelay $0x4  }
0x2c2: {  	[tilespmem:v7+s0+$0x0] =	vst.idx.msk $0xffff, v10  }
0x2c3: {  	v10 =	vld [tilespmem:$0x1E760];
	_ =	sdelay $0x7  }
0x2c4: {  	v10 =	vld.idx.msk [tilespmem:v10+s2+$0x0], $0xffff;
	_ =	sdelay $0x4  }
0x2c5: {  	[tilespmem:v8+s0+$0x0] =	vst.idx.msk $0xffff, v10  }
0x2c6: {  	v10 =	vld [tilespmem:$0x1E770];
	_ =	sdelay $0x7  }
0x2c7: {  	v10 =	vld.idx.msk [tilespmem:v10+s2+$0x0], $0xffff;
	_ =	sdelay $0x4  }
0x2c8: {  	s1 =	simm.s32 $0x3;
	[tilespmem:v9+s0+$0x0] =	vst.idx.msk $0xffff, v10  }
0x2c9: {  	_ =	swait.ge [sflag:s1], $0x5000  }
0x2ca: {  	[sflag:s1] =	ssyncset.done $0x0  }
0x2cb: {  	s30 =	simm.s32 $0x6;
	s4 =	rddreg [dreg:$0x11];
	[sflag:s1] =	ssyncadd.s32 $0xFFFFB000  }
0x2cc: {  	[hbm4b:s4+s3] =	stream.linear.scatter [tilespmem:s0], [sflag:$0x6], $0xA000, $0x38;
	[tilespmem:$0x1F080] =	vst v63  }
0x2cd: {  	_ =	swait.ge [sflag:s30], $0xA000  }
0x2ce: {  	s31 =	sld [smem:$0x7F7];
	_ =	sdelay $0x2  }
0x2cf: {  	p5 =	seq.s32 s31, $0x1  }
.Ltmp46:
0x2d0: {  	_ = 	snop;
	(pc) =	sbr.rel @p5 .LBB2_67-.Ltmp46, $3  }
0x2d1: {  	_ =	sdelay $0x1  }
0x2d2: {  	[sflag:s30] =	ssyncset.done $0x0  }
0x2d3: {  	[sflag:s30] =	ssyncadd.s32 $0xFFFF6000  }
0x2d4: {  	s30 =	simm.s32 $0x14000  }
0x2d5: {  	s1 =	simm.s32 $0x80;
	s31 =	sadd.s32 $0x0, s20;
	s4 =	simm.s32 $0x14800  }
.LBB2_65:
0x2d6: {  	[tilespmem:s30], [sflag:$0x3] =	stream.linear.gather [hbm4b:s31+s3], $0x400, $0x38;
	[tilespmem:$0x1F080] =	vst v63  }
0x2d7: {  	s31 =	smov.u32 s1;
	s30 =	smov.u32 s4;
	p5 =	seq.s32 s1, $0x980  }
.Ltmp47:
0x2d8: {  	s1 =	sadd.s32 $0x80, s1;
	(pc) =	sbr.rel @!p5 .LBB2_65-.Ltmp47, $2  }
0x2d9: {  	_ =	sdelay $0x2  }
0x2da: {  	s4 =	sadd.s32 $0x800, s4;
	s31 =	sadd.s32 s31, s20  }
.Ltmp48:
0x2db: {  	(pc) =	sbr.rel .LBB2_68-.Ltmp48, $2  }
0x2dc: {  	_ =	sdelay $0x2  }
0x2dd: {  	[tilespmem:s30], [sflag:$0x3] =	stream.linear.gather [hbm4b:s31+s3], $0x400, $0x38;
	[tilespmem:$0x1F080] =	vst v63  }
.LBB2_67:
0x2de: {  	s1 =	sld [smem:$0x7F5];
	_ =	sdelay $0x2  }
0x2df: {  	p5 =	seq.s32 s1, $0x1  }
.Ltmp49:
0x2e0: {  	_ = 	snop;
	(pc) =	sbr.rel @p5 .LBB2_96-.Ltmp49, $1  }
0x2e1: {  	_ =	sdelay $0x3  }
.LBB2_68:
0x2e2: {  	v10 =	vld [tilespmem:$0x1E780];
	_ =	sdelay $0x7  }
0x2e3: {  	v10 =	vld.idx.msk [tilespmem:v10+s2+$0x0], $0xffff;
	_ =	sdelay $0x4  }
0x2e4: {  	[tilespmem:v0+s3+$0x0] =	vst.idx.msk $0xffff, v10  }
0x2e5: {  	v10 =	vld [tilespmem:$0x1E790];
	_ =	sdelay $0x7  }
0x2e6: {  	v10 =	vld.idx.msk [tilespmem:v10+s2+$0x0], $0xffff;
	_ =	sdelay $0x4  }
0x2e7: {  	[tilespmem:v1+s3+$0x0] =	vst.idx.msk $0xffff, v10  }
0x2e8: {  	v10 =	vld [tilespmem:$0x1E7A0];
	_ =	sdelay $0x7  }
0x2e9: {  	v10 =	vld.idx.msk [tilespmem:v10+s2+$0x0], $0xffff;
	_ =	sdelay $0x4  }
0x2ea: {  	[tilespmem:v2+s3+$0x0] =	vst.idx.msk $0xffff, v10  }
0x2eb: {  	v10 =	vld [tilespmem:$0x1E7B0];
	_ =	sdelay $0x7  }
0x2ec: {  	v10 =	vld.idx.msk [tilespmem:v10+s2+$0x0], $0xffff;
	_ =	sdelay $0x4  }
0x2ed: {  	[tilespmem:v3+s3+$0x0] =	vst.idx.msk $0xffff, v10  }
0x2ee: {  	v10 =	vld [tilespmem:$0x1E7C0];
	_ =	sdelay $0x7  }
0x2ef: {  	v10 =	vld.idx.msk [tilespmem:v10+s2+$0x0], $0xffff;
	_ =	sdelay $0x4  }
0x2f0: {  	[tilespmem:v4+s3+$0x0] =	vst.idx.msk $0xffff, v10  }
0x2f1: {  	v10 =	vld [tilespmem:$0x1E7D0];
	_ =	sdelay $0x7  }
0x2f2: {  	v10 =	vld.idx.msk [tilespmem:v10+s2+$0x0], $0xffff;
	_ =	sdelay $0x4  }
0x2f3: {  	[tilespmem:v5+s3+$0x0] =	vst.idx.msk $0xffff, v10  }
0x2f4: {  	v10 =	vld [tilespmem:$0x1E7E0];
	_ =	sdelay $0x7  }
0x2f5: {  	v10 =	vld.idx.msk [tilespmem:v10+s2+$0x0], $0xffff;
	_ =	sdelay $0x4  }
0x2f6: {  	[tilespmem:v6+s3+$0x0] =	vst.idx.msk $0xffff, v10  }
0x2f7: {  	v10 =	vld [tilespmem:$0x1E7F0];
	_ =	sdelay $0x7  }
0x2f8: {  	v10 =	vld.idx.msk [tilespmem:v10+s2+$0x0], $0xffff;
	_ =	sdelay $0x4  }
0x2f9: {  	[tilespmem:v7+s3+$0x0] =	vst.idx.msk $0xffff, v10  }
0x2fa: {  	v10 =	vld [tilespmem:$0x1E800];
	_ =	sdelay $0x7  }
0x2fb: {  	v10 =	vld.idx.msk [tilespmem:v10+s2+$0x0], $0xffff;
	_ =	sdelay $0x4  }
0x2fc: {  	[tilespmem:v8+s3+$0x0] =	vst.idx.msk $0xffff, v10  }
0x2fd: {  	v10 =	vld [tilespmem:$0x1E810];
	_ =	sdelay $0x7  }
0x2fe: {  	v10 =	vld.idx.msk [tilespmem:v10+s2+$0x0], $0xffff;
	_ =	sdelay $0x4  }
0x2ff: {  	[tilespmem:v9+s3+$0x0] =	vst.idx.msk $0xffff, v10  }
0x300: {  	_ =	swait.ge [sflag:s29], $0x5000  }
0x301: {  	[sflag:s29] =	ssyncset.done $0x0  }
0x302: {  	s30 =	simm.s32 $0x4;
	s1 =	rddreg [dreg:$0x12];
	[sflag:s29] =	ssyncadd.s32 $0xFFFFB000  }
0x303: {  	[hbm4b:s1+s3] =	stream.linear.scatter [tilespmem:s3], [sflag:$0x4], $0xA000, $0x38;
	[tilespmem:$0x1F080] =	vst v63  }
0x304: {  	_ =	swait.ge [sflag:s30], $0xA000  }
0x305: {  	s31 =	sld [smem:$0x7F8];
	_ =	sdelay $0x2  }
0x306: {  	p5 =	seq.s32 s31, $0x1  }
.Ltmp50:
0x307: {  	_ = 	snop;
	(pc) =	sbr.rel @p5 .LBB2_72-.Ltmp50, $3  }
0x308: {  	_ =	sdelay $0x1  }
0x309: {  	[sflag:s30] =	ssyncset.done $0x0  }
0x30a: {  	[sflag:s30] =	ssyncadd.s32 $0xFFFF6000  }
0x30b: {  	s30 =	simm.s32 $0x0  }
0x30c: {  	s1 =	simm.s32 $0x80;
	s31 =	sadd.s32 $0x0, s21;
	s4 =	simm.s32 $0x800  }
.LBB2_70:
0x30d: {  	[tilespmem:s30], [sflag:$0x1] =	stream.linear.gather [hbm4b:s31+s3], $0x400, $0x38;
	[tilespmem:$0x1F080] =	vst v63  }
0x30e: {  	s31 =	smov.u32 s1;
	s30 =	smov.u32 s4;
	p5 =	seq.s32 s1, $0x980  }
.Ltmp51:
0x30f: {  	s1 =	sadd.s32 $0x80, s1;
	(pc) =	sbr.rel @!p5 .LBB2_70-.Ltmp51, $2  }
0x310: {  	_ =	sdelay $0x2  }
0x311: {  	s4 =	sadd.s32 $0x800, s4;
	s31 =	sadd.s32 s31, s21  }
.Ltmp52:
0x312: {  	(pc) =	sbr.rel .LBB2_73-.Ltmp52, $2  }
0x313: {  	_ =	sdelay $0x2  }
0x314: {  	[tilespmem:s30], [sflag:$0x1] =	stream.linear.gather [hbm4b:s31+s3], $0x400, $0x38;
	[tilespmem:$0x1F080] =	vst v63  }
.LBB2_72:
0x315: {  	s1 =	sld [smem:$0x7F6];
	_ =	sdelay $0x2  }
0x316: {  	p5 =	seq.s32 s1, $0x1  }
.Ltmp53:
0x317: {  	_ = 	snop;
	(pc) =	sbr.rel @p5 .LBB2_96-.Ltmp53, $1  }
0x318: {  	_ =	sdelay $0x3  }
.LBB2_73:
0x319: {  	v10 =	vld [tilespmem:$0x1E820];
	_ =	sdelay $0x7  }
0x31a: {  	v10 =	vld.idx.msk [tilespmem:v10+s2+$0x0], $0xffff;
	_ =	sdelay $0x4  }
0x31b: {  	[tilespmem:v0+s8+$0x0] =	vst.idx.msk $0xffff, v10  }
0x31c: {  	v10 =	vld [tilespmem:$0x1E830];
	_ =	sdelay $0x7  }
0x31d: {  	v10 =	vld.idx.msk [tilespmem:v10+s2+$0x0], $0xffff;
	_ =	sdelay $0x4  }
0x31e: {  	[tilespmem:v1+s8+$0x0] =	vst.idx.msk $0xffff, v10  }
0x31f: {  	v10 =	vld [tilespmem:$0x1E840];
	_ =	sdelay $0x7  }
0x320: {  	v10 =	vld.idx.msk [tilespmem:v10+s2+$0x0], $0xffff;
	_ =	sdelay $0x4  }
0x321: {  	[tilespmem:v2+s8+$0x0] =	vst.idx.msk $0xffff, v10  }
0x322: {  	v10 =	vld [tilespmem:$0x1E850];
	_ =	sdelay $0x7  }
0x323: {  	v10 =	vld.idx.msk [tilespmem:v10+s2+$0x0], $0xffff;
	_ =	sdelay $0x4  }
0x324: {  	[tilespmem:v3+s8+$0x0] =	vst.idx.msk $0xffff, v10  }
0x325: {  	v10 =	vld [tilespmem:$0x1E860];
	_ =	sdelay $0x7  }
0x326: {  	v10 =	vld.idx.msk [tilespmem:v10+s2+$0x0], $0xffff;
	_ =	sdelay $0x4  }
0x327: {  	[tilespmem:v4+s8+$0x0] =	vst.idx.msk $0xffff, v10  }
0x328: {  	v10 =	vld [tilespmem:$0x1E870];
	_ =	sdelay $0x7  }
0x329: {  	v10 =	vld.idx.msk [tilespmem:v10+s2+$0x0], $0xffff;
	_ =	sdelay $0x4  }
0x32a: {  	[tilespmem:v5+s8+$0x0] =	vst.idx.msk $0xffff, v10  }
0x32b: {  	v10 =	vld [tilespmem:$0x1E880];
	_ =	sdelay $0x7  }
0x32c: {  	v10 =	vld.idx.msk [tilespmem:v10+s2+$0x0], $0xffff;
	_ =	sdelay $0x4  }
0x32d: {  	[tilespmem:v6+s8+$0x0] =	vst.idx.msk $0xffff, v10  }
0x32e: {  	v10 =	vld [tilespmem:$0x1E890];
	_ =	sdelay $0x7  }
0x32f: {  	v10 =	vld.idx.msk [tilespmem:v10+s2+$0x0], $0xffff;
	_ =	sdelay $0x4  }
0x330: {  	[tilespmem:v7+s8+$0x0] =	vst.idx.msk $0xffff, v10  }
0x331: {  	v10 =	vld [tilespmem:$0x1E8A0];
	_ =	sdelay $0x7  }
0x332: {  	v10 =	vld.idx.msk [tilespmem:v10+s2+$0x0], $0xffff;
	_ =	sdelay $0x4  }
0x333: {  	[tilespmem:v8+s8+$0x0] =	vst.idx.msk $0xffff, v10  }
0x334: {  	v10 =	vld [tilespmem:$0x1E8B0];
	_ =	sdelay $0x7  }
0x335: {  	v10 =	vld.idx.msk [tilespmem:v10+s2+$0x0], $0xffff;
	_ =	sdelay $0x4  }
0x336: {  	s1 =	simm.s32 $0x2;
	[tilespmem:v9+s8+$0x0] =	vst.idx.msk $0xffff, v10  }
0x337: {  	_ =	swait.ge [sflag:s1], $0x5000  }
0x338: {  	[sflag:s1] =	ssyncset.done $0x0  }
0x339: {  	s30 =	simm.s32 $0x5;
	s4 =	rddreg [dreg:$0x13];
	[sflag:s1] =	ssyncadd.s32 $0xFFFFB000  }
0x33a: {  	[hbm4b:s4+s3] =	stream.linear.scatter [tilespmem:s8], [sflag:$0x5], $0xA000, $0x38;
	[tilespmem:$0x1F080] =	vst v63  }
0x33b: {  	_ =	swait.ge [sflag:s30], $0xA000  }
0x33c: {  	s31 =	sld [smem:$0x7F9];
	_ =	sdelay $0x2  }
0x33d: {  	p5 =	seq.s32 s31, $0x1  }
.Ltmp54:
0x33e: {  	_ = 	snop;
	(pc) =	sbr.rel @p5 .LBB2_77-.Ltmp54, $3  }
0x33f: {  	_ =	sdelay $0x1  }
0x340: {  	[sflag:s30] =	ssyncset.done $0x0  }
0x341: {  	[sflag:s30] =	ssyncadd.s32 $0xFFFF6000  }
0x342: {  	s30 =	simm.s32 $0xA000  }
0x343: {  	s1 =	simm.s32 $0x80;
	s31 =	sadd.s32 $0x0, s22;
	s4 =	simm.s32 $0xA800  }
.LBB2_75:
0x344: {  	[tilespmem:s30], [sflag:$0x2] =	stream.linear.gather [hbm4b:s31+s3], $0x400, $0x38;
	[tilespmem:$0x1F080] =	vst v63  }
0x345: {  	s31 =	smov.u32 s1;
	s30 =	smov.u32 s4;
	p5 =	seq.s32 s1, $0x980  }
.Ltmp55:
0x346: {  	s1 =	sadd.s32 $0x80, s1;
	(pc) =	sbr.rel @!p5 .LBB2_75-.Ltmp55, $2  }
0x347: {  	_ =	sdelay $0x2  }
0x348: {  	s4 =	sadd.s32 $0x800, s4;
	s31 =	sadd.s32 s31, s22  }
.Ltmp56:
0x349: {  	(pc) =	sbr.rel .LBB2_78-.Ltmp56, $2  }
0x34a: {  	_ =	sdelay $0x2  }
0x34b: {  	[tilespmem:s30], [sflag:$0x2] =	stream.linear.gather [hbm4b:s31+s3], $0x400, $0x38;
	[tilespmem:$0x1F080] =	vst v63  }
.LBB2_77:
0x34c: {  	s1 =	sld [smem:$0x7F7];
	_ =	sdelay $0x2  }
0x34d: {  	p5 =	seq.s32 s1, $0x1  }
.Ltmp57:
0x34e: {  	_ = 	snop;
	(pc) =	sbr.rel @p5 .LBB2_96-.Ltmp57, $1  }
0x34f: {  	_ =	sdelay $0x3  }
.LBB2_78:
0x350: {  	v10 =	vld [tilespmem:$0x1E8C0];
	_ =	sdelay $0x7  }
0x351: {  	v10 =	vld.idx.msk [tilespmem:v10+s2+$0x0], $0xffff;
	_ =	sdelay $0x4  }
0x352: {  	[tilespmem:v0+s0+$0x0] =	vst.idx.msk $0xffff, v10  }
0x353: {  	v10 =	vld [tilespmem:$0x1E8D0];
	_ =	sdelay $0x7  }
0x354: {  	v10 =	vld.idx.msk [tilespmem:v10+s2+$0x0], $0xffff;
	_ =	sdelay $0x4  }
0x355: {  	[tilespmem:v1+s0+$0x0] =	vst.idx.msk $0xffff, v10  }
0x356: {  	v10 =	vld [tilespmem:$0x1E8E0];
	_ =	sdelay $0x7  }
0x357: {  	v10 =	vld.idx.msk [tilespmem:v10+s2+$0x0], $0xffff;
	_ =	sdelay $0x4  }
0x358: {  	[tilespmem:v2+s0+$0x0] =	vst.idx.msk $0xffff, v10  }
0x359: {  	v10 =	vld [tilespmem:$0x1E8F0];
	_ =	sdelay $0x7  }
0x35a: {  	v10 =	vld.idx.msk [tilespmem:v10+s2+$0x0], $0xffff;
	_ =	sdelay $0x4  }
0x35b: {  	[tilespmem:v3+s0+$0x0] =	vst.idx.msk $0xffff, v10  }
0x35c: {  	v10 =	vld [tilespmem:$0x1E900];
	_ =	sdelay $0x7  }
0x35d: {  	v10 =	vld.idx.msk [tilespmem:v10+s2+$0x0], $0xffff;
	_ =	sdelay $0x4  }
0x35e: {  	[tilespmem:v4+s0+$0x0] =	vst.idx.msk $0xffff, v10  }
0x35f: {  	v10 =	vld [tilespmem:$0x1E910];
	_ =	sdelay $0x7  }
0x360: {  	v10 =	vld.idx.msk [tilespmem:v10+s2+$0x0], $0xffff;
	_ =	sdelay $0x4  }
0x361: {  	[tilespmem:v5+s0+$0x0] =	vst.idx.msk $0xffff, v10  }
0x362: {  	v10 =	vld [tilespmem:$0x1E920];
	_ =	sdelay $0x7  }
0x363: {  	v10 =	vld.idx.msk [tilespmem:v10+s2+$0x0], $0xffff;
	_ =	sdelay $0x4  }
0x364: {  	[tilespmem:v6+s0+$0x0] =	vst.idx.msk $0xffff, v10  }
0x365: {  	v10 =	vld [tilespmem:$0x1E930];
	_ =	sdelay $0x7  }
0x366: {  	v10 =	vld.idx.msk [tilespmem:v10+s2+$0x0], $0xffff;
	_ =	sdelay $0x4  }
0x367: {  	[tilespmem:v7+s0+$0x0] =	vst.idx.msk $0xffff, v10  }
0x368: {  	v10 =	vld [tilespmem:$0x1E940];
	_ =	sdelay $0x7  }
0x369: {  	v10 =	vld.idx.msk [tilespmem:v10+s2+$0x0], $0xffff;
	_ =	sdelay $0x4  }
0x36a: {  	[tilespmem:v8+s0+$0x0] =	vst.idx.msk $0xffff, v10  }
0x36b: {  	v10 =	vld [tilespmem:$0x1E950];
	_ =	sdelay $0x7  }
0x36c: {  	v10 =	vld.idx.msk [tilespmem:v10+s2+$0x0], $0xffff;
	_ =	sdelay $0x4  }
0x36d: {  	s1 =	simm.s32 $0x3;
	[tilespmem:v9+s0+$0x0] =	vst.idx.msk $0xffff, v10  }
0x36e: {  	_ =	swait.ge [sflag:s1], $0x5000  }
0x36f: {  	[sflag:s1] =	ssyncset.done $0x0  }
0x370: {  	s30 =	simm.s32 $0x6;
	s4 =	rddreg [dreg:$0x14];
	[sflag:s1] =	ssyncadd.s32 $0xFFFFB000  }
0x371: {  	[hbm4b:s4+s3] =	stream.linear.scatter [tilespmem:s0], [sflag:$0x6], $0xA000, $0x38;
	[tilespmem:$0x1F080] =	vst v63  }
0x372: {  	_ =	swait.ge [sflag:s30], $0xA000  }
0x373: {  	s31 =	sld [smem:$0x7FA];
	_ =	sdelay $0x2  }
0x374: {  	p5 =	seq.s32 s31, $0x1  }
.Ltmp58:
0x375: {  	_ = 	snop;
	(pc) =	sbr.rel @p5 .LBB2_82-.Ltmp58, $3  }
0x376: {  	_ =	sdelay $0x1  }
0x377: {  	[sflag:s30] =	ssyncset.done $0x0  }
0x378: {  	[sflag:s30] =	ssyncadd.s32 $0xFFFF6000  }
0x379: {  	s30 =	simm.s32 $0x14000  }
0x37a: {  	s1 =	simm.s32 $0x80;
	s31 =	sadd.s32 $0x0, s23;
	s4 =	simm.s32 $0x14800  }
.LBB2_80:
0x37b: {  	[tilespmem:s30], [sflag:$0x3] =	stream.linear.gather [hbm4b:s31+s3], $0x400, $0x38;
	[tilespmem:$0x1F080] =	vst v63  }
0x37c: {  	s31 =	smov.u32 s1;
	s30 =	smov.u32 s4;
	p5 =	seq.s32 s1, $0x980  }
.Ltmp59:
0x37d: {  	s1 =	sadd.s32 $0x80, s1;
	(pc) =	sbr.rel @!p5 .LBB2_80-.Ltmp59, $2  }
0x37e: {  	_ =	sdelay $0x2  }
0x37f: {  	s4 =	sadd.s32 $0x800, s4;
	s31 =	sadd.s32 s31, s23  }
.Ltmp60:
0x380: {  	(pc) =	sbr.rel .LBB2_83-.Ltmp60, $2  }
0x381: {  	_ =	sdelay $0x2  }
0x382: {  	[tilespmem:s30], [sflag:$0x3] =	stream.linear.gather [hbm4b:s31+s3], $0x400, $0x38;
	[tilespmem:$0x1F080] =	vst v63  }
.LBB2_82:
0x383: {  	s1 =	sld [smem:$0x7F8];
	_ =	sdelay $0x2  }
0x384: {  	p5 =	seq.s32 s1, $0x1  }
.Ltmp61:
0x385: {  	_ = 	snop;
	(pc) =	sbr.rel @p5 .LBB2_96-.Ltmp61, $1  }
0x386: {  	_ =	sdelay $0x3  }
.LBB2_83:
0x387: {  	v10 =	vld [tilespmem:$0x1E960];
	_ =	sdelay $0x7  }
0x388: {  	v10 =	vld.idx.msk [tilespmem:v10+s2+$0x0], $0xffff;
	_ =	sdelay $0x4  }
0x389: {  	[tilespmem:v0+s3+$0x0] =	vst.idx.msk $0xffff, v10  }
0x38a: {  	v10 =	vld [tilespmem:$0x1E970];
	_ =	sdelay $0x7  }
0x38b: {  	v10 =	vld.idx.msk [tilespmem:v10+s2+$0x0], $0xffff;
	_ =	sdelay $0x4  }
0x38c: {  	[tilespmem:v1+s3+$0x0] =	vst.idx.msk $0xffff, v10  }
0x38d: {  	v10 =	vld [tilespmem:$0x1E980];
	_ =	sdelay $0x7  }
0x38e: {  	v10 =	vld.idx.msk [tilespmem:v10+s2+$0x0], $0xffff;
	_ =	sdelay $0x4  }
0x38f: {  	[tilespmem:v2+s3+$0x0] =	vst.idx.msk $0xffff, v10  }
0x390: {  	v10 =	vld [tilespmem:$0x1E990];
	_ =	sdelay $0x7  }
0x391: {  	v10 =	vld.idx.msk [tilespmem:v10+s2+$0x0], $0xffff;
	_ =	sdelay $0x4  }
0x392: {  	[tilespmem:v3+s3+$0x0] =	vst.idx.msk $0xffff, v10  }
0x393: {  	v10 =	vld [tilespmem:$0x1E9A0];
	_ =	sdelay $0x7  }
0x394: {  	v10 =	vld.idx.msk [tilespmem:v10+s2+$0x0], $0xffff;
	_ =	sdelay $0x4  }
0x395: {  	[tilespmem:v4+s3+$0x0] =	vst.idx.msk $0xffff, v10  }
0x396: {  	v10 =	vld [tilespmem:$0x1E9B0];
	_ =	sdelay $0x7  }
0x397: {  	v10 =	vld.idx.msk [tilespmem:v10+s2+$0x0], $0xffff;
	_ =	sdelay $0x4  }
0x398: {  	[tilespmem:v5+s3+$0x0] =	vst.idx.msk $0xffff, v10  }
0x399: {  	v10 =	vld [tilespmem:$0x1E9C0];
	_ =	sdelay $0x7  }
0x39a: {  	v10 =	vld.idx.msk [tilespmem:v10+s2+$0x0], $0xffff;
	_ =	sdelay $0x4  }
0x39b: {  	[tilespmem:v6+s3+$0x0] =	vst.idx.msk $0xffff, v10  }
0x39c: {  	v10 =	vld [tilespmem:$0x1E9D0];
	_ =	sdelay $0x7  }
0x39d: {  	v10 =	vld.idx.msk [tilespmem:v10+s2+$0x0], $0xffff;
	_ =	sdelay $0x4  }
0x39e: {  	[tilespmem:v7+s3+$0x0] =	vst.idx.msk $0xffff, v10  }
0x39f: {  	v10 =	vld [tilespmem:$0x1E9E0];
	_ =	sdelay $0x7  }
0x3a0: {  	v10 =	vld.idx.msk [tilespmem:v10+s2+$0x0], $0xffff;
	_ =	sdelay $0x4  }
0x3a1: {  	[tilespmem:v8+s3+$0x0] =	vst.idx.msk $0xffff, v10  }
0x3a2: {  	v10 =	vld [tilespmem:$0x1E9F0];
	_ =	sdelay $0x7  }
0x3a3: {  	v10 =	vld.idx.msk [tilespmem:v10+s2+$0x0], $0xffff;
	_ =	sdelay $0x4  }
0x3a4: {  	[tilespmem:v9+s3+$0x0] =	vst.idx.msk $0xffff, v10  }
0x3a5: {  	_ =	swait.ge [sflag:s29], $0x5000  }
0x3a6: {  	[sflag:s29] =	ssyncset.done $0x0  }
0x3a7: {  	s30 =	simm.s32 $0x4;
	s1 =	rddreg [dreg:$0x15];
	[sflag:s29] =	ssyncadd.s32 $0xFFFFB000  }
0x3a8: {  	[hbm4b:s1+s3] =	stream.linear.scatter [tilespmem:s3], [sflag:$0x4], $0xA000, $0x38;
	[tilespmem:$0x1F080] =	vst v63  }
0x3a9: {  	_ =	swait.ge [sflag:s30], $0xA000  }
0x3aa: {  	s31 =	sld [smem:$0x7FB];
	_ =	sdelay $0x2  }
0x3ab: {  	p5 =	seq.s32 s31, $0x1  }
.Ltmp62:
0x3ac: {  	_ = 	snop;
	(pc) =	sbr.rel @p5 .LBB2_87-.Ltmp62, $3  }
0x3ad: {  	_ =	sdelay $0x1  }
0x3ae: {  	[sflag:s30] =	ssyncset.done $0x0  }
0x3af: {  	[sflag:s30] =	ssyncadd.s32 $0xFFFF6000  }
0x3b0: {  	s30 =	simm.s32 $0x0  }
0x3b1: {  	s1 =	simm.s32 $0x80;
	s31 =	sadd.s32 $0x0, s24;
	s4 =	simm.s32 $0x800  }
.LBB2_85:
0x3b2: {  	[tilespmem:s30], [sflag:$0x1] =	stream.linear.gather [hbm4b:s31+s3], $0x400, $0x38;
	[tilespmem:$0x1F080] =	vst v63  }
0x3b3: {  	s31 =	smov.u32 s1;
	s30 =	smov.u32 s4;
	p5 =	seq.s32 s1, $0x980  }
.Ltmp63:
0x3b4: {  	s1 =	sadd.s32 $0x80, s1;
	(pc) =	sbr.rel @!p5 .LBB2_85-.Ltmp63, $2  }
0x3b5: {  	_ =	sdelay $0x2  }
0x3b6: {  	s4 =	sadd.s32 $0x800, s4;
	s31 =	sadd.s32 s31, s24  }
.Ltmp64:
0x3b7: {  	(pc) =	sbr.rel .LBB2_88-.Ltmp64, $2  }
0x3b8: {  	_ =	sdelay $0x2  }
0x3b9: {  	[tilespmem:s30], [sflag:$0x1] =	stream.linear.gather [hbm4b:s31+s3], $0x400, $0x38;
	[tilespmem:$0x1F080] =	vst v63  }
.LBB2_87:
0x3ba: {  	s1 =	sld [smem:$0x7F9];
	_ =	sdelay $0x2  }
0x3bb: {  	p5 =	seq.s32 s1, $0x1  }
.Ltmp65:
0x3bc: {  	_ = 	snop;
	(pc) =	sbr.rel @p5 .LBB2_96-.Ltmp65, $1  }
0x3bd: {  	_ =	sdelay $0x3  }
.LBB2_88:
0x3be: {  	v10 =	vld [tilespmem:$0x1EA00];
	_ =	sdelay $0x7  }
0x3bf: {  	v10 =	vld.idx.msk [tilespmem:v10+s2+$0x0], $0xffff;
	_ =	sdelay $0x4  }
0x3c0: {  	[tilespmem:v0+s8+$0x0] =	vst.idx.msk $0xffff, v10  }
0x3c1: {  	v10 =	vld [tilespmem:$0x1EA10];
	_ =	sdelay $0x7  }
0x3c2: {  	v10 =	vld.idx.msk [tilespmem:v10+s2+$0x0], $0xffff;
	_ =	sdelay $0x4  }
0x3c3: {  	[tilespmem:v1+s8+$0x0] =	vst.idx.msk $0xffff, v10  }
0x3c4: {  	v10 =	vld [tilespmem:$0x1EA20];
	_ =	sdelay $0x7  }
0x3c5: {  	v10 =	vld.idx.msk [tilespmem:v10+s2+$0x0], $0xffff;
	_ =	sdelay $0x4  }
0x3c6: {  	[tilespmem:v2+s8+$0x0] =	vst.idx.msk $0xffff, v10  }
0x3c7: {  	v10 =	vld [tilespmem:$0x1EA30];
	_ =	sdelay $0x7  }
0x3c8: {  	v10 =	vld.idx.msk [tilespmem:v10+s2+$0x0], $0xffff;
	_ =	sdelay $0x4  }
0x3c9: {  	[tilespmem:v3+s8+$0x0] =	vst.idx.msk $0xffff, v10  }
0x3ca: {  	v10 =	vld [tilespmem:$0x1EA40];
	_ =	sdelay $0x7  }
0x3cb: {  	v10 =	vld.idx.msk [tilespmem:v10+s2+$0x0], $0xffff;
	_ =	sdelay $0x4  }
0x3cc: {  	[tilespmem:v4+s8+$0x0] =	vst.idx.msk $0xffff, v10  }
0x3cd: {  	v10 =	vld [tilespmem:$0x1EA50];
	_ =	sdelay $0x7  }
0x3ce: {  	v10 =	vld.idx.msk [tilespmem:v10+s2+$0x0], $0xffff;
	_ =	sdelay $0x4  }
0x3cf: {  	[tilespmem:v5+s8+$0x0] =	vst.idx.msk $0xffff, v10  }
0x3d0: {  	v10 =	vld [tilespmem:$0x1EA60];
	_ =	sdelay $0x7  }
0x3d1: {  	v10 =	vld.idx.msk [tilespmem:v10+s2+$0x0], $0xffff;
	_ =	sdelay $0x4  }
0x3d2: {  	[tilespmem:v6+s8+$0x0] =	vst.idx.msk $0xffff, v10  }
0x3d3: {  	v10 =	vld [tilespmem:$0x1EA70];
	_ =	sdelay $0x7  }
0x3d4: {  	v10 =	vld.idx.msk [tilespmem:v10+s2+$0x0], $0xffff;
	_ =	sdelay $0x4  }
0x3d5: {  	[tilespmem:v7+s8+$0x0] =	vst.idx.msk $0xffff, v10  }
0x3d6: {  	v10 =	vld [tilespmem:$0x1EA80];
	_ =	sdelay $0x7  }
0x3d7: {  	v10 =	vld.idx.msk [tilespmem:v10+s2+$0x0], $0xffff;
	_ =	sdelay $0x4  }
0x3d8: {  	[tilespmem:v8+s8+$0x0] =	vst.idx.msk $0xffff, v10  }
0x3d9: {  	v10 =	vld [tilespmem:$0x1EA90];
	_ =	sdelay $0x7  }
0x3da: {  	v10 =	vld.idx.msk [tilespmem:v10+s2+$0x0], $0xffff;
	_ =	sdelay $0x4  }
0x3db: {  	s1 =	simm.s32 $0x2;
	[tilespmem:v9+s8+$0x0] =	vst.idx.msk $0xffff, v10  }
0x3dc: {  	_ =	swait.ge [sflag:s1], $0x5000  }
0x3dd: {  	[sflag:s1] =	ssyncset.done $0x0  }
0x3de: {  	s30 =	simm.s32 $0x5;
	s4 =	rddreg [dreg:$0x16];
	[sflag:s1] =	ssyncadd.s32 $0xFFFFB000  }
0x3df: {  	[hbm4b:s4+s3] =	stream.linear.scatter [tilespmem:s8], [sflag:$0x5], $0xA000, $0x38;
	[tilespmem:$0x1F080] =	vst v63  }
0x3e0: {  	_ =	swait.ge [sflag:s30], $0xA000  }
0x3e1: {  	s31 =	sld [smem:$0x7FC];
	_ =	sdelay $0x2  }
0x3e2: {  	p5 =	seq.s32 s31, $0x1  }
.Ltmp66:
0x3e3: {  	_ = 	snop;
	(pc) =	sbr.rel @p5 .LBB2_92-.Ltmp66, $3  }
0x3e4: {  	_ =	sdelay $0x1  }
0x3e5: {  	[sflag:s30] =	ssyncset.done $0x0  }
0x3e6: {  	[sflag:s30] =	ssyncadd.s32 $0xFFFF6000  }
0x3e7: {  	s30 =	simm.s32 $0xA000  }
0x3e8: {  	s1 =	simm.s32 $0x80;
	s31 =	sadd.s32 $0x0, s25;
	s4 =	simm.s32 $0xA800  }
.LBB2_90:
0x3e9: {  	[tilespmem:s30], [sflag:$0x2] =	stream.linear.gather [hbm4b:s31+s3], $0x400, $0x38;
	[tilespmem:$0x1F080] =	vst v63  }
0x3ea: {  	s31 =	smov.u32 s1;
	s30 =	smov.u32 s4;
	p5 =	seq.s32 s1, $0x980  }
.Ltmp67:
0x3eb: {  	s1 =	sadd.s32 $0x80, s1;
	(pc) =	sbr.rel @!p5 .LBB2_90-.Ltmp67, $2  }
0x3ec: {  	_ =	sdelay $0x2  }
0x3ed: {  	s4 =	sadd.s32 $0x800, s4;
	s31 =	sadd.s32 s31, s25  }
.Ltmp68:
0x3ee: {  	(pc) =	sbr.rel .LBB2_93-.Ltmp68, $2  }
0x3ef: {  	_ =	sdelay $0x2  }
0x3f0: {  	[tilespmem:s30], [sflag:$0x2] =	stream.linear.gather [hbm4b:s31+s3], $0x400, $0x38;
	[tilespmem:$0x1F080] =	vst v63  }
.LBB2_92:
0x3f1: {  	s1 =	sld [smem:$0x7FA];
	_ =	sdelay $0x2  }
0x3f2: {  	p5 =	seq.s32 s1, $0x1  }
.Ltmp69:
0x3f3: {  	_ = 	snop;
	(pc) =	sbr.rel @p5 .LBB2_96-.Ltmp69, $1  }
0x3f4: {  	_ =	sdelay $0x3  }
.LBB2_93:
0x3f5: {  	v10 =	vld [tilespmem:$0x1EAA0];
	_ =	sdelay $0x7  }
0x3f6: {  	v10 =	vld.idx.msk [tilespmem:v10+s2+$0x0], $0xffff;
	_ =	sdelay $0x4  }
0x3f7: {  	[tilespmem:v0+s0+$0x0] =	vst.idx.msk $0xffff, v10  }
0x3f8: {  	v10 =	vld [tilespmem:$0x1EAB0];
	_ =	sdelay $0x7  }
0x3f9: {  	v10 =	vld.idx.msk [tilespmem:v10+s2+$0x0], $0xffff;
	_ =	sdelay $0x4  }
0x3fa: {  	[tilespmem:v1+s0+$0x0] =	vst.idx.msk $0xffff, v10  }
0x3fb: {  	v10 =	vld [tilespmem:$0x1EAC0];
	_ =	sdelay $0x7  }
0x3fc: {  	v10 =	vld.idx.msk [tilespmem:v10+s2+$0x0], $0xffff;
	_ =	sdelay $0x4  }
0x3fd: {  	[tilespmem:v2+s0+$0x0] =	vst.idx.msk $0xffff, v10  }
0x3fe: {  	v10 =	vld [tilespmem:$0x1EAD0];
	_ =	sdelay $0x7  }
0x3ff: {  	v10 =	vld.idx.msk [tilespmem:v10+s2+$0x0], $0xffff;
	_ =	sdelay $0x4  }
0x400: {  	[tilespmem:v3+s0+$0x0] =	vst.idx.msk $0xffff, v10  }
0x401: {  	v10 =	vld [tilespmem:$0x1EAE0];
	_ =	sdelay $0x7  }
0x402: {  	v10 =	vld.idx.msk [tilespmem:v10+s2+$0x0], $0xffff;
	_ =	sdelay $0x4  }
0x403: {  	[tilespmem:v4+s0+$0x0] =	vst.idx.msk $0xffff, v10  }
0x404: {  	v10 =	vld [tilespmem:$0x1EAF0];
	_ =	sdelay $0x7  }
0x405: {  	v10 =	vld.idx.msk [tilespmem:v10+s2+$0x0], $0xffff;
	_ =	sdelay $0x4  }
0x406: {  	[tilespmem:v5+s0+$0x0] =	vst.idx.msk $0xffff, v10  }
0x407: {  	v10 =	vld [tilespmem:$0x1EB00];
	_ =	sdelay $0x7  }
0x408: {  	v10 =	vld.idx.msk [tilespmem:v10+s2+$0x0], $0xffff;
	_ =	sdelay $0x4  }
0x409: {  	[tilespmem:v6+s0+$0x0] =	vst.idx.msk $0xffff, v10  }
0x40a: {  	v10 =	vld [tilespmem:$0x1EB10];
	_ =	sdelay $0x7  }
0x40b: {  	v10 =	vld.idx.msk [tilespmem:v10+s2+$0x0], $0xffff;
	_ =	sdelay $0x4  }
0x40c: {  	[tilespmem:v7+s0+$0x0] =	vst.idx.msk $0xffff, v10  }
0x40d: {  	v10 =	vld [tilespmem:$0x1EB20];
	_ =	sdelay $0x7  }
0x40e: {  	v10 =	vld.idx.msk [tilespmem:v10+s2+$0x0], $0xffff;
	_ =	sdelay $0x4  }
0x40f: {  	[tilespmem:v8+s0+$0x0] =	vst.idx.msk $0xffff, v10  }
0x410: {  	v10 =	vld [tilespmem:$0x1EB30];
	_ =	sdelay $0x7  }
0x411: {  	v10 =	vld.idx.msk [tilespmem:v10+s2+$0x0], $0xffff;
	_ =	sdelay $0x4  }
0x412: {  	s1 =	simm.s32 $0x3;
	[tilespmem:v9+s0+$0x0] =	vst.idx.msk $0xffff, v10  }
0x413: {  	_ =	swait.ge [sflag:s1], $0x5000  }
0x414: {  	s4 =	sld [smem:$0x7FB];
	_ =	sdelay $0x2  }
0x415: {  	p5 =	seq.s32 s4, $0x1  }
.Ltmp70:
0x416: {  	_ = 	snop;
	(pc) =	sbr.rel @p5 .LBB2_95-.Ltmp70, $4  }
0x417: {  	_ = 	snop  }
0x418: {  	[sflag:s1] =	ssyncset.done $0x0  }
0x419: {  	s31 =	rddreg [dreg:$0x17];
	[sflag:s1] =	ssyncadd.s32 $0xFFFFB000;
	s1 =	simm.s32 $0x6  }
0x41a: {  	[hbm4b:s31+s3] =	stream.linear.scatter [tilespmem:s0], [sflag:$0x6], $0xA000, $0x38;
	[tilespmem:$0x1F080] =	vst v63  }
0x41b: {  	v10 =	vld [tilespmem:$0x1EB40];
	_ =	sdelay $0x7  }
0x41c: {  	v10 =	vld.idx.msk [tilespmem:v10+s2+$0x0], $0xffff;
	_ =	sdelay $0x4  }
0x41d: {  	[tilespmem:v0+s3+$0x0] =	vst.idx.msk $0xffff, v10  }
0x41e: {  	v10 =	vld [tilespmem:$0x1EB50];
	_ =	sdelay $0x7  }
0x41f: {  	v10 =	vld.idx.msk [tilespmem:v10+s2+$0x0], $0xffff;
	_ =	sdelay $0x4  }
0x420: {  	[tilespmem:v1+s3+$0x0] =	vst.idx.msk $0xffff, v10  }
0x421: {  	v10 =	vld [tilespmem:$0x1EB60];
	_ =	sdelay $0x7  }
0x422: {  	v10 =	vld.idx.msk [tilespmem:v10+s2+$0x0], $0xffff;
	_ =	sdelay $0x4  }
0x423: {  	[tilespmem:v2+s3+$0x0] =	vst.idx.msk $0xffff, v10  }
0x424: {  	v10 =	vld [tilespmem:$0x1EB70];
	_ =	sdelay $0x7  }
0x425: {  	v10 =	vld.idx.msk [tilespmem:v10+s2+$0x0], $0xffff;
	_ =	sdelay $0x4  }
0x426: {  	[tilespmem:v3+s3+$0x0] =	vst.idx.msk $0xffff, v10  }
0x427: {  	v10 =	vld [tilespmem:$0x1EB80];
	_ =	sdelay $0x7  }
0x428: {  	v10 =	vld.idx.msk [tilespmem:v10+s2+$0x0], $0xffff;
	_ =	sdelay $0x4  }
0x429: {  	[tilespmem:v4+s3+$0x0] =	vst.idx.msk $0xffff, v10  }
0x42a: {  	v10 =	vld [tilespmem:$0x1EB90];
	_ =	sdelay $0x7  }
0x42b: {  	v10 =	vld.idx.msk [tilespmem:v10+s2+$0x0], $0xffff;
	_ =	sdelay $0x4  }
0x42c: {  	[tilespmem:v5+s3+$0x0] =	vst.idx.msk $0xffff, v10  }
0x42d: {  	v10 =	vld [tilespmem:$0x1EBA0];
	_ =	sdelay $0x7  }
0x42e: {  	v10 =	vld.idx.msk [tilespmem:v10+s2+$0x0], $0xffff;
	_ =	sdelay $0x4  }
0x42f: {  	[tilespmem:v6+s3+$0x0] =	vst.idx.msk $0xffff, v10  }
0x430: {  	v10 =	vld [tilespmem:$0x1EBB0];
	_ =	sdelay $0x7  }
0x431: {  	v10 =	vld.idx.msk [tilespmem:v10+s2+$0x0], $0xffff;
	_ =	sdelay $0x4  }
0x432: {  	[tilespmem:v7+s3+$0x0] =	vst.idx.msk $0xffff, v10  }
0x433: {  	v10 =	vld [tilespmem:$0x1EBC0];
	_ =	sdelay $0x7  }
0x434: {  	v10 =	vld.idx.msk [tilespmem:v10+s2+$0x0], $0xffff;
	_ =	sdelay $0x4  }
0x435: {  	[tilespmem:v8+s3+$0x0] =	vst.idx.msk $0xffff, v10  }
0x436: {  	v10 =	vld [tilespmem:$0x1EBD0];
	_ =	sdelay $0x7  }
0x437: {  	v10 =	vld.idx.msk [tilespmem:v10+s2+$0x0], $0xffff;
	_ =	sdelay $0x4  }
0x438: {  	[tilespmem:v9+s3+$0x0] =	vst.idx.msk $0xffff, v10  }
0x439: {  	_ =	swait.ge [sflag:s29], $0x5000  }
0x43a: {  	[sflag:s29] =	ssyncset.done $0x0;
	s31 =	sld [smem:$0x7FC]  }
0x43b: {  	s1 =	rddreg [dreg:$0x18];
	[sflag:s29] =	ssyncadd.s32 $0xFFFFB000  }
0x43c: {  	[hbm4b:s1+s3] =	stream.linear.scatter [tilespmem:s3], [sflag:$0x4], $0xA000, $0x38;
	[tilespmem:$0x1F080] =	vst v63  }
0x43d: {  	p5 =	seq.s32 s31, $0x1  }
0x43e: {  	v10 =	vld @!p5 [tilespmem:$0x1EBE0];
	_ =	sdelay $0x7  }
0x43f: {  	v10 =	vld.idx.msk @!p5 [tilespmem:v10+s2+$0x0], $0xffff;
	_ =	sdelay $0x4  }
0x440: {  	[tilespmem:v0+s8+$0x0] =	vst.idx.msk @!p5 $0xffff, v10  }
0x441: {  	v10 =	vld @!p5 [tilespmem:$0x1EBF0];
	_ =	sdelay $0x7  }
0x442: {  	v10 =	vld.idx.msk @!p5 [tilespmem:v10+s2+$0x0], $0xffff;
	_ =	sdelay $0x4  }
0x443: {  	[tilespmem:v1+s8+$0x0] =	vst.idx.msk @!p5 $0xffff, v10  }
0x444: {  	v10 =	vld @!p5 [tilespmem:$0x1EC00];
	_ =	sdelay $0x7  }
0x445: {  	v10 =	vld.idx.msk @!p5 [tilespmem:v10+s2+$0x0], $0xffff;
	_ =	sdelay $0x4  }
0x446: {  	[tilespmem:v2+s8+$0x0] =	vst.idx.msk @!p5 $0xffff, v10  }
0x447: {  	v10 =	vld @!p5 [tilespmem:$0x1EC10];
	_ =	sdelay $0x7  }
0x448: {  	v10 =	vld.idx.msk @!p5 [tilespmem:v10+s2+$0x0], $0xffff;
	_ =	sdelay $0x4  }
0x449: {  	[tilespmem:v3+s8+$0x0] =	vst.idx.msk @!p5 $0xffff, v10  }
0x44a: {  	v10 =	vld @!p5 [tilespmem:$0x1EC20];
	_ =	sdelay $0x7  }
0x44b: {  	v10 =	vld.idx.msk @!p5 [tilespmem:v10+s2+$0x0], $0xffff;
	_ =	sdelay $0x4  }
0x44c: {  	[tilespmem:v4+s8+$0x0] =	vst.idx.msk @!p5 $0xffff, v10  }
0x44d: {  	v10 =	vld @!p5 [tilespmem:$0x1EC30];
	_ =	sdelay $0x7  }
0x44e: {  	v10 =	vld.idx.msk @!p5 [tilespmem:v10+s2+$0x0], $0xffff;
	_ =	sdelay $0x4  }
0x44f: {  	[tilespmem:v5+s8+$0x0] =	vst.idx.msk @!p5 $0xffff, v10  }
0x450: {  	v10 =	vld @!p5 [tilespmem:$0x1EC40];
	_ =	sdelay $0x7  }
0x451: {  	v10 =	vld.idx.msk @!p5 [tilespmem:v10+s2+$0x0], $0xffff;
	_ =	sdelay $0x4  }
0x452: {  	[tilespmem:v6+s8+$0x0] =	vst.idx.msk @!p5 $0xffff, v10  }
0x453: {  	v10 =	vld @!p5 [tilespmem:$0x1EC50];
	_ =	sdelay $0x7  }
0x454: {  	v10 =	vld.idx.msk @!p5 [tilespmem:v10+s2+$0x0], $0xffff;
	_ =	sdelay $0x4  }
0x455: {  	[tilespmem:v7+s8+$0x0] =	vst.idx.msk @!p5 $0xffff, v10  }
0x456: {  	v10 =	vld @!p5 [tilespmem:$0x1EC60];
	_ =	sdelay $0x7  }
0x457: {  	v10 =	vld.idx.msk @!p5 [tilespmem:v10+s2+$0x0], $0xffff;
	_ =	sdelay $0x4  }
0x458: {  	[tilespmem:v8+s8+$0x0] =	vst.idx.msk @!p5 $0xffff, v10  }
0x459: {  	v10 =	vld @!p5 [tilespmem:$0x1EC70];
	_ =	sdelay $0x7  }
0x45a: {  	v10 =	vld.idx.msk @!p5 [tilespmem:v10+s2+$0x0], $0xffff;
	_ =	sdelay $0x3  }
0x45b: {  	s1 =	simm.s32 @p5 $0x4  }
0x45c: {  	s1 =	simm.s32 @!p5 $0x2;
	[tilespmem:v9+s8+$0x0] =	vst.idx.msk @!p5 $0xffff, v10  }
0x45d: {  	_ =	swait.ge @!p5 [sflag:s1], $0x5000  }
0x45e: {  	[sflag:s1] =	ssyncset.done @!p5 $0x0  }
0x45f: {  	[sflag:s1] =	ssyncadd.s32 @!p5 $0xFFFFB000;
	s1 =	rddreg @!p5 [dreg:$0x19]  }
0x460: {  	[hbm4b:s1+s3] =	stream.linear.scatter @!p5 [tilespmem:s8], [sflag:$0x5], $0xA000, $0x38;
	[tilespmem:$0x1F080] =	vst v63  }
0x461: {  	s1 =	simm.s32 @!p5 $0x6  }
0x462: {  	_ =	swait.ge @!p5 [sflag:s1], $0xA000  }
.Ltmp71:
0x463: {  	s4 =	simm.s32 @p5 $0x6;
	[sflag:s1] =	ssyncset.done @!p5 $0x0;
	(pc) =	sbr.rel .LBB2_95-.Ltmp71, $4  }
0x464: {  	s4 =	simm.s32 @!p5 $0x4;
	[sflag:s1] =	ssyncadd.s32 @!p5 $0xFFFF6000  }
0x465: {  	_ =	swait.ge [sflag:s4], $0xA000  }
0x466: {  	[sflag:s4] =	ssyncset.done $0x0  }
0x467: {  	s1 =	simm.s32 @!p5 $0x5;
	[sflag:s4] =	ssyncadd.s32 $0xFFFF6000  }
.LBB2_97:
0x468: {  	_ =	sfence.sel $0x180000  }
0x469: {  	[bflag:$0x0] =	sbarrier.arrive $0xFFFF  }
0x46a: {  	_ =	strace $0x90000047  }
0x46b: {  	s0 =	stileid.u32;
	[bflag:$0x2] =	sbarrier.arrive $0xFFFF  }
0x46c: {  	p0 =	sne.s32 s0, $0x0;
	s0 =	rddreg [dreg:$0x4]  }
0x46d: {  	s0 =	sadd.s32 @!p0 $0x100000, s0  }
0x46e: {  	[sflag:s0] =	ssyncadd.tile.s32 @!p0 $0x1;
	_ =	shalt  }
.Lfunc_end2:
_tile_overlayer_lowered:
.L_overlay_start_2:
0x46f: {  	(tag) =	ssettag $0x2  }
0x470: {  	s0 =	rddreg [dreg:$0x0];
	s2 =	stileid.u32  }
0x471: {  	s1 =	rddreg [dreg:$0x1];
	p0 =	sne.s32 s2, $0x0  }
0x472: {  	s3 =	rddreg [dreg:$0x2];
	[bflag:$0x3] =	sbarrier.arrive $0xFFFF;
	s2 =	simm.s32 @!p0 $0x1C07  }
0x473: {  	[timem:s3], [sflag:s2] =	dma.local @!p0 [hbm:s0], s1  }
0x474: {  	s0 =	simm.s32 @!p0 $0x7  }
0x475: {  	_ =	swait.ge @!p0 [sflag:s0], s1  }
0x476: {  	s1 =	ssub.s32 @!p0 $0x0, s1;
	[sflag:s0] =	ssyncset.done @!p0 $0x0  }
0x477: {  	[sflag:s0] =	ssyncadd.s32 @!p0 s1  }
0x478: {  	[bflag:$0x3] =	sbarrier.arrive $0xFFFF  }
0x479: {  	_ =	shalt  }

</sc_bundles>
